<compile_context>
chip_gen: v7x
topology: tpu7x:2x2x1
jax: 0.10.2.dev20260603
libtpu: 0.0.44.dev20260713+nightly
codegen_flags: <defaults>
</compile_context>

<pallas_src>
import functools
import jax
import jax.numpy as jnp
from jax import lax
from jax.experimental import pallas as pl
from jax.experimental.pallas import tpu as pltpu
from jax.experimental.pallas import tpu_sc as plsc

H = 8
D = 16
OUT = 128
IN = 128
N = 10000
E = 320000

NC = 2
NS = 16
LANES = 16

C = 32
EPW = E // NS
CHUNKS = EPW // C
NPAD = 10240
ROWS_PER_TILE = NPAD // NS

IB = 25
IBC = IB * C
NBLK = CHUNKS // IB



def _pre_body(x_ref, w_ref, b_ref, q_ref, k_ref, v_ref):
    y = jnp.dot(x_ref[...], w_ref[...], preferred_element_type=jnp.float32)
    y = y + b_ref[...]
    q_ref[...] = y[:, 0:OUT]
    k_ref[...] = y[:, OUT:2 * OUT]
    v_ref[...] = y[:, 2 * OUT:3 * OUT]


def _tc_pre(x, w, b):
    BN = 1000
    grid = (N // BN,)
    return pl.pallas_call(
        _pre_body,
        grid=grid,
        in_specs=[
            pl.BlockSpec((BN, IN), lambda i: (i, 0)),
            pl.BlockSpec((IN, 3 * OUT), lambda i: (0, 0)),
            pl.BlockSpec((1, 3 * OUT), lambda i: (0, 0)),
        ],
        out_specs=[
            pl.BlockSpec((BN, OUT), lambda i: (i, 0)),
            pl.BlockSpec((BN, OUT), lambda i: (i, 0)),
            pl.BlockSpec((BN, OUT), lambda i: (i, 0)),
        ],
        out_shape=[jax.ShapeDtypeStruct((N, OUT), jnp.float32)] * 3,
    )(x, w, b)



def _post_body(agg_ref, s_ref, x_ref, w_ref, b_ref, al_ref, g_ref, be_ref,
               o_ref):
    agg = agg_ref[...]
    den = s_ref[...][:, 0:H] + 1e-16
    bn = agg.shape[0]
    aggn = (agg.reshape(bn, H, D) / den[:, :, None]).reshape(bn, OUT)
    o = jnp.dot(jax.nn.gelu(aggn), w_ref[...],
                preferred_element_type=jnp.float32) + b_ref[...]
    al = al_ref[...]
    r = al * o + (1.0 - al) * x_ref[...]
    r = jnp.maximum(r, 0.0)
    mu = jnp.mean(r, axis=-1, keepdims=True)
    var = jnp.mean((r - mu) ** 2, axis=-1, keepdims=True)
    rn = (r - mu) * lax.rsqrt(var + 1e-5)
    o_ref[...] = g_ref[...] * rn + be_ref[...]


def _tc_post(agg, s, x, w, b, al, gamma, beta):
    BN = 1000
    grid = (N // BN,)
    return pl.pallas_call(
        _post_body,
        grid=grid,
        in_specs=[
            pl.BlockSpec((BN, OUT), lambda i: (i, 0)),
            pl.BlockSpec((BN, 2 * H), lambda i: (i, 0)),
            pl.BlockSpec((BN, IN), lambda i: (i, 0)),
            pl.BlockSpec((OUT, OUT), lambda i: (0, 0)),
            pl.BlockSpec((1, OUT), lambda i: (0, 0)),
            pl.BlockSpec((1, 1), lambda i: (0, 0)),
            pl.BlockSpec((1, OUT), lambda i: (0, 0)),
            pl.BlockSpec((1, OUT), lambda i: (0, 0)),
        ],
        out_specs=pl.BlockSpec((BN, OUT), lambda i: (i, 0)),
        out_shape=jax.ShapeDtypeStruct((N, OUT), jnp.float32),
    )(agg, s, x, w, b, al, gamma, beta)



def _edge_chunks(tid, q_hbm, k_hbm, v_hbm, src_hbm, dst_hbm,
                 isblk, idblk,
                 qb0, kb0, vb0, qb1, kb1, vb1,
                 mb, wb, agg_sh, s_sh, sem_a, sem_b, sem_i):
    base0 = tid * EPW
    lanes = lax.iota(jnp.int32, LANES)

    def islice(c):
        off = (c % (2 * IB)) * C
        return isblk.at[pl.ds(off, C)], idblk.at[pl.ds(off, C)]

    def compute_scatter(qb, kb, vb, idxd):
        def edge(e2, _):
            for e in (2 * e2, 2 * e2 + 1):
                wvec = jnp.zeros((LANES,), jnp.float32)
                for h in range(H):
                    prod = qb[e, pl.ds(h * D, D)] * kb[e, pl.ds(h * D, D)]
                    sh = jnp.sum(prod)
                    wsp = jnp.exp(jnp.full((LANES,), sh, jnp.float32))
                    mb[e, pl.ds(h * D, D)] = vb[e, pl.ds(h * D, D)] * wsp
                    wvec = jnp.where(lanes == h, wsp, wvec)
                wb[e, pl.ds(0, LANES)] = wvec
            return 0

        lax.fori_loop(0, C // 2, edge, 0)
        pltpu.sync_copy(mb, agg_sh.at[idxd], add=True)
        pltpu.sync_copy(wb, s_sh.at[idxd], add=True)

    def fetch(c, qb, kb, vb, sem):
        si, di = islice(c)
        pltpu.async_copy(q_hbm.at[di], qb, sem)
        pltpu.async_copy(k_hbm.at[si], kb, sem)
        pltpu.async_copy(v_hbm.at[si], vb, sem)

    def drain(c, qb, kb, vb, sem):
        si, di = islice(c)
        pltpu.make_async_copy(q_hbm.at[di], qb, sem).wait()
        pltpu.make_async_copy(k_hbm.at[si], kb, sem).wait()
        pltpu.make_async_copy(v_hbm.at[si], vb, sem).wait()

    def blk_copy(issue, b, half):
        src_v = src_hbm.at[pl.ds(base0 + b * IBC, IBC)]
        dst_v = dst_hbm.at[pl.ds(base0 + b * IBC, IBC)]
        is_v = isblk.at[pl.ds(half * IBC, IBC)]
        id_v = idblk.at[pl.ds(half * IBC, IBC)]
        if issue:
            pltpu.async_copy(src_v, is_v, sem_i)
            pltpu.async_copy(dst_v, id_v, sem_i)
        else:
            pltpu.make_async_copy(src_v, is_v, sem_i).wait()
            pltpu.make_async_copy(dst_v, id_v, sem_i).wait()

    pltpu.sync_copy(src_hbm.at[pl.ds(base0, IBC)], isblk.at[pl.ds(0, IBC)])
    pltpu.sync_copy(dst_hbm.at[pl.ds(base0, IBC)], idblk.at[pl.ds(0, IBC)])
    blk_copy(True, 1, 1)
    fetch(0, qb0, kb0, vb0, sem_a)

    def step(c, _):
        b = c // IB
        last = (c % IB) == (IB - 1)
        more = c + 1 < CHUNKS

        @pl.when(jnp.logical_and(last, more))
        def _():
            blk_copy(False, b + 1, (b + 1) % 2)

        @pl.when(jnp.logical_and(more, (c + 1) % 2 == 0))
        def _():
            fetch(c + 1, qb0, kb0, vb0, sem_a)

        @pl.when(jnp.logical_and(more, (c + 1) % 2 == 1))
        def _():
            fetch(c + 1, qb1, kb1, vb1, sem_b)

        @pl.when(c % 2 == 0)
        def _():
            drain(c, qb0, kb0, vb0, sem_a)
            compute_scatter(qb0, kb0, vb0, islice(c)[1])

        @pl.when(c % 2 == 1)
        def _():
            drain(c, qb1, kb1, vb1, sem_b)
            compute_scatter(qb1, kb1, vb1, islice(c)[1])

        @pl.when(jnp.logical_and(last, b + 2 < NBLK))
        def _():
            blk_copy(True, b + 2, b % 2)

        return 0

    lax.fori_loop(0, CHUNKS, step, 0)


def _sc_body(q0, k0, v0, q1, k1, v1, s0, d0, s1, d1,
             agg0, agg1, den0, den1,
             isblk, idblk,
             qb0, kb0, vb0, qb1, kb1, vb1,
             mb, wb, agg_sh, s_sh, sem_a, sem_b, sem_i):
    cid = lax.axis_index("c")
    tid = lax.axis_index("s")

    zv = jnp.zeros((LANES,), jnp.float32)

    def zero_mb(i, _):
        r = i // (OUT // LANES)
        cc = i % (OUT // LANES)
        mb[r, pl.ds(cc * LANES, LANES)] = zv
        return 0

    lax.fori_loop(0, C * (OUT // LANES), zero_mb, 0)

    def zero_wb(i, _):
        wb[i, pl.ds(0, LANES)] = zv
        return 0

    lax.fori_loop(0, C, zero_wb, 0)

    def zero_stripe(j, _):
        r0z = tid * ROWS_PER_TILE + j * C
        pltpu.sync_copy(mb, agg_sh.at[pl.ds(r0z, C)])
        pltpu.sync_copy(wb, s_sh.at[pl.ds(r0z, C)])
        return 0

    lax.fori_loop(0, ROWS_PER_TILE // C, zero_stripe, 0)

    plsc.subcore_barrier()

    @pl.when(cid == 0)
    def _():
        _edge_chunks(tid, q0, k0, v0, s0, d0,
                     isblk, idblk,
                     qb0, kb0, vb0, qb1, kb1, vb1,
                     mb, wb, agg_sh, s_sh, sem_a, sem_b, sem_i)

    @pl.when(cid == 1)
    def _():
        _edge_chunks(tid, q1, k1, v1, s1, d1,
                     isblk, idblk,
                     qb0, kb0, vb0, qb1, kb1, vb1,
                     mb, wb, agg_sh, s_sh, sem_a, sem_b, sem_i)

    plsc.subcore_barrier()

    r0 = tid * ROWS_PER_TILE

    @pl.when(cid == 0)
    def _():
        pltpu.sync_copy(agg_sh.at[pl.ds(r0, ROWS_PER_TILE)],
                        agg0.at[pl.ds(r0, ROWS_PER_TILE)])
        pltpu.sync_copy(s_sh.at[pl.ds(r0, ROWS_PER_TILE)],
                        den0.at[pl.ds(r0, ROWS_PER_TILE)])

    @pl.when(cid == 1)
    def _():
        pltpu.sync_copy(agg_sh.at[pl.ds(r0, ROWS_PER_TILE)],
                        agg1.at[pl.ds(r0, ROWS_PER_TILE)])
        pltpu.sync_copy(s_sh.at[pl.ds(r0, ROWS_PER_TILE)],
                        den1.at[pl.ds(r0, ROWS_PER_TILE)])


_sc_edge = functools.partial(
    pl.kernel,
    out_type=[
        jax.ShapeDtypeStruct((NPAD, OUT), jnp.float32),
        jax.ShapeDtypeStruct((NPAD, OUT), jnp.float32),
        jax.ShapeDtypeStruct((NPAD, 2 * H), jnp.float32),
        jax.ShapeDtypeStruct((NPAD, 2 * H), jnp.float32),
    ],
    mesh=plsc.VectorSubcoreMesh(core_axis_name="c", subcore_axis_name="s",
                                num_cores=NC, num_subcores=NS),
    compiler_params=pltpu.CompilerParams(needs_layout_passes=False,
                                         use_tc_tiling_on_sc=False),
    scratch_types=[
        pltpu.VMEM((2 * IBC,), jnp.int32),
        pltpu.VMEM((2 * IBC,), jnp.int32),
        pltpu.VMEM((C, OUT), jnp.float32),
        pltpu.VMEM((C, OUT), jnp.float32),
        pltpu.VMEM((C, OUT), jnp.float32),
        pltpu.VMEM((C, OUT), jnp.float32),
        pltpu.VMEM((C, OUT), jnp.float32),
        pltpu.VMEM((C, OUT), jnp.float32),
        pltpu.VMEM((C, OUT), jnp.float32),
        pltpu.VMEM((C, 2 * H), jnp.float32),
        pltpu.VMEM_SHARED((NPAD, OUT), jnp.float32),
        pltpu.VMEM_SHARED((NPAD, 2 * H), jnp.float32),
        pltpu.SemaphoreType.DMA,
        pltpu.SemaphoreType.DMA,
        pltpu.SemaphoreType.DMA,
    ],
)(_sc_body)



def _fold_weights(W_kqv, b_kqv, p_q, a_k, m_v):
    Wk, Wq, Wv = jnp.split(W_kqv, 3, axis=1)
    bk, bq, bv = jnp.split(b_kqv, 3)
    sc = (p_q / jnp.sqrt(jnp.float32(D)))
    Wq2 = (Wq.reshape(IN, H, D) * sc[None, :, None]).reshape(IN, OUT)
    bq2 = (bq.reshape(H, D) * sc[:, None]).reshape(OUT)
    Wk2 = jnp.einsum('ihd,hde->ihe', Wk.reshape(IN, H, D), a_k).reshape(IN, OUT)
    bk2 = jnp.einsum('hd,hde->he', bk.reshape(H, D), a_k).reshape(OUT)
    Wv2 = jnp.einsum('ihd,hde->ihe', Wv.reshape(IN, H, D), m_v).reshape(IN, OUT)
    bv2 = jnp.einsum('hd,hde->he', bv.reshape(H, D), m_v).reshape(OUT)
    W = jnp.concatenate([Wq2, Wk2, Wv2], axis=1)
    b = jnp.concatenate([bq2, bk2, bv2])[None, :]
    return W, b


def kernel(x_paper, x_author, edge_index_writes, edge_index_rev,
           W_kqv_paper, b_kqv_paper, W_kqv_author, b_kqv_author,
           a_writes, m_writes, p_writes, a_rev, m_rev, p_rev,
           W_out_paper, b_out_paper, W_out_author, b_out_author,
           skip_paper, skip_author, ln_gamma, ln_beta):
    W_p, b_p = _fold_weights(W_kqv_paper, b_kqv_paper, p_writes, a_rev, m_rev)
    W_a, b_a = _fold_weights(W_kqv_author, b_kqv_author, p_rev,
                             a_writes, m_writes)

    q_p, kt_p, vt_p = _tc_pre(x_paper, W_p, b_p)
    q_a, kt_a, vt_a = _tc_pre(x_author, W_a, b_a)

    agg_p, agg_a, den_p, den_a = _sc_edge(
        q_p, kt_a, vt_a, q_a, kt_p, vt_p,
        edge_index_writes[0], edge_index_writes[1],
        edge_index_rev[0], edge_index_rev[1])

    al_p = jax.nn.sigmoid(skip_paper).reshape(1, 1)
    al_a = jax.nn.sigmoid(skip_author).reshape(1, 1)
    gamma = ln_gamma[None, :]
    beta = ln_beta[None, :]
    b_out_p = b_out_paper[None, :]
    b_out_a = b_out_author[None, :]

    out_p = _tc_post(agg_p, den_p, x_paper, W_out_paper, b_out_p,
                     al_p, gamma, beta)
    out_a = _tc_post(agg_a, den_a, x_author, W_out_author,
                     b_out_a, al_a, gamma, beta)
    return out_p, out_a

# --- scband reference (transcript-rebuilt; emitter-appended) ---
"""Pipeline reference for scband-hgclayer-77403900608996 (READ-ONLY COPY).

The authoritative reference and input builder live on the scoring server;
editing this copy changes nothing except your own understanding.
"""

import jax, jax.numpy as jnp
import numpy as np

H = 8
D = 16
OUT = 128
IN = 128
N = 10000
E = 320000

def _segment_softmax(alpha, idx, n):
    m = jax.ops.segment_max(alpha, idx, num_segments=n)
    m = jnp.where(jnp.isfinite(m), m, 0.0)
    a = jnp.exp(alpha - m[idx])
    s = jax.ops.segment_sum(a, idx, num_segments=n)
    return a / (s[idx] + 1e-16)

def _propagate(k_src, v_src, q_dst, ei, a_rel, m_rel, p_rel, n_dst):
    k_t = jnp.einsum('nhd,hde->nhe', k_src, a_rel)
    v_t = jnp.einsum('nhd,hde->nhe', v_src, m_rel)
    src, dst = ei[0], ei[1]
    qe = q_dst[dst]
    ke = k_t[src]
    ve = v_t[src]
    alpha = (qe * ke).sum(-1) * p_rel[None, :] / np.sqrt(D).astype(np.float32)
    alpha = _segment_softmax(alpha, dst, n_dst)
    msg = ve * alpha[:, :, None]
    return jax.ops.segment_sum(msg, dst, num_segments=n_dst)

def _hgc_forward(x_paper, x_author, edge_index_writes, edge_index_rev,
                 W_kqv_paper, b_kqv_paper, W_kqv_author, b_kqv_author,
                 a_writes, m_writes, p_writes, a_rev, m_rev, p_rev,
                 W_out_paper, b_out_paper, W_out_author, b_out_author,
                 skip_paper, skip_author, ln_gamma, ln_beta):
    n_p = x_paper.shape[0]
    n_a = x_author.shape[0]
    kqv_p = x_paper @ W_kqv_paper + b_kqv_paper
    k_p, q_p, v_p = [t.reshape(-1, H, D) for t in jnp.split(kqv_p, 3, axis=-1)]
    kqv_a = x_author @ W_kqv_author + b_kqv_author
    k_a, q_a, v_a = [t.reshape(-1, H, D) for t in jnp.split(kqv_a, 3, axis=-1)]
    agg_p = _propagate(k_a, v_a, q_p, edge_index_writes, a_writes, m_writes, p_writes, n_p)
    agg_a = _propagate(k_p, v_p, q_a, edge_index_rev, a_rev, m_rev, p_rev, n_a)
    def node_out(agg, x, W_o, b_o, skip):
        a = agg.reshape(-1, OUT)
        o = jax.nn.gelu(a) @ W_o + b_o
        al = jax.nn.sigmoid(skip)
        return al * o + (1.0 - al) * x
    o_p = node_out(agg_p, x_paper, W_out_paper, b_out_paper, skip_paper)
    o_a = node_out(agg_a, x_author, W_out_author, b_out_author, skip_author)
    def post(o):
        o = jax.nn.relu(o)
        mu = o.mean(-1, keepdims=True)
        var = ((o - mu) ** 2).mean(-1, keepdims=True)
        return ln_gamma * (o - mu) / jnp.sqrt(var + 1e-5) + ln_beta
    return post(o_p), post(o_a)

def setup_inputs(seed=0):
    key = jax.random.key(seed)
    ks = jax.random.split(key, 20)
    s_in = 1.0 / np.sqrt(IN)
    s_d = 1.0 / np.sqrt(D)
    s_out = 1.0 / np.sqrt(OUT)
    inp = {}
    inp['x_paper'] = jax.random.normal(ks[0], (N, IN), dtype=jnp.float32)
    inp['x_author'] = jax.random.normal(ks[1], (N, IN), dtype=jnp.float32)
    inp['edge_index_writes'] = jax.random.randint(ks[2], (2, E), 0, N, dtype=jnp.int32)
    inp['edge_index_rev'] = jax.random.randint(ks[3], (2, E), 0, N, dtype=jnp.int32)
    inp['W_kqv_paper'] = jax.random.normal(ks[4], (IN, 3 * OUT), dtype=jnp.float32) * s_in
    inp['b_kqv_paper'] = jnp.zeros((3 * OUT,), dtype=jnp.float32)
    inp['W_kqv_author'] = jax.random.normal(ks[5], (IN, 3 * OUT), dtype=jnp.float32) * s_in
    inp['b_kqv_author'] = jnp.zeros((3 * OUT,), dtype=jnp.float32)
    inp['a_writes'] = jax.random.normal(ks[6], (H, D, D), dtype=jnp.float32) * s_d
    inp['m_writes'] = jax.random.normal(ks[7], (H, D, D), dtype=jnp.float32) * s_d
    inp['p_writes'] = jnp.ones((H,), dtype=jnp.float32)
    inp['a_rev'] = jax.random.normal(ks[8], (H, D, D), dtype=jnp.float32) * s_d
    inp['m_rev'] = jax.random.normal(ks[9], (H, D, D), dtype=jnp.float32) * s_d
    inp['p_rev'] = jnp.ones((H,), dtype=jnp.float32)
    inp['W_out_paper'] = jax.random.normal(ks[10], (OUT, OUT), dtype=jnp.float32) * s_out
    inp['b_out_paper'] = jnp.zeros((OUT,), dtype=jnp.float32)
    inp['W_out_author'] = jax.random.normal(ks[11], (OUT, OUT), dtype=jnp.float32) * s_out
    inp['b_out_author'] = jnp.zeros((OUT,), dtype=jnp.float32)
    inp['skip_paper'] = jnp.ones((), dtype=jnp.float32)
    inp['skip_author'] = jnp.ones((), dtype=jnp.float32)
    inp['ln_gamma'] = jnp.ones((OUT,), dtype=jnp.float32)
    inp['ln_beta'] = jnp.zeros((OUT,), dtype=jnp.float32)
    return inp

def reference(x_paper, x_author, edge_index_writes, edge_index_rev,
              W_kqv_paper, b_kqv_paper, W_kqv_author, b_kqv_author,
              a_writes, m_writes, p_writes, a_rev, m_rev, p_rev,
              W_out_paper, b_out_paper, W_out_author, b_out_author,
              skip_paper, skip_author, ln_gamma, ln_beta):
    return _hgc_forward(x_paper, x_author, edge_index_writes, edge_index_rev,
                        W_kqv_paper, b_kqv_paper, W_kqv_author, b_kqv_author,
                        a_writes, m_writes, p_writes, a_rev, m_rev, p_rev,
                        W_out_paper, b_out_paper, W_out_author, b_out_author,
                        skip_paper, skip_author, ln_gamma, ln_beta)

if __name__ == "__main__":
    import jax
    _d = setup_inputs()
    print(jax.jit(kernel)(*tuple(_d.values())))

</pallas_src>

<mosaic_0001>
#map = affine_map<(d0, d1) -> (0, 0)>
#map1 = affine_map<(d0, d1) -> (0)>
module attributes {stable_mosaic.version = 14 : i64} {
  func.func @_sc_body(%arg0: i32, %arg1: i32, %arg2: memref<10000x128xf32, #tpu.memory_space<hbm>>, %arg3: memref<10000x128xf32, #tpu.memory_space<hbm>>, %arg4: memref<10000x128xf32, #tpu.memory_space<hbm>>, %arg5: memref<10000x128xf32, #tpu.memory_space<hbm>>, %arg6: memref<10000x128xf32, #tpu.memory_space<hbm>>, %arg7: memref<10000x128xf32, #tpu.memory_space<hbm>>, %arg8: memref<320000xi32, #tpu.memory_space<hbm>>, %arg9: memref<320000xi32, #tpu.memory_space<hbm>>, %arg10: memref<320000xi32, #tpu.memory_space<hbm>>, %arg11: memref<320000xi32, #tpu.memory_space<hbm>>, %arg12: memref<10240x128xf32, #tpu.memory_space<hbm>>, %arg13: memref<10240x128xf32, #tpu.memory_space<hbm>>, %arg14: memref<10240x16xf32, #tpu.memory_space<hbm>>, %arg15: memref<10240x16xf32, #tpu.memory_space<hbm>>, %arg16: memref<1600xi32, #tpu.memory_space<vmem>>, %arg17: memref<1600xi32, #tpu.memory_space<vmem>>, %arg18: memref<32x128xf32, #tpu.memory_space<vmem>>, %arg19: memref<32x128xf32, #tpu.memory_space<vmem>>, %arg20: memref<32x128xf32, #tpu.memory_space<vmem>>, %arg21: memref<32x128xf32, #tpu.memory_space<vmem>>, %arg22: memref<32x128xf32, #tpu.memory_space<vmem>>, %arg23: memref<32x128xf32, #tpu.memory_space<vmem>>, %arg24: memref<32x128xf32, #tpu.memory_space<vmem>>, %arg25: memref<32x16xf32, #tpu.memory_space<vmem>>, %arg26: memref<10240x128xf32, #tpu.memory_space<vmem_shared>>, %arg27: memref<10240x16xf32, #tpu.memory_space<vmem_shared>>, %arg28: memref<!tpu.dma_semaphore, #tpu.memory_space<semaphore_mem>>, %arg29: memref<!tpu.dma_semaphore, #tpu.memory_space<semaphore_mem>>, %arg30: memref<!tpu.dma_semaphore, #tpu.memory_space<semaphore_mem>>) attributes {dimension_semantics = [#tpu.dimension_semantics<core_parallel>, #tpu.dimension_semantics<subcore_parallel>], iteration_bounds = array<i64: 2, 16>, scalar_prefetch = 0 : i64, scratch_operands = 15 : i64, tpu.core_type = #tpu.core_type<sc_vector_subcore>, window_params = [{transform_indices = #map}, {transform_indices = #map}, {transform_indices = #map}, {transform_indices = #map}, {transform_indices = #map}, {transform_indices = #map}, {transform_indices = #map1}, {transform_indices = #map1}, {transform_indices = #map1}, {transform_indices = #map1}, {transform_indices = #map}, {transform_indices = #map}, {transform_indices = #map}, {transform_indices = #map}]} {
    %broadcast_in_dim3A = arith.constant 0.000000e+00 : f32
    %broadcast_in_dim3A_0 = vector.broadcast %broadcast_in_dim3A : f32 to vector<16xf32>
    %scan3A = arith.constant 0 : i32
    %scan3A_1 = arith.constant 0 : i32
    %scan3A_2 = arith.constant 256 : i32
    %scan3A_3 = arith.addi %scan3A_1, %scan3A_2 : i32
    %scan3A_4 = arith.constant 1 : i32
    %scan3A_5 = scf.for %scan3A_40 = %scan3A_1 to %scan3A_3 step %scan3A_4 iter_args(%scan3A_41 = %scan3A) -> (i32)  : i32 {
      %jit3A = arith.constant 8 : i32
      %div3A = arith.divsi %scan3A_40, %jit3A : i32
      %sign3A = arith.constant 0 : i32
      %sign3A_42 = arith.cmpi sgt, %scan3A_40, %sign3A : i32
      %sign3A_43 = arith.extui %sign3A_42 : i1 to i32
      %sign3A_44 = arith.constant 0 : i32
      %sign3A_45 = arith.cmpi slt, %scan3A_40, %sign3A_44 : i32
      %sign3A_46 = arith.extui %sign3A_45 : i1 to i32
      %sign3A_47 = arith.subi %sign3A_43, %sign3A_46 : i32
      %sign3A_48 = arith.constant 0 : i32
      %sign3A_49 = arith.cmpi sgt, %jit3A, %sign3A_48 : i32
      %sign3A_50 = arith.extui %sign3A_49 : i1 to i32
      %sign3A_51 = arith.constant 0 : i32
      %sign3A_52 = arith.cmpi slt, %jit3A, %sign3A_51 : i32
      %sign3A_53 = arith.extui %sign3A_52 : i1 to i32
      %sign3A_54 = arith.subi %sign3A_50, %sign3A_53 : i32
      %ne3A = arith.cmpi ne, %sign3A_47, %sign3A_54 : i32
      %rem3A = arith.remsi %scan3A_40, %jit3A : i32
      %ne3A_55 = arith.constant 0 : i32
      %ne3A_56 = arith.cmpi ne, %rem3A, %ne3A_55 : i32
      %and3A = arith.andi %ne3A, %ne3A_56 : i1
      %sub3A = arith.constant 1 : i32
      %sub3A_57 = arith.subi %div3A, %sub3A : i32
      %select_n3A = arith.select %and3A, %sub3A_57, %div3A : i32
      %jit3A_58 = arith.constant 8 : i32
      %eq3A_59 = arith.constant 0 : i32
      %eq3A_60 = arith.cmpi eq, %jit3A_58, %eq3A_59 : i32
      %jit3A_61 = arith.constant 1 : i32
      %select_n3A_62 = arith.select %eq3A_60, %jit3A_61, %jit3A_58 : i32
      %rem3A_63 = arith.remsi %scan3A_40, %select_n3A_62 : i32
      %ne3A_64 = arith.constant 0 : i32
      %ne3A_65 = arith.cmpi ne, %rem3A_63, %ne3A_64 : i32
      %lt3A = arith.constant 0 : i32
      %lt3A_66 = arith.cmpi slt, %rem3A_63, %lt3A : i32
      %lt3A_67 = arith.constant 0 : i32
      %lt3A_68 = arith.cmpi slt, %select_n3A_62, %lt3A_67 : i32
      %ne3A_69 = arith.xori %lt3A_66, %lt3A_68 : i1
      %and3A_70 = arith.andi %ne3A_69, %ne3A_65 : i1
      %add3A = arith.addi %rem3A_63, %select_n3A_62 : i32
      %select_n3A_71 = arith.select %and3A_70, %add3A, %rem3A_63 : i32
      %mul3A_72 = arith.constant 16 : i32
      %mul3A_73 = arith.muli %select_n3A_71, %mul3A_72 : i32
      %swap3A = arith.index_cast %select_n3A : i32 to index
      %swap3A_74 = arith.index_cast %mul3A_73 : i32 to index
      %swap3A_75 = tpu.vector_load %arg24[%swap3A, %swap3A_74] {strides = array<i32>} : memref<32x128xf32, #tpu.memory_space<vmem>>, vector<16xf32>,
      tpu.vector_store %arg24[%swap3A, %swap3A_74], %broadcast_in_dim3A_0 {strides = array<i32>} : memref<32x128xf32, #tpu.memory_space<vmem>>, vector<16xf32>,
      %scan3A_76 = arith.constant 0 : i32
      scf.yield %scan3A_76 : i32
    }
    %scan3A_6 = arith.constant 256 : i32
    %scan3A_7 = arith.constant 0 : i32
    %scan3A_8 = arith.constant 0 : i32
    %scan3A_9 = arith.constant 32 : i32
    %scan3A_10 = arith.addi %scan3A_8, %scan3A_9 : i32
    %scan3A_11 = arith.constant 1 : i32
    %scan3A_12 = scf.for %scan3A_40 = %scan3A_8 to %scan3A_10 step %scan3A_11 iter_args(%scan3A_41 = %scan3A_7) -> (i32)  : i32 {
      %swap3A = arith.index_cast %scan3A_40 : i32 to index
      %swap3A_42 = arith.constant 0 : index
      %swap3A_43 = tpu.vector_load %arg25[%swap3A, %swap3A_42] {strides = array<i32>} : memref<32x16xf32, #tpu.memory_space<vmem>>, vector<16xf32>,
      tpu.vector_store %arg25[%swap3A, %swap3A_42], %broadcast_in_dim3A_0 {strides = array<i32>} : memref<32x16xf32, #tpu.memory_space<vmem>>, vector<16xf32>,
      %scan3A_44 = arith.constant 0 : i32
      scf.yield %scan3A_44 : i32
    }
    %scan3A_13 = arith.constant 32 : i32
    %scan3A_14 = arith.constant 0 : i32
    %scan3A_15 = arith.constant 0 : i32
    %scan3A_16 = arith.constant 20 : i32
    %scan3A_17 = arith.addi %scan3A_15, %scan3A_16 : i32
    %scan3A_18 = arith.constant 1 : i32
    %scan3A_19 = scf.for %scan3A_40 = %scan3A_15 to %scan3A_17 step %scan3A_18 iter_args(%scan3A_41 = %scan3A_14) -> (i32)  : i32 {
      %mul3A_42 = arith.constant 640 : i32
      %mul3A_43 = arith.muli %arg1, %mul3A_42 : i32
      %mul3A_44 = arith.constant 32 : i32
      %mul3A_45 = arith.muli %scan3A_40, %mul3A_44 : i32
      %add3A = arith.addi %mul3A_43, %mul3A_45 : i32
      "tpu.region"() ({
        %run_scoped3A = tpu.sem_alloc : memref<!tpu.dma_semaphore, #tpu.memory_space<semaphore_mem>>
        %dma_start3A = arith.constant 0 : i32
        %dma_start3A_47 = tpu.memref_slice %arg26[%add3A, %dma_start3A] : memref<10240x128xf32, #tpu.memory_space<vmem_shared>> -> memref<32x128xf32, #tpu.memory_space<vmem_shared>>
        %dma_start3A_48 = arith.constant 0 : i32
        %dma_start3A_49 = tpu.memref_slice %arg26[%add3A, %dma_start3A_48] : memref<10240x128xf32, #tpu.memory_space<vmem_shared>> -> memref<32x128xf32, #tpu.memory_space<vmem_shared>>
        tpu.enqueue_dma source(%arg24 : memref<32x128xf32, #tpu.memory_space<vmem>>) target(%dma_start3A_49 : memref<32x128xf32, #tpu.memory_space<vmem_shared>>) target_semaphore(%run_scoped3A : memref<!tpu.dma_semaphore, #tpu.memory_space<semaphore_mem>>)
        %dma_wait3A = arith.constant 0 : i32
        %dma_wait3A_50 = tpu.memref_slice %arg26[%add3A, %dma_wait3A] : memref<10240x128xf32, #tpu.memory_space<vmem_shared>> -> memref<32x128xf32, #tpu.memory_space<vmem_shared>>
        %dma_wait3A_51 = arith.constant 0 : i32
        %dma_wait3A_52 = tpu.memref_slice %arg26[%add3A, %dma_wait3A_51] : memref<10240x128xf32, #tpu.memory_space<vmem_shared>> -> memref<32x128xf32, #tpu.memory_space<vmem_shared>>
        tpu.wait_dma2 semaphore(%run_scoped3A : memref<!tpu.dma_semaphore, #tpu.memory_space<semaphore_mem>>) src(%arg24 : memref<32x128xf32, #tpu.memory_space<vmem>>) dst(%dma_wait3A_52 : memref<32x128xf32, #tpu.memory_space<vmem_shared>>)
        tpu.yield
      }) : () -> ()
      "tpu.region"() ({
        %run_scoped3A = tpu.sem_alloc : memref<!tpu.dma_semaphore, #tpu.memory_space<semaphore_mem>>
        %dma_start3A = arith.constant 0 : i32
        %dma_start3A_47 = tpu.memref_slice %arg27[%add3A, %dma_start3A] : memref<10240x16xf32, #tpu.memory_space<vmem_shared>> -> memref<32x16xf32, #tpu.memory_space<vmem_shared>>
        %dma_start3A_48 = arith.constant 0 : i32
        %dma_start3A_49 = tpu.memref_slice %arg27[%add3A, %dma_start3A_48] : memref<10240x16xf32, #tpu.memory_space<vmem_shared>> -> memref<32x16xf32, #tpu.memory_space<vmem_shared>>
        tpu.enqueue_dma source(%arg25 : memref<32x16xf32, #tpu.memory_space<vmem>>) target(%dma_start3A_49 : memref<32x16xf32, #tpu.memory_space<vmem_shared>>) target_semaphore(%run_scoped3A : memref<!tpu.dma_semaphore, #tpu.memory_space<semaphore_mem>>)
        %dma_wait3A = arith.constant 0 : i32
        %dma_wait3A_50 = tpu.memref_slice %arg27[%add3A, %dma_wait3A] : memref<10240x16xf32, #tpu.memory_space<vmem_shared>> -> memref<32x16xf32, #tpu.memory_space<vmem_shared>>
        %dma_wait3A_51 = arith.constant 0 : i32
        %dma_wait3A_52 = tpu.memref_slice %arg27[%add3A, %dma_wait3A_51] : memref<10240x16xf32, #tpu.memory_space<vmem_shared>> -> memref<32x16xf32, #tpu.memory_space<vmem_shared>>
        tpu.wait_dma2 semaphore(%run_scoped3A : memref<!tpu.dma_semaphore, #tpu.memory_space<semaphore_mem>>) src(%arg25 : memref<32x16xf32, #tpu.memory_space<vmem>>) dst(%dma_wait3A_52 : memref<32x16xf32, #tpu.memory_space<vmem_shared>>)
        tpu.yield
      }) : () -> ()
      %scan3A_46 = arith.constant 0 : i32
      scf.yield %scan3A_46 : i32
    }
    %scan3A_20 = arith.constant 20 : i32
    %barrier3A = arith.constant 0 : index
    tpu.barrier barrier_id(%barrier3A)
    %eq3A = arith.constant 0 : i32
    %eq3A_21 = arith.cmpi eq, %arg0, %eq3A : i32
    %convert_element_type3A = arith.extui %eq3A_21 : i1 to i32
    %cond3A = arith.constant 0 : i32
    %cond3A_22 = arith.cmpi ne, %convert_element_type3A, %cond3A : i32
    scf.if %cond3A_22 {
      %mul3A_40 = arith.constant 20000 : i32
      %mul3A_41 = arith.muli %arg1, %mul3A_40 : i32
      %iota3A = tpu.iota {dimensions = array<i32: 0>} : vector<16xi32>
      "tpu.region"() ({
        %run_scoped3A = tpu.sem_alloc : memref<!tpu.dma_semaphore, #tpu.memory_space<semaphore_mem>>
        %dma_start3A_78 = arith.constant 0 : i32
        %dma_start3A_79 = tpu.memref_slice %arg16[%dma_start3A_78] : memref<1600xi32, #tpu.memory_space<vmem>> -> memref<800xi32, #tpu.memory_space<vmem>>
        %dma_start3A_80 = tpu.memref_slice %arg8[%mul3A_41] : memref<320000xi32, #tpu.memory_space<hbm>> -> memref<800xi32, #tpu.memory_space<hbm>>
        %dma_start3A_81 = arith.constant 0 : i32
        %dma_start3A_82 = tpu.memref_slice %arg16[%dma_start3A_81] : memref<1600xi32, #tpu.memory_space<vmem>> -> memref<800xi32, #tpu.memory_space<vmem>>
        %dma_start3A_83 = tpu.memref_slice %arg8[%mul3A_41] : memref<320000xi32, #tpu.memory_space<hbm>> -> memref<800xi32, #tpu.memory_space<hbm>>
        tpu.enqueue_dma source(%dma_start3A_83 : memref<800xi32, #tpu.memory_space<hbm>>) target(%dma_start3A_82 : memref<800xi32, #tpu.memory_space<vmem>>) target_semaphore(%run_scoped3A : memref<!tpu.dma_semaphore, #tpu.memory_space<semaphore_mem>>)
        %dma_wait3A = arith.constant 0 : i32
        %dma_wait3A_84 = tpu.memref_slice %arg16[%dma_wait3A] : memref<1600xi32, #tpu.memory_space<vmem>> -> memref<800xi32, #tpu.memory_space<vmem>>
        %dma_wait3A_85 = tpu.memref_slice %arg8[%mul3A_41] : memref<320000xi32, #tpu.memory_space<hbm>> -> memref<800xi32, #tpu.memory_space<hbm>>
        %dma_wait3A_86 = arith.constant 0 : i32
        %dma_wait3A_87 = tpu.memref_slice %arg16[%dma_wait3A_86] : memref<1600xi32, #tpu.memory_space<vmem>> -> memref<800xi32, #tpu.memory_space<vmem>>
        %dma_wait3A_88 = tpu.memref_slice %arg8[%mul3A_41] : memref<320000xi32, #tpu.memory_space<hbm>> -> memref<800xi32, #tpu.memory_space<hbm>>
        tpu.wait_dma2 semaphore(%run_scoped3A : memref<!tpu.dma_semaphore, #tpu.memory_space<semaphore_mem>>) src(%dma_wait3A_88 : memref<800xi32, #tpu.memory_space<hbm>>) dst(%dma_wait3A_87 : memref<800xi32, #tpu.memory_space<vmem>>)
        tpu.yield
      }) : () -> ()
      "tpu.region"() ({
        %run_scoped3A = tpu.sem_alloc : memref<!tpu.dma_semaphore, #tpu.memory_space<semaphore_mem>>
        %dma_start3A_78 = arith.constant 0 : i32
        %dma_start3A_79 = tpu.memref_slice %arg17[%dma_start3A_78] : memref<1600xi32, #tpu.memory_space<vmem>> -> memref<800xi32, #tpu.memory_space<vmem>>
        %dma_start3A_80 = tpu.memref_slice %arg9[%mul3A_41] : memref<320000xi32, #tpu.memory_space<hbm>> -> memref<800xi32, #tpu.memory_space<hbm>>
        %dma_start3A_81 = arith.constant 0 : i32
        %dma_start3A_82 = tpu.memref_slice %arg17[%dma_start3A_81] : memref<1600xi32, #tpu.memory_space<vmem>> -> memref<800xi32, #tpu.memory_space<vmem>>
        %dma_start3A_83 = tpu.memref_slice %arg9[%mul3A_41] : memref<320000xi32, #tpu.memory_space<hbm>> -> memref<800xi32, #tpu.memory_space<hbm>>
        tpu.enqueue_dma source(%dma_start3A_83 : memref<800xi32, #tpu.memory_space<hbm>>) target(%dma_start3A_82 : memref<800xi32, #tpu.memory_space<vmem>>) target_semaphore(%run_scoped3A : memref<!tpu.dma_semaphore, #tpu.memory_space<semaphore_mem>>)
        %dma_wait3A = arith.constant 0 : i32
        %dma_wait3A_84 = tpu.memref_slice %arg17[%dma_wait3A] : memref<1600xi32, #tpu.memory_space<vmem>> -> memref<800xi32, #tpu.memory_space<vmem>>
        %dma_wait3A_85 = tpu.memref_slice %arg9[%mul3A_41] : memref<320000xi32, #tpu.memory_space<hbm>> -> memref<800xi32, #tpu.memory_space<hbm>>
        %dma_wait3A_86 = arith.constant 0 : i32
        %dma_wait3A_87 = tpu.memref_slice %arg17[%dma_wait3A_86] : memref<1600xi32, #tpu.memory_space<vmem>> -> memref<800xi32, #tpu.memory_space<vmem>>
        %dma_wait3A_88 = tpu.memref_slice %arg9[%mul3A_41] : memref<320000xi32, #tpu.memory_space<hbm>> -> memref<800xi32, #tpu.memory_space<hbm>>
        tpu.wait_dma2 semaphore(%run_scoped3A : memref<!tpu.dma_semaphore, #tpu.memory_space<semaphore_mem>>) src(%dma_wait3A_88 : memref<800xi32, #tpu.memory_space<hbm>>) dst(%dma_wait3A_87 : memref<800xi32, #tpu.memory_space<vmem>>)
        tpu.yield
      }) : () -> ()
      %add3A = arith.constant 800 : i32
      %add3A_42 = arith.addi %mul3A_41, %add3A : i32
      %add3A_43 = arith.constant 800 : i32
      %add3A_44 = arith.addi %mul3A_41, %add3A_43 : i32
      %dma_start3A = arith.constant 800 : i32
      %dma_start3A_45 = tpu.memref_slice %arg16[%dma_start3A] : memref<1600xi32, #tpu.memory_space<vmem>> -> memref<800xi32, #tpu.memory_space<vmem>>
      %dma_start3A_46 = tpu.memref_slice %arg8[%add3A_42] : memref<320000xi32, #tpu.memory_space<hbm>> -> memref<800xi32, #tpu.memory_space<hbm>>
      %dma_start3A_47 = arith.constant 800 : i32
      %dma_start3A_48 = tpu.memref_slice %arg16[%dma_start3A_47] : memref<1600xi32, #tpu.memory_space<vmem>> -> memref<800xi32, #tpu.memory_space<vmem>>
      %dma_start3A_49 = tpu.memref_slice %arg8[%add3A_42] : memref<320000xi32, #tpu.memory_space<hbm>> -> memref<800xi32, #tpu.memory_space<hbm>>
      tpu.enqueue_dma source(%dma_start3A_49 : memref<800xi32, #tpu.memory_space<hbm>>) target(%dma_start3A_48 : memref<800xi32, #tpu.memory_space<vmem>>) target_semaphore(%arg30 : memref<!tpu.dma_semaphore, #tpu.memory_space<semaphore_mem>>)
      %dma_start3A_50 = arith.constant 800 : i32
      %dma_start3A_51 = tpu.memref_slice %arg17[%dma_start3A_50] : memref<1600xi32, #tpu.memory_space<vmem>> -> memref<800xi32, #tpu.memory_space<vmem>>
      %dma_start3A_52 = tpu.memref_slice %arg9[%add3A_44] : memref<320000xi32, #tpu.memory_space<hbm>> -> memref<800xi32, #tpu.memory_space<hbm>>
      %dma_start3A_53 = arith.constant 800 : i32
      %dma_start3A_54 = tpu.memref_slice %arg17[%dma_start3A_53] : memref<1600xi32, #tpu.memory_space<vmem>> -> memref<800xi32, #tpu.memory_space<vmem>>
      %dma_start3A_55 = tpu.memref_slice %arg9[%add3A_44] : memref<320000xi32, #tpu.memory_space<hbm>> -> memref<800xi32, #tpu.memory_space<hbm>>
      tpu.enqueue_dma source(%dma_start3A_55 : memref<800xi32, #tpu.memory_space<hbm>>) target(%dma_start3A_54 : memref<800xi32, #tpu.memory_space<vmem>>) target_semaphore(%arg30 : memref<!tpu.dma_semaphore, #tpu.memory_space<semaphore_mem>>)
      %dma_start3A_56 = arith.constant 0 : i32
      %dma_start3A_57 = tpu.memref_slice %arg17[%dma_start3A_56] : memref<1600xi32, #tpu.memory_space<vmem>> -> memref<32xi32, #tpu.memory_space<vmem>>
      %dma_start3A_58 = arith.constant 0 : i32
      %dma_start3A_59 = arith.constant 0 : i32
      %dma_start3A_60 = tpu.memref_slice %arg2[%dma_start3A_58, %dma_start3A_59] : memref<10000x128xf32, #tpu.memory_space<hbm>> -> memref<10000x128xf32, #tpu.memory_space<hbm>>
      tpu.enqueue_indirect_dma source(%dma_start3A_60 : memref<10000x128xf32, #tpu.memory_space<hbm>>) target(%arg18 : memref<32x128xf32, #tpu.memory_space<vmem>>) offsets(%dma_start3A_57 : memref<32xi32, #tpu.memory_space<vmem>>) semaphore(%arg28 : memref<!tpu.dma_semaphore, #tpu.memory_space<semaphore_mem>>)
      %dma_start3A_61 = arith.constant 0 : i32
      %dma_start3A_62 = tpu.memref_slice %arg16[%dma_start3A_61] : memref<1600xi32, #tpu.memory_space<vmem>> -> memref<32xi32, #tpu.memory_space<vmem>>
      %dma_start3A_63 = arith.constant 0 : i32
      %dma_start3A_64 = arith.constant 0 : i32
      %dma_start3A_65 = tpu.memref_slice %arg3[%dma_start3A_63, %dma_start3A_64] : memref<10000x128xf32, #tpu.memory_space<hbm>> -> memref<10000x128xf32, #tpu.memory_space<hbm>>
      tpu.enqueue_indirect_dma source(%dma_start3A_65 : memref<10000x128xf32, #tpu.memory_space<hbm>>) target(%arg19 : memref<32x128xf32, #tpu.memory_space<vmem>>) offsets(%dma_start3A_62 : memref<32xi32, #tpu.memory_space<vmem>>) semaphore(%arg28 : memref<!tpu.dma_semaphore, #tpu.memory_space<semaphore_mem>>)
      %dma_start3A_66 = arith.constant 0 : i32
      %dma_start3A_67 = tpu.memref_slice %arg16[%dma_start3A_66] : memref<1600xi32, #tpu.memory_space<vmem>> -> memref<32xi32, #tpu.memory_space<vmem>>
      %dma_start3A_68 = arith.constant 0 : i32
      %dma_start3A_69 = arith.constant 0 : i32
      %dma_start3A_70 = tpu.memref_slice %arg4[%dma_start3A_68, %dma_start3A_69] : memref<10000x128xf32, #tpu.memory_space<hbm>> -> memref<10000x128xf32, #tpu.memory_space<hbm>>
      tpu.enqueue_indirect_dma source(%dma_start3A_70 : memref<10000x128xf32, #tpu.memory_space<hbm>>) target(%arg20 : memref<32x128xf32, #tpu.memory_space<vmem>>) offsets(%dma_start3A_67 : memref<32xi32, #tpu.memory_space<vmem>>) semaphore(%arg28 : memref<!tpu.dma_semaphore, #tpu.memory_space<semaphore_mem>>)
      %scan3A_71 = arith.constant 0 : i32
      %scan3A_72 = arith.constant 0 : i32
      %scan3A_73 = arith.constant 625 : i32
      %scan3A_74 = arith.addi %scan3A_72, %scan3A_73 : i32
      %scan3A_75 = arith.constant 1 : i32
      %scan3A_76 = scf.for %scan3A_78 = %scan3A_72 to %scan3A_74 step %scan3A_75 iter_args(%scan3A_79 = %scan3A_71) -> (i32)  : i32 {
        %jit3A = arith.constant 25 : i32
        %div3A = arith.divsi %scan3A_78, %jit3A : i32
        %sign3A = arith.constant 0 : i32
        %sign3A_80 = arith.cmpi sgt, %scan3A_78, %sign3A : i32
        %sign3A_81 = arith.extui %sign3A_80 : i1 to i32
        %sign3A_82 = arith.constant 0 : i32
        %sign3A_83 = arith.cmpi slt, %scan3A_78, %sign3A_82 : i32
        %sign3A_84 = arith.extui %sign3A_83 : i1 to i32
        %sign3A_85 = arith.subi %sign3A_81, %sign3A_84 : i32
        %sign3A_86 = arith.constant 0 : i32
        %sign3A_87 = arith.cmpi sgt, %jit3A, %sign3A_86 : i32
        %sign3A_88 = arith.extui %sign3A_87 : i1 to i32
        %sign3A_89 = arith.constant 0 : i32
        %sign3A_90 = arith.cmpi slt, %jit3A, %sign3A_89 : i32
        %sign3A_91 = arith.extui %sign3A_90 : i1 to i32
        %sign3A_92 = arith.subi %sign3A_88, %sign3A_91 : i32
        %ne3A = arith.cmpi ne, %sign3A_85, %sign3A_92 : i32
        %rem3A = arith.remsi %scan3A_78, %jit3A : i32
        %ne3A_93 = arith.constant 0 : i32
        %ne3A_94 = arith.cmpi ne, %rem3A, %ne3A_93 : i32
        %and3A = arith.andi %ne3A, %ne3A_94 : i1
        %sub3A = arith.constant 1 : i32
        %sub3A_95 = arith.subi %div3A, %sub3A : i32
        %select_n3A = arith.select %and3A, %sub3A_95, %div3A : i32
        %jit3A_96 = arith.constant 25 : i32
        %eq3A_97 = arith.constant 0 : i32
        %eq3A_98 = arith.cmpi eq, %jit3A_96, %eq3A_97 : i32
        %jit3A_99 = arith.constant 1 : i32
        %select_n3A_100 = arith.select %eq3A_98, %jit3A_99, %jit3A_96 : i32
        %rem3A_101 = arith.remsi %scan3A_78, %select_n3A_100 : i32
        %ne3A_102 = arith.constant 0 : i32
        %ne3A_103 = arith.cmpi ne, %rem3A_101, %ne3A_102 : i32
        %lt3A = arith.constant 0 : i32
        %lt3A_104 = arith.cmpi slt, %rem3A_101, %lt3A : i32
        %lt3A_105 = arith.constant 0 : i32
        %lt3A_106 = arith.cmpi slt, %select_n3A_100, %lt3A_105 : i32
        %ne3A_107 = arith.xori %lt3A_104, %lt3A_106 : i1
        %and3A_108 = arith.andi %ne3A_107, %ne3A_103 : i1
        %add3A_109 = arith.addi %rem3A_101, %select_n3A_100 : i32
        %select_n3A_110 = arith.select %and3A_108, %add3A_109, %rem3A_101 : i32
        %eq3A_111 = arith.constant 24 : i32
        %eq3A_112 = arith.cmpi eq, %select_n3A_110, %eq3A_111 : i32
        %add3A_113 = arith.constant 1 : i32
        %add3A_114 = arith.addi %scan3A_78, %add3A_113 : i32
        %lt3A_115 = arith.constant 625 : i32
        %lt3A_116 = arith.cmpi slt, %add3A_114, %lt3A_115 : i32
        %and3A_117 = arith.andi %eq3A_112, %lt3A_116 : i1
        %convert_element_type3A_118 = arith.extui %and3A_117 : i1 to i32
        %cond3A_119 = arith.constant 0 : i32
        %cond3A_120 = arith.cmpi ne, %convert_element_type3A_118, %cond3A_119 : i32
        scf.if %cond3A_120 {
          %add3A_220 = arith.constant 1 : i32
          %add3A_221 = arith.addi %select_n3A, %add3A_220 : i32
          %add3A_222 = arith.constant 1 : i32
          %add3A_223 = arith.addi %select_n3A, %add3A_222 : i32
          %jit3A_224 = arith.constant 2 : i32
          %eq3A_225 = arith.constant 0 : i32
          %eq3A_226 = arith.cmpi eq, %jit3A_224, %eq3A_225 : i32
          %jit3A_227 = arith.constant 1 : i32
          %select_n3A_228 = arith.select %eq3A_226, %jit3A_227, %jit3A_224 : i32
          %rem3A_229 = arith.remsi %add3A_223, %select_n3A_228 : i32
          %ne3A_230 = arith.constant 0 : i32
          %ne3A_231 = arith.cmpi ne, %rem3A_229, %ne3A_230 : i32
          %lt3A_232 = arith.constant 0 : i32
          %lt3A_233 = arith.cmpi slt, %rem3A_229, %lt3A_232 : i32
          %lt3A_234 = arith.constant 0 : i32
          %lt3A_235 = arith.cmpi slt, %select_n3A_228, %lt3A_234 : i32
          %ne3A_236 = arith.xori %lt3A_233, %lt3A_235 : i1
          %and3A_237 = arith.andi %ne3A_236, %ne3A_231 : i1
          %add3A_238 = arith.addi %rem3A_229, %select_n3A_228 : i32
          %select_n3A_239 = arith.select %and3A_237, %add3A_238, %rem3A_229 : i32
          %mul3A_240 = arith.constant 800 : i32
          %mul3A_241 = arith.muli %add3A_221, %mul3A_240 : i32
          %add3A_242 = arith.addi %mul3A_41, %mul3A_241 : i32
          %mul3A_243 = arith.constant 800 : i32
          %mul3A_244 = arith.muli %add3A_221, %mul3A_243 : i32
          %add3A_245 = arith.addi %mul3A_41, %mul3A_244 : i32
          %mul3A_246 = arith.constant 800 : i32
          %mul3A_247 = arith.muli %select_n3A_239, %mul3A_246 : i32
          %mul3A_248 = arith.constant 800 : i32
          %mul3A_249 = arith.muli %select_n3A_239, %mul3A_248 : i32
          %dma_wait3A = tpu.memref_slice %arg16[%mul3A_247] : memref<1600xi32, #tpu.memory_space<vmem>> -> memref<800xi32, #tpu.memory_space<vmem>>
          %dma_wait3A_250 = tpu.memref_slice %arg8[%add3A_242] : memref<320000xi32, #tpu.memory_space<hbm>> -> memref<800xi32, #tpu.memory_space<hbm>>
          %dma_wait3A_251 = tpu.memref_slice %arg16[%mul3A_247] : memref<1600xi32, #tpu.memory_space<vmem>> -> memref<800xi32, #tpu.memory_space<vmem>>
          %dma_wait3A_252 = tpu.memref_slice %arg8[%add3A_242] : memref<320000xi32, #tpu.memory_space<hbm>> -> memref<800xi32, #tpu.memory_space<hbm>>
          tpu.wait_dma2 semaphore(%arg30 : memref<!tpu.dma_semaphore, #tpu.memory_space<semaphore_mem>>) src(%dma_wait3A_252 : memref<800xi32, #tpu.memory_space<hbm>>) dst(%dma_wait3A_251 : memref<800xi32, #tpu.memory_space<vmem>>)
          %dma_wait3A_253 = tpu.memref_slice %arg17[%mul3A_249] : memref<1600xi32, #tpu.memory_space<vmem>> -> memref<800xi32, #tpu.memory_space<vmem>>
          %dma_wait3A_254 = tpu.memref_slice %arg9[%add3A_245] : memref<320000xi32, #tpu.memory_space<hbm>> -> memref<800xi32, #tpu.memory_space<hbm>>
          %dma_wait3A_255 = tpu.memref_slice %arg17[%mul3A_249] : memref<1600xi32, #tpu.memory_space<vmem>> -> memref<800xi32, #tpu.memory_space<vmem>>
          %dma_wait3A_256 = tpu.memref_slice %arg9[%add3A_245] : memref<320000xi32, #tpu.memory_space<hbm>> -> memref<800xi32, #tpu.memory_space<hbm>>
          tpu.wait_dma2 semaphore(%arg30 : memref<!tpu.dma_semaphore, #tpu.memory_space<semaphore_mem>>) src(%dma_wait3A_256 : memref<800xi32, #tpu.memory_space<hbm>>) dst(%dma_wait3A_255 : memref<800xi32, #tpu.memory_space<vmem>>)
        } else {
        }
        %add3A_121 = arith.constant 1 : i32
        %add3A_122 = arith.addi %scan3A_78, %add3A_121 : i32
        %jit3A_123 = arith.constant 2 : i32
        %eq3A_124 = arith.constant 0 : i32
        %eq3A_125 = arith.cmpi eq, %jit3A_123, %eq3A_124 : i32
        %jit3A_126 = arith.constant 1 : i32
        %select_n3A_127 = arith.select %eq3A_125, %jit3A_126, %jit3A_123 : i32
        %rem3A_128 = arith.remsi %add3A_122, %select_n3A_127 : i32
        %ne3A_129 = arith.constant 0 : i32
        %ne3A_130 = arith.cmpi ne, %rem3A_128, %ne3A_129 : i32
        %lt3A_131 = arith.constant 0 : i32
        %lt3A_132 = arith.cmpi slt, %rem3A_128, %lt3A_131 : i32
        %lt3A_133 = arith.constant 0 : i32
        %lt3A_134 = arith.cmpi slt, %select_n3A_127, %lt3A_133 : i32
        %ne3A_135 = arith.xori %lt3A_132, %lt3A_134 : i1
        %and3A_136 = arith.andi %ne3A_135, %ne3A_130 : i1
        %add3A_137 = arith.addi %rem3A_128, %select_n3A_127 : i32
        %select_n3A_138 = arith.select %and3A_136, %add3A_137, %rem3A_128 : i32
        %eq3A_139 = arith.constant 0 : i32
        %eq3A_140 = arith.cmpi eq, %select_n3A_138, %eq3A_139 : i32
        %and3A_141 = arith.andi %lt3A_116, %eq3A_140 : i1
        %convert_element_type3A_142 = arith.extui %and3A_141 : i1 to i32
        %cond3A_143 = arith.constant 0 : i32
        %cond3A_144 = arith.cmpi ne, %convert_element_type3A_142, %cond3A_143 : i32
        scf.if %cond3A_144 {
          %add3A_220 = arith.constant 1 : i32
          %add3A_221 = arith.addi %scan3A_78, %add3A_220 : i32
          %jit3A_222 = arith.constant 50 : i32
          %eq3A_223 = arith.constant 0 : i32
          %eq3A_224 = arith.cmpi eq, %jit3A_222, %eq3A_223 : i32
          %jit3A_225 = arith.constant 1 : i32
          %select_n3A_226 = arith.select %eq3A_224, %jit3A_225, %jit3A_222 : i32
          %rem3A_227 = arith.remsi %add3A_221, %select_n3A_226 : i32
          %ne3A_228 = arith.constant 0 : i32
          %ne3A_229 = arith.cmpi ne, %rem3A_227, %ne3A_228 : i32
          %lt3A_230 = arith.constant 0 : i32
          %lt3A_231 = arith.cmpi slt, %rem3A_227, %lt3A_230 : i32
          %lt3A_232 = arith.constant 0 : i32
          %lt3A_233 = arith.cmpi slt, %select_n3A_226, %lt3A_232 : i32
          %ne3A_234 = arith.xori %lt3A_231, %lt3A_233 : i1
          %and3A_235 = arith.andi %ne3A_234, %ne3A_229 : i1
          %add3A_236 = arith.addi %rem3A_227, %select_n3A_226 : i32
          %select_n3A_237 = arith.select %and3A_235, %add3A_236, %rem3A_227 : i32
          %mul3A_238 = arith.constant 32 : i32
          %mul3A_239 = arith.muli %select_n3A_237, %mul3A_238 : i32
          %dma_start3A_240 = tpu.memref_slice %arg17[%mul3A_239] : memref<1600xi32, #tpu.memory_space<vmem>> -> memref<32xi32, #tpu.memory_space<vmem>>
          %dma_start3A_241 = arith.constant 0 : i32
          %dma_start3A_242 = arith.constant 0 : i32
          %dma_start3A_243 = tpu.memref_slice %arg2[%dma_start3A_241, %dma_start3A_242] : memref<10000x128xf32, #tpu.memory_space<hbm>> -> memref<10000x128xf32, #tpu.memory_space<hbm>>
          tpu.enqueue_indirect_dma source(%dma_start3A_243 : memref<10000x128xf32, #tpu.memory_space<hbm>>) target(%arg18 : memref<32x128xf32, #tpu.memory_space<vmem>>) offsets(%dma_start3A_240 : memref<32xi32, #tpu.memory_space<vmem>>) semaphore(%arg28 : memref<!tpu.dma_semaphore, #tpu.memory_space<semaphore_mem>>)
          %dma_start3A_244 = tpu.memref_slice %arg16[%mul3A_239] : memref<1600xi32, #tpu.memory_space<vmem>> -> memref<32xi32, #tpu.memory_space<vmem>>
          %dma_start3A_245 = arith.constant 0 : i32
          %dma_start3A_246 = arith.constant 0 : i32
          %dma_start3A_247 = tpu.memref_slice %arg3[%dma_start3A_245, %dma_start3A_246] : memref<10000x128xf32, #tpu.memory_space<hbm>> -> memref<10000x128xf32, #tpu.memory_space<hbm>>
          tpu.enqueue_indirect_dma source(%dma_start3A_247 : memref<10000x128xf32, #tpu.memory_space<hbm>>) target(%arg19 : memref<32x128xf32, #tpu.memory_space<vmem>>) offsets(%dma_start3A_244 : memref<32xi32, #tpu.memory_space<vmem>>) semaphore(%arg28 : memref<!tpu.dma_semaphore, #tpu.memory_space<semaphore_mem>>)
          %dma_start3A_248 = tpu.memref_slice %arg16[%mul3A_239] : memref<1600xi32, #tpu.memory_space<vmem>> -> memref<32xi32, #tpu.memory_space<vmem>>
          %dma_start3A_249 = arith.constant 0 : i32
          %dma_start3A_250 = arith.constant 0 : i32
          %dma_start3A_251 = tpu.memref_slice %arg4[%dma_start3A_249, %dma_start3A_250] : memref<10000x128xf32, #tpu.memory_space<hbm>> -> memref<10000x128xf32, #tpu.memory_space<hbm>>
          tpu.enqueue_indirect_dma source(%dma_start3A_251 : memref<10000x128xf32, #tpu.memory_space<hbm>>) target(%arg20 : memref<32x128xf32, #tpu.memory_space<vmem>>) offsets(%dma_start3A_248 : memref<32xi32, #tpu.memory_space<vmem>>) semaphore(%arg28 : memref<!tpu.dma_semaphore, #tpu.memory_space<semaphore_mem>>)
        } else {
        }
        %add3A_145 = arith.constant 1 : i32
        %add3A_146 = arith.addi %scan3A_78, %add3A_145 : i32
        %jit3A_147 = arith.constant 2 : i32
        %eq3A_148 = arith.constant 0 : i32
        %eq3A_149 = arith.cmpi eq, %jit3A_147, %eq3A_148 : i32
        %jit3A_150 = arith.constant 1 : i32
        %select_n3A_151 = arith.select %eq3A_149, %jit3A_150, %jit3A_147 : i32
        %rem3A_152 = arith.remsi %add3A_146, %select_n3A_151 : i32
        %ne3A_153 = arith.constant 0 : i32
        %ne3A_154 = arith.cmpi ne, %rem3A_152, %ne3A_153 : i32
        %lt3A_155 = arith.constant 0 : i32
        %lt3A_156 = arith.cmpi slt, %rem3A_152, %lt3A_155 : i32
        %lt3A_157 = arith.constant 0 : i32
        %lt3A_158 = arith.cmpi slt, %select_n3A_151, %lt3A_157 : i32
        %ne3A_159 = arith.xori %lt3A_156, %lt3A_158 : i1
        %and3A_160 = arith.andi %ne3A_159, %ne3A_154 : i1
        %add3A_161 = arith.addi %rem3A_152, %select_n3A_151 : i32
        %select_n3A_162 = arith.select %and3A_160, %add3A_161, %rem3A_152 : i32
        %eq3A_163 = arith.constant 1 : i32
        %eq3A_164 = arith.cmpi eq, %select_n3A_162, %eq3A_163 : i32
        %and3A_165 = arith.andi %lt3A_116, %eq3A_164 : i1
        %convert_element_type3A_166 = arith.extui %and3A_165 : i1 to i32
        %cond3A_167 = arith.constant 0 : i32
        %cond3A_168 = arith.cmpi ne, %convert_element_type3A_166, %cond3A_167 : i32
        scf.if %cond3A_168 {
          %add3A_220 = arith.constant 1 : i32
          %add3A_221 = arith.addi %scan3A_78, %add3A_220 : i32
          %jit3A_222 = arith.constant 50 : i32
          %eq3A_223 = arith.constant 0 : i32
          %eq3A_224 = arith.cmpi eq, %jit3A_222, %eq3A_223 : i32
          %jit3A_225 = arith.constant 1 : i32
          %select_n3A_226 = arith.select %eq3A_224, %jit3A_225, %jit3A_222 : i32
          %rem3A_227 = arith.remsi %add3A_221, %select_n3A_226 : i32
          %ne3A_228 = arith.constant 0 : i32
          %ne3A_229 = arith.cmpi ne, %rem3A_227, %ne3A_228 : i32
          %lt3A_230 = arith.constant 0 : i32
          %lt3A_231 = arith.cmpi slt, %rem3A_227, %lt3A_230 : i32
          %lt3A_232 = arith.constant 0 : i32
          %lt3A_233 = arith.cmpi slt, %select_n3A_226, %lt3A_232 : i32
          %ne3A_234 = arith.xori %lt3A_231, %lt3A_233 : i1
          %and3A_235 = arith.andi %ne3A_234, %ne3A_229 : i1
          %add3A_236 = arith.addi %rem3A_227, %select_n3A_226 : i32
          %select_n3A_237 = arith.select %and3A_235, %add3A_236, %rem3A_227 : i32
          %mul3A_238 = arith.constant 32 : i32
          %mul3A_239 = arith.muli %select_n3A_237, %mul3A_238 : i32
          %dma_start3A_240 = tpu.memref_slice %arg17[%mul3A_239] : memref<1600xi32, #tpu.memory_space<vmem>> -> memref<32xi32, #tpu.memory_space<vmem>>
          %dma_start3A_241 = arith.constant 0 : i32
          %dma_start3A_242 = arith.constant 0 : i32
          %dma_start3A_243 = tpu.memref_slice %arg2[%dma_start3A_241, %dma_start3A_242] : memref<10000x128xf32, #tpu.memory_space<hbm>> -> memref<10000x128xf32, #tpu.memory_space<hbm>>
          tpu.enqueue_indirect_dma source(%dma_start3A_243 : memref<10000x128xf32, #tpu.memory_space<hbm>>) target(%arg21 : memref<32x128xf32, #tpu.memory_space<vmem>>) offsets(%dma_start3A_240 : memref<32xi32, #tpu.memory_space<vmem>>) semaphore(%arg29 : memref<!tpu.dma_semaphore, #tpu.memory_space<semaphore_mem>>)
          %dma_start3A_244 = tpu.memref_slice %arg16[%mul3A_239] : memref<1600xi32, #tpu.memory_space<vmem>> -> memref<32xi32, #tpu.memory_space<vmem>>
          %dma_start3A_245 = arith.constant 0 : i32
          %dma_start3A_246 = arith.constant 0 : i32
          %dma_start3A_247 = tpu.memref_slice %arg3[%dma_start3A_245, %dma_start3A_246] : memref<10000x128xf32, #tpu.memory_space<hbm>> -> memref<10000x128xf32, #tpu.memory_space<hbm>>
          tpu.enqueue_indirect_dma source(%dma_start3A_247 : memref<10000x128xf32, #tpu.memory_space<hbm>>) target(%arg22 : memref<32x128xf32, #tpu.memory_space<vmem>>) offsets(%dma_start3A_244 : memref<32xi32, #tpu.memory_space<vmem>>) semaphore(%arg29 : memref<!tpu.dma_semaphore, #tpu.memory_space<semaphore_mem>>)
          %dma_start3A_248 = tpu.memref_slice %arg16[%mul3A_239] : memref<1600xi32, #tpu.memory_space<vmem>> -> memref<32xi32, #tpu.memory_space<vmem>>
          %dma_start3A_249 = arith.constant 0 : i32
          %dma_start3A_250 = arith.constant 0 : i32
          %dma_start3A_251 = tpu.memref_slice %arg4[%dma_start3A_249, %dma_start3A_250] : memref<10000x128xf32, #tpu.memory_space<hbm>> -> memref<10000x128xf32, #tpu.memory_space<hbm>>
          tpu.enqueue_indirect_dma source(%dma_start3A_251 : memref<10000x128xf32, #tpu.memory_space<hbm>>) target(%arg23 : memref<32x128xf32, #tpu.memory_space<vmem>>) offsets(%dma_start3A_248 : memref<32xi32, #tpu.memory_space<vmem>>) semaphore(%arg29 : memref<!tpu.dma_semaphore, #tpu.memory_space<semaphore_mem>>)
        } else {
        }
        %jit3A_169 = arith.constant 2 : i32
        %eq3A_170 = arith.constant 0 : i32
        %eq3A_171 = arith.cmpi eq, %jit3A_169, %eq3A_170 : i32
        %jit3A_172 = arith.constant 1 : i32
        %select_n3A_173 = arith.select %eq3A_171, %jit3A_172, %jit3A_169 : i32
        %rem3A_174 = arith.remsi %scan3A_78, %select_n3A_173 : i32
        %ne3A_175 = arith.constant 0 : i32
        %ne3A_176 = arith.cmpi ne, %rem3A_174, %ne3A_175 : i32
        %lt3A_177 = arith.constant 0 : i32
        %lt3A_178 = arith.cmpi slt, %rem3A_174, %lt3A_177 : i32
        %lt3A_179 = arith.constant 0 : i32
        %lt3A_180 = arith.cmpi slt, %select_n3A_173, %lt3A_179 : i32
        %ne3A_181 = arith.xori %lt3A_178, %lt3A_180 : i1
        %and3A_182 = arith.andi %ne3A_181, %ne3A_176 : i1
        %add3A_183 = arith.addi %rem3A_174, %select_n3A_173 : i32
        %select_n3A_184 = arith.select %and3A_182, %add3A_183, %rem3A_174 : i32
        %eq3A_185 = arith.constant 0 : i32
        %eq3A_186 = arith.cmpi eq, %select_n3A_184, %eq3A_185 : i32
        %convert_element_type3A_187 = arith.extui %eq3A_186 : i1 to i32
        %cond3A_188 = arith.constant 0 : i32
        %cond3A_189 = arith.cmpi ne, %convert_element_type3A_187, %cond3A_188 : i32
        scf.if %cond3A_189 {
          %jit3A_220 = arith.constant 50 : i32
          %eq3A_221 = arith.constant 0 : i32
          %eq3A_222 = arith.cmpi eq, %jit3A_220, %eq3A_221 : i32
          %jit3A_223 = arith.constant 1 : i32
          %select_n3A_224 = arith.select %eq3A_222, %jit3A_223, %jit3A_220 : i32
          %rem3A_225 = arith.remsi %scan3A_78, %select_n3A_224 : i32
          %ne3A_226 = arith.constant 0 : i32
          %ne3A_227 = arith.cmpi ne, %rem3A_225, %ne3A_226 : i32
          %lt3A_228 = arith.constant 0 : i32
          %lt3A_229 = arith.cmpi slt, %rem3A_225, %lt3A_228 : i32
          %lt3A_230 = arith.constant 0 : i32
          %lt3A_231 = arith.cmpi slt, %select_n3A_224, %lt3A_230 : i32
          %ne3A_232 = arith.xori %lt3A_229, %lt3A_231 : i1
          %and3A_233 = arith.andi %ne3A_232, %ne3A_227 : i1
          %add3A_234 = arith.addi %rem3A_225, %select_n3A_224 : i32
          %select_n3A_235 = arith.select %and3A_233, %add3A_234, %rem3A_225 : i32
          %mul3A_236 = arith.constant 32 : i32
          %mul3A_237 = arith.muli %select_n3A_235, %mul3A_236 : i32
          %dma_wait3A = tpu.memref_slice %arg17[%mul3A_237] : memref<1600xi32, #tpu.memory_space<vmem>> -> memref<32xi32, #tpu.memory_space<vmem>>
          %dma_wait3A_238 = arith.constant 0 : i32
          %dma_wait3A_239 = arith.constant 0 : i32
          %dma_wait3A_240 = tpu.memref_slice %arg2[%dma_wait3A_238, %dma_wait3A_239] : memref<10000x128xf32, #tpu.memory_space<hbm>> -> memref<10000x128xf32, #tpu.memory_space<hbm>>
          tpu.wait_indirect_dma semaphore(%arg28 : memref<!tpu.dma_semaphore, #tpu.memory_space<semaphore_mem>>) src(%dma_wait3A_240 : memref<10000x128xf32, #tpu.memory_space<hbm>>) dst(%arg18 : memref<32x128xf32, #tpu.memory_space<vmem>>)
          %dma_wait3A_241 = tpu.memref_slice %arg16[%mul3A_237] : memref<1600xi32, #tpu.memory_space<vmem>> -> memref<32xi32, #tpu.memory_space<vmem>>
          %dma_wait3A_242 = arith.constant 0 : i32
          %dma_wait3A_243 = arith.constant 0 : i32
          %dma_wait3A_244 = tpu.memref_slice %arg3[%dma_wait3A_242, %dma_wait3A_243] : memref<10000x128xf32, #tpu.memory_space<hbm>> -> memref<10000x128xf32, #tpu.memory_space<hbm>>
          tpu.wait_indirect_dma semaphore(%arg28 : memref<!tpu.dma_semaphore, #tpu.memory_space<semaphore_mem>>) src(%dma_wait3A_244 : memref<10000x128xf32, #tpu.memory_space<hbm>>) dst(%arg19 : memref<32x128xf32, #tpu.memory_space<vmem>>)
          %dma_wait3A_245 = tpu.memref_slice %arg16[%mul3A_237] : memref<1600xi32, #tpu.memory_space<vmem>> -> memref<32xi32, #tpu.memory_space<vmem>>
          %dma_wait3A_246 = arith.constant 0 : i32
          %dma_wait3A_247 = arith.constant 0 : i32
          %dma_wait3A_248 = tpu.memref_slice %arg4[%dma_wait3A_246, %dma_wait3A_247] : memref<10000x128xf32, #tpu.memory_space<hbm>> -> memref<10000x128xf32, #tpu.memory_space<hbm>>
          tpu.wait_indirect_dma semaphore(%arg28 : memref<!tpu.dma_semaphore, #tpu.memory_space<semaphore_mem>>) src(%dma_wait3A_248 : memref<10000x128xf32, #tpu.memory_space<hbm>>) dst(%arg20 : memref<32x128xf32, #tpu.memory_space<vmem>>)
          %jit3A_249 = arith.constant 50 : i32
          %eq3A_250 = arith.constant 0 : i32
          %eq3A_251 = arith.cmpi eq, %jit3A_249, %eq3A_250 : i32
          %jit3A_252 = arith.constant 1 : i32
          %select_n3A_253 = arith.select %eq3A_251, %jit3A_252, %jit3A_249 : i32
          %rem3A_254 = arith.remsi %scan3A_78, %select_n3A_253 : i32
          %ne3A_255 = arith.constant 0 : i32
          %ne3A_256 = arith.cmpi ne, %rem3A_254, %ne3A_255 : i32
          %lt3A_257 = arith.constant 0 : i32
          %lt3A_258 = arith.cmpi slt, %rem3A_254, %lt3A_257 : i32
          %lt3A_259 = arith.constant 0 : i32
          %lt3A_260 = arith.cmpi slt, %select_n3A_253, %lt3A_259 : i32
          %ne3A_261 = arith.xori %lt3A_258, %lt3A_260 : i1
          %and3A_262 = arith.andi %ne3A_261, %ne3A_256 : i1
          %add3A_263 = arith.addi %rem3A_254, %select_n3A_253 : i32
          %select_n3A_264 = arith.select %and3A_262, %add3A_263, %rem3A_254 : i32
          %mul3A_265 = arith.constant 32 : i32
          %mul3A_266 = arith.muli %select_n3A_264, %mul3A_265 : i32
          %scan3A_267 = arith.constant 0 : i32
          %scan3A_268 = arith.constant 0 : i32
          %scan3A_269 = arith.constant 16 : i32
          %scan3A_270 = arith.addi %scan3A_268, %scan3A_269 : i32
          %scan3A_271 = arith.constant 1 : i32
          %scan3A_272 = scf.for %scan3A_274 = %scan3A_268 to %scan3A_270 step %scan3A_271 iter_args(%scan3A_275 = %scan3A_267) -> (i32)  : i32 {
            %mul3A_276 = arith.constant 2 : i32
            %mul3A_277 = arith.muli %mul3A_276, %scan3A_274 : i32
            %mul3A_278 = arith.constant 2 : i32
            %mul3A_279 = arith.muli %mul3A_278, %scan3A_274 : i32
            %add3A_280 = arith.constant 1 : i32
            %add3A_281 = arith.addi %mul3A_279, %add3A_280 : i32
            %broadcast_in_dim3A_282 = arith.constant 0.000000e+00 : f32
            %broadcast_in_dim3A_283 = vector.broadcast %broadcast_in_dim3A_282 : f32 to vector<16xf32>
            %get3A = arith.index_cast %mul3A_277 : i32 to index
            %get3A_284 = arith.constant 0 : index
            %get3A_285 = tpu.vector_load %arg18[%get3A, %get3A_284] {strides = array<i32>} : memref<32x128xf32, #tpu.memory_space<vmem>>, vector<16xf32>,
            %get3A_286 = arith.index_cast %mul3A_277 : i32 to index
            %get3A_287 = arith.constant 0 : index
            %get3A_288 = tpu.vector_load %arg19[%get3A_286, %get3A_287] {strides = array<i32>} : memref<32x128xf32, #tpu.memory_space<vmem>>, vector<16xf32>,
            %mul3A_289 = arith.mulf %get3A_285, %get3A_288 : vector<16xf32>
            %reduce_sum3A = arith.constant true
            %reduce_sum3A_290 = vector.broadcast %reduce_sum3A : i1 to vector<16xi1>
            %reduce_sum3A_291 = tpu.scan <sum>, %mul3A_289 masked %reduce_sum3A_290 : vector<16xf32>, vector<16xi1> -> vector<16xf32>
            %reduce_sum3A_292 = vector.extract %reduce_sum3A_291[15] : f32 from vector<16xf32>
            %broadcast_in_dim3A_293 = vector.broadcast %reduce_sum3A_292 : f32 to vector<16xf32>
            %exp3A = math.exp %broadcast_in_dim3A_293 : vector<16xf32>
            %get3A_294 = arith.index_cast %mul3A_277 : i32 to index
            %get3A_295 = arith.constant 0 : index
            %get3A_296 = tpu.vector_load %arg20[%get3A_294, %get3A_295] {strides = array<i32>} : memref<32x128xf32, #tpu.memory_space<vmem>>, vector<16xf32>,
            %mul3A_297 = arith.mulf %get3A_296, %exp3A : vector<16xf32>
            %swap3A = arith.index_cast %mul3A_277 : i32 to index
            %swap3A_298 = arith.constant 0 : index
            %swap3A_299 = tpu.vector_load %arg24[%swap3A, %swap3A_298] {strides = array<i32>} : memref<32x128xf32, #tpu.memory_space<vmem>>, vector<16xf32>,
            tpu.vector_store %arg24[%swap3A, %swap3A_298], %mul3A_297 {strides = array<i32>} : memref<32x128xf32, #tpu.memory_space<vmem>>, vector<16xf32>,
            %eq3A_300 = arith.constant 0 : i32
            %eq3A_301 = vector.broadcast %eq3A_300 : i32 to vector<16xi32>
            %eq3A_302 = arith.cmpi eq, %iota3A, %eq3A_301 : vector<16xi32>
            %select_n3A_303 = arith.select %eq3A_302, %exp3A, %broadcast_in_dim3A_283 : vector<16xi1>, vector<16xf32>
            %get3A_304 = arith.index_cast %mul3A_277 : i32 to index
            %get3A_305 = arith.constant 16 : index
            %get3A_306 = tpu.vector_load %arg18[%get3A_304, %get3A_305] {strides = array<i32>} : memref<32x128xf32, #tpu.memory_space<vmem>>, vector<16xf32>,
            %get3A_307 = arith.index_cast %mul3A_277 : i32 to index
            %get3A_308 = arith.constant 16 : index
            %get3A_309 = tpu.vector_load %arg19[%get3A_307, %get3A_308] {strides = array<i32>} : memref<32x128xf32, #tpu.memory_space<vmem>>, vector<16xf32>,
            %mul3A_310 = arith.mulf %get3A_306, %get3A_309 : vector<16xf32>
            %reduce_sum3A_311 = arith.constant true
            %reduce_sum3A_312 = vector.broadcast %reduce_sum3A_311 : i1 to vector<16xi1>
            %reduce_sum3A_313 = tpu.scan <sum>, %mul3A_310 masked %reduce_sum3A_312 : vector<16xf32>, vector<16xi1> -> vector<16xf32>
            %reduce_sum3A_314 = vector.extract %reduce_sum3A_313[15] : f32 from vector<16xf32>
            %broadcast_in_dim3A_315 = vector.broadcast %reduce_sum3A_314 : f32 to vector<16xf32>
            %exp3A_316 = math.exp %broadcast_in_dim3A_315 : vector<16xf32>
            %get3A_317 = arith.index_cast %mul3A_277 : i32 to index
            %get3A_318 = arith.constant 16 : index
            %get3A_319 = tpu.vector_load %arg20[%get3A_317, %get3A_318] {strides = array<i32>} : memref<32x128xf32, #tpu.memory_space<vmem>>, vector<16xf32>,
            %mul3A_320 = arith.mulf %get3A_319, %exp3A_316 : vector<16xf32>
            %swap3A_321 = arith.index_cast %mul3A_277 : i32 to index
            %swap3A_322 = arith.constant 16 : index
            %swap3A_323 = tpu.vector_load %arg24[%swap3A_321, %swap3A_322] {strides = array<i32>} : memref<32x128xf32, #tpu.memory_space<vmem>>, vector<16xf32>,
            tpu.vector_store %arg24[%swap3A_321, %swap3A_322], %mul3A_320 {strides = array<i32>} : memref<32x128xf32, #tpu.memory_space<vmem>>, vector<16xf32>,
            %eq3A_324 = arith.constant 1 : i32
            %eq3A_325 = vector.broadcast %eq3A_324 : i32 to vector<16xi32>
            %eq3A_326 = arith.cmpi eq, %iota3A, %eq3A_325 : vector<16xi32>
            %select_n3A_327 = arith.select %eq3A_326, %exp3A_316, %select_n3A_303 : vector<16xi1>, vector<16xf32>
            %get3A_328 = arith.index_cast %mul3A_277 : i32 to index
            %get3A_329 = arith.constant 32 : index
            %get3A_330 = tpu.vector_load %arg18[%get3A_328, %get3A_329] {strides = array<i32>} : memref<32x128xf32, #tpu.memory_space<vmem>>, vector<16xf32>,
            %get3A_331 = arith.index_cast %mul3A_277 : i32 to index
            %get3A_332 = arith.constant 32 : index
            %get3A_333 = tpu.vector_load %arg19[%get3A_331, %get3A_332] {strides = array<i32>} : memref<32x128xf32, #tpu.memory_space<vmem>>, vector<16xf32>,
            %mul3A_334 = arith.mulf %get3A_330, %get3A_333 : vector<16xf32>
            %reduce_sum3A_335 = arith.constant true
            %reduce_sum3A_336 = vector.broadcast %reduce_sum3A_335 : i1 to vector<16xi1>
            %reduce_sum3A_337 = tpu.scan <sum>, %mul3A_334 masked %reduce_sum3A_336 : vector<16xf32>, vector<16xi1> -> vector<16xf32>
            %reduce_sum3A_338 = vector.extract %reduce_sum3A_337[15] : f32 from vector<16xf32>
            %broadcast_in_dim3A_339 = vector.broadcast %reduce_sum3A_338 : f32 to vector<16xf32>
            %exp3A_340 = math.exp %broadcast_in_dim3A_339 : vector<16xf32>
            %get3A_341 = arith.index_cast %mul3A_277 : i32 to index
            %get3A_342 = arith.constant 32 : index
            %get3A_343 = tpu.vector_load %arg20[%get3A_341, %get3A_342] {strides = array<i32>} : memref<32x128xf32, #tpu.memory_space<vmem>>, vector<16xf32>,
            %mul3A_344 = arith.mulf %get3A_343, %exp3A_340 : vector<16xf32>
            %swap3A_345 = arith.index_cast %mul3A_277 : i32 to index
            %swap3A_346 = arith.constant 32 : index
            %swap3A_347 = tpu.vector_load %arg24[%swap3A_345, %swap3A_346] {strides = array<i32>} : memref<32x128xf32, #tpu.memory_space<vmem>>, vector<16xf32>,
            tpu.vector_store %arg24[%swap3A_345, %swap3A_346], %mul3A_344 {strides = array<i32>} : memref<32x128xf32, #tpu.memory_space<vmem>>, vector<16xf32>,
            %eq3A_348 = arith.constant 2 : i32
            %eq3A_349 = vector.broadcast %eq3A_348 : i32 to vector<16xi32>
            %eq3A_350 = arith.cmpi eq, %iota3A, %eq3A_349 : vector<16xi32>
            %select_n3A_351 = arith.select %eq3A_350, %exp3A_340, %select_n3A_327 : vector<16xi1>, vector<16xf32>
            %get3A_352 = arith.index_cast %mul3A_277 : i32 to index
            %get3A_353 = arith.constant 48 : index
            %get3A_354 = tpu.vector_load %arg18[%get3A_352, %get3A_353] {strides = array<i32>} : memref<32x128xf32, #tpu.memory_space<vmem>>, vector<16xf32>,
            %get3A_355 = arith.index_cast %mul3A_277 : i32 to index
            %get3A_356 = arith.constant 48 : index
            %get3A_357 = tpu.vector_load %arg19[%get3A_355, %get3A_356] {strides = array<i32>} : memref<32x128xf32, #tpu.memory_space<vmem>>, vector<16xf32>,
            %mul3A_358 = arith.mulf %get3A_354, %get3A_357 : vector<16xf32>
            %reduce_sum3A_359 = arith.constant true
            %reduce_sum3A_360 = vector.broadcast %reduce_sum3A_359 : i1 to vector<16xi1>
            %reduce_sum3A_361 = tpu.scan <sum>, %mul3A_358 masked %reduce_sum3A_360 : vector<16xf32>, vector<16xi1> -> vector<16xf32>
            %reduce_sum3A_362 = vector.extract %reduce_sum3A_361[15] : f32 from vector<16xf32>
            %broadcast_in_dim3A_363 = vector.broadcast %reduce_sum3A_362 : f32 to vector<16xf32>
            %exp3A_364 = math.exp %broadcast_in_dim3A_363 : vector<16xf32>
            %get3A_365 = arith.index_cast %mul3A_277 : i32 to index
            %get3A_366 = arith.constant 48 : index
            %get3A_367 = tpu.vector_load %arg20[%get3A_365, %get3A_366] {strides = array<i32>} : memref<32x128xf32, #tpu.memory_space<vmem>>, vector<16xf32>,
            %mul3A_368 = arith.mulf %get3A_367, %exp3A_364 : vector<16xf32>
            %swap3A_369 = arith.index_cast %mul3A_277 : i32 to index
            %swap3A_370 = arith.constant 48 : index
            %swap3A_371 = tpu.vector_load %arg24[%swap3A_369, %swap3A_370] {strides = array<i32>} : memref<32x128xf32, #tpu.memory_space<vmem>>, vector<16xf32>,
            tpu.vector_store %arg24[%swap3A_369, %swap3A_370], %mul3A_368 {strides = array<i32>} : memref<32x128xf32, #tpu.memory_space<vmem>>, vector<16xf32>,
            %eq3A_372 = arith.constant 3 : i32
            %eq3A_373 = vector.broadcast %eq3A_372 : i32 to vector<16xi32>
            %eq3A_374 = arith.cmpi eq, %iota3A, %eq3A_373 : vector<16xi32>
            %select_n3A_375 = arith.select %eq3A_374, %exp3A_364, %select_n3A_351 : vector<16xi1>, vector<16xf32>
            %get3A_376 = arith.index_cast %mul3A_277 : i32 to index
            %get3A_377 = arith.constant 64 : index
            %get3A_378 = tpu.vector_load %arg18[%get3A_376, %get3A_377] {strides = array<i32>} : memref<32x128xf32, #tpu.memory_space<vmem>>, vector<16xf32>,
            %get3A_379 = arith.index_cast %mul3A_277 : i32 to index
            %get3A_380 = arith.constant 64 : index
            %get3A_381 = tpu.vector_load %arg19[%get3A_379, %get3A_380] {strides = array<i32>} : memref<32x128xf32, #tpu.memory_space<vmem>>, vector<16xf32>,
            %mul3A_382 = arith.mulf %get3A_378, %get3A_381 : vector<16xf32>
            %reduce_sum3A_383 = arith.constant true
            %reduce_sum3A_384 = vector.broadcast %reduce_sum3A_383 : i1 to vector<16xi1>
            %reduce_sum3A_385 = tpu.scan <sum>, %mul3A_382 masked %reduce_sum3A_384 : vector<16xf32>, vector<16xi1> -> vector<16xf32>
            %reduce_sum3A_386 = vector.extract %reduce_sum3A_385[15] : f32 from vector<16xf32>
            %broadcast_in_dim3A_387 = vector.broadcast %reduce_sum3A_386 : f32 to vector<16xf32>
            %exp3A_388 = math.exp %broadcast_in_dim3A_387 : vector<16xf32>
            %get3A_389 = arith.index_cast %mul3A_277 : i32 to index
            %get3A_390 = arith.constant 64 : index
            %get3A_391 = tpu.vector_load %arg20[%get3A_389, %get3A_390] {strides = array<i32>} : memref<32x128xf32, #tpu.memory_space<vmem>>, vector<16xf32>,
            %mul3A_392 = arith.mulf %get3A_391, %exp3A_388 : vector<16xf32>
            %swap3A_393 = arith.index_cast %mul3A_277 : i32 to index
            %swap3A_394 = arith.constant 64 : index
            %swap3A_395 = tpu.vector_load %arg24[%swap3A_393, %swap3A_394] {strides = array<i32>} : memref<32x128xf32, #tpu.memory_space<vmem>>, vector<16xf32>,
            tpu.vector_store %arg24[%swap3A_393, %swap3A_394], %mul3A_392 {strides = array<i32>} : memref<32x128xf32, #tpu.memory_space<vmem>>, vector<16xf32>,
            %eq3A_396 = arith.constant 4 : i32
            %eq3A_397 = vector.broadcast %eq3A_396 : i32 to vector<16xi32>
            %eq3A_398 = arith.cmpi eq, %iota3A, %eq3A_397 : vector<16xi32>
            %select_n3A_399 = arith.select %eq3A_398, %exp3A_388, %select_n3A_375 : vector<16xi1>, vector<16xf32>
            %get3A_400 = arith.index_cast %mul3A_277 : i32 to index
            %get3A_401 = arith.constant 80 : index
            %get3A_402 = tpu.vector_load %arg18[%get3A_400, %get3A_401] {strides = array<i32>} : memref<32x128xf32, #tpu.memory_space<vmem>>, vector<16xf32>,
            %get3A_403 = arith.index_cast %mul3A_277 : i32 to index
            %get3A_404 = arith.constant 80 : index
            %get3A_405 = tpu.vector_load %arg19[%get3A_403, %get3A_404] {strides = array<i32>} : memref<32x128xf32, #tpu.memory_space<vmem>>, vector<16xf32>,
            %mul3A_406 = arith.mulf %get3A_402, %get3A_405 : vector<16xf32>
            %reduce_sum3A_407 = arith.constant true
            %reduce_sum3A_408 = vector.broadcast %reduce_sum3A_407 : i1 to vector<16xi1>
            %reduce_sum3A_409 = tpu.scan <sum>, %mul3A_406 masked %reduce_sum3A_408 : vector<16xf32>, vector<16xi1> -> vector<16xf32>
            %reduce_sum3A_410 = vector.extract %reduce_sum3A_409[15] : f32 from vector<16xf32>
            %broadcast_in_dim3A_411 = vector.broadcast %reduce_sum3A_410 : f32 to vector<16xf32>
            %exp3A_412 = math.exp %broadcast_in_dim3A_411 : vector<16xf32>
            %get3A_413 = arith.index_cast %mul3A_277 : i32 to index
            %get3A_414 = arith.constant 80 : index
            %get3A_415 = tpu.vector_load %arg20[%get3A_413, %get3A_414] {strides = array<i32>} : memref<32x128xf32, #tpu.memory_space<vmem>>, vector<16xf32>,
            %mul3A_416 = arith.mulf %get3A_415, %exp3A_412 : vector<16xf32>
            %swap3A_417 = arith.index_cast %mul3A_277 : i32 to index
            %swap3A_418 = arith.constant 80 : index
            %swap3A_419 = tpu.vector_load %arg24[%swap3A_417, %swap3A_418] {strides = array<i32>} : memref<32x128xf32, #tpu.memory_space<vmem>>, vector<16xf32>,
            tpu.vector_store %arg24[%swap3A_417, %swap3A_418], %mul3A_416 {strides = array<i32>} : memref<32x128xf32, #tpu.memory_space<vmem>>, vector<16xf32>,
            %eq3A_420 = arith.constant 5 : i32
            %eq3A_421 = vector.broadcast %eq3A_420 : i32 to vector<16xi32>
            %eq3A_422 = arith.cmpi eq, %iota3A, %eq3A_421 : vector<16xi32>
            %select_n3A_423 = arith.select %eq3A_422, %exp3A_412, %select_n3A_399 : vector<16xi1>, vector<16xf32>
            %get3A_424 = arith.index_cast %mul3A_277 : i32 to index
            %get3A_425 = arith.constant 96 : index
            %get3A_426 = tpu.vector_load %arg18[%get3A_424, %get3A_425] {strides = array<i32>} : memref<32x128xf32, #tpu.memory_space<vmem>>, vector<16xf32>,
            %get3A_427 = arith.index_cast %mul3A_277 : i32 to index
            %get3A_428 = arith.constant 96 : index
            %get3A_429 = tpu.vector_load %arg19[%get3A_427, %get3A_428] {strides = array<i32>} : memref<32x128xf32, #tpu.memory_space<vmem>>, vector<16xf32>,
            %mul3A_430 = arith.mulf %get3A_426, %get3A_429 : vector<16xf32>
            %reduce_sum3A_431 = arith.constant true
            %reduce_sum3A_432 = vector.broadcast %reduce_sum3A_431 : i1 to vector<16xi1>
            %reduce_sum3A_433 = tpu.scan <sum>, %mul3A_430 masked %reduce_sum3A_432 : vector<16xf32>, vector<16xi1> -> vector<16xf32>
            %reduce_sum3A_434 = vector.extract %reduce_sum3A_433[15] : f32 from vector<16xf32>
            %broadcast_in_dim3A_435 = vector.broadcast %reduce_sum3A_434 : f32 to vector<16xf32>
            %exp3A_436 = math.exp %broadcast_in_dim3A_435 : vector<16xf32>
            %get3A_437 = arith.index_cast %mul3A_277 : i32 to index
            %get3A_438 = arith.constant 96 : index
            %get3A_439 = tpu.vector_load %arg20[%get3A_437, %get3A_438] {strides = array<i32>} : memref<32x128xf32, #tpu.memory_space<vmem>>, vector<16xf32>,
            %mul3A_440 = arith.mulf %get3A_439, %exp3A_436 : vector<16xf32>
            %swap3A_441 = arith.index_cast %mul3A_277 : i32 to index
            %swap3A_442 = arith.constant 96 : index
            %swap3A_443 = tpu.vector_load %arg24[%swap3A_441, %swap3A_442] {strides = array<i32>} : memref<32x128xf32, #tpu.memory_space<vmem>>, vector<16xf32>,
            tpu.vector_store %arg24[%swap3A_441, %swap3A_442], %mul3A_440 {strides = array<i32>} : memref<32x128xf32, #tpu.memory_space<vmem>>, vector<16xf32>,
            %eq3A_444 = arith.constant 6 : i32
            %eq3A_445 = vector.broadcast %eq3A_444 : i32 to vector<16xi32>
            %eq3A_446 = arith.cmpi eq, %iota3A, %eq3A_445 : vector<16xi32>
            %select_n3A_447 = arith.select %eq3A_446, %exp3A_436, %select_n3A_423 : vector<16xi1>, vector<16xf32>
            %get3A_448 = arith.index_cast %mul3A_277 : i32 to index
            %get3A_449 = arith.constant 112 : index
            %get3A_450 = tpu.vector_load %arg18[%get3A_448, %get3A_449] {strides = array<i32>} : memref<32x128xf32, #tpu.memory_space<vmem>>, vector<16xf32>,
            %get3A_451 = arith.index_cast %mul3A_277 : i32 to index
            %get3A_452 = arith.constant 112 : index
            %get3A_453 = tpu.vector_load %arg19[%get3A_451, %get3A_452] {strides = array<i32>} : memref<32x128xf32, #tpu.memory_space<vmem>>, vector<16xf32>,
            %mul3A_454 = arith.mulf %get3A_450, %get3A_453 : vector<16xf32>
            %reduce_sum3A_455 = arith.constant true
            %reduce_sum3A_456 = vector.broadcast %reduce_sum3A_455 : i1 to vector<16xi1>
            %reduce_sum3A_457 = tpu.scan <sum>, %mul3A_454 masked %reduce_sum3A_456 : vector<16xf32>, vector<16xi1> -> vector<16xf32>
            %reduce_sum3A_458 = vector.extract %reduce_sum3A_457[15] : f32 from vector<16xf32>
            %broadcast_in_dim3A_459 = vector.broadcast %reduce_sum3A_458 : f32 to vector<16xf32>
            %exp3A_460 = math.exp %broadcast_in_dim3A_459 : vector<16xf32>
            %get3A_461 = arith.index_cast %mul3A_277 : i32 to index
            %get3A_462 = arith.constant 112 : index
            %get3A_463 = tpu.vector_load %arg20[%get3A_461, %get3A_462] {strides = array<i32>} : memref<32x128xf32, #tpu.memory_space<vmem>>, vector<16xf32>,
            %mul3A_464 = arith.mulf %get3A_463, %exp3A_460 : vector<16xf32>
            %swap3A_465 = arith.index_cast %mul3A_277 : i32 to index
            %swap3A_466 = arith.constant 112 : index
            %swap3A_467 = tpu.vector_load %arg24[%swap3A_465, %swap3A_466] {strides = array<i32>} : memref<32x128xf32, #tpu.memory_space<vmem>>, vector<16xf32>,
            tpu.vector_store %arg24[%swap3A_465, %swap3A_466], %mul3A_464 {strides = array<i32>} : memref<32x128xf32, #tpu.memory_space<vmem>>, vector<16xf32>,
            %eq3A_468 = arith.constant 7 : i32
            %eq3A_469 = vector.broadcast %eq3A_468 : i32 to vector<16xi32>
            %eq3A_470 = arith.cmpi eq, %iota3A, %eq3A_469 : vector<16xi32>
            %select_n3A_471 = arith.select %eq3A_470, %exp3A_460, %select_n3A_447 : vector<16xi1>, vector<16xf32>
            %swap3A_472 = arith.index_cast %mul3A_277 : i32 to index
            %swap3A_473 = arith.constant 0 : index
            %swap3A_474 = tpu.vector_load %arg25[%swap3A_472, %swap3A_473] {strides = array<i32>} : memref<32x16xf32, #tpu.memory_space<vmem>>, vector<16xf32>,
            tpu.vector_store %arg25[%swap3A_472, %swap3A_473], %select_n3A_471 {strides = array<i32>} : memref<32x16xf32, #tpu.memory_space<vmem>>, vector<16xf32>,
            %broadcast_in_dim3A_475 = arith.constant 0.000000e+00 : f32
            %broadcast_in_dim3A_476 = vector.broadcast %broadcast_in_dim3A_475 : f32 to vector<16xf32>
            %get3A_477 = arith.index_cast %add3A_281 : i32 to index
            %get3A_478 = arith.constant 0 : index
            %get3A_479 = tpu.vector_load %arg18[%get3A_477, %get3A_478] {strides = array<i32>} : memref<32x128xf32, #tpu.memory_space<vmem>>, vector<16xf32>,
            %get3A_480 = arith.index_cast %add3A_281 : i32 to index
            %get3A_481 = arith.constant 0 : index
            %get3A_482 = tpu.vector_load %arg19[%get3A_480, %get3A_481] {strides = array<i32>} : memref<32x128xf32, #tpu.memory_space<vmem>>, vector<16xf32>,
            %mul3A_483 = arith.mulf %get3A_479, %get3A_482 : vector<16xf32>
            %reduce_sum3A_484 = arith.constant true
            %reduce_sum3A_485 = vector.broadcast %reduce_sum3A_484 : i1 to vector<16xi1>
            %reduce_sum3A_486 = tpu.scan <sum>, %mul3A_483 masked %reduce_sum3A_485 : vector<16xf32>, vector<16xi1> -> vector<16xf32>
            %reduce_sum3A_487 = vector.extract %reduce_sum3A_486[15] : f32 from vector<16xf32>
            %broadcast_in_dim3A_488 = vector.broadcast %reduce_sum3A_487 : f32 to vector<16xf32>
            %exp3A_489 = math.exp %broadcast_in_dim3A_488 : vector<16xf32>
            %get3A_490 = arith.index_cast %add3A_281 : i32 to index
            %get3A_491 = arith.constant 0 : index
            %get3A_492 = tpu.vector_load %arg20[%get3A_490, %get3A_491] {strides = array<i32>} : memref<32x128xf32, #tpu.memory_space<vmem>>, vector<16xf32>,
            %mul3A_493 = arith.mulf %get3A_492, %exp3A_489 : vector<16xf32>
            %swap3A_494 = arith.index_cast %add3A_281 : i32 to index
            %swap3A_495 = arith.constant 0 : index
            %swap3A_496 = tpu.vector_load %arg24[%swap3A_494, %swap3A_495] {strides = array<i32>} : memref<32x128xf32, #tpu.memory_space<vmem>>, vector<16xf32>,
            tpu.vector_store %arg24[%swap3A_494, %swap3A_495], %mul3A_493 {strides = array<i32>} : memref<32x128xf32, #tpu.memory_space<vmem>>, vector<16xf32>,
            %eq3A_497 = arith.constant 0 : i32
            %eq3A_498 = vector.broadcast %eq3A_497 : i32 to vector<16xi32>
            %eq3A_499 = arith.cmpi eq, %iota3A, %eq3A_498 : vector<16xi32>
            %select_n3A_500 = arith.select %eq3A_499, %exp3A_489, %broadcast_in_dim3A_476 : vector<16xi1>, vector<16xf32>
            %get3A_501 = arith.index_cast %add3A_281 : i32 to index
            %get3A_502 = arith.constant 16 : index
            %get3A_503 = tpu.vector_load %arg18[%get3A_501, %get3A_502] {strides = array<i32>} : memref<32x128xf32, #tpu.memory_space<vmem>>, vector<16xf32>,
            %get3A_504 = arith.index_cast %add3A_281 : i32 to index
            %get3A_505 = arith.constant 16 : index
            %get3A_506 = tpu.vector_load %arg19[%get3A_504, %get3A_505] {strides = array<i32>} : memref<32x128xf32, #tpu.memory_space<vmem>>, vector<16xf32>,
            %mul3A_507 = arith.mulf %get3A_503, %get3A_506 : vector<16xf32>
            %reduce_sum3A_508 = arith.constant true
            %reduce_sum3A_509 = vector.broadcast %reduce_sum3A_508 : i1 to vector<16xi1>
            %reduce_sum3A_510 = tpu.scan <sum>, %mul3A_507 masked %reduce_sum3A_509 : vector<16xf32>, vector<16xi1> -> vector<16xf32>
            %reduce_sum3A_511 = vector.extract %reduce_sum3A_510[15] : f32 from vector<16xf32>
            %broadcast_in_dim3A_512 = vector.broadcast %reduce_sum3A_511 : f32 to vector<16xf32>
            %exp3A_513 = math.exp %broadcast_in_dim3A_512 : vector<16xf32>
            %get3A_514 = arith.index_cast %add3A_281 : i32 to index
            %get3A_515 = arith.constant 16 : index
            %get3A_516 = tpu.vector_load %arg20[%get3A_514, %get3A_515] {strides = array<i32>} : memref<32x128xf32, #tpu.memory_space<vmem>>, vector<16xf32>,
            %mul3A_517 = arith.mulf %get3A_516, %exp3A_513 : vector<16xf32>
            %swap3A_518 = arith.index_cast %add3A_281 : i32 to index
            %swap3A_519 = arith.constant 16 : index
            %swap3A_520 = tpu.vector_load %arg24[%swap3A_518, %swap3A_519] {strides = array<i32>} : memref<32x128xf32, #tpu.memory_space<vmem>>, vector<16xf32>,
            tpu.vector_store %arg24[%swap3A_518, %swap3A_519], %mul3A_517 {strides = array<i32>} : memref<32x128xf32, #tpu.memory_space<vmem>>, vector<16xf32>,
            %eq3A_521 = arith.constant 1 : i32
            %eq3A_522 = vector.broadcast %eq3A_521 : i32 to vector<16xi32>
            %eq3A_523 = arith.cmpi eq, %iota3A, %eq3A_522 : vector<16xi32>
            %select_n3A_524 = arith.select %eq3A_523, %exp3A_513, %select_n3A_500 : vector<16xi1>, vector<16xf32>
            %get3A_525 = arith.index_cast %add3A_281 : i32 to index
            %get3A_526 = arith.constant 32 : index
            %get3A_527 = tpu.vector_load %arg18[%get3A_525, %get3A_526] {strides = array<i32>} : memref<32x128xf32, #tpu.memory_space<vmem>>, vector<16xf32>,
            %get3A_528 = arith.index_cast %add3A_281 : i32 to index
            %get3A_529 = arith.constant 32 : index
            %get3A_530 = tpu.vector_load %arg19[%get3A_528, %get3A_529] {strides = array<i32>} : memref<32x128xf32, #tpu.memory_space<vmem>>, vector<16xf32>,
            %mul3A_531 = arith.mulf %get3A_527, %get3A_530 : vector<16xf32>
            %reduce_sum3A_532 = arith.constant true
            %reduce_sum3A_533 = vector.broadcast %reduce_sum3A_532 : i1 to vector<16xi1>
            %reduce_sum3A_534 = tpu.scan <sum>, %mul3A_531 masked %reduce_sum3A_533 : vector<16xf32>, vector<16xi1> -> vector<16xf32>
            %reduce_sum3A_535 = vector.extract %reduce_sum3A_534[15] : f32 from vector<16xf32>
            %broadcast_in_dim3A_536 = vector.broadcast %reduce_sum3A_535 : f32 to vector<16xf32>
            %exp3A_537 = math.exp %broadcast_in_dim3A_536 : vector<16xf32>
            %get3A_538 = arith.index_cast %add3A_281 : i32 to index
            %get3A_539 = arith.constant 32 : index
            %get3A_540 = tpu.vector_load %arg20[%get3A_538, %get3A_539] {strides = array<i32>} : memref<32x128xf32, #tpu.memory_space<vmem>>, vector<16xf32>,
            %mul3A_541 = arith.mulf %get3A_540, %exp3A_537 : vector<16xf32>
            %swap3A_542 = arith.index_cast %add3A_281 : i32 to index
            %swap3A_543 = arith.constant 32 : index
            %swap3A_544 = tpu.vector_load %arg24[%swap3A_542, %swap3A_543] {strides = array<i32>} : memref<32x128xf32, #tpu.memory_space<vmem>>, vector<16xf32>,
            tpu.vector_store %arg24[%swap3A_542, %swap3A_543], %mul3A_541 {strides = array<i32>} : memref<32x128xf32, #tpu.memory_space<vmem>>, vector<16xf32>,
            %eq3A_545 = arith.constant 2 : i32
            %eq3A_546 = vector.broadcast %eq3A_545 : i32 to vector<16xi32>
            %eq3A_547 = arith.cmpi eq, %iota3A, %eq3A_546 : vector<16xi32>
            %select_n3A_548 = arith.select %eq3A_547, %exp3A_537, %select_n3A_524 : vector<16xi1>, vector<16xf32>
            %get3A_549 = arith.index_cast %add3A_281 : i32 to index
            %get3A_550 = arith.constant 48 : index
            %get3A_551 = tpu.vector_load %arg18[%get3A_549, %get3A_550] {strides = array<i32>} : memref<32x128xf32, #tpu.memory_space<vmem>>, vector<16xf32>,
            %get3A_552 = arith.index_cast %add3A_281 : i32 to index
            %get3A_553 = arith.constant 48 : index
            %get3A_554 = tpu.vector_load %arg19[%get3A_552, %get3A_553] {strides = array<i32>} : memref<32x128xf32, #tpu.memory_space<vmem>>, vector<16xf32>,
            %mul3A_555 = arith.mulf %get3A_551, %get3A_554 : vector<16xf32>
            %reduce_sum3A_556 = arith.constant true
            %reduce_sum3A_557 = vector.broadcast %reduce_sum3A_556 : i1 to vector<16xi1>
            %reduce_sum3A_558 = tpu.scan <sum>, %mul3A_555 masked %reduce_sum3A_557 : vector<16xf32>, vector<16xi1> -> vector<16xf32>
            %reduce_sum3A_559 = vector.extract %reduce_sum3A_558[15] : f32 from vector<16xf32>
            %broadcast_in_dim3A_560 = vector.broadcast %reduce_sum3A_559 : f32 to vector<16xf32>
            %exp3A_561 = math.exp %broadcast_in_dim3A_560 : vector<16xf32>
            %get3A_562 = arith.index_cast %add3A_281 : i32 to index
            %get3A_563 = arith.constant 48 : index
            %get3A_564 = tpu.vector_load %arg20[%get3A_562, %get3A_563] {strides = array<i32>} : memref<32x128xf32, #tpu.memory_space<vmem>>, vector<16xf32>,
            %mul3A_565 = arith.mulf %get3A_564, %exp3A_561 : vector<16xf32>
            %swap3A_566 = arith.index_cast %add3A_281 : i32 to index
            %swap3A_567 = arith.constant 48 : index
            %swap3A_568 = tpu.vector_load %arg24[%swap3A_566, %swap3A_567] {strides = array<i32>} : memref<32x128xf32, #tpu.memory_space<vmem>>, vector<16xf32>,
            tpu.vector_store %arg24[%swap3A_566, %swap3A_567], %mul3A_565 {strides = array<i32>} : memref<32x128xf32, #tpu.memory_space<vmem>>, vector<16xf32>,
            %eq3A_569 = arith.constant 3 : i32
            %eq3A_570 = vector.broadcast %eq3A_569 : i32 to vector<16xi32>
            %eq3A_571 = arith.cmpi eq, %iota3A, %eq3A_570 : vector<16xi32>
            %select_n3A_572 = arith.select %eq3A_571, %exp3A_561, %select_n3A_548 : vector<16xi1>, vector<16xf32>
            %get3A_573 = arith.index_cast %add3A_281 : i32 to index
            %get3A_574 = arith.constant 64 : index
            %get3A_575 = tpu.vector_load %arg18[%get3A_573, %get3A_574] {strides = array<i32>} : memref<32x128xf32, #tpu.memory_space<vmem>>, vector<16xf32>,
            %get3A_576 = arith.index_cast %add3A_281 : i32 to index
            %get3A_577 = arith.constant 64 : index
            %get3A_578 = tpu.vector_load %arg19[%get3A_576, %get3A_577] {strides = array<i32>} : memref<32x128xf32, #tpu.memory_space<vmem>>, vector<16xf32>,
            %mul3A_579 = arith.mulf %get3A_575, %get3A_578 : vector<16xf32>
            %reduce_sum3A_580 = arith.constant true
            %reduce_sum3A_581 = vector.broadcast %reduce_sum3A_580 : i1 to vector<16xi1>
            %reduce_sum3A_582 = tpu.scan <sum>, %mul3A_579 masked %reduce_sum3A_581 : vector<16xf32>, vector<16xi1> -> vector<16xf32>
            %reduce_sum3A_583 = vector.extract %reduce_sum3A_582[15] : f32 from vector<16xf32>
            %broadcast_in_dim3A_584 = vector.broadcast %reduce_sum3A_583 : f32 to vector<16xf32>
            %exp3A_585 = math.exp %broadcast_in_dim3A_584 : vector<16xf32>
            %get3A_586 = arith.index_cast %add3A_281 : i32 to index
            %get3A_587 = arith.constant 64 : index
            %get3A_588 = tpu.vector_load %arg20[%get3A_586, %get3A_587] {strides = array<i32>} : memref<32x128xf32, #tpu.memory_space<vmem>>, vector<16xf32>,
            %mul3A_589 = arith.mulf %get3A_588, %exp3A_585 : vector<16xf32>
            %swap3A_590 = arith.index_cast %add3A_281 : i32 to index
            %swap3A_591 = arith.constant 64 : index
            %swap3A_592 = tpu.vector_load %arg24[%swap3A_590, %swap3A_591] {strides = array<i32>} : memref<32x128xf32, #tpu.memory_space<vmem>>, vector<16xf32>,
            tpu.vector_store %arg24[%swap3A_590, %swap3A_591], %mul3A_589 {strides = array<i32>} : memref<32x128xf32, #tpu.memory_space<vmem>>, vector<16xf32>,
            %eq3A_593 = arith.constant 4 : i32
            %eq3A_594 = vector.broadcast %eq3A_593 : i32 to vector<16xi32>
            %eq3A_595 = arith.cmpi eq, %iota3A, %eq3A_594 : vector<16xi32>
            %select_n3A_596 = arith.select %eq3A_595, %exp3A_585, %select_n3A_572 : vector<16xi1>, vector<16xf32>
            %get3A_597 = arith.index_cast %add3A_281 : i32 to index
            %get3A_598 = arith.constant 80 : index
            %get3A_599 = tpu.vector_load %arg18[%get3A_597, %get3A_598] {strides = array<i32>} : memref<32x128xf32, #tpu.memory_space<vmem>>, vector<16xf32>,
            %get3A_600 = arith.index_cast %add3A_281 : i32 to index
            %get3A_601 = arith.constant 80 : index
            %get3A_602 = tpu.vector_load %arg19[%get3A_600, %get3A_601] {strides = array<i32>} : memref<32x128xf32, #tpu.memory_space<vmem>>, vector<16xf32>,
            %mul3A_603 = arith.mulf %get3A_599, %get3A_602 : vector<16xf32>
            %reduce_sum3A_604 = arith.constant true
            %reduce_sum3A_605 = vector.broadcast %reduce_sum3A_604 : i1 to vector<16xi1>
            %reduce_sum3A_606 = tpu.scan <sum>, %mul3A_603 masked %reduce_sum3A_605 : vector<16xf32>, vector<16xi1> -> vector<16xf32>
            %reduce_sum3A_607 = vector.extract %reduce_sum3A_606[15] : f32 from vector<16xf32>
            %broadcast_in_dim3A_608 = vector.broadcast %reduce_sum3A_607 : f32 to vector<16xf32>
            %exp3A_609 = math.exp %broadcast_in_dim3A_608 : vector<16xf32>
            %get3A_610 = arith.index_cast %add3A_281 : i32 to index
            %get3A_611 = arith.constant 80 : index
            %get3A_612 = tpu.vector_load %arg20[%get3A_610, %get3A_611] {strides = array<i32>} : memref<32x128xf32, #tpu.memory_space<vmem>>, vector<16xf32>,
            %mul3A_613 = arith.mulf %get3A_612, %exp3A_609 : vector<16xf32>
            %swap3A_614 = arith.index_cast %add3A_281 : i32 to index
            %swap3A_615 = arith.constant 80 : index
            %swap3A_616 = tpu.vector_load %arg24[%swap3A_614, %swap3A_615] {strides = array<i32>} : memref<32x128xf32, #tpu.memory_space<vmem>>, vector<16xf32>,
            tpu.vector_store %arg24[%swap3A_614, %swap3A_615], %mul3A_613 {strides = array<i32>} : memref<32x128xf32, #tpu.memory_space<vmem>>, vector<16xf32>,
            %eq3A_617 = arith.constant 5 : i32
            %eq3A_618 = vector.broadcast %eq3A_617 : i32 to vector<16xi32>
            %eq3A_619 = arith.cmpi eq, %iota3A, %eq3A_618 : vector<16xi32>
            %select_n3A_620 = arith.select %eq3A_619, %exp3A_609, %select_n3A_596 : vector<16xi1>, vector<16xf32>
            %get3A_621 = arith.index_cast %add3A_281 : i32 to index
            %get3A_622 = arith.constant 96 : index
            %get3A_623 = tpu.vector_load %arg18[%get3A_621, %get3A_622] {strides = array<i32>} : memref<32x128xf32, #tpu.memory_space<vmem>>, vector<16xf32>,
            %get3A_624 = arith.index_cast %add3A_281 : i32 to index
            %get3A_625 = arith.constant 96 : index
            %get3A_626 = tpu.vector_load %arg19[%get3A_624, %get3A_625] {strides = array<i32>} : memref<32x128xf32, #tpu.memory_space<vmem>>, vector<16xf32>,
            %mul3A_627 = arith.mulf %get3A_623, %get3A_626 : vector<16xf32>
            %reduce_sum3A_628 = arith.constant true
            %reduce_sum3A_629 = vector.broadcast %reduce_sum3A_628 : i1 to vector<16xi1>
            %reduce_sum3A_630 = tpu.scan <sum>, %mul3A_627 masked %reduce_sum3A_629 : vector<16xf32>, vector<16xi1> -> vector<16xf32>
            %reduce_sum3A_631 = vector.extract %reduce_sum3A_630[15] : f32 from vector<16xf32>
            %broadcast_in_dim3A_632 = vector.broadcast %reduce_sum3A_631 : f32 to vector<16xf32>
            %exp3A_633 = math.exp %broadcast_in_dim3A_632 : vector<16xf32>
            %get3A_634 = arith.index_cast %add3A_281 : i32 to index
            %get3A_635 = arith.constant 96 : index
            %get3A_636 = tpu.vector_load %arg20[%get3A_634, %get3A_635] {strides = array<i32>} : memref<32x128xf32, #tpu.memory_space<vmem>>, vector<16xf32>,
            %mul3A_637 = arith.mulf %get3A_636, %exp3A_633 : vector<16xf32>
            %swap3A_638 = arith.index_cast %add3A_281 : i32 to index
            %swap3A_639 = arith.constant 96 : index
            %swap3A_640 = tpu.vector_load %arg24[%swap3A_638, %swap3A_639] {strides = array<i32>} : memref<32x128xf32, #tpu.memory_space<vmem>>, vector<16xf32>,
            tpu.vector_store %arg24[%swap3A_638, %swap3A_639], %mul3A_637 {strides = array<i32>} : memref<32x128xf32, #tpu.memory_space<vmem>>, vector<16xf32>,
            %eq3A_641 = arith.constant 6 : i32
            %eq3A_642 = vector.broadcast %eq3A_641 : i32 to vector<16xi32>
            %eq3A_643 = arith.cmpi eq, %iota3A, %eq3A_642 : vector<16xi32>
            %select_n3A_644 = arith.select %eq3A_643, %exp3A_633, %select_n3A_620 : vector<16xi1>, vector<16xf32>
            %get3A_645 = arith.index_cast %add3A_281 : i32 to index
            %get3A_646 = arith.constant 112 : index
            %get3A_647 = tpu.vector_load %arg18[%get3A_645, %get3A_646] {strides = array<i32>} : memref<32x128xf32, #tpu.memory_space<vmem>>, vector<16xf32>,
            %get3A_648 = arith.index_cast %add3A_281 : i32 to index
            %get3A_649 = arith.constant 112 : index
            %get3A_650 = tpu.vector_load %arg19[%get3A_648, %get3A_649] {strides = array<i32>} : memref<32x128xf32, #tpu.memory_space<vmem>>, vector<16xf32>,
            %mul3A_651 = arith.mulf %get3A_647, %get3A_650 : vector<16xf32>
            %reduce_sum3A_652 = arith.constant true
            %reduce_sum3A_653 = vector.broadcast %reduce_sum3A_652 : i1 to vector<16xi1>
            %reduce_sum3A_654 = tpu.scan <sum>, %mul3A_651 masked %reduce_sum3A_653 : vector<16xf32>, vector<16xi1> -> vector<16xf32>
            %reduce_sum3A_655 = vector.extract %reduce_sum3A_654[15] : f32 from vector<16xf32>
            %broadcast_in_dim3A_656 = vector.broadcast %reduce_sum3A_655 : f32 to vector<16xf32>
            %exp3A_657 = math.exp %broadcast_in_dim3A_656 : vector<16xf32>
            %get3A_658 = arith.index_cast %add3A_281 : i32 to index
            %get3A_659 = arith.constant 112 : index
            %get3A_660 = tpu.vector_load %arg20[%get3A_658, %get3A_659] {strides = array<i32>} : memref<32x128xf32, #tpu.memory_space<vmem>>, vector<16xf32>,
            %mul3A_661 = arith.mulf %get3A_660, %exp3A_657 : vector<16xf32>
            %swap3A_662 = arith.index_cast %add3A_281 : i32 to index
            %swap3A_663 = arith.constant 112 : index
            %swap3A_664 = tpu.vector_load %arg24[%swap3A_662, %swap3A_663] {strides = array<i32>} : memref<32x128xf32, #tpu.memory_space<vmem>>, vector<16xf32>,
            tpu.vector_store %arg24[%swap3A_662, %swap3A_663], %mul3A_661 {strides = array<i32>} : memref<32x128xf32, #tpu.memory_space<vmem>>, vector<16xf32>,
            %eq3A_665 = arith.constant 7 : i32
            %eq3A_666 = vector.broadcast %eq3A_665 : i32 to vector<16xi32>
            %eq3A_667 = arith.cmpi eq, %iota3A, %eq3A_666 : vector<16xi32>
            %select_n3A_668 = arith.select %eq3A_667, %exp3A_657, %select_n3A_644 : vector<16xi1>, vector<16xf32>
            %swap3A_669 = arith.index_cast %add3A_281 : i32 to index
            %swap3A_670 = arith.constant 0 : index
            %swap3A_671 = tpu.vector_load %arg25[%swap3A_669, %swap3A_670] {strides = array<i32>} : memref<32x16xf32, #tpu.memory_space<vmem>>, vector<16xf32>,
            tpu.vector_store %arg25[%swap3A_669, %swap3A_670], %select_n3A_668 {strides = array<i32>} : memref<32x16xf32, #tpu.memory_space<vmem>>, vector<16xf32>,
            %scan3A_672 = arith.constant 0 : i32
            scf.yield %scan3A_672 : i32
          }
          %scan3A_273 = arith.constant 16 : i32
          "tpu.region"() ({
            %run_scoped3A = tpu.sem_alloc : memref<!tpu.dma_semaphore, #tpu.memory_space<semaphore_mem>>
            %dma_start3A_274 = tpu.memref_slice %arg17[%mul3A_266] : memref<1600xi32, #tpu.memory_space<vmem>> -> memref<32xi32, #tpu.memory_space<vmem>>
            %dma_start3A_275 = arith.constant 0 : i32
            %dma_start3A_276 = arith.constant 0 : i32
            %dma_start3A_277 = tpu.memref_slice %arg26[%dma_start3A_275, %dma_start3A_276] : memref<10240x128xf32, #tpu.memory_space<vmem_shared>> -> memref<10240x128xf32, #tpu.memory_space<vmem_shared>>
            tpu.enqueue_indirect_dma source(%arg24 : memref<32x128xf32, #tpu.memory_space<vmem>>) target(%dma_start3A_277 : memref<10240x128xf32, #tpu.memory_space<vmem_shared>>) offsets(%dma_start3A_274 : memref<32xi32, #tpu.memory_space<vmem>>) semaphore(%run_scoped3A : memref<!tpu.dma_semaphore, #tpu.memory_space<semaphore_mem>>) {add = true}
            %dma_wait3A_278 = tpu.memref_slice %arg17[%mul3A_266] : memref<1600xi32, #tpu.memory_space<vmem>> -> memref<32xi32, #tpu.memory_space<vmem>>
            %dma_wait3A_279 = arith.constant 0 : i32
            %dma_wait3A_280 = arith.constant 0 : i32
            %dma_wait3A_281 = tpu.memref_slice %arg26[%dma_wait3A_279, %dma_wait3A_280] : memref<10240x128xf32, #tpu.memory_space<vmem_shared>> -> memref<10240x128xf32, #tpu.memory_space<vmem_shared>>
            tpu.wait_indirect_dma semaphore(%run_scoped3A : memref<!tpu.dma_semaphore, #tpu.memory_space<semaphore_mem>>) src(%arg24 : memref<32x128xf32, #tpu.memory_space<vmem>>) dst(%dma_wait3A_281 : memref<10240x128xf32, #tpu.memory_space<vmem_shared>>)
            tpu.yield
          }) : () -> ()
          "tpu.region"() ({
            %run_scoped3A = tpu.sem_alloc : memref<!tpu.dma_semaphore, #tpu.memory_space<semaphore_mem>>
            %dma_start3A_274 = tpu.memref_slice %arg17[%mul3A_266] : memref<1600xi32, #tpu.memory_space<vmem>> -> memref<32xi32, #tpu.memory_space<vmem>>
            %dma_start3A_275 = arith.constant 0 : i32
            %dma_start3A_276 = arith.constant 0 : i32
            %dma_start3A_277 = tpu.memref_slice %arg27[%dma_start3A_275, %dma_start3A_276] : memref<10240x16xf32, #tpu.memory_space<vmem_shared>> -> memref<10240x16xf32, #tpu.memory_space<vmem_shared>>
            tpu.enqueue_indirect_dma source(%arg25 : memref<32x16xf32, #tpu.memory_space<vmem>>) target(%dma_start3A_277 : memref<10240x16xf32, #tpu.memory_space<vmem_shared>>) offsets(%dma_start3A_274 : memref<32xi32, #tpu.memory_space<vmem>>) semaphore(%run_scoped3A : memref<!tpu.dma_semaphore, #tpu.memory_space<semaphore_mem>>) {add = true}
            %dma_wait3A_278 = tpu.memref_slice %arg17[%mul3A_266] : memref<1600xi32, #tpu.memory_space<vmem>> -> memref<32xi32, #tpu.memory_space<vmem>>
            %dma_wait3A_279 = arith.constant 0 : i32
            %dma_wait3A_280 = arith.constant 0 : i32
            %dma_wait3A_281 = tpu.memref_slice %arg27[%dma_wait3A_279, %dma_wait3A_280] : memref<10240x16xf32, #tpu.memory_space<vmem_shared>> -> memref<10240x16xf32, #tpu.memory_space<vmem_shared>>
            tpu.wait_indirect_dma semaphore(%run_scoped3A : memref<!tpu.dma_semaphore, #tpu.memory_space<semaphore_mem>>) src(%arg25 : memref<32x16xf32, #tpu.memory_space<vmem>>) dst(%dma_wait3A_281 : memref<10240x16xf32, #tpu.memory_space<vmem_shared>>)
            tpu.yield
          }) : () -> ()
        } else {
        }
        %jit3A_190 = arith.constant 2 : i32
        %eq3A_191 = arith.constant 0 : i32
        %eq3A_192 = arith.cmpi eq, %jit3A_190, %eq3A_191 : i32
        %jit3A_193 = arith.constant 1 : i32
        %select_n3A_194 = arith.select %eq3A_192, %jit3A_193, %jit3A_190 : i32
        %rem3A_195 = arith.remsi %scan3A_78, %select_n3A_194 : i32
        %ne3A_196 = arith.constant 0 : i32
        %ne3A_197 = arith.cmpi ne, %rem3A_195, %ne3A_196 : i32
        %lt3A_198 = arith.constant 0 : i32
        %lt3A_199 = arith.cmpi slt, %rem3A_195, %lt3A_198 : i32
        %lt3A_200 = arith.constant 0 : i32
        %lt3A_201 = arith.cmpi slt, %select_n3A_194, %lt3A_200 : i32
        %ne3A_202 = arith.xori %lt3A_199, %lt3A_201 : i1
        %and3A_203 = arith.andi %ne3A_202, %ne3A_197 : i1
        %add3A_204 = arith.addi %rem3A_195, %select_n3A_194 : i32
        %select_n3A_205 = arith.select %and3A_203, %add3A_204, %rem3A_195 : i32
        %eq3A_206 = arith.constant 1 : i32
        %eq3A_207 = arith.cmpi eq, %select_n3A_205, %eq3A_206 : i32
        %convert_element_type3A_208 = arith.extui %eq3A_207 : i1 to i32
        %cond3A_209 = arith.constant 0 : i32
        %cond3A_210 = arith.cmpi ne, %convert_element_type3A_208, %cond3A_209 : i32
        scf.if %cond3A_210 {
          %jit3A_220 = arith.constant 50 : i32
          %eq3A_221 = arith.constant 0 : i32
          %eq3A_222 = arith.cmpi eq, %jit3A_220, %eq3A_221 : i32
          %jit3A_223 = arith.constant 1 : i32
          %select_n3A_224 = arith.select %eq3A_222, %jit3A_223, %jit3A_220 : i32
          %rem3A_225 = arith.remsi %scan3A_78, %select_n3A_224 : i32
          %ne3A_226 = arith.constant 0 : i32
          %ne3A_227 = arith.cmpi ne, %rem3A_225, %ne3A_226 : i32
          %lt3A_228 = arith.constant 0 : i32
          %lt3A_229 = arith.cmpi slt, %rem3A_225, %lt3A_228 : i32
          %lt3A_230 = arith.constant 0 : i32
          %lt3A_231 = arith.cmpi slt, %select_n3A_224, %lt3A_230 : i32
          %ne3A_232 = arith.xori %lt3A_229, %lt3A_231 : i1
          %and3A_233 = arith.andi %ne3A_232, %ne3A_227 : i1
          %add3A_234 = arith.addi %rem3A_225, %select_n3A_224 : i32
          %select_n3A_235 = arith.select %and3A_233, %add3A_234, %rem3A_225 : i32
          %mul3A_236 = arith.constant 32 : i32
          %mul3A_237 = arith.muli %select_n3A_235, %mul3A_236 : i32
          %dma_wait3A = tpu.memref_slice %arg17[%mul3A_237] : memref<1600xi32, #tpu.memory_space<vmem>> -> memref<32xi32, #tpu.memory_space<vmem>>
          %dma_wait3A_238 = arith.constant 0 : i32
          %dma_wait3A_239 = arith.constant 0 : i32
          %dma_wait3A_240 = tpu.memref_slice %arg2[%dma_wait3A_238, %dma_wait3A_239] : memref<10000x128xf32, #tpu.memory_space<hbm>> -> memref<10000x128xf32, #tpu.memory_space<hbm>>
          tpu.wait_indirect_dma semaphore(%arg29 : memref<!tpu.dma_semaphore, #tpu.memory_space<semaphore_mem>>) src(%dma_wait3A_240 : memref<10000x128xf32, #tpu.memory_space<hbm>>) dst(%arg21 : memref<32x128xf32, #tpu.memory_space<vmem>>)
          %dma_wait3A_241 = tpu.memref_slice %arg16[%mul3A_237] : memref<1600xi32, #tpu.memory_space<vmem>> -> memref<32xi32, #tpu.memory_space<vmem>>
          %dma_wait3A_242 = arith.constant 0 : i32
          %dma_wait3A_243 = arith.constant 0 : i32
          %dma_wait3A_244 = tpu.memref_slice %arg3[%dma_wait3A_242, %dma_wait3A_243] : memref<10000x128xf32, #tpu.memory_space<hbm>> -> memref<10000x128xf32, #tpu.memory_space<hbm>>
          tpu.wait_indirect_dma semaphore(%arg29 : memref<!tpu.dma_semaphore, #tpu.memory_space<semaphore_mem>>) src(%dma_wait3A_244 : memref<10000x128xf32, #tpu.memory_space<hbm>>) dst(%arg22 : memref<32x128xf32, #tpu.memory_space<vmem>>)
          %dma_wait3A_245 = tpu.memref_slice %arg16[%mul3A_237] : memref<1600xi32, #tpu.memory_space<vmem>> -> memref<32xi32, #tpu.memory_space<vmem>>
          %dma_wait3A_246 = arith.constant 0 : i32
          %dma_wait3A_247 = arith.constant 0 : i32
          %dma_wait3A_248 = tpu.memref_slice %arg4[%dma_wait3A_246, %dma_wait3A_247] : memref<10000x128xf32, #tpu.memory_space<hbm>> -> memref<10000x128xf32, #tpu.memory_space<hbm>>
          tpu.wait_indirect_dma semaphore(%arg29 : memref<!tpu.dma_semaphore, #tpu.memory_space<semaphore_mem>>) src(%dma_wait3A_248 : memref<10000x128xf32, #tpu.memory_space<hbm>>) dst(%arg23 : memref<32x128xf32, #tpu.memory_space<vmem>>)
          %jit3A_249 = arith.constant 50 : i32
          %eq3A_250 = arith.constant 0 : i32
          %eq3A_251 = arith.cmpi eq, %jit3A_249, %eq3A_250 : i32
          %jit3A_252 = arith.constant 1 : i32
          %select_n3A_253 = arith.select %eq3A_251, %jit3A_252, %jit3A_249 : i32
          %rem3A_254 = arith.remsi %scan3A_78, %select_n3A_253 : i32
          %ne3A_255 = arith.constant 0 : i32
          %ne3A_256 = arith.cmpi ne, %rem3A_254, %ne3A_255 : i32
          %lt3A_257 = arith.constant 0 : i32
          %lt3A_258 = arith.cmpi slt, %rem3A_254, %lt3A_257 : i32
          %lt3A_259 = arith.constant 0 : i32
          %lt3A_260 = arith.cmpi slt, %select_n3A_253, %lt3A_259 : i32
          %ne3A_261 = arith.xori %lt3A_258, %lt3A_260 : i1
          %and3A_262 = arith.andi %ne3A_261, %ne3A_256 : i1
          %add3A_263 = arith.addi %rem3A_254, %select_n3A_253 : i32
          %select_n3A_264 = arith.select %and3A_262, %add3A_263, %rem3A_254 : i32
          %mul3A_265 = arith.constant 32 : i32
          %mul3A_266 = arith.muli %select_n3A_264, %mul3A_265 : i32
          %scan3A_267 = arith.constant 0 : i32
          %scan3A_268 = arith.constant 0 : i32
          %scan3A_269 = arith.constant 16 : i32
          %scan3A_270 = arith.addi %scan3A_268, %scan3A_269 : i32
          %scan3A_271 = arith.constant 1 : i32
          %scan3A_272 = scf.for %scan3A_274 = %scan3A_268 to %scan3A_270 step %scan3A_271 iter_args(%scan3A_275 = %scan3A_267) -> (i32)  : i32 {
            %mul3A_276 = arith.constant 2 : i32
            %mul3A_277 = arith.muli %mul3A_276, %scan3A_274 : i32
            %mul3A_278 = arith.constant 2 : i32
            %mul3A_279 = arith.muli %mul3A_278, %scan3A_274 : i32
            %add3A_280 = arith.constant 1 : i32
            %add3A_281 = arith.addi %mul3A_279, %add3A_280 : i32
            %broadcast_in_dim3A_282 = arith.constant 0.000000e+00 : f32
            %broadcast_in_dim3A_283 = vector.broadcast %broadcast_in_dim3A_282 : f32 to vector<16xf32>
            %get3A = arith.index_cast %mul3A_277 : i32 to index
            %get3A_284 = arith.constant 0 : index
            %get3A_285 = tpu.vector_load %arg21[%get3A, %get3A_284] {strides = array<i32>} : memref<32x128xf32, #tpu.memory_space<vmem>>, vector<16xf32>,
            %get3A_286 = arith.index_cast %mul3A_277 : i32 to index
            %get3A_287 = arith.constant 0 : index
            %get3A_288 = tpu.vector_load %arg22[%get3A_286, %get3A_287] {strides = array<i32>} : memref<32x128xf32, #tpu.memory_space<vmem>>, vector<16xf32>,
            %mul3A_289 = arith.mulf %get3A_285, %get3A_288 : vector<16xf32>
            %reduce_sum3A = arith.constant true
            %reduce_sum3A_290 = vector.broadcast %reduce_sum3A : i1 to vector<16xi1>
            %reduce_sum3A_291 = tpu.scan <sum>, %mul3A_289 masked %reduce_sum3A_290 : vector<16xf32>, vector<16xi1> -> vector<16xf32>
            %reduce_sum3A_292 = vector.extract %reduce_sum3A_291[15] : f32 from vector<16xf32>
            %broadcast_in_dim3A_293 = vector.broadcast %reduce_sum3A_292 : f32 to vector<16xf32>
            %exp3A = math.exp %broadcast_in_dim3A_293 : vector<16xf32>
            %get3A_294 = arith.index_cast %mul3A_277 : i32 to index
            %get3A_295 = arith.constant 0 : index
            %get3A_296 = tpu.vector_load %arg23[%get3A_294, %get3A_295] {strides = array<i32>} : memref<32x128xf32, #tpu.memory_space<vmem>>, vector<16xf32>,
            %mul3A_297 = arith.mulf %get3A_296, %exp3A : vector<16xf32>
            %swap3A = arith.index_cast %mul3A_277 : i32 to index
            %swap3A_298 = arith.constant 0 : index
            %swap3A_299 = tpu.vector_load %arg24[%swap3A, %swap3A_298] {strides = array<i32>} : memref<32x128xf32, #tpu.memory_space<vmem>>, vector<16xf32>,
            tpu.vector_store %arg24[%swap3A, %swap3A_298], %mul3A_297 {strides = array<i32>} : memref<32x128xf32, #tpu.memory_space<vmem>>, vector<16xf32>,
            %eq3A_300 = arith.constant 0 : i32
            %eq3A_301 = vector.broadcast %eq3A_300 : i32 to vector<16xi32>
            %eq3A_302 = arith.cmpi eq, %iota3A, %eq3A_301 : vector<16xi32>
            %select_n3A_303 = arith.select %eq3A_302, %exp3A, %broadcast_in_dim3A_283 : vector<16xi1>, vector<16xf32>
            %get3A_304 = arith.index_cast %mul3A_277 : i32 to index
            %get3A_305 = arith.constant 16 : index
            %get3A_306 = tpu.vector_load %arg21[%get3A_304, %get3A_305] {strides = array<i32>} : memref<32x128xf32, #tpu.memory_space<vmem>>, vector<16xf32>,
            %get3A_307 = arith.index_cast %mul3A_277 : i32 to index
            %get3A_308 = arith.constant 16 : index
            %get3A_309 = tpu.vector_load %arg22[%get3A_307, %get3A_308] {strides = array<i32>} : memref<32x128xf32, #tpu.memory_space<vmem>>, vector<16xf32>,
            %mul3A_310 = arith.mulf %get3A_306, %get3A_309 : vector<16xf32>
            %reduce_sum3A_311 = arith.constant true
            %reduce_sum3A_312 = vector.broadcast %reduce_sum3A_311 : i1 to vector<16xi1>
            %reduce_sum3A_313 = tpu.scan <sum>, %mul3A_310 masked %reduce_sum3A_312 : vector<16xf32>, vector<16xi1> -> vector<16xf32>
            %reduce_sum3A_314 = vector.extract %reduce_sum3A_313[15] : f32 from vector<16xf32>
            %broadcast_in_dim3A_315 = vector.broadcast %reduce_sum3A_314 : f32 to vector<16xf32>
            %exp3A_316 = math.exp %broadcast_in_dim3A_315 : vector<16xf32>
            %get3A_317 = arith.index_cast %mul3A_277 : i32 to index
            %get3A_318 = arith.constant 16 : index
            %get3A_319 = tpu.vector_load %arg23[%get3A_317, %get3A_318] {strides = array<i32>} : memref<32x128xf32, #tpu.memory_space<vmem>>, vector<16xf32>,
            %mul3A_320 = arith.mulf %get3A_319, %exp3A_316 : vector<16xf32>
            %swap3A_321 = arith.index_cast %mul3A_277 : i32 to index
            %swap3A_322 = arith.constant 16 : index
            %swap3A_323 = tpu.vector_load %arg24[%swap3A_321, %swap3A_322] {strides = array<i32>} : memref<32x128xf32, #tpu.memory_space<vmem>>, vector<16xf32>,
            tpu.vector_store %arg24[%swap3A_321, %swap3A_322], %mul3A_320 {strides = array<i32>} : memref<32x128xf32, #tpu.memory_space<vmem>>, vector<16xf32>,
            %eq3A_324 = arith.constant 1 : i32
            %eq3A_325 = vector.broadcast %eq3A_324 : i32 to vector<16xi32>
            %eq3A_326 = arith.cmpi eq, %iota3A, %eq3A_325 : vector<16xi32>
            %select_n3A_327 = arith.select %eq3A_326, %exp3A_316, %select_n3A_303 : vector<16xi1>, vector<16xf32>
            %get3A_328 = arith.index_cast %mul3A_277 : i32 to index
            %get3A_329 = arith.constant 32 : index
            %get3A_330 = tpu.vector_load %arg21[%get3A_328, %get3A_329] {strides = array<i32>} : memref<32x128xf32, #tpu.memory_space<vmem>>, vector<16xf32>,
            %get3A_331 = arith.index_cast %mul3A_277 : i32 to index
            %get3A_332 = arith.constant 32 : index
            %get3A_333 = tpu.vector_load %arg22[%get3A_331, %get3A_332] {strides = array<i32>} : memref<32x128xf32, #tpu.memory_space<vmem>>, vector<16xf32>,
            %mul3A_334 = arith.mulf %get3A_330, %get3A_333 : vector<16xf32>
            %reduce_sum3A_335 = arith.constant true
            %reduce_sum3A_336 = vector.broadcast %reduce_sum3A_335 : i1 to vector<16xi1>
            %reduce_sum3A_337 = tpu.scan <sum>, %mul3A_334 masked %reduce_sum3A_336 : vector<16xf32>, vector<16xi1> -> vector<16xf32>
            %reduce_sum3A_338 = vector.extract %reduce_sum3A_337[15] : f32 from vector<16xf32>
            %broadcast_in_dim3A_339 = vector.broadcast %reduce_sum3A_338 : f32 to vector<16xf32>
            %exp3A_340 = math.exp %broadcast_in_dim3A_339 : vector<16xf32>
            %get3A_341 = arith.index_cast %mul3A_277 : i32 to index
            %get3A_342 = arith.constant 32 : index
            %get3A_343 = tpu.vector_load %arg23[%get3A_341, %get3A_342] {strides = array<i32>} : memref<32x128xf32, #tpu.memory_space<vmem>>, vector<16xf32>,
            %mul3A_344 = arith.mulf %get3A_343, %exp3A_340 : vector<16xf32>
            %swap3A_345 = arith.index_cast %mul3A_277 : i32 to index
            %swap3A_346 = arith.constant 32 : index
            %swap3A_347 = tpu.vector_load %arg24[%swap3A_345, %swap3A_346] {strides = array<i32>} : memref<32x128xf32, #tpu.memory_space<vmem>>, vector<16xf32>,
            tpu.vector_store %arg24[%swap3A_345, %swap3A_346], %mul3A_344 {strides = array<i32>} : memref<32x128xf32, #tpu.memory_space<vmem>>, vector<16xf32>,
            %eq3A_348 = arith.constant 2 : i32
            %eq3A_349 = vector.broadcast %eq3A_348 : i32 to vector<16xi32>
            %eq3A_350 = arith.cmpi eq, %iota3A, %eq3A_349 : vector<16xi32>
            %select_n3A_351 = arith.select %eq3A_350, %exp3A_340, %select_n3A_327 : vector<16xi1>, vector<16xf32>
            %get3A_352 = arith.index_cast %mul3A_277 : i32 to index
            %get3A_353 = arith.constant 48 : index
            %get3A_354 = tpu.vector_load %arg21[%get3A_352, %get3A_353] {strides = array<i32>} : memref<32x128xf32, #tpu.memory_space<vmem>>, vector<16xf32>,
            %get3A_355 = arith.index_cast %mul3A_277 : i32 to index
            %get3A_356 = arith.constant 48 : index
            %get3A_357 = tpu.vector_load %arg22[%get3A_355, %get3A_356] {strides = array<i32>} : memref<32x128xf32, #tpu.memory_space<vmem>>, vector<16xf32>,
            %mul3A_358 = arith.mulf %get3A_354, %get3A_357 : vector<16xf32>
            %reduce_sum3A_359 = arith.constant true
            %reduce_sum3A_360 = vector.broadcast %reduce_sum3A_359 : i1 to vector<16xi1>
            %reduce_sum3A_361 = tpu.scan <sum>, %mul3A_358 masked %reduce_sum3A_360 : vector<16xf32>, vector<16xi1> -> vector<16xf32>
            %reduce_sum3A_362 = vector.extract %reduce_sum3A_361[15] : f32 from vector<16xf32>
            %broadcast_in_dim3A_363 = vector.broadcast %reduce_sum3A_362 : f32 to vector<16xf32>
            %exp3A_364 = math.exp %broadcast_in_dim3A_363 : vector<16xf32>
            %get3A_365 = arith.index_cast %mul3A_277 : i32 to index
            %get3A_366 = arith.constant 48 : index
            %get3A_367 = tpu.vector_load %arg23[%get3A_365, %get3A_366] {strides = array<i32>} : memref<32x128xf32, #tpu.memory_space<vmem>>, vector<16xf32>,
            %mul3A_368 = arith.mulf %get3A_367, %exp3A_364 : vector<16xf32>
            %swap3A_369 = arith.index_cast %mul3A_277 : i32 to index
            %swap3A_370 = arith.constant 48 : index
            %swap3A_371 = tpu.vector_load %arg24[%swap3A_369, %swap3A_370] {strides = array<i32>} : memref<32x128xf32, #tpu.memory_space<vmem>>, vector<16xf32>,
            tpu.vector_store %arg24[%swap3A_369, %swap3A_370], %mul3A_368 {strides = array<i32>} : memref<32x128xf32, #tpu.memory_space<vmem>>, vector<16xf32>,
            %eq3A_372 = arith.constant 3 : i32
            %eq3A_373 = vector.broadcast %eq3A_372 : i32 to vector<16xi32>
            %eq3A_374 = arith.cmpi eq, %iota3A, %eq3A_373 : vector<16xi32>
            %select_n3A_375 = arith.select %eq3A_374, %exp3A_364, %select_n3A_351 : vector<16xi1>, vector<16xf32>
            %get3A_376 = arith.index_cast %mul3A_277 : i32 to index
            %get3A_377 = arith.constant 64 : index
            %get3A_378 = tpu.vector_load %arg21[%get3A_376, %get3A_377] {strides = array<i32>} : memref<32x128xf32, #tpu.memory_space<vmem>>, vector<16xf32>,
            %get3A_379 = arith.index_cast %mul3A_277 : i32 to index
            %get3A_380 = arith.constant 64 : index
            %get3A_381 = tpu.vector_load %arg22[%get3A_379, %get3A_380] {strides = array<i32>} : memref<32x128xf32, #tpu.memory_space<vmem>>, vector<16xf32>,
            %mul3A_382 = arith.mulf %get3A_378, %get3A_381 : vector<16xf32>
            %reduce_sum3A_383 = arith.constant true
            %reduce_sum3A_384 = vector.broadcast %reduce_sum3A_383 : i1 to vector<16xi1>
            %reduce_sum3A_385 = tpu.scan <sum>, %mul3A_382 masked %reduce_sum3A_384 : vector<16xf32>, vector<16xi1> -> vector<16xf32>
            %reduce_sum3A_386 = vector.extract %reduce_sum3A_385[15] : f32 from vector<16xf32>
            %broadcast_in_dim3A_387 = vector.broadcast %reduce_sum3A_386 : f32 to vector<16xf32>
            %exp3A_388 = math.exp %broadcast_in_dim3A_387 : vector<16xf32>
            %get3A_389 = arith.index_cast %mul3A_277 : i32 to index
            %get3A_390 = arith.constant 64 : index
            %get3A_391 = tpu.vector_load %arg23[%get3A_389, %get3A_390] {strides = array<i32>} : memref<32x128xf32, #tpu.memory_space<vmem>>, vector<16xf32>,
            %mul3A_392 = arith.mulf %get3A_391, %exp3A_388 : vector<16xf32>
            %swap3A_393 = arith.index_cast %mul3A_277 : i32 to index
            %swap3A_394 = arith.constant 64 : index
            %swap3A_395 = tpu.vector_load %arg24[%swap3A_393, %swap3A_394] {strides = array<i32>} : memref<32x128xf32, #tpu.memory_space<vmem>>, vector<16xf32>,
            tpu.vector_store %arg24[%swap3A_393, %swap3A_394], %mul3A_392 {strides = array<i32>} : memref<32x128xf32, #tpu.memory_space<vmem>>, vector<16xf32>,
            %eq3A_396 = arith.constant 4 : i32
            %eq3A_397 = vector.broadcast %eq3A_396 : i32 to vector<16xi32>
            %eq3A_398 = arith.cmpi eq, %iota3A, %eq3A_397 : vector<16xi32>
            %select_n3A_399 = arith.select %eq3A_398, %exp3A_388, %select_n3A_375 : vector<16xi1>, vector<16xf32>
            %get3A_400 = arith.index_cast %mul3A_277 : i32 to index
            %get3A_401 = arith.constant 80 : index
            %get3A_402 = tpu.vector_load %arg21[%get3A_400, %get3A_401] {strides = array<i32>} : memref<32x128xf32, #tpu.memory_space<vmem>>, vector<16xf32>,
            %get3A_403 = arith.index_cast %mul3A_277 : i32 to index
            %get3A_404 = arith.constant 80 : index
            %get3A_405 = tpu.vector_load %arg22[%get3A_403, %get3A_404] {strides = array<i32>} : memref<32x128xf32, #tpu.memory_space<vmem>>, vector<16xf32>,
            %mul3A_406 = arith.mulf %get3A_402, %get3A_405 : vector<16xf32>
            %reduce_sum3A_407 = arith.constant true
            %reduce_sum3A_408 = vector.broadcast %reduce_sum3A_407 : i1 to vector<16xi1>
            %reduce_sum3A_409 = tpu.scan <sum>, %mul3A_406 masked %reduce_sum3A_408 : vector<16xf32>, vector<16xi1> -> vector<16xf32>
            %reduce_sum3A_410 = vector.extract %reduce_sum3A_409[15] : f32 from vector<16xf32>
            %broadcast_in_dim3A_411 = vector.broadcast %reduce_sum3A_410 : f32 to vector<16xf32>
            %exp3A_412 = math.exp %broadcast_in_dim3A_411 : vector<16xf32>
            %get3A_413 = arith.index_cast %mul3A_277 : i32 to index
            %get3A_414 = arith.constant 80 : index
            %get3A_415 = tpu.vector_load %arg23[%get3A_413, %get3A_414] {strides = array<i32>} : memref<32x128xf32, #tpu.memory_space<vmem>>, vector<16xf32>,
            %mul3A_416 = arith.mulf %get3A_415, %exp3A_412 : vector<16xf32>
            %swap3A_417 = arith.index_cast %mul3A_277 : i32 to index
            %swap3A_418 = arith.constant 80 : index
            %swap3A_419 = tpu.vector_load %arg24[%swap3A_417, %swap3A_418] {strides = array<i32>} : memref<32x128xf32, #tpu.memory_space<vmem>>, vector<16xf32>,
            tpu.vector_store %arg24[%swap3A_417, %swap3A_418], %mul3A_416 {strides = array<i32>} : memref<32x128xf32, #tpu.memory_space<vmem>>, vector<16xf32>,
            %eq3A_420 = arith.constant 5 : i32
            %eq3A_421 = vector.broadcast %eq3A_420 : i32 to vector<16xi32>
            %eq3A_422 = arith.cmpi eq, %iota3A, %eq3A_421 : vector<16xi32>
            %select_n3A_423 = arith.select %eq3A_422, %exp3A_412, %select_n3A_399 : vector<16xi1>, vector<16xf32>
            %get3A_424 = arith.index_cast %mul3A_277 : i32 to index
            %get3A_425 = arith.constant 96 : index
            %get3A_426 = tpu.vector_load %arg21[%get3A_424, %get3A_425] {strides = array<i32>} : memref<32x128xf32, #tpu.memory_space<vmem>>, vector<16xf32>,
            %get3A_427 = arith.index_cast %mul3A_277 : i32 to index
            %get3A_428 = arith.constant 96 : index
            %get3A_429 = tpu.vector_load %arg22[%get3A_427, %get3A_428] {strides = array<i32>} : memref<32x128xf32, #tpu.memory_space<vmem>>, vector<16xf32>,
            %mul3A_430 = arith.mulf %get3A_426, %get3A_429 : vector<16xf32>
            %reduce_sum3A_431 = arith.constant true
            %reduce_sum3A_432 = vector.broadcast %reduce_sum3A_431 : i1 to vector<16xi1>
            %reduce_sum3A_433 = tpu.scan <sum>, %mul3A_430 masked %reduce_sum3A_432 : vector<16xf32>, vector<16xi1> -> vector<16xf32>
            %reduce_sum3A_434 = vector.extract %reduce_sum3A_433[15] : f32 from vector<16xf32>
            %broadcast_in_dim3A_435 = vector.broadcast %reduce_sum3A_434 : f32 to vector<16xf32>
            %exp3A_436 = math.exp %broadcast_in_dim3A_435 : vector<16xf32>
            %get3A_437 = arith.index_cast %mul3A_277 : i32 to index
            %get3A_438 = arith.constant 96 : index
            %get3A_439 = tpu.vector_load %arg23[%get3A_437, %get3A_438] {strides = array<i32>} : memref<32x128xf32, #tpu.memory_space<vmem>>, vector<16xf32>,
            %mul3A_440 = arith.mulf %get3A_439, %exp3A_436 : vector<16xf32>
            %swap3A_441 = arith.index_cast %mul3A_277 : i32 to index
            %swap3A_442 = arith.constant 96 : index
            %swap3A_443 = tpu.vector_load %arg24[%swap3A_441, %swap3A_442] {strides = array<i32>} : memref<32x128xf32, #tpu.memory_space<vmem>>, vector<16xf32>,
            tpu.vector_store %arg24[%swap3A_441, %swap3A_442], %mul3A_440 {strides = array<i32>} : memref<32x128xf32, #tpu.memory_space<vmem>>, vector<16xf32>,
            %eq3A_444 = arith.constant 6 : i32
            %eq3A_445 = vector.broadcast %eq3A_444 : i32 to vector<16xi32>
            %eq3A_446 = arith.cmpi eq, %iota3A, %eq3A_445 : vector<16xi32>
            %select_n3A_447 = arith.select %eq3A_446, %exp3A_436, %select_n3A_423 : vector<16xi1>, vector<16xf32>
            %get3A_448 = arith.index_cast %mul3A_277 : i32 to index
            %get3A_449 = arith.constant 112 : index
            %get3A_450 = tpu.vector_load %arg21[%get3A_448, %get3A_449] {strides = array<i32>} : memref<32x128xf32, #tpu.memory_space<vmem>>, vector<16xf32>,
            %get3A_451 = arith.index_cast %mul3A_277 : i32 to index
            %get3A_452 = arith.constant 112 : index
            %get3A_453 = tpu.vector_load %arg22[%get3A_451, %get3A_452] {strides = array<i32>} : memref<32x128xf32, #tpu.memory_space<vmem>>, vector<16xf32>,
            %mul3A_454 = arith.mulf %get3A_450, %get3A_453 : vector<16xf32>
            %reduce_sum3A_455 = arith.constant true
            %reduce_sum3A_456 = vector.broadcast %reduce_sum3A_455 : i1 to vector<16xi1>
            %reduce_sum3A_457 = tpu.scan <sum>, %mul3A_454 masked %reduce_sum3A_456 : vector<16xf32>, vector<16xi1> -> vector<16xf32>
            %reduce_sum3A_458 = vector.extract %reduce_sum3A_457[15] : f32 from vector<16xf32>
            %broadcast_in_dim3A_459 = vector.broadcast %reduce_sum3A_458 : f32 to vector<16xf32>
            %exp3A_460 = math.exp %broadcast_in_dim3A_459 : vector<16xf32>
            %get3A_461 = arith.index_cast %mul3A_277 : i32 to index
            %get3A_462 = arith.constant 112 : index
            %get3A_463 = tpu.vector_load %arg23[%get3A_461, %get3A_462] {strides = array<i32>} : memref<32x128xf32, #tpu.memory_space<vmem>>, vector<16xf32>,
            %mul3A_464 = arith.mulf %get3A_463, %exp3A_460 : vector<16xf32>
            %swap3A_465 = arith.index_cast %mul3A_277 : i32 to index
            %swap3A_466 = arith.constant 112 : index
            %swap3A_467 = tpu.vector_load %arg24[%swap3A_465, %swap3A_466] {strides = array<i32>} : memref<32x128xf32, #tpu.memory_space<vmem>>, vector<16xf32>,
            tpu.vector_store %arg24[%swap3A_465, %swap3A_466], %mul3A_464 {strides = array<i32>} : memref<32x128xf32, #tpu.memory_space<vmem>>, vector<16xf32>,
            %eq3A_468 = arith.constant 7 : i32
            %eq3A_469 = vector.broadcast %eq3A_468 : i32 to vector<16xi32>
            %eq3A_470 = arith.cmpi eq, %iota3A, %eq3A_469 : vector<16xi32>
            %select_n3A_471 = arith.select %eq3A_470, %exp3A_460, %select_n3A_447 : vector<16xi1>, vector<16xf32>
            %swap3A_472 = arith.index_cast %mul3A_277 : i32 to index
            %swap3A_473 = arith.constant 0 : index
            %swap3A_474 = tpu.vector_load %arg25[%swap3A_472, %swap3A_473] {strides = array<i32>} : memref<32x16xf32, #tpu.memory_space<vmem>>, vector<16xf32>,
            tpu.vector_store %arg25[%swap3A_472, %swap3A_473], %select_n3A_471 {strides = array<i32>} : memref<32x16xf32, #tpu.memory_space<vmem>>, vector<16xf32>,
            %broadcast_in_dim3A_475 = arith.constant 0.000000e+00 : f32
            %broadcast_in_dim3A_476 = vector.broadcast %broadcast_in_dim3A_475 : f32 to vector<16xf32>
            %get3A_477 = arith.index_cast %add3A_281 : i32 to index
            %get3A_478 = arith.constant 0 : index
            %get3A_479 = tpu.vector_load %arg21[%get3A_477, %get3A_478] {strides = array<i32>} : memref<32x128xf32, #tpu.memory_space<vmem>>, vector<16xf32>,
            %get3A_480 = arith.index_cast %add3A_281 : i32 to index
            %get3A_481 = arith.constant 0 : index
            %get3A_482 = tpu.vector_load %arg22[%get3A_480, %get3A_481] {strides = array<i32>} : memref<32x128xf32, #tpu.memory_space<vmem>>, vector<16xf32>,
            %mul3A_483 = arith.mulf %get3A_479, %get3A_482 : vector<16xf32>
            %reduce_sum3A_484 = arith.constant true
            %reduce_sum3A_485 = vector.broadcast %reduce_sum3A_484 : i1 to vector<16xi1>
            %reduce_sum3A_486 = tpu.scan <sum>, %mul3A_483 masked %reduce_sum3A_485 : vector<16xf32>, vector<16xi1> -> vector<16xf32>
            %reduce_sum3A_487 = vector.extract %reduce_sum3A_486[15] : f32 from vector<16xf32>
            %broadcast_in_dim3A_488 = vector.broadcast %reduce_sum3A_487 : f32 to vector<16xf32>
            %exp3A_489 = math.exp %broadcast_in_dim3A_488 : vector<16xf32>
            %get3A_490 = arith.index_cast %add3A_281 : i32 to index
            %get3A_491 = arith.constant 0 : index
            %get3A_492 = tpu.vector_load %arg23[%get3A_490, %get3A_491] {strides = array<i32>} : memref<32x128xf32, #tpu.memory_space<vmem>>, vector<16xf32>,
            %mul3A_493 = arith.mulf %get3A_492, %exp3A_489 : vector<16xf32>
            %swap3A_494 = arith.index_cast %add3A_281 : i32 to index
            %swap3A_495 = arith.constant 0 : index
            %swap3A_496 = tpu.vector_load %arg24[%swap3A_494, %swap3A_495] {strides = array<i32>} : memref<32x128xf32, #tpu.memory_space<vmem>>, vector<16xf32>,
            tpu.vector_store %arg24[%swap3A_494, %swap3A_495], %mul3A_493 {strides = array<i32>} : memref<32x128xf32, #tpu.memory_space<vmem>>, vector<16xf32>,
            %eq3A_497 = arith.constant 0 : i32
            %eq3A_498 = vector.broadcast %eq3A_497 : i32 to vector<16xi32>
            %eq3A_499 = arith.cmpi eq, %iota3A, %eq3A_498 : vector<16xi32>
            %select_n3A_500 = arith.select %eq3A_499, %exp3A_489, %broadcast_in_dim3A_476 : vector<16xi1>, vector<16xf32>
            %get3A_501 = arith.index_cast %add3A_281 : i32 to index
            %get3A_502 = arith.constant 16 : index
            %get3A_503 = tpu.vector_load %arg21[%get3A_501, %get3A_502] {strides = array<i32>} : memref<32x128xf32, #tpu.memory_space<vmem>>, vector<16xf32>,
            %get3A_504 = arith.index_cast %add3A_281 : i32 to index
            %get3A_505 = arith.constant 16 : index
            %get3A_506 = tpu.vector_load %arg22[%get3A_504, %get3A_505] {strides = array<i32>} : memref<32x128xf32, #tpu.memory_space<vmem>>, vector<16xf32>,
            %mul3A_507 = arith.mulf %get3A_503, %get3A_506 : vector<16xf32>
            %reduce_sum3A_508 = arith.constant true
            %reduce_sum3A_509 = vector.broadcast %reduce_sum3A_508 : i1 to vector<16xi1>
            %reduce_sum3A_510 = tpu.scan <sum>, %mul3A_507 masked %reduce_sum3A_509 : vector<16xf32>, vector<16xi1> -> vector<16xf32>
            %reduce_sum3A_511 = vector.extract %reduce_sum3A_510[15] : f32 from vector<16xf32>
            %broadcast_in_dim3A_512 = vector.broadcast %reduce_sum3A_511 : f32 to vector<16xf32>
            %exp3A_513 = math.exp %broadcast_in_dim3A_512 : vector<16xf32>
            %get3A_514 = arith.index_cast %add3A_281 : i32 to index
            %get3A_515 = arith.constant 16 : index
            %get3A_516 = tpu.vector_load %arg23[%get3A_514, %get3A_515] {strides = array<i32>} : memref<32x128xf32, #tpu.memory_space<vmem>>, vector<16xf32>,
            %mul3A_517 = arith.mulf %get3A_516, %exp3A_513 : vector<16xf32>
            %swap3A_518 = arith.index_cast %add3A_281 : i32 to index
            %swap3A_519 = arith.constant 16 : index
            %swap3A_520 = tpu.vector_load %arg24[%swap3A_518, %swap3A_519] {strides = array<i32>} : memref<32x128xf32, #tpu.memory_space<vmem>>, vector<16xf32>,
            tpu.vector_store %arg24[%swap3A_518, %swap3A_519], %mul3A_517 {strides = array<i32>} : memref<32x128xf32, #tpu.memory_space<vmem>>, vector<16xf32>,
            %eq3A_521 = arith.constant 1 : i32
            %eq3A_522 = vector.broadcast %eq3A_521 : i32 to vector<16xi32>
            %eq3A_523 = arith.cmpi eq, %iota3A, %eq3A_522 : vector<16xi32>
            %select_n3A_524 = arith.select %eq3A_523, %exp3A_513, %select_n3A_500 : vector<16xi1>, vector<16xf32>
            %get3A_525 = arith.index_cast %add3A_281 : i32 to index
            %get3A_526 = arith.constant 32 : index
            %get3A_527 = tpu.vector_load %arg21[%get3A_525, %get3A_526] {strides = array<i32>} : memref<32x128xf32, #tpu.memory_space<vmem>>, vector<16xf32>,
            %get3A_528 = arith.index_cast %add3A_281 : i32 to index
            %get3A_529 = arith.constant 32 : index
            %get3A_530 = tpu.vector_load %arg22[%get3A_528, %get3A_529] {strides = array<i32>} : memref<32x128xf32, #tpu.memory_space<vmem>>, vector<16xf32>,
            %mul3A_531 = arith.mulf %get3A_527, %get3A_530 : vector<16xf32>
            %reduce_sum3A_532 = arith.constant true
            %reduce_sum3A_533 = vector.broadcast %reduce_sum3A_532 : i1 to vector<16xi1>
            %reduce_sum3A_534 = tpu.scan <sum>, %mul3A_531 masked %reduce_sum3A_533 : vector<16xf32>, vector<16xi1> -> vector<16xf32>
            %reduce_sum3A_535 = vector.extract %reduce_sum3A_534[15] : f32 from vector<16xf32>
            %broadcast_in_dim3A_536 = vector.broadcast %reduce_sum3A_535 : f32 to vector<16xf32>
            %exp3A_537 = math.exp %broadcast_in_dim3A_536 : vector<16xf32>
            %get3A_538 = arith.index_cast %add3A_281 : i32 to index
            %get3A_539 = arith.constant 32 : index
            %get3A_540 = tpu.vector_load %arg23[%get3A_538, %get3A_539] {strides = array<i32>} : memref<32x128xf32, #tpu.memory_space<vmem>>, vector<16xf32>,
            %mul3A_541 = arith.mulf %get3A_540, %exp3A_537 : vector<16xf32>
            %swap3A_542 = arith.index_cast %add3A_281 : i32 to index
            %swap3A_543 = arith.constant 32 : index
            %swap3A_544 = tpu.vector_load %arg24[%swap3A_542, %swap3A_543] {strides = array<i32>} : memref<32x128xf32, #tpu.memory_space<vmem>>, vector<16xf32>,
            tpu.vector_store %arg24[%swap3A_542, %swap3A_543], %mul3A_541 {strides = array<i32>} : memref<32x128xf32, #tpu.memory_space<vmem>>, vector<16xf32>,
            %eq3A_545 = arith.constant 2 : i32
            %eq3A_546 = vector.broadcast %eq3A_545 : i32 to vector<16xi32>
            %eq3A_547 = arith.cmpi eq, %iota3A, %eq3A_546 : vector<16xi32>
            %select_n3A_548 = arith.select %eq3A_547, %exp3A_537, %select_n3A_524 : vector<16xi1>, vector<16xf32>
            %get3A_549 = arith.index_cast %add3A_281 : i32 to index
            %get3A_550 = arith.constant 48 : index
            %get3A_551 = tpu.vector_load %arg21[%get3A_549, %get3A_550] {strides = array<i32>} : memref<32x128xf32, #tpu.memory_space<vmem>>, vector<16xf32>,
            %get3A_552 = arith.index_cast %add3A_281 : i32 to index
            %get3A_553 = arith.constant 48 : index
            %get3A_554 = tpu.vector_load %arg22[%get3A_552, %get3A_553] {strides = array<i32>} : memref<32x128xf32, #tpu.memory_space<vmem>>, vector<16xf32>,
            %mul3A_555 = arith.mulf %get3A_551, %get3A_554 : vector<16xf32>
            %reduce_sum3A_556 = arith.constant true
            %reduce_sum3A_557 = vector.broadcast %reduce_sum3A_556 : i1 to vector<16xi1>
            %reduce_sum3A_558 = tpu.scan <sum>, %mul3A_555 masked %reduce_sum3A_557 : vector<16xf32>, vector<16xi1> -> vector<16xf32>
            %reduce_sum3A_559 = vector.extract %reduce_sum3A_558[15] : f32 from vector<16xf32>
            %broadcast_in_dim3A_560 = vector.broadcast %reduce_sum3A_559 : f32 to vector<16xf32>
            %exp3A_561 = math.exp %broadcast_in_dim3A_560 : vector<16xf32>
            %get3A_562 = arith.index_cast %add3A_281 : i32 to index
            %get3A_563 = arith.constant 48 : index
            %get3A_564 = tpu.vector_load %arg23[%get3A_562, %get3A_563] {strides = array<i32>} : memref<32x128xf32, #tpu.memory_space<vmem>>, vector<16xf32>,
            %mul3A_565 = arith.mulf %get3A_564, %exp3A_561 : vector<16xf32>
            %swap3A_566 = arith.index_cast %add3A_281 : i32 to index
            %swap3A_567 = arith.constant 48 : index
            %swap3A_568 = tpu.vector_load %arg24[%swap3A_566, %swap3A_567] {strides = array<i32>} : memref<32x128xf32, #tpu.memory_space<vmem>>, vector<16xf32>,
            tpu.vector_store %arg24[%swap3A_566, %swap3A_567], %mul3A_565 {strides = array<i32>} : memref<32x128xf32, #tpu.memory_space<vmem>>, vector<16xf32>,
            %eq3A_569 = arith.constant 3 : i32
            %eq3A_570 = vector.broadcast %eq3A_569 : i32 to vector<16xi32>
            %eq3A_571 = arith.cmpi eq, %iota3A, %eq3A_570 : vector<16xi32>
            %select_n3A_572 = arith.select %eq3A_571, %exp3A_561, %select_n3A_548 : vector<16xi1>, vector<16xf32>
            %get3A_573 = arith.index_cast %add3A_281 : i32 to index
            %get3A_574 = arith.constant 64 : index
            %get3A_575 = tpu.vector_load %arg21[%get3A_573, %get3A_574] {strides = array<i32>} : memref<32x128xf32, #tpu.memory_space<vmem>>, vector<16xf32>,
            %get3A_576 = arith.index_cast %add3A_281 : i32 to index
            %get3A_577 = arith.constant 64 : index
            %get3A_578 = tpu.vector_load %arg22[%get3A_576, %get3A_577] {strides = array<i32>} : memref<32x128xf32, #tpu.memory_space<vmem>>, vector<16xf32>,
            %mul3A_579 = arith.mulf %get3A_575, %get3A_578 : vector<16xf32>
            %reduce_sum3A_580 = arith.constant true
            %reduce_sum3A_581 = vector.broadcast %reduce_sum3A_580 : i1 to vector<16xi1>
            %reduce_sum3A_582 = tpu.scan <sum>, %mul3A_579 masked %reduce_sum3A_581 : vector<16xf32>, vector<16xi1> -> vector<16xf32>
            %reduce_sum3A_583 = vector.extract %reduce_sum3A_582[15] : f32 from vector<16xf32>
            %broadcast_in_dim3A_584 = vector.broadcast %reduce_sum3A_583 : f32 to vector<16xf32>
            %exp3A_585 = math.exp %broadcast_in_dim3A_584 : vector<16xf32>
            %get3A_586 = arith.index_cast %add3A_281 : i32 to index
            %get3A_587 = arith.constant 64 : index
            %get3A_588 = tpu.vector_load %arg23[%get3A_586, %get3A_587] {strides = array<i32>} : memref<32x128xf32, #tpu.memory_space<vmem>>, vector<16xf32>,
            %mul3A_589 = arith.mulf %get3A_588, %exp3A_585 : vector<16xf32>
            %swap3A_590 = arith.index_cast %add3A_281 : i32 to index
            %swap3A_591 = arith.constant 64 : index
            %swap3A_592 = tpu.vector_load %arg24[%swap3A_590, %swap3A_591] {strides = array<i32>} : memref<32x128xf32, #tpu.memory_space<vmem>>, vector<16xf32>,
            tpu.vector_store %arg24[%swap3A_590, %swap3A_591], %mul3A_589 {strides = array<i32>} : memref<32x128xf32, #tpu.memory_space<vmem>>, vector<16xf32>,
            %eq3A_593 = arith.constant 4 : i32
            %eq3A_594 = vector.broadcast %eq3A_593 : i32 to vector<16xi32>
            %eq3A_595 = arith.cmpi eq, %iota3A, %eq3A_594 : vector<16xi32>
            %select_n3A_596 = arith.select %eq3A_595, %exp3A_585, %select_n3A_572 : vector<16xi1>, vector<16xf32>
            %get3A_597 = arith.index_cast %add3A_281 : i32 to index
            %get3A_598 = arith.constant 80 : index
            %get3A_599 = tpu.vector_load %arg21[%get3A_597, %get3A_598] {strides = array<i32>} : memref<32x128xf32, #tpu.memory_space<vmem>>, vector<16xf32>,
            %get3A_600 = arith.index_cast %add3A_281 : i32 to index
            %get3A_601 = arith.constant 80 : index
            %get3A_602 = tpu.vector_load %arg22[%get3A_600, %get3A_601] {strides = array<i32>} : memref<32x128xf32, #tpu.memory_space<vmem>>, vector<16xf32>,
            %mul3A_603 = arith.mulf %get3A_599, %get3A_602 : vector<16xf32>
            %reduce_sum3A_604 = arith.constant true
            %reduce_sum3A_605 = vector.broadcast %reduce_sum3A_604 : i1 to vector<16xi1>
            %reduce_sum3A_606 = tpu.scan <sum>, %mul3A_603 masked %reduce_sum3A_605 : vector<16xf32>, vector<16xi1> -> vector<16xf32>
            %reduce_sum3A_607 = vector.extract %reduce_sum3A_606[15] : f32 from vector<16xf32>
            %broadcast_in_dim3A_608 = vector.broadcast %reduce_sum3A_607 : f32 to vector<16xf32>
            %exp3A_609 = math.exp %broadcast_in_dim3A_608 : vector<16xf32>
            %get3A_610 = arith.index_cast %add3A_281 : i32 to index
            %get3A_611 = arith.constant 80 : index
            %get3A_612 = tpu.vector_load %arg23[%get3A_610, %get3A_611] {strides = array<i32>} : memref<32x128xf32, #tpu.memory_space<vmem>>, vector<16xf32>,
            %mul3A_613 = arith.mulf %get3A_612, %exp3A_609 : vector<16xf32>
            %swap3A_614 = arith.index_cast %add3A_281 : i32 to index
            %swap3A_615 = arith.constant 80 : index
            %swap3A_616 = tpu.vector_load %arg24[%swap3A_614, %swap3A_615] {strides = array<i32>} : memref<32x128xf32, #tpu.memory_space<vmem>>, vector<16xf32>,
            tpu.vector_store %arg24[%swap3A_614, %swap3A_615], %mul3A_613 {strides = array<i32>} : memref<32x128xf32, #tpu.memory_space<vmem>>, vector<16xf32>,
            %eq3A_617 = arith.constant 5 : i32
            %eq3A_618 = vector.broadcast %eq3A_617 : i32 to vector<16xi32>
            %eq3A_619 = arith.cmpi eq, %iota3A, %eq3A_618 : vector<16xi32>
            %select_n3A_620 = arith.select %eq3A_619, %exp3A_609, %select_n3A_596 : vector<16xi1>, vector<16xf32>
            %get3A_621 = arith.index_cast %add3A_281 : i32 to index
            %get3A_622 = arith.constant 96 : index
            %get3A_623 = tpu.vector_load %arg21[%get3A_621, %get3A_622] {strides = array<i32>} : memref<32x128xf32, #tpu.memory_space<vmem>>, vector<16xf32>,
            %get3A_624 = arith.index_cast %add3A_281 : i32 to index
            %get3A_625 = arith.constant 96 : index
            %get3A_626 = tpu.vector_load %arg22[%get3A_624, %get3A_625] {strides = array<i32>} : memref<32x128xf32, #tpu.memory_space<vmem>>, vector<16xf32>,
            %mul3A_627 = arith.mulf %get3A_623, %get3A_626 : vector<16xf32>
            %reduce_sum3A_628 = arith.constant true
            %reduce_sum3A_629 = vector.broadcast %reduce_sum3A_628 : i1 to vector<16xi1>
            %reduce_sum3A_630 = tpu.scan <sum>, %mul3A_627 masked %reduce_sum3A_629 : vector<16xf32>, vector<16xi1> -> vector<16xf32>
            %reduce_sum3A_631 = vector.extract %reduce_sum3A_630[15] : f32 from vector<16xf32>
            %broadcast_in_dim3A_632 = vector.broadcast %reduce_sum3A_631 : f32 to vector<16xf32>
            %exp3A_633 = math.exp %broadcast_in_dim3A_632 : vector<16xf32>
            %get3A_634 = arith.index_cast %add3A_281 : i32 to index
            %get3A_635 = arith.constant 96 : index
            %get3A_636 = tpu.vector_load %arg23[%get3A_634, %get3A_635] {strides = array<i32>} : memref<32x128xf32, #tpu.memory_space<vmem>>, vector<16xf32>,
            %mul3A_637 = arith.mulf %get3A_636, %exp3A_633 : vector<16xf32>
            %swap3A_638 = arith.index_cast %add3A_281 : i32 to index
            %swap3A_639 = arith.constant 96 : index
            %swap3A_640 = tpu.vector_load %arg24[%swap3A_638, %swap3A_639] {strides = array<i32>} : memref<32x128xf32, #tpu.memory_space<vmem>>, vector<16xf32>,
            tpu.vector_store %arg24[%swap3A_638, %swap3A_639], %mul3A_637 {strides = array<i32>} : memref<32x128xf32, #tpu.memory_space<vmem>>, vector<16xf32>,
            %eq3A_641 = arith.constant 6 : i32
            %eq3A_642 = vector.broadcast %eq3A_641 : i32 to vector<16xi32>
            %eq3A_643 = arith.cmpi eq, %iota3A, %eq3A_642 : vector<16xi32>
            %select_n3A_644 = arith.select %eq3A_643, %exp3A_633, %select_n3A_620 : vector<16xi1>, vector<16xf32>
            %get3A_645 = arith.index_cast %add3A_281 : i32 to index
            %get3A_646 = arith.constant 112 : index
            %get3A_647 = tpu.vector_load %arg21[%get3A_645, %get3A_646] {strides = array<i32>} : memref<32x128xf32, #tpu.memory_space<vmem>>, vector<16xf32>,
            %get3A_648 = arith.index_cast %add3A_281 : i32 to index
            %get3A_649 = arith.constant 112 : index
            %get3A_650 = tpu.vector_load %arg22[%get3A_648, %get3A_649] {strides = array<i32>} : memref<32x128xf32, #tpu.memory_space<vmem>>, vector<16xf32>,
            %mul3A_651 = arith.mulf %get3A_647, %get3A_650 : vector<16xf32>
            %reduce_sum3A_652 = arith.constant true
            %reduce_sum3A_653 = vector.broadcast %reduce_sum3A_652 : i1 to vector<16xi1>
            %reduce_sum3A_654 = tpu.scan <sum>, %mul3A_651 masked %reduce_sum3A_653 : vector<16xf32>, vector<16xi1> -> vector<16xf32>
            %reduce_sum3A_655 = vector.extract %reduce_sum3A_654[15] : f32 from vector<16xf32>
            %broadcast_in_dim3A_656 = vector.broadcast %reduce_sum3A_655 : f32 to vector<16xf32>
            %exp3A_657 = math.exp %broadcast_in_dim3A_656 : vector<16xf32>
            %get3A_658 = arith.index_cast %add3A_281 : i32 to index
            %get3A_659 = arith.constant 112 : index
            %get3A_660 = tpu.vector_load %arg23[%get3A_658, %get3A_659] {strides = array<i32>} : memref<32x128xf32, #tpu.memory_space<vmem>>, vector<16xf32>,
            %mul3A_661 = arith.mulf %get3A_660, %exp3A_657 : vector<16xf32>
            %swap3A_662 = arith.index_cast %add3A_281 : i32 to index
            %swap3A_663 = arith.constant 112 : index
            %swap3A_664 = tpu.vector_load %arg24[%swap3A_662, %swap3A_663] {strides = array<i32>} : memref<32x128xf32, #tpu.memory_space<vmem>>, vector<16xf32>,
            tpu.vector_store %arg24[%swap3A_662, %swap3A_663], %mul3A_661 {strides = array<i32>} : memref<32x128xf32, #tpu.memory_space<vmem>>, vector<16xf32>,
            %eq3A_665 = arith.constant 7 : i32
            %eq3A_666 = vector.broadcast %eq3A_665 : i32 to vector<16xi32>
            %eq3A_667 = arith.cmpi eq, %iota3A, %eq3A_666 : vector<16xi32>
            %select_n3A_668 = arith.select %eq3A_667, %exp3A_657, %select_n3A_644 : vector<16xi1>, vector<16xf32>
            %swap3A_669 = arith.index_cast %add3A_281 : i32 to index
            %swap3A_670 = arith.constant 0 : index
            %swap3A_671 = tpu.vector_load %arg25[%swap3A_669, %swap3A_670] {strides = array<i32>} : memref<32x16xf32, #tpu.memory_space<vmem>>, vector<16xf32>,
            tpu.vector_store %arg25[%swap3A_669, %swap3A_670], %select_n3A_668 {strides = array<i32>} : memref<32x16xf32, #tpu.memory_space<vmem>>, vector<16xf32>,
            %scan3A_672 = arith.constant 0 : i32
            scf.yield %scan3A_672 : i32
          }
          %scan3A_273 = arith.constant 16 : i32
          "tpu.region"() ({
            %run_scoped3A = tpu.sem_alloc : memref<!tpu.dma_semaphore, #tpu.memory_space<semaphore_mem>>
            %dma_start3A_274 = tpu.memref_slice %arg17[%mul3A_266] : memref<1600xi32, #tpu.memory_space<vmem>> -> memref<32xi32, #tpu.memory_space<vmem>>
            %dma_start3A_275 = arith.constant 0 : i32
            %dma_start3A_276 = arith.constant 0 : i32
            %dma_start3A_277 = tpu.memref_slice %arg26[%dma_start3A_275, %dma_start3A_276] : memref<10240x128xf32, #tpu.memory_space<vmem_shared>> -> memref<10240x128xf32, #tpu.memory_space<vmem_shared>>
            tpu.enqueue_indirect_dma source(%arg24 : memref<32x128xf32, #tpu.memory_space<vmem>>) target(%dma_start3A_277 : memref<10240x128xf32, #tpu.memory_space<vmem_shared>>) offsets(%dma_start3A_274 : memref<32xi32, #tpu.memory_space<vmem>>) semaphore(%run_scoped3A : memref<!tpu.dma_semaphore, #tpu.memory_space<semaphore_mem>>) {add = true}
            %dma_wait3A_278 = tpu.memref_slice %arg17[%mul3A_266] : memref<1600xi32, #tpu.memory_space<vmem>> -> memref<32xi32, #tpu.memory_space<vmem>>
            %dma_wait3A_279 = arith.constant 0 : i32
            %dma_wait3A_280 = arith.constant 0 : i32
            %dma_wait3A_281 = tpu.memref_slice %arg26[%dma_wait3A_279, %dma_wait3A_280] : memref<10240x128xf32, #tpu.memory_space<vmem_shared>> -> memref<10240x128xf32, #tpu.memory_space<vmem_shared>>
            tpu.wait_indirect_dma semaphore(%run_scoped3A : memref<!tpu.dma_semaphore, #tpu.memory_space<semaphore_mem>>) src(%arg24 : memref<32x128xf32, #tpu.memory_space<vmem>>) dst(%dma_wait3A_281 : memref<10240x128xf32, #tpu.memory_space<vmem_shared>>)
            tpu.yield
          }) : () -> ()
          "tpu.region"() ({
            %run_scoped3A = tpu.sem_alloc : memref<!tpu.dma_semaphore, #tpu.memory_space<semaphore_mem>>
            %dma_start3A_274 = tpu.memref_slice %arg17[%mul3A_266] : memref<1600xi32, #tpu.memory_space<vmem>> -> memref<32xi32, #tpu.memory_space<vmem>>
            %dma_start3A_275 = arith.constant 0 : i32
            %dma_start3A_276 = arith.constant 0 : i32
            %dma_start3A_277 = tpu.memref_slice %arg27[%dma_start3A_275, %dma_start3A_276] : memref<10240x16xf32, #tpu.memory_space<vmem_shared>> -> memref<10240x16xf32, #tpu.memory_space<vmem_shared>>
            tpu.enqueue_indirect_dma source(%arg25 : memref<32x16xf32, #tpu.memory_space<vmem>>) target(%dma_start3A_277 : memref<10240x16xf32, #tpu.memory_space<vmem_shared>>) offsets(%dma_start3A_274 : memref<32xi32, #tpu.memory_space<vmem>>) semaphore(%run_scoped3A : memref<!tpu.dma_semaphore, #tpu.memory_space<semaphore_mem>>) {add = true}
            %dma_wait3A_278 = tpu.memref_slice %arg17[%mul3A_266] : memref<1600xi32, #tpu.memory_space<vmem>> -> memref<32xi32, #tpu.memory_space<vmem>>
            %dma_wait3A_279 = arith.constant 0 : i32
            %dma_wait3A_280 = arith.constant 0 : i32
            %dma_wait3A_281 = tpu.memref_slice %arg27[%dma_wait3A_279, %dma_wait3A_280] : memref<10240x16xf32, #tpu.memory_space<vmem_shared>> -> memref<10240x16xf32, #tpu.memory_space<vmem_shared>>
            tpu.wait_indirect_dma semaphore(%run_scoped3A : memref<!tpu.dma_semaphore, #tpu.memory_space<semaphore_mem>>) src(%arg25 : memref<32x16xf32, #tpu.memory_space<vmem>>) dst(%dma_wait3A_281 : memref<10240x16xf32, #tpu.memory_space<vmem_shared>>)
            tpu.yield
          }) : () -> ()
        } else {
        }
        %add3A_211 = arith.constant 2 : i32
        %add3A_212 = arith.addi %select_n3A, %add3A_211 : i32
        %lt3A_213 = arith.constant 25 : i32
        %lt3A_214 = arith.cmpi slt, %add3A_212, %lt3A_213 : i32
        %and3A_215 = arith.andi %eq3A_112, %lt3A_214 : i1
        %convert_element_type3A_216 = arith.extui %and3A_215 : i1 to i32
        %cond3A_217 = arith.constant 0 : i32
        %cond3A_218 = arith.cmpi ne, %convert_element_type3A_216, %cond3A_217 : i32
        scf.if %cond3A_218 {
          %add3A_220 = arith.constant 2 : i32
          %add3A_221 = arith.addi %select_n3A, %add3A_220 : i32
          %jit3A_222 = arith.constant 2 : i32
          %eq3A_223 = arith.constant 0 : i32
          %eq3A_224 = arith.cmpi eq, %jit3A_222, %eq3A_223 : i32
          %jit3A_225 = arith.constant 1 : i32
          %select_n3A_226 = arith.select %eq3A_224, %jit3A_225, %jit3A_222 : i32
          %rem3A_227 = arith.remsi %select_n3A, %select_n3A_226 : i32
          %ne3A_228 = arith.constant 0 : i32
          %ne3A_229 = arith.cmpi ne, %rem3A_227, %ne3A_228 : i32
          %lt3A_230 = arith.constant 0 : i32
          %lt3A_231 = arith.cmpi slt, %rem3A_227, %lt3A_230 : i32
          %lt3A_232 = arith.constant 0 : i32
          %lt3A_233 = arith.cmpi slt, %select_n3A_226, %lt3A_232 : i32
          %ne3A_234 = arith.xori %lt3A_231, %lt3A_233 : i1
          %and3A_235 = arith.andi %ne3A_234, %ne3A_229 : i1
          %add3A_236 = arith.addi %rem3A_227, %select_n3A_226 : i32
          %select_n3A_237 = arith.select %and3A_235, %add3A_236, %rem3A_227 : i32
          %mul3A_238 = arith.constant 800 : i32
          %mul3A_239 = arith.muli %add3A_221, %mul3A_238 : i32
          %add3A_240 = arith.addi %mul3A_41, %mul3A_239 : i32
          %mul3A_241 = arith.constant 800 : i32
          %mul3A_242 = arith.muli %add3A_221, %mul3A_241 : i32
          %add3A_243 = arith.addi %mul3A_41, %mul3A_242 : i32
          %mul3A_244 = arith.constant 800 : i32
          %mul3A_245 = arith.muli %select_n3A_237, %mul3A_244 : i32
          %mul3A_246 = arith.constant 800 : i32
          %mul3A_247 = arith.muli %select_n3A_237, %mul3A_246 : i32
          %dma_start3A_248 = tpu.memref_slice %arg16[%mul3A_245] : memref<1600xi32, #tpu.memory_space<vmem>> -> memref<800xi32, #tpu.memory_space<vmem>>
          %dma_start3A_249 = tpu.memref_slice %arg8[%add3A_240] : memref<320000xi32, #tpu.memory_space<hbm>> -> memref<800xi32, #tpu.memory_space<hbm>>
          %dma_start3A_250 = tpu.memref_slice %arg16[%mul3A_245] : memref<1600xi32, #tpu.memory_space<vmem>> -> memref<800xi32, #tpu.memory_space<vmem>>
          %dma_start3A_251 = tpu.memref_slice %arg8[%add3A_240] : memref<320000xi32, #tpu.memory_space<hbm>> -> memref<800xi32, #tpu.memory_space<hbm>>
          tpu.enqueue_dma source(%dma_start3A_251 : memref<800xi32, #tpu.memory_space<hbm>>) target(%dma_start3A_250 : memref<800xi32, #tpu.memory_space<vmem>>) target_semaphore(%arg30 : memref<!tpu.dma_semaphore, #tpu.memory_space<semaphore_mem>>)
          %dma_start3A_252 = tpu.memref_slice %arg17[%mul3A_247] : memref<1600xi32, #tpu.memory_space<vmem>> -> memref<800xi32, #tpu.memory_space<vmem>>
          %dma_start3A_253 = tpu.memref_slice %arg9[%add3A_243] : memref<320000xi32, #tpu.memory_space<hbm>> -> memref<800xi32, #tpu.memory_space<hbm>>
          %dma_start3A_254 = tpu.memref_slice %arg17[%mul3A_247] : memref<1600xi32, #tpu.memory_space<vmem>> -> memref<800xi32, #tpu.memory_space<vmem>>
          %dma_start3A_255 = tpu.memref_slice %arg9[%add3A_243] : memref<320000xi32, #tpu.memory_space<hbm>> -> memref<800xi32, #tpu.memory_space<hbm>>
          tpu.enqueue_dma source(%dma_start3A_255 : memref<800xi32, #tpu.memory_space<hbm>>) target(%dma_start3A_254 : memref<800xi32, #tpu.memory_space<vmem>>) target_semaphore(%arg30 : memref<!tpu.dma_semaphore, #tpu.memory_space<semaphore_mem>>)
        } else {
        }
        %scan3A_219 = arith.constant 0 : i32
        scf.yield %scan3A_219 : i32
      }
      %scan3A_77 = arith.constant 625 : i32
    } else {
    }
    %eq3A_23 = arith.constant 1 : i32
    %eq3A_24 = arith.cmpi eq, %arg0, %eq3A_23 : i32
    %convert_element_type3A_25 = arith.extui %eq3A_24 : i1 to i32
    %cond3A_26 = arith.constant 0 : i32
    %cond3A_27 = arith.cmpi ne, %convert_element_type3A_25, %cond3A_26 : i32
    scf.if %cond3A_27 {
      %mul3A_40 = arith.constant 20000 : i32
      %mul3A_41 = arith.muli %arg1, %mul3A_40 : i32
      %iota3A = tpu.iota {dimensions = array<i32: 0>} : vector<16xi32>
      "tpu.region"() ({
        %run_scoped3A = tpu.sem_alloc : memref<!tpu.dma_semaphore, #tpu.memory_space<semaphore_mem>>
        %dma_start3A_78 = arith.constant 0 : i32
        %dma_start3A_79 = tpu.memref_slice %arg16[%dma_start3A_78] : memref<1600xi32, #tpu.memory_space<vmem>> -> memref<800xi32, #tpu.memory_space<vmem>>
        %dma_start3A_80 = tpu.memref_slice %arg10[%mul3A_41] : memref<320000xi32, #tpu.memory_space<hbm>> -> memref<800xi32, #tpu.memory_space<hbm>>
        %dma_start3A_81 = arith.constant 0 : i32
        %dma_start3A_82 = tpu.memref_slice %arg16[%dma_start3A_81] : memref<1600xi32, #tpu.memory_space<vmem>> -> memref<800xi32, #tpu.memory_space<vmem>>
        %dma_start3A_83 = tpu.memref_slice %arg10[%mul3A_41] : memref<320000xi32, #tpu.memory_space<hbm>> -> memref<800xi32, #tpu.memory_space<hbm>>
        tpu.enqueue_dma source(%dma_start3A_83 : memref<800xi32, #tpu.memory_space<hbm>>) target(%dma_start3A_82 : memref<800xi32, #tpu.memory_space<vmem>>) target_semaphore(%run_scoped3A : memref<!tpu.dma_semaphore, #tpu.memory_space<semaphore_mem>>)
        %dma_wait3A = arith.constant 0 : i32
        %dma_wait3A_84 = tpu.memref_slice %arg16[%dma_wait3A] : memref<1600xi32, #tpu.memory_space<vmem>> -> memref<800xi32, #tpu.memory_space<vmem>>
        %dma_wait3A_85 = tpu.memref_slice %arg10[%mul3A_41] : memref<320000xi32, #tpu.memory_space<hbm>> -> memref<800xi32, #tpu.memory_space<hbm>>
        %dma_wait3A_86 = arith.constant 0 : i32
        %dma_wait3A_87 = tpu.memref_slice %arg16[%dma_wait3A_86] : memref<1600xi32, #tpu.memory_space<vmem>> -> memref<800xi32, #tpu.memory_space<vmem>>
        %dma_wait3A_88 = tpu.memref_slice %arg10[%mul3A_41] : memref<320000xi32, #tpu.memory_space<hbm>> -> memref<800xi32, #tpu.memory_space<hbm>>
        tpu.wait_dma2 semaphore(%run_scoped3A : memref<!tpu.dma_semaphore, #tpu.memory_space<semaphore_mem>>) src(%dma_wait3A_88 : memref<800xi32, #tpu.memory_space<hbm>>) dst(%dma_wait3A_87 : memref<800xi32, #tpu.memory_space<vmem>>)
        tpu.yield
      }) : () -> ()
      "tpu.region"() ({
        %run_scoped3A = tpu.sem_alloc : memref<!tpu.dma_semaphore, #tpu.memory_space<semaphore_mem>>
        %dma_start3A_78 = arith.constant 0 : i32
        %dma_start3A_79 = tpu.memref_slice %arg17[%dma_start3A_78] : memref<1600xi32, #tpu.memory_space<vmem>> -> memref<800xi32, #tpu.memory_space<vmem>>
        %dma_start3A_80 = tpu.memref_slice %arg11[%mul3A_41] : memref<320000xi32, #tpu.memory_space<hbm>> -> memref<800xi32, #tpu.memory_space<hbm>>
        %dma_start3A_81 = arith.constant 0 : i32
        %dma_start3A_82 = tpu.memref_slice %arg17[%dma_start3A_81] : memref<1600xi32, #tpu.memory_space<vmem>> -> memref<800xi32, #tpu.memory_space<vmem>>
        %dma_start3A_83 = tpu.memref_slice %arg11[%mul3A_41] : memref<320000xi32, #tpu.memory_space<hbm>> -> memref<800xi32, #tpu.memory_space<hbm>>
        tpu.enqueue_dma source(%dma_start3A_83 : memref<800xi32, #tpu.memory_space<hbm>>) target(%dma_start3A_82 : memref<800xi32, #tpu.memory_space<vmem>>) target_semaphore(%run_scoped3A : memref<!tpu.dma_semaphore, #tpu.memory_space<semaphore_mem>>)
        %dma_wait3A = arith.constant 0 : i32
        %dma_wait3A_84 = tpu.memref_slice %arg17[%dma_wait3A] : memref<1600xi32, #tpu.memory_space<vmem>> -> memref<800xi32, #tpu.memory_space<vmem>>
        %dma_wait3A_85 = tpu.memref_slice %arg11[%mul3A_41] : memref<320000xi32, #tpu.memory_space<hbm>> -> memref<800xi32, #tpu.memory_space<hbm>>
        %dma_wait3A_86 = arith.constant 0 : i32
        %dma_wait3A_87 = tpu.memref_slice %arg17[%dma_wait3A_86] : memref<1600xi32, #tpu.memory_space<vmem>> -> memref<800xi32, #tpu.memory_space<vmem>>
        %dma_wait3A_88 = tpu.memref_slice %arg11[%mul3A_41] : memref<320000xi32, #tpu.memory_space<hbm>> -> memref<800xi32, #tpu.memory_space<hbm>>
        tpu.wait_dma2 semaphore(%run_scoped3A : memref<!tpu.dma_semaphore, #tpu.memory_space<semaphore_mem>>) src(%dma_wait3A_88 : memref<800xi32, #tpu.memory_space<hbm>>) dst(%dma_wait3A_87 : memref<800xi32, #tpu.memory_space<vmem>>)
        tpu.yield
      }) : () -> ()
      %add3A = arith.constant 800 : i32
      %add3A_42 = arith.addi %mul3A_41, %add3A : i32
      %add3A_43 = arith.constant 800 : i32
      %add3A_44 = arith.addi %mul3A_41, %add3A_43 : i32
      %dma_start3A = arith.constant 800 : i32
      %dma_start3A_45 = tpu.memref_slice %arg16[%dma_start3A] : memref<1600xi32, #tpu.memory_space<vmem>> -> memref<800xi32, #tpu.memory_space<vmem>>
      %dma_start3A_46 = tpu.memref_slice %arg10[%add3A_42] : memref<320000xi32, #tpu.memory_space<hbm>> -> memref<800xi32, #tpu.memory_space<hbm>>
      %dma_start3A_47 = arith.constant 800 : i32
      %dma_start3A_48 = tpu.memref_slice %arg16[%dma_start3A_47] : memref<1600xi32, #tpu.memory_space<vmem>> -> memref<800xi32, #tpu.memory_space<vmem>>
      %dma_start3A_49 = tpu.memref_slice %arg10[%add3A_42] : memref<320000xi32, #tpu.memory_space<hbm>> -> memref<800xi32, #tpu.memory_space<hbm>>
      tpu.enqueue_dma source(%dma_start3A_49 : memref<800xi32, #tpu.memory_space<hbm>>) target(%dma_start3A_48 : memref<800xi32, #tpu.memory_space<vmem>>) target_semaphore(%arg30 : memref<!tpu.dma_semaphore, #tpu.memory_space<semaphore_mem>>)
      %dma_start3A_50 = arith.constant 800 : i32
      %dma_start3A_51 = tpu.memref_slice %arg17[%dma_start3A_50] : memref<1600xi32, #tpu.memory_space<vmem>> -> memref<800xi32, #tpu.memory_space<vmem>>
      %dma_start3A_52 = tpu.memref_slice %arg11[%add3A_44] : memref<320000xi32, #tpu.memory_space<hbm>> -> memref<800xi32, #tpu.memory_space<hbm>>
      %dma_start3A_53 = arith.constant 800 : i32
      %dma_start3A_54 = tpu.memref_slice %arg17[%dma_start3A_53] : memref<1600xi32, #tpu.memory_space<vmem>> -> memref<800xi32, #tpu.memory_space<vmem>>
      %dma_start3A_55 = tpu.memref_slice %arg11[%add3A_44] : memref<320000xi32, #tpu.memory_space<hbm>> -> memref<800xi32, #tpu.memory_space<hbm>>
      tpu.enqueue_dma source(%dma_start3A_55 : memref<800xi32, #tpu.memory_space<hbm>>) target(%dma_start3A_54 : memref<800xi32, #tpu.memory_space<vmem>>) target_semaphore(%arg30 : memref<!tpu.dma_semaphore, #tpu.memory_space<semaphore_mem>>)
      %dma_start3A_56 = arith.constant 0 : i32
      %dma_start3A_57 = tpu.memref_slice %arg17[%dma_start3A_56] : memref<1600xi32, #tpu.memory_space<vmem>> -> memref<32xi32, #tpu.memory_space<vmem>>
      %dma_start3A_58 = arith.constant 0 : i32
      %dma_start3A_59 = arith.constant 0 : i32
      %dma_start3A_60 = tpu.memref_slice %arg5[%dma_start3A_58, %dma_start3A_59] : memref<10000x128xf32, #tpu.memory_space<hbm>> -> memref<10000x128xf32, #tpu.memory_space<hbm>>
      tpu.enqueue_indirect_dma source(%dma_start3A_60 : memref<10000x128xf32, #tpu.memory_space<hbm>>) target(%arg18 : memref<32x128xf32, #tpu.memory_space<vmem>>) offsets(%dma_start3A_57 : memref<32xi32, #tpu.memory_space<vmem>>) semaphore(%arg28 : memref<!tpu.dma_semaphore, #tpu.memory_space<semaphore_mem>>)
      %dma_start3A_61 = arith.constant 0 : i32
      %dma_start3A_62 = tpu.memref_slice %arg16[%dma_start3A_61] : memref<1600xi32, #tpu.memory_space<vmem>> -> memref<32xi32, #tpu.memory_space<vmem>>
      %dma_start3A_63 = arith.constant 0 : i32
      %dma_start3A_64 = arith.constant 0 : i32
      %dma_start3A_65 = tpu.memref_slice %arg6[%dma_start3A_63, %dma_start3A_64] : memref<10000x128xf32, #tpu.memory_space<hbm>> -> memref<10000x128xf32, #tpu.memory_space<hbm>>
      tpu.enqueue_indirect_dma source(%dma_start3A_65 : memref<10000x128xf32, #tpu.memory_space<hbm>>) target(%arg19 : memref<32x128xf32, #tpu.memory_space<vmem>>) offsets(%dma_start3A_62 : memref<32xi32, #tpu.memory_space<vmem>>) semaphore(%arg28 : memref<!tpu.dma_semaphore, #tpu.memory_space<semaphore_mem>>)
      %dma_start3A_66 = arith.constant 0 : i32
      %dma_start3A_67 = tpu.memref_slice %arg16[%dma_start3A_66] : memref<1600xi32, #tpu.memory_space<vmem>> -> memref<32xi32, #tpu.memory_space<vmem>>
      %dma_start3A_68 = arith.constant 0 : i32
      %dma_start3A_69 = arith.constant 0 : i32
      %dma_start3A_70 = tpu.memref_slice %arg7[%dma_start3A_68, %dma_start3A_69] : memref<10000x128xf32, #tpu.memory_space<hbm>> -> memref<10000x128xf32, #tpu.memory_space<hbm>>
      tpu.enqueue_indirect_dma source(%dma_start3A_70 : memref<10000x128xf32, #tpu.memory_space<hbm>>) target(%arg20 : memref<32x128xf32, #tpu.memory_space<vmem>>) offsets(%dma_start3A_67 : memref<32xi32, #tpu.memory_space<vmem>>) semaphore(%arg28 : memref<!tpu.dma_semaphore, #tpu.memory_space<semaphore_mem>>)
      %scan3A_71 = arith.constant 0 : i32
      %scan3A_72 = arith.constant 0 : i32
      %scan3A_73 = arith.constant 625 : i32
      %scan3A_74 = arith.addi %scan3A_72, %scan3A_73 : i32
      %scan3A_75 = arith.constant 1 : i32
      %scan3A_76 = scf.for %scan3A_78 = %scan3A_72 to %scan3A_74 step %scan3A_75 iter_args(%scan3A_79 = %scan3A_71) -> (i32)  : i32 {
        %jit3A = arith.constant 25 : i32
        %div3A = arith.divsi %scan3A_78, %jit3A : i32
        %sign3A = arith.constant 0 : i32
        %sign3A_80 = arith.cmpi sgt, %scan3A_78, %sign3A : i32
        %sign3A_81 = arith.extui %sign3A_80 : i1 to i32
        %sign3A_82 = arith.constant 0 : i32
        %sign3A_83 = arith.cmpi slt, %scan3A_78, %sign3A_82 : i32
        %sign3A_84 = arith.extui %sign3A_83 : i1 to i32
        %sign3A_85 = arith.subi %sign3A_81, %sign3A_84 : i32
        %sign3A_86 = arith.constant 0 : i32
        %sign3A_87 = arith.cmpi sgt, %jit3A, %sign3A_86 : i32
        %sign3A_88 = arith.extui %sign3A_87 : i1 to i32
        %sign3A_89 = arith.constant 0 : i32
        %sign3A_90 = arith.cmpi slt, %jit3A, %sign3A_89 : i32
        %sign3A_91 = arith.extui %sign3A_90 : i1 to i32
        %sign3A_92 = arith.subi %sign3A_88, %sign3A_91 : i32
        %ne3A = arith.cmpi ne, %sign3A_85, %sign3A_92 : i32
        %rem3A = arith.remsi %scan3A_78, %jit3A : i32
        %ne3A_93 = arith.constant 0 : i32
        %ne3A_94 = arith.cmpi ne, %rem3A, %ne3A_93 : i32
        %and3A = arith.andi %ne3A, %ne3A_94 : i1
        %sub3A = arith.constant 1 : i32
        %sub3A_95 = arith.subi %div3A, %sub3A : i32
        %select_n3A = arith.select %and3A, %sub3A_95, %div3A : i32
        %jit3A_96 = arith.constant 25 : i32
        %eq3A_97 = arith.constant 0 : i32
        %eq3A_98 = arith.cmpi eq, %jit3A_96, %eq3A_97 : i32
        %jit3A_99 = arith.constant 1 : i32
        %select_n3A_100 = arith.select %eq3A_98, %jit3A_99, %jit3A_96 : i32
        %rem3A_101 = arith.remsi %scan3A_78, %select_n3A_100 : i32
        %ne3A_102 = arith.constant 0 : i32
        %ne3A_103 = arith.cmpi ne, %rem3A_101, %ne3A_102 : i32
        %lt3A = arith.constant 0 : i32
        %lt3A_104 = arith.cmpi slt, %rem3A_101, %lt3A : i32
        %lt3A_105 = arith.constant 0 : i32
        %lt3A_106 = arith.cmpi slt, %select_n3A_100, %lt3A_105 : i32
        %ne3A_107 = arith.xori %lt3A_104, %lt3A_106 : i1
        %and3A_108 = arith.andi %ne3A_107, %ne3A_103 : i1
        %add3A_109 = arith.addi %rem3A_101, %select_n3A_100 : i32
        %select_n3A_110 = arith.select %and3A_108, %add3A_109, %rem3A_101 : i32
        %eq3A_111 = arith.constant 24 : i32
        %eq3A_112 = arith.cmpi eq, %select_n3A_110, %eq3A_111 : i32
        %add3A_113 = arith.constant 1 : i32
        %add3A_114 = arith.addi %scan3A_78, %add3A_113 : i32
        %lt3A_115 = arith.constant 625 : i32
        %lt3A_116 = arith.cmpi slt, %add3A_114, %lt3A_115 : i32
        %and3A_117 = arith.andi %eq3A_112, %lt3A_116 : i1
        %convert_element_type3A_118 = arith.extui %and3A_117 : i1 to i32
        %cond3A_119 = arith.constant 0 : i32
        %cond3A_120 = arith.cmpi ne, %convert_element_type3A_118, %cond3A_119 : i32
        scf.if %cond3A_120 {
          %add3A_220 = arith.constant 1 : i32
          %add3A_221 = arith.addi %select_n3A, %add3A_220 : i32
          %add3A_222 = arith.constant 1 : i32
          %add3A_223 = arith.addi %select_n3A, %add3A_222 : i32
          %jit3A_224 = arith.constant 2 : i32
          %eq3A_225 = arith.constant 0 : i32
          %eq3A_226 = arith.cmpi eq, %jit3A_224, %eq3A_225 : i32
          %jit3A_227 = arith.constant 1 : i32
          %select_n3A_228 = arith.select %eq3A_226, %jit3A_227, %jit3A_224 : i32
          %rem3A_229 = arith.remsi %add3A_223, %select_n3A_228 : i32
          %ne3A_230 = arith.constant 0 : i32
          %ne3A_231 = arith.cmpi ne, %rem3A_229, %ne3A_230 : i32
          %lt3A_232 = arith.constant 0 : i32
          %lt3A_233 = arith.cmpi slt, %rem3A_229, %lt3A_232 : i32
          %lt3A_234 = arith.constant 0 : i32
          %lt3A_235 = arith.cmpi slt, %select_n3A_228, %lt3A_234 : i32
          %ne3A_236 = arith.xori %lt3A_233, %lt3A_235 : i1
          %and3A_237 = arith.andi %ne3A_236, %ne3A_231 : i1
          %add3A_238 = arith.addi %rem3A_229, %select_n3A_228 : i32
          %select_n3A_239 = arith.select %and3A_237, %add3A_238, %rem3A_229 : i32
          %mul3A_240 = arith.constant 800 : i32
          %mul3A_241 = arith.muli %add3A_221, %mul3A_240 : i32
          %add3A_242 = arith.addi %mul3A_41, %mul3A_241 : i32
          %mul3A_243 = arith.constant 800 : i32
          %mul3A_244 = arith.muli %add3A_221, %mul3A_243 : i32
          %add3A_245 = arith.addi %mul3A_41, %mul3A_244 : i32
          %mul3A_246 = arith.constant 800 : i32
          %mul3A_247 = arith.muli %select_n3A_239, %mul3A_246 : i32
          %mul3A_248 = arith.constant 800 : i32
          %mul3A_249 = arith.muli %select_n3A_239, %mul3A_248 : i32
          %dma_wait3A = tpu.memref_slice %arg16[%mul3A_247] : memref<1600xi32, #tpu.memory_space<vmem>> -> memref<800xi32, #tpu.memory_space<vmem>>
          %dma_wait3A_250 = tpu.memref_slice %arg10[%add3A_242] : memref<320000xi32, #tpu.memory_space<hbm>> -> memref<800xi32, #tpu.memory_space<hbm>>
          %dma_wait3A_251 = tpu.memref_slice %arg16[%mul3A_247] : memref<1600xi32, #tpu.memory_space<vmem>> -> memref<800xi32, #tpu.memory_space<vmem>>
          %dma_wait3A_252 = tpu.memref_slice %arg10[%add3A_242] : memref<320000xi32, #tpu.memory_space<hbm>> -> memref<800xi32, #tpu.memory_space<hbm>>
          tpu.wait_dma2 semaphore(%arg30 : memref<!tpu.dma_semaphore, #tpu.memory_space<semaphore_mem>>) src(%dma_wait3A_252 : memref<800xi32, #tpu.memory_space<hbm>>) dst(%dma_wait3A_251 : memref<800xi32, #tpu.memory_space<vmem>>)
          %dma_wait3A_253 = tpu.memref_slice %arg17[%mul3A_249] : memref<1600xi32, #tpu.memory_space<vmem>> -> memref<800xi32, #tpu.memory_space<vmem>>
          %dma_wait3A_254 = tpu.memref_slice %arg11[%add3A_245] : memref<320000xi32, #tpu.memory_space<hbm>> -> memref<800xi32, #tpu.memory_space<hbm>>
          %dma_wait3A_255 = tpu.memref_slice %arg17[%mul3A_249] : memref<1600xi32, #tpu.memory_space<vmem>> -> memref<800xi32, #tpu.memory_space<vmem>>
          %dma_wait3A_256 = tpu.memref_slice %arg11[%add3A_245] : memref<320000xi32, #tpu.memory_space<hbm>> -> memref<800xi32, #tpu.memory_space<hbm>>
          tpu.wait_dma2 semaphore(%arg30 : memref<!tpu.dma_semaphore, #tpu.memory_space<semaphore_mem>>) src(%dma_wait3A_256 : memref<800xi32, #tpu.memory_space<hbm>>) dst(%dma_wait3A_255 : memref<800xi32, #tpu.memory_space<vmem>>)
        } else {
        }
        %add3A_121 = arith.constant 1 : i32
        %add3A_122 = arith.addi %scan3A_78, %add3A_121 : i32
        %jit3A_123 = arith.constant 2 : i32
        %eq3A_124 = arith.constant 0 : i32
        %eq3A_125 = arith.cmpi eq, %jit3A_123, %eq3A_124 : i32
        %jit3A_126 = arith.constant 1 : i32
        %select_n3A_127 = arith.select %eq3A_125, %jit3A_126, %jit3A_123 : i32
        %rem3A_128 = arith.remsi %add3A_122, %select_n3A_127 : i32
        %ne3A_129 = arith.constant 0 : i32
        %ne3A_130 = arith.cmpi ne, %rem3A_128, %ne3A_129 : i32
        %lt3A_131 = arith.constant 0 : i32
        %lt3A_132 = arith.cmpi slt, %rem3A_128, %lt3A_131 : i32
        %lt3A_133 = arith.constant 0 : i32
        %lt3A_134 = arith.cmpi slt, %select_n3A_127, %lt3A_133 : i32
        %ne3A_135 = arith.xori %lt3A_132, %lt3A_134 : i1
        %and3A_136 = arith.andi %ne3A_135, %ne3A_130 : i1
        %add3A_137 = arith.addi %rem3A_128, %select_n3A_127 : i32
        %select_n3A_138 = arith.select %and3A_136, %add3A_137, %rem3A_128 : i32
        %eq3A_139 = arith.constant 0 : i32
        %eq3A_140 = arith.cmpi eq, %select_n3A_138, %eq3A_139 : i32
        %and3A_141 = arith.andi %lt3A_116, %eq3A_140 : i1
        %convert_element_type3A_142 = arith.extui %and3A_141 : i1 to i32
        %cond3A_143 = arith.constant 0 : i32
        %cond3A_144 = arith.cmpi ne, %convert_element_type3A_142, %cond3A_143 : i32
        scf.if %cond3A_144 {
          %add3A_220 = arith.constant 1 : i32
          %add3A_221 = arith.addi %scan3A_78, %add3A_220 : i32
          %jit3A_222 = arith.constant 50 : i32
          %eq3A_223 = arith.constant 0 : i32
          %eq3A_224 = arith.cmpi eq, %jit3A_222, %eq3A_223 : i32
          %jit3A_225 = arith.constant 1 : i32
          %select_n3A_226 = arith.select %eq3A_224, %jit3A_225, %jit3A_222 : i32
          %rem3A_227 = arith.remsi %add3A_221, %select_n3A_226 : i32
          %ne3A_228 = arith.constant 0 : i32
          %ne3A_229 = arith.cmpi ne, %rem3A_227, %ne3A_228 : i32
          %lt3A_230 = arith.constant 0 : i32
          %lt3A_231 = arith.cmpi slt, %rem3A_227, %lt3A_230 : i32
          %lt3A_232 = arith.constant 0 : i32
          %lt3A_233 = arith.cmpi slt, %select_n3A_226, %lt3A_232 : i32
          %ne3A_234 = arith.xori %lt3A_231, %lt3A_233 : i1
          %and3A_235 = arith.andi %ne3A_234, %ne3A_229 : i1
          %add3A_236 = arith.addi %rem3A_227, %select_n3A_226 : i32
          %select_n3A_237 = arith.select %and3A_235, %add3A_236, %rem3A_227 : i32
          %mul3A_238 = arith.constant 32 : i32
          %mul3A_239 = arith.muli %select_n3A_237, %mul3A_238 : i32
          %dma_start3A_240 = tpu.memref_slice %arg17[%mul3A_239] : memref<1600xi32, #tpu.memory_space<vmem>> -> memref<32xi32, #tpu.memory_space<vmem>>
          %dma_start3A_241 = arith.constant 0 : i32
          %dma_start3A_242 = arith.constant 0 : i32
          %dma_start3A_243 = tpu.memref_slice %arg5[%dma_start3A_241, %dma_start3A_242] : memref<10000x128xf32, #tpu.memory_space<hbm>> -> memref<10000x128xf32, #tpu.memory_space<hbm>>
          tpu.enqueue_indirect_dma source(%dma_start3A_243 : memref<10000x128xf32, #tpu.memory_space<hbm>>) target(%arg18 : memref<32x128xf32, #tpu.memory_space<vmem>>) offsets(%dma_start3A_240 : memref<32xi32, #tpu.memory_space<vmem>>) semaphore(%arg28 : memref<!tpu.dma_semaphore, #tpu.memory_space<semaphore_mem>>)
          %dma_start3A_244 = tpu.memref_slice %arg16[%mul3A_239] : memref<1600xi32, #tpu.memory_space<vmem>> -> memref<32xi32, #tpu.memory_space<vmem>>
          %dma_start3A_245 = arith.constant 0 : i32
          %dma_start3A_246 = arith.constant 0 : i32
          %dma_start3A_247 = tpu.memref_slice %arg6[%dma_start3A_245, %dma_start3A_246] : memref<10000x128xf32, #tpu.memory_space<hbm>> -> memref<10000x128xf32, #tpu.memory_space<hbm>>
          tpu.enqueue_indirect_dma source(%dma_start3A_247 : memref<10000x128xf32, #tpu.memory_space<hbm>>) target(%arg19 : memref<32x128xf32, #tpu.memory_space<vmem>>) offsets(%dma_start3A_244 : memref<32xi32, #tpu.memory_space<vmem>>) semaphore(%arg28 : memref<!tpu.dma_semaphore, #tpu.memory_space<semaphore_mem>>)
          %dma_start3A_248 = tpu.memref_slice %arg16[%mul3A_239] : memref<1600xi32, #tpu.memory_space<vmem>> -> memref<32xi32, #tpu.memory_space<vmem>>
          %dma_start3A_249 = arith.constant 0 : i32
          %dma_start3A_250 = arith.constant 0 : i32
          %dma_start3A_251 = tpu.memref_slice %arg7[%dma_start3A_249, %dma_start3A_250] : memref<10000x128xf32, #tpu.memory_space<hbm>> -> memref<10000x128xf32, #tpu.memory_space<hbm>>
          tpu.enqueue_indirect_dma source(%dma_start3A_251 : memref<10000x128xf32, #tpu.memory_space<hbm>>) target(%arg20 : memref<32x128xf32, #tpu.memory_space<vmem>>) offsets(%dma_start3A_248 : memref<32xi32, #tpu.memory_space<vmem>>) semaphore(%arg28 : memref<!tpu.dma_semaphore, #tpu.memory_space<semaphore_mem>>)
        } else {
        }
        %add3A_145 = arith.constant 1 : i32
        %add3A_146 = arith.addi %scan3A_78, %add3A_145 : i32
        %jit3A_147 = arith.constant 2 : i32
        %eq3A_148 = arith.constant 0 : i32
        %eq3A_149 = arith.cmpi eq, %jit3A_147, %eq3A_148 : i32
        %jit3A_150 = arith.constant 1 : i32
        %select_n3A_151 = arith.select %eq3A_149, %jit3A_150, %jit3A_147 : i32
        %rem3A_152 = arith.remsi %add3A_146, %select_n3A_151 : i32
        %ne3A_153 = arith.constant 0 : i32
        %ne3A_154 = arith.cmpi ne, %rem3A_152, %ne3A_153 : i32
        %lt3A_155 = arith.constant 0 : i32
        %lt3A_156 = arith.cmpi slt, %rem3A_152, %lt3A_155 : i32
        %lt3A_157 = arith.constant 0 : i32
        %lt3A_158 = arith.cmpi slt, %select_n3A_151, %lt3A_157 : i32
        %ne3A_159 = arith.xori %lt3A_156, %lt3A_158 : i1
        %and3A_160 = arith.andi %ne3A_159, %ne3A_154 : i1
        %add3A_161 = arith.addi %rem3A_152, %select_n3A_151 : i32
        %select_n3A_162 = arith.select %and3A_160, %add3A_161, %rem3A_152 : i32
        %eq3A_163 = arith.constant 1 : i32
        %eq3A_164 = arith.cmpi eq, %select_n3A_162, %eq3A_163 : i32
        %and3A_165 = arith.andi %lt3A_116, %eq3A_164 : i1
        %convert_element_type3A_166 = arith.extui %and3A_165 : i1 to i32
        %cond3A_167 = arith.constant 0 : i32
        %cond3A_168 = arith.cmpi ne, %convert_element_type3A_166, %cond3A_167 : i32
        scf.if %cond3A_168 {
          %add3A_220 = arith.constant 1 : i32
          %add3A_221 = arith.addi %scan3A_78, %add3A_220 : i32
          %jit3A_222 = arith.constant 50 : i32
          %eq3A_223 = arith.constant 0 : i32
          %eq3A_224 = arith.cmpi eq, %jit3A_222, %eq3A_223 : i32
          %jit3A_225 = arith.constant 1 : i32
          %select_n3A_226 = arith.select %eq3A_224, %jit3A_225, %jit3A_222 : i32
          %rem3A_227 = arith.remsi %add3A_221, %select_n3A_226 : i32
          %ne3A_228 = arith.constant 0 : i32
          %ne3A_229 = arith.cmpi ne, %rem3A_227, %ne3A_228 : i32
          %lt3A_230 = arith.constant 0 : i32
          %lt3A_231 = arith.cmpi slt, %rem3A_227, %lt3A_230 : i32
          %lt3A_232 = arith.constant 0 : i32
          %lt3A_233 = arith.cmpi slt, %select_n3A_226, %lt3A_232 : i32
          %ne3A_234 = arith.xori %lt3A_231, %lt3A_233 : i1
          %and3A_235 = arith.andi %ne3A_234, %ne3A_229 : i1
          %add3A_236 = arith.addi %rem3A_227, %select_n3A_226 : i32
          %select_n3A_237 = arith.select %and3A_235, %add3A_236, %rem3A_227 : i32
          %mul3A_238 = arith.constant 32 : i32
          %mul3A_239 = arith.muli %select_n3A_237, %mul3A_238 : i32
          %dma_start3A_240 = tpu.memref_slice %arg17[%mul3A_239] : memref<1600xi32, #tpu.memory_space<vmem>> -> memref<32xi32, #tpu.memory_space<vmem>>
          %dma_start3A_241 = arith.constant 0 : i32
          %dma_start3A_242 = arith.constant 0 : i32
          %dma_start3A_243 = tpu.memref_slice %arg5[%dma_start3A_241, %dma_start3A_242] : memref<10000x128xf32, #tpu.memory_space<hbm>> -> memref<10000x128xf32, #tpu.memory_space<hbm>>
          tpu.enqueue_indirect_dma source(%dma_start3A_243 : memref<10000x128xf32, #tpu.memory_space<hbm>>) target(%arg21 : memref<32x128xf32, #tpu.memory_space<vmem>>) offsets(%dma_start3A_240 : memref<32xi32, #tpu.memory_space<vmem>>) semaphore(%arg29 : memref<!tpu.dma_semaphore, #tpu.memory_space<semaphore_mem>>)
          %dma_start3A_244 = tpu.memref_slice %arg16[%mul3A_239] : memref<1600xi32, #tpu.memory_space<vmem>> -> memref<32xi32, #tpu.memory_space<vmem>>
          %dma_start3A_245 = arith.constant 0 : i32
          %dma_start3A_246 = arith.constant 0 : i32
          %dma_start3A_247 = tpu.memref_slice %arg6[%dma_start3A_245, %dma_start3A_246] : memref<10000x128xf32, #tpu.memory_space<hbm>> -> memref<10000x128xf32, #tpu.memory_space<hbm>>
          tpu.enqueue_indirect_dma source(%dma_start3A_247 : memref<10000x128xf32, #tpu.memory_space<hbm>>) target(%arg22 : memref<32x128xf32, #tpu.memory_space<vmem>>) offsets(%dma_start3A_244 : memref<32xi32, #tpu.memory_space<vmem>>) semaphore(%arg29 : memref<!tpu.dma_semaphore, #tpu.memory_space<semaphore_mem>>)
          %dma_start3A_248 = tpu.memref_slice %arg16[%mul3A_239] : memref<1600xi32, #tpu.memory_space<vmem>> -> memref<32xi32, #tpu.memory_space<vmem>>
          %dma_start3A_249 = arith.constant 0 : i32
          %dma_start3A_250 = arith.constant 0 : i32
          %dma_start3A_251 = tpu.memref_slice %arg7[%dma_start3A_249, %dma_start3A_250] : memref<10000x128xf32, #tpu.memory_space<hbm>> -> memref<10000x128xf32, #tpu.memory_space<hbm>>
          tpu.enqueue_indirect_dma source(%dma_start3A_251 : memref<10000x128xf32, #tpu.memory_space<hbm>>) target(%arg23 : memref<32x128xf32, #tpu.memory_space<vmem>>) offsets(%dma_start3A_248 : memref<32xi32, #tpu.memory_space<vmem>>) semaphore(%arg29 : memref<!tpu.dma_semaphore, #tpu.memory_space<semaphore_mem>>)
        } else {
        }
        %jit3A_169 = arith.constant 2 : i32
        %eq3A_170 = arith.constant 0 : i32
        %eq3A_171 = arith.cmpi eq, %jit3A_169, %eq3A_170 : i32
        %jit3A_172 = arith.constant 1 : i32
        %select_n3A_173 = arith.select %eq3A_171, %jit3A_172, %jit3A_169 : i32
        %rem3A_174 = arith.remsi %scan3A_78, %select_n3A_173 : i32
        %ne3A_175 = arith.constant 0 : i32
        %ne3A_176 = arith.cmpi ne, %rem3A_174, %ne3A_175 : i32
        %lt3A_177 = arith.constant 0 : i32
        %lt3A_178 = arith.cmpi slt, %rem3A_174, %lt3A_177 : i32
        %lt3A_179 = arith.constant 0 : i32
        %lt3A_180 = arith.cmpi slt, %select_n3A_173, %lt3A_179 : i32
        %ne3A_181 = arith.xori %lt3A_178, %lt3A_180 : i1
        %and3A_182 = arith.andi %ne3A_181, %ne3A_176 : i1
        %add3A_183 = arith.addi %rem3A_174, %select_n3A_173 : i32
        %select_n3A_184 = arith.select %and3A_182, %add3A_183, %rem3A_174 : i32
        %eq3A_185 = arith.constant 0 : i32
        %eq3A_186 = arith.cmpi eq, %select_n3A_184, %eq3A_185 : i32
        %convert_element_type3A_187 = arith.extui %eq3A_186 : i1 to i32
        %cond3A_188 = arith.constant 0 : i32
        %cond3A_189 = arith.cmpi ne, %convert_element_type3A_187, %cond3A_188 : i32
        scf.if %cond3A_189 {
          %jit3A_220 = arith.constant 50 : i32
          %eq3A_221 = arith.constant 0 : i32
          %eq3A_222 = arith.cmpi eq, %jit3A_220, %eq3A_221 : i32
          %jit3A_223 = arith.constant 1 : i32
          %select_n3A_224 = arith.select %eq3A_222, %jit3A_223, %jit3A_220 : i32
          %rem3A_225 = arith.remsi %scan3A_78, %select_n3A_224 : i32
          %ne3A_226 = arith.constant 0 : i32
          %ne3A_227 = arith.cmpi ne, %rem3A_225, %ne3A_226 : i32
          %lt3A_228 = arith.constant 0 : i32
          %lt3A_229 = arith.cmpi slt, %rem3A_225, %lt3A_228 : i32
          %lt3A_230 = arith.constant 0 : i32
          %lt3A_231 = arith.cmpi slt, %select_n3A_224, %lt3A_230 : i32
          %ne3A_232 = arith.xori %lt3A_229, %lt3A_231 : i1
          %and3A_233 = arith.andi %ne3A_232, %ne3A_227 : i1
          %add3A_234 = arith.addi %rem3A_225, %select_n3A_224 : i32
          %select_n3A_235 = arith.select %and3A_233, %add3A_234, %rem3A_225 : i32
          %mul3A_236 = arith.constant 32 : i32
          %mul3A_237 = arith.muli %select_n3A_235, %mul3A_236 : i32
          %dma_wait3A = tpu.memref_slice %arg17[%mul3A_237] : memref<1600xi32, #tpu.memory_space<vmem>> -> memref<32xi32, #tpu.memory_space<vmem>>
          %dma_wait3A_238 = arith.constant 0 : i32
          %dma_wait3A_239 = arith.constant 0 : i32
          %dma_wait3A_240 = tpu.memref_slice %arg5[%dma_wait3A_238, %dma_wait3A_239] : memref<10000x128xf32, #tpu.memory_space<hbm>> -> memref<10000x128xf32, #tpu.memory_space<hbm>>
          tpu.wait_indirect_dma semaphore(%arg28 : memref<!tpu.dma_semaphore, #tpu.memory_space<semaphore_mem>>) src(%dma_wait3A_240 : memref<10000x128xf32, #tpu.memory_space<hbm>>) dst(%arg18 : memref<32x128xf32, #tpu.memory_space<vmem>>)
          %dma_wait3A_241 = tpu.memref_slice %arg16[%mul3A_237] : memref<1600xi32, #tpu.memory_space<vmem>> -> memref<32xi32, #tpu.memory_space<vmem>>
          %dma_wait3A_242 = arith.constant 0 : i32
          %dma_wait3A_243 = arith.constant 0 : i32
          %dma_wait3A_244 = tpu.memref_slice %arg6[%dma_wait3A_242, %dma_wait3A_243] : memref<10000x128xf32, #tpu.memory_space<hbm>> -> memref<10000x128xf32, #tpu.memory_space<hbm>>
          tpu.wait_indirect_dma semaphore(%arg28 : memref<!tpu.dma_semaphore, #tpu.memory_space<semaphore_mem>>) src(%dma_wait3A_244 : memref<10000x128xf32, #tpu.memory_space<hbm>>) dst(%arg19 : memref<32x128xf32, #tpu.memory_space<vmem>>)
          %dma_wait3A_245 = tpu.memref_slice %arg16[%mul3A_237] : memref<1600xi32, #tpu.memory_space<vmem>> -> memref<32xi32, #tpu.memory_space<vmem>>
          %dma_wait3A_246 = arith.constant 0 : i32
          %dma_wait3A_247 = arith.constant 0 : i32
          %dma_wait3A_248 = tpu.memref_slice %arg7[%dma_wait3A_246, %dma_wait3A_247] : memref<10000x128xf32, #tpu.memory_space<hbm>> -> memref<10000x128xf32, #tpu.memory_space<hbm>>
          tpu.wait_indirect_dma semaphore(%arg28 : memref<!tpu.dma_semaphore, #tpu.memory_space<semaphore_mem>>) src(%dma_wait3A_248 : memref<10000x128xf32, #tpu.memory_space<hbm>>) dst(%arg20 : memref<32x128xf32, #tpu.memory_space<vmem>>)
          %jit3A_249 = arith.constant 50 : i32
          %eq3A_250 = arith.constant 0 : i32
          %eq3A_251 = arith.cmpi eq, %jit3A_249, %eq3A_250 : i32
          %jit3A_252 = arith.constant 1 : i32
          %select_n3A_253 = arith.select %eq3A_251, %jit3A_252, %jit3A_249 : i32
          %rem3A_254 = arith.remsi %scan3A_78, %select_n3A_253 : i32
          %ne3A_255 = arith.constant 0 : i32
          %ne3A_256 = arith.cmpi ne, %rem3A_254, %ne3A_255 : i32
          %lt3A_257 = arith.constant 0 : i32
          %lt3A_258 = arith.cmpi slt, %rem3A_254, %lt3A_257 : i32
          %lt3A_259 = arith.constant 0 : i32
          %lt3A_260 = arith.cmpi slt, %select_n3A_253, %lt3A_259 : i32
          %ne3A_261 = arith.xori %lt3A_258, %lt3A_260 : i1
          %and3A_262 = arith.andi %ne3A_261, %ne3A_256 : i1
          %add3A_263 = arith.addi %rem3A_254, %select_n3A_253 : i32
          %select_n3A_264 = arith.select %and3A_262, %add3A_263, %rem3A_254 : i32
          %mul3A_265 = arith.constant 32 : i32
          %mul3A_266 = arith.muli %select_n3A_264, %mul3A_265 : i32
          %scan3A_267 = arith.constant 0 : i32
          %scan3A_268 = arith.constant 0 : i32
          %scan3A_269 = arith.constant 16 : i32
          %scan3A_270 = arith.addi %scan3A_268, %scan3A_269 : i32
          %scan3A_271 = arith.constant 1 : i32
          %scan3A_272 = scf.for %scan3A_274 = %scan3A_268 to %scan3A_270 step %scan3A_271 iter_args(%scan3A_275 = %scan3A_267) -> (i32)  : i32 {
            %mul3A_276 = arith.constant 2 : i32
            %mul3A_277 = arith.muli %mul3A_276, %scan3A_274 : i32
            %mul3A_278 = arith.constant 2 : i32
            %mul3A_279 = arith.muli %mul3A_278, %scan3A_274 : i32
            %add3A_280 = arith.constant 1 : i32
            %add3A_281 = arith.addi %mul3A_279, %add3A_280 : i32
            %broadcast_in_dim3A_282 = arith.constant 0.000000e+00 : f32
            %broadcast_in_dim3A_283 = vector.broadcast %broadcast_in_dim3A_282 : f32 to vector<16xf32>
            %get3A = arith.index_cast %mul3A_277 : i32 to index
            %get3A_284 = arith.constant 0 : index
            %get3A_285 = tpu.vector_load %arg18[%get3A, %get3A_284] {strides = array<i32>} : memref<32x128xf32, #tpu.memory_space<vmem>>, vector<16xf32>,
            %get3A_286 = arith.index_cast %mul3A_277 : i32 to index
            %get3A_287 = arith.constant 0 : index
            %get3A_288 = tpu.vector_load %arg19[%get3A_286, %get3A_287] {strides = array<i32>} : memref<32x128xf32, #tpu.memory_space<vmem>>, vector<16xf32>,
            %mul3A_289 = arith.mulf %get3A_285, %get3A_288 : vector<16xf32>
            %reduce_sum3A = arith.constant true
            %reduce_sum3A_290 = vector.broadcast %reduce_sum3A : i1 to vector<16xi1>
            %reduce_sum3A_291 = tpu.scan <sum>, %mul3A_289 masked %reduce_sum3A_290 : vector<16xf32>, vector<16xi1> -> vector<16xf32>
            %reduce_sum3A_292 = vector.extract %reduce_sum3A_291[15] : f32 from vector<16xf32>
            %broadcast_in_dim3A_293 = vector.broadcast %reduce_sum3A_292 : f32 to vector<16xf32>
            %exp3A = math.exp %broadcast_in_dim3A_293 : vector<16xf32>
            %get3A_294 = arith.index_cast %mul3A_277 : i32 to index
            %get3A_295 = arith.constant 0 : index
            %get3A_296 = tpu.vector_load %arg20[%get3A_294, %get3A_295] {strides = array<i32>} : memref<32x128xf32, #tpu.memory_space<vmem>>, vector<16xf32>,
            %mul3A_297 = arith.mulf %get3A_296, %exp3A : vector<16xf32>
            %swap3A = arith.index_cast %mul3A_277 : i32 to index
            %swap3A_298 = arith.constant 0 : index
            %swap3A_299 = tpu.vector_load %arg24[%swap3A, %swap3A_298] {strides = array<i32>} : memref<32x128xf32, #tpu.memory_space<vmem>>, vector<16xf32>,
            tpu.vector_store %arg24[%swap3A, %swap3A_298], %mul3A_297 {strides = array<i32>} : memref<32x128xf32, #tpu.memory_space<vmem>>, vector<16xf32>,
            %eq3A_300 = arith.constant 0 : i32
            %eq3A_301 = vector.broadcast %eq3A_300 : i32 to vector<16xi32>
            %eq3A_302 = arith.cmpi eq, %iota3A, %eq3A_301 : vector<16xi32>
            %select_n3A_303 = arith.select %eq3A_302, %exp3A, %broadcast_in_dim3A_283 : vector<16xi1>, vector<16xf32>
            %get3A_304 = arith.index_cast %mul3A_277 : i32 to index
            %get3A_305 = arith.constant 16 : index
            %get3A_306 = tpu.vector_load %arg18[%get3A_304, %get3A_305] {strides = array<i32>} : memref<32x128xf32, #tpu.memory_space<vmem>>, vector<16xf32>,
            %get3A_307 = arith.index_cast %mul3A_277 : i32 to index
            %get3A_308 = arith.constant 16 : index
            %get3A_309 = tpu.vector_load %arg19[%get3A_307, %get3A_308] {strides = array<i32>} : memref<32x128xf32, #tpu.memory_space<vmem>>, vector<16xf32>,
            %mul3A_310 = arith.mulf %get3A_306, %get3A_309 : vector<16xf32>
            %reduce_sum3A_311 = arith.constant true
            %reduce_sum3A_312 = vector.broadcast %reduce_sum3A_311 : i1 to vector<16xi1>
            %reduce_sum3A_313 = tpu.scan <sum>, %mul3A_310 masked %reduce_sum3A_312 : vector<16xf32>, vector<16xi1> -> vector<16xf32>
            %reduce_sum3A_314 = vector.extract %reduce_sum3A_313[15] : f32 from vector<16xf32>
            %broadcast_in_dim3A_315 = vector.broadcast %reduce_sum3A_314 : f32 to vector<16xf32>
            %exp3A_316 = math.exp %broadcast_in_dim3A_315 : vector<16xf32>
            %get3A_317 = arith.index_cast %mul3A_277 : i32 to index
            %get3A_318 = arith.constant 16 : index
            %get3A_319 = tpu.vector_load %arg20[%get3A_317, %get3A_318] {strides = array<i32>} : memref<32x128xf32, #tpu.memory_space<vmem>>, vector<16xf32>,
            %mul3A_320 = arith.mulf %get3A_319, %exp3A_316 : vector<16xf32>
            %swap3A_321 = arith.index_cast %mul3A_277 : i32 to index
            %swap3A_322 = arith.constant 16 : index
            %swap3A_323 = tpu.vector_load %arg24[%swap3A_321, %swap3A_322] {strides = array<i32>} : memref<32x128xf32, #tpu.memory_space<vmem>>, vector<16xf32>,
            tpu.vector_store %arg24[%swap3A_321, %swap3A_322], %mul3A_320 {strides = array<i32>} : memref<32x128xf32, #tpu.memory_space<vmem>>, vector<16xf32>,
            %eq3A_324 = arith.constant 1 : i32
            %eq3A_325 = vector.broadcast %eq3A_324 : i32 to vector<16xi32>
            %eq3A_326 = arith.cmpi eq, %iota3A, %eq3A_325 : vector<16xi32>
            %select_n3A_327 = arith.select %eq3A_326, %exp3A_316, %select_n3A_303 : vector<16xi1>, vector<16xf32>
            %get3A_328 = arith.index_cast %mul3A_277 : i32 to index
            %get3A_329 = arith.constant 32 : index
            %get3A_330 = tpu.vector_load %arg18[%get3A_328, %get3A_329] {strides = array<i32>} : memref<32x128xf32, #tpu.memory_space<vmem>>, vector<16xf32>,
            %get3A_331 = arith.index_cast %mul3A_277 : i32 to index
            %get3A_332 = arith.constant 32 : index
            %get3A_333 = tpu.vector_load %arg19[%get3A_331, %get3A_332] {strides = array<i32>} : memref<32x128xf32, #tpu.memory_space<vmem>>, vector<16xf32>,
            %mul3A_334 = arith.mulf %get3A_330, %get3A_333 : vector<16xf32>
            %reduce_sum3A_335 = arith.constant true
            %reduce_sum3A_336 = vector.broadcast %reduce_sum3A_335 : i1 to vector<16xi1>
            %reduce_sum3A_337 = tpu.scan <sum>, %mul3A_334 masked %reduce_sum3A_336 : vector<16xf32>, vector<16xi1> -> vector<16xf32>
            %reduce_sum3A_338 = vector.extract %reduce_sum3A_337[15] : f32 from vector<16xf32>
            %broadcast_in_dim3A_339 = vector.broadcast %reduce_sum3A_338 : f32 to vector<16xf32>
            %exp3A_340 = math.exp %broadcast_in_dim3A_339 : vector<16xf32>
            %get3A_341 = arith.index_cast %mul3A_277 : i32 to index
            %get3A_342 = arith.constant 32 : index
            %get3A_343 = tpu.vector_load %arg20[%get3A_341, %get3A_342] {strides = array<i32>} : memref<32x128xf32, #tpu.memory_space<vmem>>, vector<16xf32>,
            %mul3A_344 = arith.mulf %get3A_343, %exp3A_340 : vector<16xf32>
            %swap3A_345 = arith.index_cast %mul3A_277 : i32 to index
            %swap3A_346 = arith.constant 32 : index
            %swap3A_347 = tpu.vector_load %arg24[%swap3A_345, %swap3A_346] {strides = array<i32>} : memref<32x128xf32, #tpu.memory_space<vmem>>, vector<16xf32>,
            tpu.vector_store %arg24[%swap3A_345, %swap3A_346], %mul3A_344 {strides = array<i32>} : memref<32x128xf32, #tpu.memory_space<vmem>>, vector<16xf32>,
            %eq3A_348 = arith.constant 2 : i32
            %eq3A_349 = vector.broadcast %eq3A_348 : i32 to vector<16xi32>
            %eq3A_350 = arith.cmpi eq, %iota3A, %eq3A_349 : vector<16xi32>
            %select_n3A_351 = arith.select %eq3A_350, %exp3A_340, %select_n3A_327 : vector<16xi1>, vector<16xf32>
            %get3A_352 = arith.index_cast %mul3A_277 : i32 to index
            %get3A_353 = arith.constant 48 : index
            %get3A_354 = tpu.vector_load %arg18[%get3A_352, %get3A_353] {strides = array<i32>} : memref<32x128xf32, #tpu.memory_space<vmem>>, vector<16xf32>,
            %get3A_355 = arith.index_cast %mul3A_277 : i32 to index
            %get3A_356 = arith.constant 48 : index
            %get3A_357 = tpu.vector_load %arg19[%get3A_355, %get3A_356] {strides = array<i32>} : memref<32x128xf32, #tpu.memory_space<vmem>>, vector<16xf32>,
            %mul3A_358 = arith.mulf %get3A_354, %get3A_357 : vector<16xf32>
            %reduce_sum3A_359 = arith.constant true
            %reduce_sum3A_360 = vector.broadcast %reduce_sum3A_359 : i1 to vector<16xi1>
            %reduce_sum3A_361 = tpu.scan <sum>, %mul3A_358 masked %reduce_sum3A_360 : vector<16xf32>, vector<16xi1> -> vector<16xf32>
            %reduce_sum3A_362 = vector.extract %reduce_sum3A_361[15] : f32 from vector<16xf32>
            %broadcast_in_dim3A_363 = vector.broadcast %reduce_sum3A_362 : f32 to vector<16xf32>
            %exp3A_364 = math.exp %broadcast_in_dim3A_363 : vector<16xf32>
            %get3A_365 = arith.index_cast %mul3A_277 : i32 to index
            %get3A_366 = arith.constant 48 : index
            %get3A_367 = tpu.vector_load %arg20[%get3A_365, %get3A_366] {strides = array<i32>} : memref<32x128xf32, #tpu.memory_space<vmem>>, vector<16xf32>,
            %mul3A_368 = arith.mulf %get3A_367, %exp3A_364 : vector<16xf32>
            %swap3A_369 = arith.index_cast %mul3A_277 : i32 to index
            %swap3A_370 = arith.constant 48 : index
            %swap3A_371 = tpu.vector_load %arg24[%swap3A_369, %swap3A_370] {strides = array<i32>} : memref<32x128xf32, #tpu.memory_space<vmem>>, vector<16xf32>,
            tpu.vector_store %arg24[%swap3A_369, %swap3A_370], %mul3A_368 {strides = array<i32>} : memref<32x128xf32, #tpu.memory_space<vmem>>, vector<16xf32>,
            %eq3A_372 = arith.constant 3 : i32
            %eq3A_373 = vector.broadcast %eq3A_372 : i32 to vector<16xi32>
            %eq3A_374 = arith.cmpi eq, %iota3A, %eq3A_373 : vector<16xi32>
            %select_n3A_375 = arith.select %eq3A_374, %exp3A_364, %select_n3A_351 : vector<16xi1>, vector<16xf32>
            %get3A_376 = arith.index_cast %mul3A_277 : i32 to index
            %get3A_377 = arith.constant 64 : index
            %get3A_378 = tpu.vector_load %arg18[%get3A_376, %get3A_377] {strides = array<i32>} : memref<32x128xf32, #tpu.memory_space<vmem>>, vector<16xf32>,
            %get3A_379 = arith.index_cast %mul3A_277 : i32 to index
            %get3A_380 = arith.constant 64 : index
            %get3A_381 = tpu.vector_load %arg19[%get3A_379, %get3A_380] {strides = array<i32>} : memref<32x128xf32, #tpu.memory_space<vmem>>, vector<16xf32>,
            %mul3A_382 = arith.mulf %get3A_378, %get3A_381 : vector<16xf32>
            %reduce_sum3A_383 = arith.constant true
            %reduce_sum3A_384 = vector.broadcast %reduce_sum3A_383 : i1 to vector<16xi1>
            %reduce_sum3A_385 = tpu.scan <sum>, %mul3A_382 masked %reduce_sum3A_384 : vector<16xf32>, vector<16xi1> -> vector<16xf32>
            %reduce_sum3A_386 = vector.extract %reduce_sum3A_385[15] : f32 from vector<16xf32>
            %broadcast_in_dim3A_387 = vector.broadcast %reduce_sum3A_386 : f32 to vector<16xf32>
            %exp3A_388 = math.exp %broadcast_in_dim3A_387 : vector<16xf32>
            %get3A_389 = arith.index_cast %mul3A_277 : i32 to index
            %get3A_390 = arith.constant 64 : index
            %get3A_391 = tpu.vector_load %arg20[%get3A_389, %get3A_390] {strides = array<i32>} : memref<32x128xf32, #tpu.memory_space<vmem>>, vector<16xf32>,
            %mul3A_392 = arith.mulf %get3A_391, %exp3A_388 : vector<16xf32>
            %swap3A_393 = arith.index_cast %mul3A_277 : i32 to index
            %swap3A_394 = arith.constant 64 : index
            %swap3A_395 = tpu.vector_load %arg24[%swap3A_393, %swap3A_394] {strides = array<i32>} : memref<32x128xf32, #tpu.memory_space<vmem>>, vector<16xf32>,
            tpu.vector_store %arg24[%swap3A_393, %swap3A_394], %mul3A_392 {strides = array<i32>} : memref<32x128xf32, #tpu.memory_space<vmem>>, vector<16xf32>,
            %eq3A_396 = arith.constant 4 : i32
            %eq3A_397 = vector.broadcast %eq3A_396 : i32 to vector<16xi32>
            %eq3A_398 = arith.cmpi eq, %iota3A, %eq3A_397 : vector<16xi32>
            %select_n3A_399 = arith.select %eq3A_398, %exp3A_388, %select_n3A_375 : vector<16xi1>, vector<16xf32>
            %get3A_400 = arith.index_cast %mul3A_277 : i32 to index
            %get3A_401 = arith.constant 80 : index
            %get3A_402 = tpu.vector_load %arg18[%get3A_400, %get3A_401] {strides = array<i32>} : memref<32x128xf32, #tpu.memory_space<vmem>>, vector<16xf32>,
            %get3A_403 = arith.index_cast %mul3A_277 : i32 to index
            %get3A_404 = arith.constant 80 : index
            %get3A_405 = tpu.vector_load %arg19[%get3A_403, %get3A_404] {strides = array<i32>} : memref<32x128xf32, #tpu.memory_space<vmem>>, vector<16xf32>,
            %mul3A_406 = arith.mulf %get3A_402, %get3A_405 : vector<16xf32>
            %reduce_sum3A_407 = arith.constant true
            %reduce_sum3A_408 = vector.broadcast %reduce_sum3A_407 : i1 to vector<16xi1>
            %reduce_sum3A_409 = tpu.scan <sum>, %mul3A_406 masked %reduce_sum3A_408 : vector<16xf32>, vector<16xi1> -> vector<16xf32>
            %reduce_sum3A_410 = vector.extract %reduce_sum3A_409[15] : f32 from vector<16xf32>
            %broadcast_in_dim3A_411 = vector.broadcast %reduce_sum3A_410 : f32 to vector<16xf32>
            %exp3A_412 = math.exp %broadcast_in_dim3A_411 : vector<16xf32>
            %get3A_413 = arith.index_cast %mul3A_277 : i32 to index
            %get3A_414 = arith.constant 80 : index
            %get3A_415 = tpu.vector_load %arg20[%get3A_413, %get3A_414] {strides = array<i32>} : memref<32x128xf32, #tpu.memory_space<vmem>>, vector<16xf32>,
            %mul3A_416 = arith.mulf %get3A_415, %exp3A_412 : vector<16xf32>
            %swap3A_417 = arith.index_cast %mul3A_277 : i32 to index
            %swap3A_418 = arith.constant 80 : index
            %swap3A_419 = tpu.vector_load %arg24[%swap3A_417, %swap3A_418] {strides = array<i32>} : memref<32x128xf32, #tpu.memory_space<vmem>>, vector<16xf32>,
            tpu.vector_store %arg24[%swap3A_417, %swap3A_418], %mul3A_416 {strides = array<i32>} : memref<32x128xf32, #tpu.memory_space<vmem>>, vector<16xf32>,
            %eq3A_420 = arith.constant 5 : i32
            %eq3A_421 = vector.broadcast %eq3A_420 : i32 to vector<16xi32>
            %eq3A_422 = arith.cmpi eq, %iota3A, %eq3A_421 : vector<16xi32>
            %select_n3A_423 = arith.select %eq3A_422, %exp3A_412, %select_n3A_399 : vector<16xi1>, vector<16xf32>
            %get3A_424 = arith.index_cast %mul3A_277 : i32 to index
            %get3A_425 = arith.constant 96 : index
            %get3A_426 = tpu.vector_load %arg18[%get3A_424, %get3A_425] {strides = array<i32>} : memref<32x128xf32, #tpu.memory_space<vmem>>, vector<16xf32>,
            %get3A_427 = arith.index_cast %mul3A_277 : i32 to index
            %get3A_428 = arith.constant 96 : index
            %get3A_429 = tpu.vector_load %arg19[%get3A_427, %get3A_428] {strides = array<i32>} : memref<32x128xf32, #tpu.memory_space<vmem>>, vector<16xf32>,
            %mul3A_430 = arith.mulf %get3A_426, %get3A_429 : vector<16xf32>
            %reduce_sum3A_431 = arith.constant true
            %reduce_sum3A_432 = vector.broadcast %reduce_sum3A_431 : i1 to vector<16xi1>
            %reduce_sum3A_433 = tpu.scan <sum>, %mul3A_430 masked %reduce_sum3A_432 : vector<16xf32>, vector<16xi1> -> vector<16xf32>
            %reduce_sum3A_434 = vector.extract %reduce_sum3A_433[15] : f32 from vector<16xf32>
            %broadcast_in_dim3A_435 = vector.broadcast %reduce_sum3A_434 : f32 to vector<16xf32>
            %exp3A_436 = math.exp %broadcast_in_dim3A_435 : vector<16xf32>
            %get3A_437 = arith.index_cast %mul3A_277 : i32 to index
            %get3A_438 = arith.constant 96 : index
            %get3A_439 = tpu.vector_load %arg20[%get3A_437, %get3A_438] {strides = array<i32>} : memref<32x128xf32, #tpu.memory_space<vmem>>, vector<16xf32>,
            %mul3A_440 = arith.mulf %get3A_439, %exp3A_436 : vector<16xf32>
            %swap3A_441 = arith.index_cast %mul3A_277 : i32 to index
            %swap3A_442 = arith.constant 96 : index
            %swap3A_443 = tpu.vector_load %arg24[%swap3A_441, %swap3A_442] {strides = array<i32>} : memref<32x128xf32, #tpu.memory_space<vmem>>, vector<16xf32>,
            tpu.vector_store %arg24[%swap3A_441, %swap3A_442], %mul3A_440 {strides = array<i32>} : memref<32x128xf32, #tpu.memory_space<vmem>>, vector<16xf32>,
            %eq3A_444 = arith.constant 6 : i32
            %eq3A_445 = vector.broadcast %eq3A_444 : i32 to vector<16xi32>
            %eq3A_446 = arith.cmpi eq, %iota3A, %eq3A_445 : vector<16xi32>
            %select_n3A_447 = arith.select %eq3A_446, %exp3A_436, %select_n3A_423 : vector<16xi1>, vector<16xf32>
            %get3A_448 = arith.index_cast %mul3A_277 : i32 to index
            %get3A_449 = arith.constant 112 : index
            %get3A_450 = tpu.vector_load %arg18[%get3A_448, %get3A_449] {strides = array<i32>} : memref<32x128xf32, #tpu.memory_space<vmem>>, vector<16xf32>,
            %get3A_451 = arith.index_cast %mul3A_277 : i32 to index
            %get3A_452 = arith.constant 112 : index
            %get3A_453 = tpu.vector_load %arg19[%get3A_451, %get3A_452] {strides = array<i32>} : memref<32x128xf32, #tpu.memory_space<vmem>>, vector<16xf32>,
            %mul3A_454 = arith.mulf %get3A_450, %get3A_453 : vector<16xf32>
            %reduce_sum3A_455 = arith.constant true
            %reduce_sum3A_456 = vector.broadcast %reduce_sum3A_455 : i1 to vector<16xi1>
            %reduce_sum3A_457 = tpu.scan <sum>, %mul3A_454 masked %reduce_sum3A_456 : vector<16xf32>, vector<16xi1> -> vector<16xf32>
            %reduce_sum3A_458 = vector.extract %reduce_sum3A_457[15] : f32 from vector<16xf32>
            %broadcast_in_dim3A_459 = vector.broadcast %reduce_sum3A_458 : f32 to vector<16xf32>
            %exp3A_460 = math.exp %broadcast_in_dim3A_459 : vector<16xf32>
            %get3A_461 = arith.index_cast %mul3A_277 : i32 to index
            %get3A_462 = arith.constant 112 : index
            %get3A_463 = tpu.vector_load %arg20[%get3A_461, %get3A_462] {strides = array<i32>} : memref<32x128xf32, #tpu.memory_space<vmem>>, vector<16xf32>,
            %mul3A_464 = arith.mulf %get3A_463, %exp3A_460 : vector<16xf32>
            %swap3A_465 = arith.index_cast %mul3A_277 : i32 to index
            %swap3A_466 = arith.constant 112 : index
            %swap3A_467 = tpu.vector_load %arg24[%swap3A_465, %swap3A_466] {strides = array<i32>} : memref<32x128xf32, #tpu.memory_space<vmem>>, vector<16xf32>,
            tpu.vector_store %arg24[%swap3A_465, %swap3A_466], %mul3A_464 {strides = array<i32>} : memref<32x128xf32, #tpu.memory_space<vmem>>, vector<16xf32>,
            %eq3A_468 = arith.constant 7 : i32
            %eq3A_469 = vector.broadcast %eq3A_468 : i32 to vector<16xi32>
            %eq3A_470 = arith.cmpi eq, %iota3A, %eq3A_469 : vector<16xi32>
            %select_n3A_471 = arith.select %eq3A_470, %exp3A_460, %select_n3A_447 : vector<16xi1>, vector<16xf32>
            %swap3A_472 = arith.index_cast %mul3A_277 : i32 to index
            %swap3A_473 = arith.constant 0 : index
            %swap3A_474 = tpu.vector_load %arg25[%swap3A_472, %swap3A_473] {strides = array<i32>} : memref<32x16xf32, #tpu.memory_space<vmem>>, vector<16xf32>,
            tpu.vector_store %arg25[%swap3A_472, %swap3A_473], %select_n3A_471 {strides = array<i32>} : memref<32x16xf32, #tpu.memory_space<vmem>>, vector<16xf32>,
            %broadcast_in_dim3A_475 = arith.constant 0.000000e+00 : f32
            %broadcast_in_dim3A_476 = vector.broadcast %broadcast_in_dim3A_475 : f32 to vector<16xf32>
            %get3A_477 = arith.index_cast %add3A_281 : i32 to index
            %get3A_478 = arith.constant 0 : index
            %get3A_479 = tpu.vector_load %arg18[%get3A_477, %get3A_478] {strides = array<i32>} : memref<32x128xf32, #tpu.memory_space<vmem>>, vector<16xf32>,
            %get3A_480 = arith.index_cast %add3A_281 : i32 to index
            %get3A_481 = arith.constant 0 : index
            %get3A_482 = tpu.vector_load %arg19[%get3A_480, %get3A_481] {strides = array<i32>} : memref<32x128xf32, #tpu.memory_space<vmem>>, vector<16xf32>,
            %mul3A_483 = arith.mulf %get3A_479, %get3A_482 : vector<16xf32>
            %reduce_sum3A_484 = arith.constant true
            %reduce_sum3A_485 = vector.broadcast %reduce_sum3A_484 : i1 to vector<16xi1>
            %reduce_sum3A_486 = tpu.scan <sum>, %mul3A_483 masked %reduce_sum3A_485 : vector<16xf32>, vector<16xi1> -> vector<16xf32>
            %reduce_sum3A_487 = vector.extract %reduce_sum3A_486[15] : f32 from vector<16xf32>
            %broadcast_in_dim3A_488 = vector.broadcast %reduce_sum3A_487 : f32 to vector<16xf32>
            %exp3A_489 = math.exp %broadcast_in_dim3A_488 : vector<16xf32>
            %get3A_490 = arith.index_cast %add3A_281 : i32 to index
            %get3A_491 = arith.constant 0 : index
            %get3A_492 = tpu.vector_load %arg20[%get3A_490, %get3A_491] {strides = array<i32>} : memref<32x128xf32, #tpu.memory_space<vmem>>, vector<16xf32>,
            %mul3A_493 = arith.mulf %get3A_492, %exp3A_489 : vector<16xf32>
            %swap3A_494 = arith.index_cast %add3A_281 : i32 to index
            %swap3A_495 = arith.constant 0 : index
            %swap3A_496 = tpu.vector_load %arg24[%swap3A_494, %swap3A_495] {strides = array<i32>} : memref<32x128xf32, #tpu.memory_space<vmem>>, vector<16xf32>,
            tpu.vector_store %arg24[%swap3A_494, %swap3A_495], %mul3A_493 {strides = array<i32>} : memref<32x128xf32, #tpu.memory_space<vmem>>, vector<16xf32>,
            %eq3A_497 = arith.constant 0 : i32
            %eq3A_498 = vector.broadcast %eq3A_497 : i32 to vector<16xi32>
            %eq3A_499 = arith.cmpi eq, %iota3A, %eq3A_498 : vector<16xi32>
            %select_n3A_500 = arith.select %eq3A_499, %exp3A_489, %broadcast_in_dim3A_476 : vector<16xi1>, vector<16xf32>
            %get3A_501 = arith.index_cast %add3A_281 : i32 to index
            %get3A_502 = arith.constant 16 : index
            %get3A_503 = tpu.vector_load %arg18[%get3A_501, %get3A_502] {strides = array<i32>} : memref<32x128xf32, #tpu.memory_space<vmem>>, vector<16xf32>,
            %get3A_504 = arith.index_cast %add3A_281 : i32 to index
            %get3A_505 = arith.constant 16 : index
            %get3A_506 = tpu.vector_load %arg19[%get3A_504, %get3A_505] {strides = array<i32>} : memref<32x128xf32, #tpu.memory_space<vmem>>, vector<16xf32>,
            %mul3A_507 = arith.mulf %get3A_503, %get3A_506 : vector<16xf32>
            %reduce_sum3A_508 = arith.constant true
            %reduce_sum3A_509 = vector.broadcast %reduce_sum3A_508 : i1 to vector<16xi1>
            %reduce_sum3A_510 = tpu.scan <sum>, %mul3A_507 masked %reduce_sum3A_509 : vector<16xf32>, vector<16xi1> -> vector<16xf32>
            %reduce_sum3A_511 = vector.extract %reduce_sum3A_510[15] : f32 from vector<16xf32>
            %broadcast_in_dim3A_512 = vector.broadcast %reduce_sum3A_511 : f32 to vector<16xf32>
            %exp3A_513 = math.exp %broadcast_in_dim3A_512 : vector<16xf32>
            %get3A_514 = arith.index_cast %add3A_281 : i32 to index
            %get3A_515 = arith.constant 16 : index
            %get3A_516 = tpu.vector_load %arg20[%get3A_514, %get3A_515] {strides = array<i32>} : memref<32x128xf32, #tpu.memory_space<vmem>>, vector<16xf32>,
            %mul3A_517 = arith.mulf %get3A_516, %exp3A_513 : vector<16xf32>
            %swap3A_518 = arith.index_cast %add3A_281 : i32 to index
            %swap3A_519 = arith.constant 16 : index
            %swap3A_520 = tpu.vector_load %arg24[%swap3A_518, %swap3A_519] {strides = array<i32>} : memref<32x128xf32, #tpu.memory_space<vmem>>, vector<16xf32>,
            tpu.vector_store %arg24[%swap3A_518, %swap3A_519], %mul3A_517 {strides = array<i32>} : memref<32x128xf32, #tpu.memory_space<vmem>>, vector<16xf32>,
            %eq3A_521 = arith.constant 1 : i32
            %eq3A_522 = vector.broadcast %eq3A_521 : i32 to vector<16xi32>
            %eq3A_523 = arith.cmpi eq, %iota3A, %eq3A_522 : vector<16xi32>
            %select_n3A_524 = arith.select %eq3A_523, %exp3A_513, %select_n3A_500 : vector<16xi1>, vector<16xf32>
            %get3A_525 = arith.index_cast %add3A_281 : i32 to index
            %get3A_526 = arith.constant 32 : index
            %get3A_527 = tpu.vector_load %arg18[%get3A_525, %get3A_526] {strides = array<i32>} : memref<32x128xf32, #tpu.memory_space<vmem>>, vector<16xf32>,
            %get3A_528 = arith.index_cast %add3A_281 : i32 to index
            %get3A_529 = arith.constant 32 : index
            %get3A_530 = tpu.vector_load %arg19[%get3A_528, %get3A_529] {strides = array<i32>} : memref<32x128xf32, #tpu.memory_space<vmem>>, vector<16xf32>,
            %mul3A_531 = arith.mulf %get3A_527, %get3A_530 : vector<16xf32>
            %reduce_sum3A_532 = arith.constant true
            %reduce_sum3A_533 = vector.broadcast %reduce_sum3A_532 : i1 to vector<16xi1>
            %reduce_sum3A_534 = tpu.scan <sum>, %mul3A_531 masked %reduce_sum3A_533 : vector<16xf32>, vector<16xi1> -> vector<16xf32>
            %reduce_sum3A_535 = vector.extract %reduce_sum3A_534[15] : f32 from vector<16xf32>
            %broadcast_in_dim3A_536 = vector.broadcast %reduce_sum3A_535 : f32 to vector<16xf32>
            %exp3A_537 = math.exp %broadcast_in_dim3A_536 : vector<16xf32>
            %get3A_538 = arith.index_cast %add3A_281 : i32 to index
            %get3A_539 = arith.constant 32 : index
            %get3A_540 = tpu.vector_load %arg20[%get3A_538, %get3A_539] {strides = array<i32>} : memref<32x128xf32, #tpu.memory_space<vmem>>, vector<16xf32>,
            %mul3A_541 = arith.mulf %get3A_540, %exp3A_537 : vector<16xf32>
            %swap3A_542 = arith.index_cast %add3A_281 : i32 to index
            %swap3A_543 = arith.constant 32 : index
            %swap3A_544 = tpu.vector_load %arg24[%swap3A_542, %swap3A_543] {strides = array<i32>} : memref<32x128xf32, #tpu.memory_space<vmem>>, vector<16xf32>,
            tpu.vector_store %arg24[%swap3A_542, %swap3A_543], %mul3A_541 {strides = array<i32>} : memref<32x128xf32, #tpu.memory_space<vmem>>, vector<16xf32>,
            %eq3A_545 = arith.constant 2 : i32
            %eq3A_546 = vector.broadcast %eq3A_545 : i32 to vector<16xi32>
            %eq3A_547 = arith.cmpi eq, %iota3A, %eq3A_546 : vector<16xi32>
            %select_n3A_548 = arith.select %eq3A_547, %exp3A_537, %select_n3A_524 : vector<16xi1>, vector<16xf32>
            %get3A_549 = arith.index_cast %add3A_281 : i32 to index
            %get3A_550 = arith.constant 48 : index
            %get3A_551 = tpu.vector_load %arg18[%get3A_549, %get3A_550] {strides = array<i32>} : memref<32x128xf32, #tpu.memory_space<vmem>>, vector<16xf32>,
            %get3A_552 = arith.index_cast %add3A_281 : i32 to index
            %get3A_553 = arith.constant 48 : index
            %get3A_554 = tpu.vector_load %arg19[%get3A_552, %get3A_553] {strides = array<i32>} : memref<32x128xf32, #tpu.memory_space<vmem>>, vector<16xf32>,
            %mul3A_555 = arith.mulf %get3A_551, %get3A_554 : vector<16xf32>
            %reduce_sum3A_556 = arith.constant true
            %reduce_sum3A_557 = vector.broadcast %reduce_sum3A_556 : i1 to vector<16xi1>
            %reduce_sum3A_558 = tpu.scan <sum>, %mul3A_555 masked %reduce_sum3A_557 : vector<16xf32>, vector<16xi1> -> vector<16xf32>
            %reduce_sum3A_559 = vector.extract %reduce_sum3A_558[15] : f32 from vector<16xf32>
            %broadcast_in_dim3A_560 = vector.broadcast %reduce_sum3A_559 : f32 to vector<16xf32>
            %exp3A_561 = math.exp %broadcast_in_dim3A_560 : vector<16xf32>
            %get3A_562 = arith.index_cast %add3A_281 : i32 to index
            %get3A_563 = arith.constant 48 : index
            %get3A_564 = tpu.vector_load %arg20[%get3A_562, %get3A_563] {strides = array<i32>} : memref<32x128xf32, #tpu.memory_space<vmem>>, vector<16xf32>,
            %mul3A_565 = arith.mulf %get3A_564, %exp3A_561 : vector<16xf32>
            %swap3A_566 = arith.index_cast %add3A_281 : i32 to index
            %swap3A_567 = arith.constant 48 : index
            %swap3A_568 = tpu.vector_load %arg24[%swap3A_566, %swap3A_567] {strides = array<i32>} : memref<32x128xf32, #tpu.memory_space<vmem>>, vector<16xf32>,
            tpu.vector_store %arg24[%swap3A_566, %swap3A_567], %mul3A_565 {strides = array<i32>} : memref<32x128xf32, #tpu.memory_space<vmem>>, vector<16xf32>,
            %eq3A_569 = arith.constant 3 : i32
            %eq3A_570 = vector.broadcast %eq3A_569 : i32 to vector<16xi32>
            %eq3A_571 = arith.cmpi eq, %iota3A, %eq3A_570 : vector<16xi32>
            %select_n3A_572 = arith.select %eq3A_571, %exp3A_561, %select_n3A_548 : vector<16xi1>, vector<16xf32>
            %get3A_573 = arith.index_cast %add3A_281 : i32 to index
            %get3A_574 = arith.constant 64 : index
            %get3A_575 = tpu.vector_load %arg18[%get3A_573, %get3A_574] {strides = array<i32>} : memref<32x128xf32, #tpu.memory_space<vmem>>, vector<16xf32>,
            %get3A_576 = arith.index_cast %add3A_281 : i32 to index
            %get3A_577 = arith.constant 64 : index
            %get3A_578 = tpu.vector_load %arg19[%get3A_576, %get3A_577] {strides = array<i32>} : memref<32x128xf32, #tpu.memory_space<vmem>>, vector<16xf32>,
            %mul3A_579 = arith.mulf %get3A_575, %get3A_578 : vector<16xf32>
            %reduce_sum3A_580 = arith.constant true
            %reduce_sum3A_581 = vector.broadcast %reduce_sum3A_580 : i1 to vector<16xi1>
            %reduce_sum3A_582 = tpu.scan <sum>, %mul3A_579 masked %reduce_sum3A_581 : vector<16xf32>, vector<16xi1> -> vector<16xf32>
            %reduce_sum3A_583 = vector.extract %reduce_sum3A_582[15] : f32 from vector<16xf32>
            %broadcast_in_dim3A_584 = vector.broadcast %reduce_sum3A_583 : f32 to vector<16xf32>
            %exp3A_585 = math.exp %broadcast_in_dim3A_584 : vector<16xf32>
            %get3A_586 = arith.index_cast %add3A_281 : i32 to index
            %get3A_587 = arith.constant 64 : index
            %get3A_588 = tpu.vector_load %arg20[%get3A_586, %get3A_587] {strides = array<i32>} : memref<32x128xf32, #tpu.memory_space<vmem>>, vector<16xf32>,
            %mul3A_589 = arith.mulf %get3A_588, %exp3A_585 : vector<16xf32>
            %swap3A_590 = arith.index_cast %add3A_281 : i32 to index
            %swap3A_591 = arith.constant 64 : index
            %swap3A_592 = tpu.vector_load %arg24[%swap3A_590, %swap3A_591] {strides = array<i32>} : memref<32x128xf32, #tpu.memory_space<vmem>>, vector<16xf32>,
            tpu.vector_store %arg24[%swap3A_590, %swap3A_591], %mul3A_589 {strides = array<i32>} : memref<32x128xf32, #tpu.memory_space<vmem>>, vector<16xf32>,
            %eq3A_593 = arith.constant 4 : i32
            %eq3A_594 = vector.broadcast %eq3A_593 : i32 to vector<16xi32>
            %eq3A_595 = arith.cmpi eq, %iota3A, %eq3A_594 : vector<16xi32>
            %select_n3A_596 = arith.select %eq3A_595, %exp3A_585, %select_n3A_572 : vector<16xi1>, vector<16xf32>
            %get3A_597 = arith.index_cast %add3A_281 : i32 to index
            %get3A_598 = arith.constant 80 : index
            %get3A_599 = tpu.vector_load %arg18[%get3A_597, %get3A_598] {strides = array<i32>} : memref<32x128xf32, #tpu.memory_space<vmem>>, vector<16xf32>,
            %get3A_600 = arith.index_cast %add3A_281 : i32 to index
            %get3A_601 = arith.constant 80 : index
            %get3A_602 = tpu.vector_load %arg19[%get3A_600, %get3A_601] {strides = array<i32>} : memref<32x128xf32, #tpu.memory_space<vmem>>, vector<16xf32>,
            %mul3A_603 = arith.mulf %get3A_599, %get3A_602 : vector<16xf32>
            %reduce_sum3A_604 = arith.constant true
            %reduce_sum3A_605 = vector.broadcast %reduce_sum3A_604 : i1 to vector<16xi1>
            %reduce_sum3A_606 = tpu.scan <sum>, %mul3A_603 masked %reduce_sum3A_605 : vector<16xf32>, vector<16xi1> -> vector<16xf32>
            %reduce_sum3A_607 = vector.extract %reduce_sum3A_606[15] : f32 from vector<16xf32>
            %broadcast_in_dim3A_608 = vector.broadcast %reduce_sum3A_607 : f32 to vector<16xf32>
            %exp3A_609 = math.exp %broadcast_in_dim3A_608 : vector<16xf32>
            %get3A_610 = arith.index_cast %add3A_281 : i32 to index
            %get3A_611 = arith.constant 80 : index
            %get3A_612 = tpu.vector_load %arg20[%get3A_610, %get3A_611] {strides = array<i32>} : memref<32x128xf32, #tpu.memory_space<vmem>>, vector<16xf32>,
            %mul3A_613 = arith.mulf %get3A_612, %exp3A_609 : vector<16xf32>
            %swap3A_614 = arith.index_cast %add3A_281 : i32 to index
            %swap3A_615 = arith.constant 80 : index
            %swap3A_616 = tpu.vector_load %arg24[%swap3A_614, %swap3A_615] {strides = array<i32>} : memref<32x128xf32, #tpu.memory_space<vmem>>, vector<16xf32>,
            tpu.vector_store %arg24[%swap3A_614, %swap3A_615], %mul3A_613 {strides = array<i32>} : memref<32x128xf32, #tpu.memory_space<vmem>>, vector<16xf32>,
            %eq3A_617 = arith.constant 5 : i32
            %eq3A_618 = vector.broadcast %eq3A_617 : i32 to vector<16xi32>
            %eq3A_619 = arith.cmpi eq, %iota3A, %eq3A_618 : vector<16xi32>
            %select_n3A_620 = arith.select %eq3A_619, %exp3A_609, %select_n3A_596 : vector<16xi1>, vector<16xf32>
            %get3A_621 = arith.index_cast %add3A_281 : i32 to index
            %get3A_622 = arith.constant 96 : index
            %get3A_623 = tpu.vector_load %arg18[%get3A_621, %get3A_622] {strides = array<i32>} : memref<32x128xf32, #tpu.memory_space<vmem>>, vector<16xf32>,
            %get3A_624 = arith.index_cast %add3A_281 : i32 to index
            %get3A_625 = arith.constant 96 : index
            %get3A_626 = tpu.vector_load %arg19[%get3A_624, %get3A_625] {strides = array<i32>} : memref<32x128xf32, #tpu.memory_space<vmem>>, vector<16xf32>,
            %mul3A_627 = arith.mulf %get3A_623, %get3A_626 : vector<16xf32>
            %reduce_sum3A_628 = arith.constant true
            %reduce_sum3A_629 = vector.broadcast %reduce_sum3A_628 : i1 to vector<16xi1>
            %reduce_sum3A_630 = tpu.scan <sum>, %mul3A_627 masked %reduce_sum3A_629 : vector<16xf32>, vector<16xi1> -> vector<16xf32>
            %reduce_sum3A_631 = vector.extract %reduce_sum3A_630[15] : f32 from vector<16xf32>
            %broadcast_in_dim3A_632 = vector.broadcast %reduce_sum3A_631 : f32 to vector<16xf32>
            %exp3A_633 = math.exp %broadcast_in_dim3A_632 : vector<16xf32>
            %get3A_634 = arith.index_cast %add3A_281 : i32 to index
            %get3A_635 = arith.constant 96 : index
            %get3A_636 = tpu.vector_load %arg20[%get3A_634, %get3A_635] {strides = array<i32>} : memref<32x128xf32, #tpu.memory_space<vmem>>, vector<16xf32>,
            %mul3A_637 = arith.mulf %get3A_636, %exp3A_633 : vector<16xf32>
            %swap3A_638 = arith.index_cast %add3A_281 : i32 to index
            %swap3A_639 = arith.constant 96 : index
            %swap3A_640 = tpu.vector_load %arg24[%swap3A_638, %swap3A_639] {strides = array<i32>} : memref<32x128xf32, #tpu.memory_space<vmem>>, vector<16xf32>,
            tpu.vector_store %arg24[%swap3A_638, %swap3A_639], %mul3A_637 {strides = array<i32>} : memref<32x128xf32, #tpu.memory_space<vmem>>, vector<16xf32>,
            %eq3A_641 = arith.constant 6 : i32
            %eq3A_642 = vector.broadcast %eq3A_641 : i32 to vector<16xi32>
            %eq3A_643 = arith.cmpi eq, %iota3A, %eq3A_642 : vector<16xi32>
            %select_n3A_644 = arith.select %eq3A_643, %exp3A_633, %select_n3A_620 : vector<16xi1>, vector<16xf32>
            %get3A_645 = arith.index_cast %add3A_281 : i32 to index
            %get3A_646 = arith.constant 112 : index
            %get3A_647 = tpu.vector_load %arg18[%get3A_645, %get3A_646] {strides = array<i32>} : memref<32x128xf32, #tpu.memory_space<vmem>>, vector<16xf32>,
            %get3A_648 = arith.index_cast %add3A_281 : i32 to index
            %get3A_649 = arith.constant 112 : index
            %get3A_650 = tpu.vector_load %arg19[%get3A_648, %get3A_649] {strides = array<i32>} : memref<32x128xf32, #tpu.memory_space<vmem>>, vector<16xf32>,
            %mul3A_651 = arith.mulf %get3A_647, %get3A_650 : vector<16xf32>
            %reduce_sum3A_652 = arith.constant true
            %reduce_sum3A_653 = vector.broadcast %reduce_sum3A_652 : i1 to vector<16xi1>
            %reduce_sum3A_654 = tpu.scan <sum>, %mul3A_651 masked %reduce_sum3A_653 : vector<16xf32>, vector<16xi1> -> vector<16xf32>
            %reduce_sum3A_655 = vector.extract %reduce_sum3A_654[15] : f32 from vector<16xf32>
            %broadcast_in_dim3A_656 = vector.broadcast %reduce_sum3A_655 : f32 to vector<16xf32>
            %exp3A_657 = math.exp %broadcast_in_dim3A_656 : vector<16xf32>
            %get3A_658 = arith.index_cast %add3A_281 : i32 to index
            %get3A_659 = arith.constant 112 : index
            %get3A_660 = tpu.vector_load %arg20[%get3A_658, %get3A_659] {strides = array<i32>} : memref<32x128xf32, #tpu.memory_space<vmem>>, vector<16xf32>,
            %mul3A_661 = arith.mulf %get3A_660, %exp3A_657 : vector<16xf32>
            %swap3A_662 = arith.index_cast %add3A_281 : i32 to index
            %swap3A_663 = arith.constant 112 : index
            %swap3A_664 = tpu.vector_load %arg24[%swap3A_662, %swap3A_663] {strides = array<i32>} : memref<32x128xf32, #tpu.memory_space<vmem>>, vector<16xf32>,
            tpu.vector_store %arg24[%swap3A_662, %swap3A_663], %mul3A_661 {strides = array<i32>} : memref<32x128xf32, #tpu.memory_space<vmem>>, vector<16xf32>,
            %eq3A_665 = arith.constant 7 : i32
            %eq3A_666 = vector.broadcast %eq3A_665 : i32 to vector<16xi32>
            %eq3A_667 = arith.cmpi eq, %iota3A, %eq3A_666 : vector<16xi32>
            %select_n3A_668 = arith.select %eq3A_667, %exp3A_657, %select_n3A_644 : vector<16xi1>, vector<16xf32>
            %swap3A_669 = arith.index_cast %add3A_281 : i32 to index
            %swap3A_670 = arith.constant 0 : index
            %swap3A_671 = tpu.vector_load %arg25[%swap3A_669, %swap3A_670] {strides = array<i32>} : memref<32x16xf32, #tpu.memory_space<vmem>>, vector<16xf32>,
            tpu.vector_store %arg25[%swap3A_669, %swap3A_670], %select_n3A_668 {strides = array<i32>} : memref<32x16xf32, #tpu.memory_space<vmem>>, vector<16xf32>,
            %scan3A_672 = arith.constant 0 : i32
            scf.yield %scan3A_672 : i32
          }
          %scan3A_273 = arith.constant 16 : i32
          "tpu.region"() ({
            %run_scoped3A = tpu.sem_alloc : memref<!tpu.dma_semaphore, #tpu.memory_space<semaphore_mem>>
            %dma_start3A_274 = tpu.memref_slice %arg17[%mul3A_266] : memref<1600xi32, #tpu.memory_space<vmem>> -> memref<32xi32, #tpu.memory_space<vmem>>
            %dma_start3A_275 = arith.constant 0 : i32
            %dma_start3A_276 = arith.constant 0 : i32
            %dma_start3A_277 = tpu.memref_slice %arg26[%dma_start3A_275, %dma_start3A_276] : memref<10240x128xf32, #tpu.memory_space<vmem_shared>> -> memref<10240x128xf32, #tpu.memory_space<vmem_shared>>
            tpu.enqueue_indirect_dma source(%arg24 : memref<32x128xf32, #tpu.memory_space<vmem>>) target(%dma_start3A_277 : memref<10240x128xf32, #tpu.memory_space<vmem_shared>>) offsets(%dma_start3A_274 : memref<32xi32, #tpu.memory_space<vmem>>) semaphore(%run_scoped3A : memref<!tpu.dma_semaphore, #tpu.memory_space<semaphore_mem>>) {add = true}
            %dma_wait3A_278 = tpu.memref_slice %arg17[%mul3A_266] : memref<1600xi32, #tpu.memory_space<vmem>> -> memref<32xi32, #tpu.memory_space<vmem>>
            %dma_wait3A_279 = arith.constant 0 : i32
            %dma_wait3A_280 = arith.constant 0 : i32
            %dma_wait3A_281 = tpu.memref_slice %arg26[%dma_wait3A_279, %dma_wait3A_280] : memref<10240x128xf32, #tpu.memory_space<vmem_shared>> -> memref<10240x128xf32, #tpu.memory_space<vmem_shared>>
            tpu.wait_indirect_dma semaphore(%run_scoped3A : memref<!tpu.dma_semaphore, #tpu.memory_space<semaphore_mem>>) src(%arg24 : memref<32x128xf32, #tpu.memory_space<vmem>>) dst(%dma_wait3A_281 : memref<10240x128xf32, #tpu.memory_space<vmem_shared>>)
            tpu.yield
          }) : () -> ()
          "tpu.region"() ({
            %run_scoped3A = tpu.sem_alloc : memref<!tpu.dma_semaphore, #tpu.memory_space<semaphore_mem>>
            %dma_start3A_274 = tpu.memref_slice %arg17[%mul3A_266] : memref<1600xi32, #tpu.memory_space<vmem>> -> memref<32xi32, #tpu.memory_space<vmem>>
            %dma_start3A_275 = arith.constant 0 : i32
            %dma_start3A_276 = arith.constant 0 : i32
            %dma_start3A_277 = tpu.memref_slice %arg27[%dma_start3A_275, %dma_start3A_276] : memref<10240x16xf32, #tpu.memory_space<vmem_shared>> -> memref<10240x16xf32, #tpu.memory_space<vmem_shared>>
            tpu.enqueue_indirect_dma source(%arg25 : memref<32x16xf32, #tpu.memory_space<vmem>>) target(%dma_start3A_277 : memref<10240x16xf32, #tpu.memory_space<vmem_shared>>) offsets(%dma_start3A_274 : memref<32xi32, #tpu.memory_space<vmem>>) semaphore(%run_scoped3A : memref<!tpu.dma_semaphore, #tpu.memory_space<semaphore_mem>>) {add = true}
            %dma_wait3A_278 = tpu.memref_slice %arg17[%mul3A_266] : memref<1600xi32, #tpu.memory_space<vmem>> -> memref<32xi32, #tpu.memory_space<vmem>>
            %dma_wait3A_279 = arith.constant 0 : i32
            %dma_wait3A_280 = arith.constant 0 : i32
            %dma_wait3A_281 = tpu.memref_slice %arg27[%dma_wait3A_279, %dma_wait3A_280] : memref<10240x16xf32, #tpu.memory_space<vmem_shared>> -> memref<10240x16xf32, #tpu.memory_space<vmem_shared>>
            tpu.wait_indirect_dma semaphore(%run_scoped3A : memref<!tpu.dma_semaphore, #tpu.memory_space<semaphore_mem>>) src(%arg25 : memref<32x16xf32, #tpu.memory_space<vmem>>) dst(%dma_wait3A_281 : memref<10240x16xf32, #tpu.memory_space<vmem_shared>>)
            tpu.yield
          }) : () -> ()
        } else {
        }
        %jit3A_190 = arith.constant 2 : i32
        %eq3A_191 = arith.constant 0 : i32
        %eq3A_192 = arith.cmpi eq, %jit3A_190, %eq3A_191 : i32
        %jit3A_193 = arith.constant 1 : i32
        %select_n3A_194 = arith.select %eq3A_192, %jit3A_193, %jit3A_190 : i32
        %rem3A_195 = arith.remsi %scan3A_78, %select_n3A_194 : i32
        %ne3A_196 = arith.constant 0 : i32
        %ne3A_197 = arith.cmpi ne, %rem3A_195, %ne3A_196 : i32
        %lt3A_198 = arith.constant 0 : i32
        %lt3A_199 = arith.cmpi slt, %rem3A_195, %lt3A_198 : i32
        %lt3A_200 = arith.constant 0 : i32
        %lt3A_201 = arith.cmpi slt, %select_n3A_194, %lt3A_200 : i32
        %ne3A_202 = arith.xori %lt3A_199, %lt3A_201 : i1
        %and3A_203 = arith.andi %ne3A_202, %ne3A_197 : i1
        %add3A_204 = arith.addi %rem3A_195, %select_n3A_194 : i32
        %select_n3A_205 = arith.select %and3A_203, %add3A_204, %rem3A_195 : i32
        %eq3A_206 = arith.constant 1 : i32
        %eq3A_207 = arith.cmpi eq, %select_n3A_205, %eq3A_206 : i32
        %convert_element_type3A_208 = arith.extui %eq3A_207 : i1 to i32
        %cond3A_209 = arith.constant 0 : i32
        %cond3A_210 = arith.cmpi ne, %convert_element_type3A_208, %cond3A_209 : i32
        scf.if %cond3A_210 {
          %jit3A_220 = arith.constant 50 : i32
          %eq3A_221 = arith.constant 0 : i32
          %eq3A_222 = arith.cmpi eq, %jit3A_220, %eq3A_221 : i32
          %jit3A_223 = arith.constant 1 : i32
          %select_n3A_224 = arith.select %eq3A_222, %jit3A_223, %jit3A_220 : i32
          %rem3A_225 = arith.remsi %scan3A_78, %select_n3A_224 : i32
          %ne3A_226 = arith.constant 0 : i32
          %ne3A_227 = arith.cmpi ne, %rem3A_225, %ne3A_226 : i32
          %lt3A_228 = arith.constant 0 : i32
          %lt3A_229 = arith.cmpi slt, %rem3A_225, %lt3A_228 : i32
          %lt3A_230 = arith.constant 0 : i32
          %lt3A_231 = arith.cmpi slt, %select_n3A_224, %lt3A_230 : i32
          %ne3A_232 = arith.xori %lt3A_229, %lt3A_231 : i1
          %and3A_233 = arith.andi %ne3A_232, %ne3A_227 : i1
          %add3A_234 = arith.addi %rem3A_225, %select_n3A_224 : i32
          %select_n3A_235 = arith.select %and3A_233, %add3A_234, %rem3A_225 : i32
          %mul3A_236 = arith.constant 32 : i32
          %mul3A_237 = arith.muli %select_n3A_235, %mul3A_236 : i32
          %dma_wait3A = tpu.memref_slice %arg17[%mul3A_237] : memref<1600xi32, #tpu.memory_space<vmem>> -> memref<32xi32, #tpu.memory_space<vmem>>
          %dma_wait3A_238 = arith.constant 0 : i32
          %dma_wait3A_239 = arith.constant 0 : i32
          %dma_wait3A_240 = tpu.memref_slice %arg5[%dma_wait3A_238, %dma_wait3A_239] : memref<10000x128xf32, #tpu.memory_space<hbm>> -> memref<10000x128xf32, #tpu.memory_space<hbm>>
          tpu.wait_indirect_dma semaphore(%arg29 : memref<!tpu.dma_semaphore, #tpu.memory_space<semaphore_mem>>) src(%dma_wait3A_240 : memref<10000x128xf32, #tpu.memory_space<hbm>>) dst(%arg21 : memref<32x128xf32, #tpu.memory_space<vmem>>)
          %dma_wait3A_241 = tpu.memref_slice %arg16[%mul3A_237] : memref<1600xi32, #tpu.memory_space<vmem>> -> memref<32xi32, #tpu.memory_space<vmem>>
          %dma_wait3A_242 = arith.constant 0 : i32
          %dma_wait3A_243 = arith.constant 0 : i32
          %dma_wait3A_244 = tpu.memref_slice %arg6[%dma_wait3A_242, %dma_wait3A_243] : memref<10000x128xf32, #tpu.memory_space<hbm>> -> memref<10000x128xf32, #tpu.memory_space<hbm>>
          tpu.wait_indirect_dma semaphore(%arg29 : memref<!tpu.dma_semaphore, #tpu.memory_space<semaphore_mem>>) src(%dma_wait3A_244 : memref<10000x128xf32, #tpu.memory_space<hbm>>) dst(%arg22 : memref<32x128xf32, #tpu.memory_space<vmem>>)
          %dma_wait3A_245 = tpu.memref_slice %arg16[%mul3A_237] : memref<1600xi32, #tpu.memory_space<vmem>> -> memref<32xi32, #tpu.memory_space<vmem>>
          %dma_wait3A_246 = arith.constant 0 : i32
          %dma_wait3A_247 = arith.constant 0 : i32
          %dma_wait3A_248 = tpu.memref_slice %arg7[%dma_wait3A_246, %dma_wait3A_247] : memref<10000x128xf32, #tpu.memory_space<hbm>> -> memref<10000x128xf32, #tpu.memory_space<hbm>>
          tpu.wait_indirect_dma semaphore(%arg29 : memref<!tpu.dma_semaphore, #tpu.memory_space<semaphore_mem>>) src(%dma_wait3A_248 : memref<10000x128xf32, #tpu.memory_space<hbm>>) dst(%arg23 : memref<32x128xf32, #tpu.memory_space<vmem>>)
          %jit3A_249 = arith.constant 50 : i32
          %eq3A_250 = arith.constant 0 : i32
          %eq3A_251 = arith.cmpi eq, %jit3A_249, %eq3A_250 : i32
          %jit3A_252 = arith.constant 1 : i32
          %select_n3A_253 = arith.select %eq3A_251, %jit3A_252, %jit3A_249 : i32
          %rem3A_254 = arith.remsi %scan3A_78, %select_n3A_253 : i32
          %ne3A_255 = arith.constant 0 : i32
          %ne3A_256 = arith.cmpi ne, %rem3A_254, %ne3A_255 : i32
          %lt3A_257 = arith.constant 0 : i32
          %lt3A_258 = arith.cmpi slt, %rem3A_254, %lt3A_257 : i32
          %lt3A_259 = arith.constant 0 : i32
          %lt3A_260 = arith.cmpi slt, %select_n3A_253, %lt3A_259 : i32
          %ne3A_261 = arith.xori %lt3A_258, %lt3A_260 : i1
          %and3A_262 = arith.andi %ne3A_261, %ne3A_256 : i1
          %add3A_263 = arith.addi %rem3A_254, %select_n3A_253 : i32
          %select_n3A_264 = arith.select %and3A_262, %add3A_263, %rem3A_254 : i32
          %mul3A_265 = arith.constant 32 : i32
          %mul3A_266 = arith.muli %select_n3A_264, %mul3A_265 : i32
          %scan3A_267 = arith.constant 0 : i32
          %scan3A_268 = arith.constant 0 : i32
          %scan3A_269 = arith.constant 16 : i32
          %scan3A_270 = arith.addi %scan3A_268, %scan3A_269 : i32
          %scan3A_271 = arith.constant 1 : i32
          %scan3A_272 = scf.for %scan3A_274 = %scan3A_268 to %scan3A_270 step %scan3A_271 iter_args(%scan3A_275 = %scan3A_267) -> (i32)  : i32 {
            %mul3A_276 = arith.constant 2 : i32
            %mul3A_277 = arith.muli %mul3A_276, %scan3A_274 : i32
            %mul3A_278 = arith.constant 2 : i32
            %mul3A_279 = arith.muli %mul3A_278, %scan3A_274 : i32
            %add3A_280 = arith.constant 1 : i32
            %add3A_281 = arith.addi %mul3A_279, %add3A_280 : i32
            %broadcast_in_dim3A_282 = arith.constant 0.000000e+00 : f32
            %broadcast_in_dim3A_283 = vector.broadcast %broadcast_in_dim3A_282 : f32 to vector<16xf32>
            %get3A = arith.index_cast %mul3A_277 : i32 to index
            %get3A_284 = arith.constant 0 : index
            %get3A_285 = tpu.vector_load %arg21[%get3A, %get3A_284] {strides = array<i32>} : memref<32x128xf32, #tpu.memory_space<vmem>>, vector<16xf32>,
            %get3A_286 = arith.index_cast %mul3A_277 : i32 to index
            %get3A_287 = arith.constant 0 : index
            %get3A_288 = tpu.vector_load %arg22[%get3A_286, %get3A_287] {strides = array<i32>} : memref<32x128xf32, #tpu.memory_space<vmem>>, vector<16xf32>,
            %mul3A_289 = arith.mulf %get3A_285, %get3A_288 : vector<16xf32>
            %reduce_sum3A = arith.constant true
            %reduce_sum3A_290 = vector.broadcast %reduce_sum3A : i1 to vector<16xi1>
            %reduce_sum3A_291 = tpu.scan <sum>, %mul3A_289 masked %reduce_sum3A_290 : vector<16xf32>, vector<16xi1> -> vector<16xf32>
            %reduce_sum3A_292 = vector.extract %reduce_sum3A_291[15] : f32 from vector<16xf32>
            %broadcast_in_dim3A_293 = vector.broadcast %reduce_sum3A_292 : f32 to vector<16xf32>
            %exp3A = math.exp %broadcast_in_dim3A_293 : vector<16xf32>
            %get3A_294 = arith.index_cast %mul3A_277 : i32 to index
            %get3A_295 = arith.constant 0 : index
            %get3A_296 = tpu.vector_load %arg23[%get3A_294, %get3A_295] {strides = array<i32>} : memref<32x128xf32, #tpu.memory_space<vmem>>, vector<16xf32>,
            %mul3A_297 = arith.mulf %get3A_296, %exp3A : vector<16xf32>
            %swap3A = arith.index_cast %mul3A_277 : i32 to index
            %swap3A_298 = arith.constant 0 : index
            %swap3A_299 = tpu.vector_load %arg24[%swap3A, %swap3A_298] {strides = array<i32>} : memref<32x128xf32, #tpu.memory_space<vmem>>, vector<16xf32>,
            tpu.vector_store %arg24[%swap3A, %swap3A_298], %mul3A_297 {strides = array<i32>} : memref<32x128xf32, #tpu.memory_space<vmem>>, vector<16xf32>,
            %eq3A_300 = arith.constant 0 : i32
            %eq3A_301 = vector.broadcast %eq3A_300 : i32 to vector<16xi32>
            %eq3A_302 = arith.cmpi eq, %iota3A, %eq3A_301 : vector<16xi32>
            %select_n3A_303 = arith.select %eq3A_302, %exp3A, %broadcast_in_dim3A_283 : vector<16xi1>, vector<16xf32>
            %get3A_304 = arith.index_cast %mul3A_277 : i32 to index
            %get3A_305 = arith.constant 16 : index
            %get3A_306 = tpu.vector_load %arg21[%get3A_304, %get3A_305] {strides = array<i32>} : memref<32x128xf32, #tpu.memory_space<vmem>>, vector<16xf32>,
            %get3A_307 = arith.index_cast %mul3A_277 : i32 to index
            %get3A_308 = arith.constant 16 : index
            %get3A_309 = tpu.vector_load %arg22[%get3A_307, %get3A_308] {strides = array<i32>} : memref<32x128xf32, #tpu.memory_space<vmem>>, vector<16xf32>,
            %mul3A_310 = arith.mulf %get3A_306, %get3A_309 : vector<16xf32>
            %reduce_sum3A_311 = arith.constant true
            %reduce_sum3A_312 = vector.broadcast %reduce_sum3A_311 : i1 to vector<16xi1>
            %reduce_sum3A_313 = tpu.scan <sum>, %mul3A_310 masked %reduce_sum3A_312 : vector<16xf32>, vector<16xi1> -> vector<16xf32>
            %reduce_sum3A_314 = vector.extract %reduce_sum3A_313[15] : f32 from vector<16xf32>
            %broadcast_in_dim3A_315 = vector.broadcast %reduce_sum3A_314 : f32 to vector<16xf32>
            %exp3A_316 = math.exp %broadcast_in_dim3A_315 : vector<16xf32>
            %get3A_317 = arith.index_cast %mul3A_277 : i32 to index
            %get3A_318 = arith.constant 16 : index
            %get3A_319 = tpu.vector_load %arg23[%get3A_317, %get3A_318] {strides = array<i32>} : memref<32x128xf32, #tpu.memory_space<vmem>>, vector<16xf32>,
            %mul3A_320 = arith.mulf %get3A_319, %exp3A_316 : vector<16xf32>
            %swap3A_321 = arith.index_cast %mul3A_277 : i32 to index
            %swap3A_322 = arith.constant 16 : index
            %swap3A_323 = tpu.vector_load %arg24[%swap3A_321, %swap3A_322] {strides = array<i32>} : memref<32x128xf32, #tpu.memory_space<vmem>>, vector<16xf32>,
            tpu.vector_store %arg24[%swap3A_321, %swap3A_322], %mul3A_320 {strides = array<i32>} : memref<32x128xf32, #tpu.memory_space<vmem>>, vector<16xf32>,
            %eq3A_324 = arith.constant 1 : i32
            %eq3A_325 = vector.broadcast %eq3A_324 : i32 to vector<16xi32>
            %eq3A_326 = arith.cmpi eq, %iota3A, %eq3A_325 : vector<16xi32>
            %select_n3A_327 = arith.select %eq3A_326, %exp3A_316, %select_n3A_303 : vector<16xi1>, vector<16xf32>
            %get3A_328 = arith.index_cast %mul3A_277 : i32 to index
            %get3A_329 = arith.constant 32 : index
            %get3A_330 = tpu.vector_load %arg21[%get3A_328, %get3A_329] {strides = array<i32>} : memref<32x128xf32, #tpu.memory_space<vmem>>, vector<16xf32>,
            %get3A_331 = arith.index_cast %mul3A_277 : i32 to index
            %get3A_332 = arith.constant 32 : index
            %get3A_333 = tpu.vector_load %arg22[%get3A_331, %get3A_332] {strides = array<i32>} : memref<32x128xf32, #tpu.memory_space<vmem>>, vector<16xf32>,
            %mul3A_334 = arith.mulf %get3A_330, %get3A_333 : vector<16xf32>
            %reduce_sum3A_335 = arith.constant true
            %reduce_sum3A_336 = vector.broadcast %reduce_sum3A_335 : i1 to vector<16xi1>
            %reduce_sum3A_337 = tpu.scan <sum>, %mul3A_334 masked %reduce_sum3A_336 : vector<16xf32>, vector<16xi1> -> vector<16xf32>
            %reduce_sum3A_338 = vector.extract %reduce_sum3A_337[15] : f32 from vector<16xf32>
            %broadcast_in_dim3A_339 = vector.broadcast %reduce_sum3A_338 : f32 to vector<16xf32>
            %exp3A_340 = math.exp %broadcast_in_dim3A_339 : vector<16xf32>
            %get3A_341 = arith.index_cast %mul3A_277 : i32 to index
            %get3A_342 = arith.constant 32 : index
            %get3A_343 = tpu.vector_load %arg23[%get3A_341, %get3A_342] {strides = array<i32>} : memref<32x128xf32, #tpu.memory_space<vmem>>, vector<16xf32>,
            %mul3A_344 = arith.mulf %get3A_343, %exp3A_340 : vector<16xf32>
            %swap3A_345 = arith.index_cast %mul3A_277 : i32 to index
            %swap3A_346 = arith.constant 32 : index
            %swap3A_347 = tpu.vector_load %arg24[%swap3A_345, %swap3A_346] {strides = array<i32>} : memref<32x128xf32, #tpu.memory_space<vmem>>, vector<16xf32>,
            tpu.vector_store %arg24[%swap3A_345, %swap3A_346], %mul3A_344 {strides = array<i32>} : memref<32x128xf32, #tpu.memory_space<vmem>>, vector<16xf32>,
            %eq3A_348 = arith.constant 2 : i32
            %eq3A_349 = vector.broadcast %eq3A_348 : i32 to vector<16xi32>
            %eq3A_350 = arith.cmpi eq, %iota3A, %eq3A_349 : vector<16xi32>
            %select_n3A_351 = arith.select %eq3A_350, %exp3A_340, %select_n3A_327 : vector<16xi1>, vector<16xf32>
            %get3A_352 = arith.index_cast %mul3A_277 : i32 to index
            %get3A_353 = arith.constant 48 : index
            %get3A_354 = tpu.vector_load %arg21[%get3A_352, %get3A_353] {strides = array<i32>} : memref<32x128xf32, #tpu.memory_space<vmem>>, vector<16xf32>,
            %get3A_355 = arith.index_cast %mul3A_277 : i32 to index
            %get3A_356 = arith.constant 48 : index
            %get3A_357 = tpu.vector_load %arg22[%get3A_355, %get3A_356] {strides = array<i32>} : memref<32x128xf32, #tpu.memory_space<vmem>>, vector<16xf32>,
            %mul3A_358 = arith.mulf %get3A_354, %get3A_357 : vector<16xf32>
            %reduce_sum3A_359 = arith.constant true
            %reduce_sum3A_360 = vector.broadcast %reduce_sum3A_359 : i1 to vector<16xi1>
            %reduce_sum3A_361 = tpu.scan <sum>, %mul3A_358 masked %reduce_sum3A_360 : vector<16xf32>, vector<16xi1> -> vector<16xf32>
            %reduce_sum3A_362 = vector.extract %reduce_sum3A_361[15] : f32 from vector<16xf32>
            %broadcast_in_dim3A_363 = vector.broadcast %reduce_sum3A_362 : f32 to vector<16xf32>
            %exp3A_364 = math.exp %broadcast_in_dim3A_363 : vector<16xf32>
            %get3A_365 = arith.index_cast %mul3A_277 : i32 to index
            %get3A_366 = arith.constant 48 : index
            %get3A_367 = tpu.vector_load %arg23[%get3A_365, %get3A_366] {strides = array<i32>} : memref<32x128xf32, #tpu.memory_space<vmem>>, vector<16xf32>,
            %mul3A_368 = arith.mulf %get3A_367, %exp3A_364 : vector<16xf32>
            %swap3A_369 = arith.index_cast %mul3A_277 : i32 to index
            %swap3A_370 = arith.constant 48 : index
            %swap3A_371 = tpu.vector_load %arg24[%swap3A_369, %swap3A_370] {strides = array<i32>} : memref<32x128xf32, #tpu.memory_space<vmem>>, vector<16xf32>,
            tpu.vector_store %arg24[%swap3A_369, %swap3A_370], %mul3A_368 {strides = array<i32>} : memref<32x128xf32, #tpu.memory_space<vmem>>, vector<16xf32>,
            %eq3A_372 = arith.constant 3 : i32
            %eq3A_373 = vector.broadcast %eq3A_372 : i32 to vector<16xi32>
            %eq3A_374 = arith.cmpi eq, %iota3A, %eq3A_373 : vector<16xi32>
            %select_n3A_375 = arith.select %eq3A_374, %exp3A_364, %select_n3A_351 : vector<16xi1>, vector<16xf32>
            %get3A_376 = arith.index_cast %mul3A_277 : i32 to index
            %get3A_377 = arith.constant 64 : index
            %get3A_378 = tpu.vector_load %arg21[%get3A_376, %get3A_377] {strides = array<i32>} : memref<32x128xf32, #tpu.memory_space<vmem>>, vector<16xf32>,
            %get3A_379 = arith.index_cast %mul3A_277 : i32 to index
            %get3A_380 = arith.constant 64 : index
            %get3A_381 = tpu.vector_load %arg22[%get3A_379, %get3A_380] {strides = array<i32>} : memref<32x128xf32, #tpu.memory_space<vmem>>, vector<16xf32>,
            %mul3A_382 = arith.mulf %get3A_378, %get3A_381 : vector<16xf32>
            %reduce_sum3A_383 = arith.constant true
            %reduce_sum3A_384 = vector.broadcast %reduce_sum3A_383 : i1 to vector<16xi1>
            %reduce_sum3A_385 = tpu.scan <sum>, %mul3A_382 masked %reduce_sum3A_384 : vector<16xf32>, vector<16xi1> -> vector<16xf32>
            %reduce_sum3A_386 = vector.extract %reduce_sum3A_385[15] : f32 from vector<16xf32>
            %broadcast_in_dim3A_387 = vector.broadcast %reduce_sum3A_386 : f32 to vector<16xf32>
            %exp3A_388 = math.exp %broadcast_in_dim3A_387 : vector<16xf32>
            %get3A_389 = arith.index_cast %mul3A_277 : i32 to index
            %get3A_390 = arith.constant 64 : index
            %get3A_391 = tpu.vector_load %arg23[%get3A_389, %get3A_390] {strides = array<i32>} : memref<32x128xf32, #tpu.memory_space<vmem>>, vector<16xf32>,
            %mul3A_392 = arith.mulf %get3A_391, %exp3A_388 : vector<16xf32>
            %swap3A_393 = arith.index_cast %mul3A_277 : i32 to index
            %swap3A_394 = arith.constant 64 : index
            %swap3A_395 = tpu.vector_load %arg24[%swap3A_393, %swap3A_394] {strides = array<i32>} : memref<32x128xf32, #tpu.memory_space<vmem>>, vector<16xf32>,
            tpu.vector_store %arg24[%swap3A_393, %swap3A_394], %mul3A_392 {strides = array<i32>} : memref<32x128xf32, #tpu.memory_space<vmem>>, vector<16xf32>,
            %eq3A_396 = arith.constant 4 : i32
            %eq3A_397 = vector.broadcast %eq3A_396 : i32 to vector<16xi32>
            %eq3A_398 = arith.cmpi eq, %iota3A, %eq3A_397 : vector<16xi32>
            %select_n3A_399 = arith.select %eq3A_398, %exp3A_388, %select_n3A_375 : vector<16xi1>, vector<16xf32>
            %get3A_400 = arith.index_cast %mul3A_277 : i32 to index
            %get3A_401 = arith.constant 80 : index
            %get3A_402 = tpu.vector_load %arg21[%get3A_400, %get3A_401] {strides = array<i32>} : memref<32x128xf32, #tpu.memory_space<vmem>>, vector<16xf32>,
            %get3A_403 = arith.index_cast %mul3A_277 : i32 to index
            %get3A_404 = arith.constant 80 : index
            %get3A_405 = tpu.vector_load %arg22[%get3A_403, %get3A_404] {strides = array<i32>} : memref<32x128xf32, #tpu.memory_space<vmem>>, vector<16xf32>,
            %mul3A_406 = arith.mulf %get3A_402, %get3A_405 : vector<16xf32>
            %reduce_sum3A_407 = arith.constant true
            %reduce_sum3A_408 = vector.broadcast %reduce_sum3A_407 : i1 to vector<16xi1>
            %reduce_sum3A_409 = tpu.scan <sum>, %mul3A_406 masked %reduce_sum3A_408 : vector<16xf32>, vector<16xi1> -> vector<16xf32>
            %reduce_sum3A_410 = vector.extract %reduce_sum3A_409[15] : f32 from vector<16xf32>
            %broadcast_in_dim3A_411 = vector.broadcast %reduce_sum3A_410 : f32 to vector<16xf32>
            %exp3A_412 = math.exp %broadcast_in_dim3A_411 : vector<16xf32>
            %get3A_413 = arith.index_cast %mul3A_277 : i32 to index
            %get3A_414 = arith.constant 80 : index
            %get3A_415 = tpu.vector_load %arg23[%get3A_413, %get3A_414] {strides = array<i32>} : memref<32x128xf32, #tpu.memory_space<vmem>>, vector<16xf32>,
            %mul3A_416 = arith.mulf %get3A_415, %exp3A_412 : vector<16xf32>
            %swap3A_417 = arith.index_cast %mul3A_277 : i32 to index
            %swap3A_418 = arith.constant 80 : index
            %swap3A_419 = tpu.vector_load %arg24[%swap3A_417, %swap3A_418] {strides = array<i32>} : memref<32x128xf32, #tpu.memory_space<vmem>>, vector<16xf32>,
            tpu.vector_store %arg24[%swap3A_417, %swap3A_418], %mul3A_416 {strides = array<i32>} : memref<32x128xf32, #tpu.memory_space<vmem>>, vector<16xf32>,
            %eq3A_420 = arith.constant 5 : i32
            %eq3A_421 = vector.broadcast %eq3A_420 : i32 to vector<16xi32>
            %eq3A_422 = arith.cmpi eq, %iota3A, %eq3A_421 : vector<16xi32>
            %select_n3A_423 = arith.select %eq3A_422, %exp3A_412, %select_n3A_399 : vector<16xi1>, vector<16xf32>
            %get3A_424 = arith.index_cast %mul3A_277 : i32 to index
            %get3A_425 = arith.constant 96 : index
            %get3A_426 = tpu.vector_load %arg21[%get3A_424, %get3A_425] {strides = array<i32>} : memref<32x128xf32, #tpu.memory_space<vmem>>, vector<16xf32>,
            %get3A_427 = arith.index_cast %mul3A_277 : i32 to index
            %get3A_428 = arith.constant 96 : index
            %get3A_429 = tpu.vector_load %arg22[%get3A_427, %get3A_428] {strides = array<i32>} : memref<32x128xf32, #tpu.memory_space<vmem>>, vector<16xf32>,
            %mul3A_430 = arith.mulf %get3A_426, %get3A_429 : vector<16xf32>
            %reduce_sum3A_431 = arith.constant true
            %reduce_sum3A_432 = vector.broadcast %reduce_sum3A_431 : i1 to vector<16xi1>
            %reduce_sum3A_433 = tpu.scan <sum>, %mul3A_430 masked %reduce_sum3A_432 : vector<16xf32>, vector<16xi1> -> vector<16xf32>
            %reduce_sum3A_434 = vector.extract %reduce_sum3A_433[15] : f32 from vector<16xf32>
            %broadcast_in_dim3A_435 = vector.broadcast %reduce_sum3A_434 : f32 to vector<16xf32>
            %exp3A_436 = math.exp %broadcast_in_dim3A_435 : vector<16xf32>
            %get3A_437 = arith.index_cast %mul3A_277 : i32 to index
            %get3A_438 = arith.constant 96 : index
            %get3A_439 = tpu.vector_load %arg23[%get3A_437, %get3A_438] {strides = array<i32>} : memref<32x128xf32, #tpu.memory_space<vmem>>, vector<16xf32>,
            %mul3A_440 = arith.mulf %get3A_439, %exp3A_436 : vector<16xf32>
            %swap3A_441 = arith.index_cast %mul3A_277 : i32 to index
            %swap3A_442 = arith.constant 96 : index
            %swap3A_443 = tpu.vector_load %arg24[%swap3A_441, %swap3A_442] {strides = array<i32>} : memref<32x128xf32, #tpu.memory_space<vmem>>, vector<16xf32>,
            tpu.vector_store %arg24[%swap3A_441, %swap3A_442], %mul3A_440 {strides = array<i32>} : memref<32x128xf32, #tpu.memory_space<vmem>>, vector<16xf32>,
            %eq3A_444 = arith.constant 6 : i32
            %eq3A_445 = vector.broadcast %eq3A_444 : i32 to vector<16xi32>
            %eq3A_446 = arith.cmpi eq, %iota3A, %eq3A_445 : vector<16xi32>
            %select_n3A_447 = arith.select %eq3A_446, %exp3A_436, %select_n3A_423 : vector<16xi1>, vector<16xf32>
            %get3A_448 = arith.index_cast %mul3A_277 : i32 to index
            %get3A_449 = arith.constant 112 : index
            %get3A_450 = tpu.vector_load %arg21[%get3A_448, %get3A_449] {strides = array<i32>} : memref<32x128xf32, #tpu.memory_space<vmem>>, vector<16xf32>,
            %get3A_451 = arith.index_cast %mul3A_277 : i32 to index
            %get3A_452 = arith.constant 112 : index
            %get3A_453 = tpu.vector_load %arg22[%get3A_451, %get3A_452] {strides = array<i32>} : memref<32x128xf32, #tpu.memory_space<vmem>>, vector<16xf32>,
            %mul3A_454 = arith.mulf %get3A_450, %get3A_453 : vector<16xf32>
            %reduce_sum3A_455 = arith.constant true
            %reduce_sum3A_456 = vector.broadcast %reduce_sum3A_455 : i1 to vector<16xi1>
            %reduce_sum3A_457 = tpu.scan <sum>, %mul3A_454 masked %reduce_sum3A_456 : vector<16xf32>, vector<16xi1> -> vector<16xf32>
            %reduce_sum3A_458 = vector.extract %reduce_sum3A_457[15] : f32 from vector<16xf32>
            %broadcast_in_dim3A_459 = vector.broadcast %reduce_sum3A_458 : f32 to vector<16xf32>
            %exp3A_460 = math.exp %broadcast_in_dim3A_459 : vector<16xf32>
            %get3A_461 = arith.index_cast %mul3A_277 : i32 to index
            %get3A_462 = arith.constant 112 : index
            %get3A_463 = tpu.vector_load %arg23[%get3A_461, %get3A_462] {strides = array<i32>} : memref<32x128xf32, #tpu.memory_space<vmem>>, vector<16xf32>,
            %mul3A_464 = arith.mulf %get3A_463, %exp3A_460 : vector<16xf32>
            %swap3A_465 = arith.index_cast %mul3A_277 : i32 to index
            %swap3A_466 = arith.constant 112 : index
            %swap3A_467 = tpu.vector_load %arg24[%swap3A_465, %swap3A_466] {strides = array<i32>} : memref<32x128xf32, #tpu.memory_space<vmem>>, vector<16xf32>,
            tpu.vector_store %arg24[%swap3A_465, %swap3A_466], %mul3A_464 {strides = array<i32>} : memref<32x128xf32, #tpu.memory_space<vmem>>, vector<16xf32>,
            %eq3A_468 = arith.constant 7 : i32
            %eq3A_469 = vector.broadcast %eq3A_468 : i32 to vector<16xi32>
            %eq3A_470 = arith.cmpi eq, %iota3A, %eq3A_469 : vector<16xi32>
            %select_n3A_471 = arith.select %eq3A_470, %exp3A_460, %select_n3A_447 : vector<16xi1>, vector<16xf32>
            %swap3A_472 = arith.index_cast %mul3A_277 : i32 to index
            %swap3A_473 = arith.constant 0 : index
            %swap3A_474 = tpu.vector_load %arg25[%swap3A_472, %swap3A_473] {strides = array<i32>} : memref<32x16xf32, #tpu.memory_space<vmem>>, vector<16xf32>,
            tpu.vector_store %arg25[%swap3A_472, %swap3A_473], %select_n3A_471 {strides = array<i32>} : memref<32x16xf32, #tpu.memory_space<vmem>>, vector<16xf32>,
            %broadcast_in_dim3A_475 = arith.constant 0.000000e+00 : f32
            %broadcast_in_dim3A_476 = vector.broadcast %broadcast_in_dim3A_475 : f32 to vector<16xf32>
            %get3A_477 = arith.index_cast %add3A_281 : i32 to index
            %get3A_478 = arith.constant 0 : index
            %get3A_479 = tpu.vector_load %arg21[%get3A_477, %get3A_478] {strides = array<i32>} : memref<32x128xf32, #tpu.memory_space<vmem>>, vector<16xf32>,
            %get3A_480 = arith.index_cast %add3A_281 : i32 to index
            %get3A_481 = arith.constant 0 : index
            %get3A_482 = tpu.vector_load %arg22[%get3A_480, %get3A_481] {strides = array<i32>} : memref<32x128xf32, #tpu.memory_space<vmem>>, vector<16xf32>,
            %mul3A_483 = arith.mulf %get3A_479, %get3A_482 : vector<16xf32>
            %reduce_sum3A_484 = arith.constant true
            %reduce_sum3A_485 = vector.broadcast %reduce_sum3A_484 : i1 to vector<16xi1>
            %reduce_sum3A_486 = tpu.scan <sum>, %mul3A_483 masked %reduce_sum3A_485 : vector<16xf32>, vector<16xi1> -> vector<16xf32>
            %reduce_sum3A_487 = vector.extract %reduce_sum3A_486[15] : f32 from vector<16xf32>
            %broadcast_in_dim3A_488 = vector.broadcast %reduce_sum3A_487 : f32 to vector<16xf32>
            %exp3A_489 = math.exp %broadcast_in_dim3A_488 : vector<16xf32>
            %get3A_490 = arith.index_cast %add3A_281 : i32 to index
            %get3A_491 = arith.constant 0 : index
            %get3A_492 = tpu.vector_load %arg23[%get3A_490, %get3A_491] {strides = array<i32>} : memref<32x128xf32, #tpu.memory_space<vmem>>, vector<16xf32>,
            %mul3A_493 = arith.mulf %get3A_492, %exp3A_489 : vector<16xf32>
            %swap3A_494 = arith.index_cast %add3A_281 : i32 to index
            %swap3A_495 = arith.constant 0 : index
            %swap3A_496 = tpu.vector_load %arg24[%swap3A_494, %swap3A_495] {strides = array<i32>} : memref<32x128xf32, #tpu.memory_space<vmem>>, vector<16xf32>,
            tpu.vector_store %arg24[%swap3A_494, %swap3A_495], %mul3A_493 {strides = array<i32>} : memref<32x128xf32, #tpu.memory_space<vmem>>, vector<16xf32>,
            %eq3A_497 = arith.constant 0 : i32
            %eq3A_498 = vector.broadcast %eq3A_497 : i32 to vector<16xi32>
            %eq3A_499 = arith.cmpi eq, %iota3A, %eq3A_498 : vector<16xi32>
            %select_n3A_500 = arith.select %eq3A_499, %exp3A_489, %broadcast_in_dim3A_476 : vector<16xi1>, vector<16xf32>
            %get3A_501 = arith.index_cast %add3A_281 : i32 to index
            %get3A_502 = arith.constant 16 : index
            %get3A_503 = tpu.vector_load %arg21[%get3A_501, %get3A_502] {strides = array<i32>} : memref<32x128xf32, #tpu.memory_space<vmem>>, vector<16xf32>,
            %get3A_504 = arith.index_cast %add3A_281 : i32 to index
            %get3A_505 = arith.constant 16 : index
            %get3A_506 = tpu.vector_load %arg22[%get3A_504, %get3A_505] {strides = array<i32>} : memref<32x128xf32, #tpu.memory_space<vmem>>, vector<16xf32>,
            %mul3A_507 = arith.mulf %get3A_503, %get3A_506 : vector<16xf32>
            %reduce_sum3A_508 = arith.constant true
            %reduce_sum3A_509 = vector.broadcast %reduce_sum3A_508 : i1 to vector<16xi1>
            %reduce_sum3A_510 = tpu.scan <sum>, %mul3A_507 masked %reduce_sum3A_509 : vector<16xf32>, vector<16xi1> -> vector<16xf32>
            %reduce_sum3A_511 = vector.extract %reduce_sum3A_510[15] : f32 from vector<16xf32>
            %broadcast_in_dim3A_512 = vector.broadcast %reduce_sum3A_511 : f32 to vector<16xf32>
            %exp3A_513 = math.exp %broadcast_in_dim3A_512 : vector<16xf32>
            %get3A_514 = arith.index_cast %add3A_281 : i32 to index
            %get3A_515 = arith.constant 16 : index
            %get3A_516 = tpu.vector_load %arg23[%get3A_514, %get3A_515] {strides = array<i32>} : memref<32x128xf32, #tpu.memory_space<vmem>>, vector<16xf32>,
            %mul3A_517 = arith.mulf %get3A_516, %exp3A_513 : vector<16xf32>
            %swap3A_518 = arith.index_cast %add3A_281 : i32 to index
            %swap3A_519 = arith.constant 16 : index
            %swap3A_520 = tpu.vector_load %arg24[%swap3A_518, %swap3A_519] {strides = array<i32>} : memref<32x128xf32, #tpu.memory_space<vmem>>, vector<16xf32>,
            tpu.vector_store %arg24[%swap3A_518, %swap3A_519], %mul3A_517 {strides = array<i32>} : memref<32x128xf32, #tpu.memory_space<vmem>>, vector<16xf32>,
            %eq3A_521 = arith.constant 1 : i32
            %eq3A_522 = vector.broadcast %eq3A_521 : i32 to vector<16xi32>
            %eq3A_523 = arith.cmpi eq, %iota3A, %eq3A_522 : vector<16xi32>
            %select_n3A_524 = arith.select %eq3A_523, %exp3A_513, %select_n3A_500 : vector<16xi1>, vector<16xf32>
            %get3A_525 = arith.index_cast %add3A_281 : i32 to index
            %get3A_526 = arith.constant 32 : index
            %get3A_527 = tpu.vector_load %arg21[%get3A_525, %get3A_526] {strides = array<i32>} : memref<32x128xf32, #tpu.memory_space<vmem>>, vector<16xf32>,
            %get3A_528 = arith.index_cast %add3A_281 : i32 to index
            %get3A_529 = arith.constant 32 : index
            %get3A_530 = tpu.vector_load %arg22[%get3A_528, %get3A_529] {strides = array<i32>} : memref<32x128xf32, #tpu.memory_space<vmem>>, vector<16xf32>,
            %mul3A_531 = arith.mulf %get3A_527, %get3A_530 : vector<16xf32>
            %reduce_sum3A_532 = arith.constant true
            %reduce_sum3A_533 = vector.broadcast %reduce_sum3A_532 : i1 to vector<16xi1>
            %reduce_sum3A_534 = tpu.scan <sum>, %mul3A_531 masked %reduce_sum3A_533 : vector<16xf32>, vector<16xi1> -> vector<16xf32>
            %reduce_sum3A_535 = vector.extract %reduce_sum3A_534[15] : f32 from vector<16xf32>
            %broadcast_in_dim3A_536 = vector.broadcast %reduce_sum3A_535 : f32 to vector<16xf32>
            %exp3A_537 = math.exp %broadcast_in_dim3A_536 : vector<16xf32>
            %get3A_538 = arith.index_cast %add3A_281 : i32 to index
            %get3A_539 = arith.constant 32 : index
            %get3A_540 = tpu.vector_load %arg23[%get3A_538, %get3A_539] {strides = array<i32>} : memref<32x128xf32, #tpu.memory_space<vmem>>, vector<16xf32>,
            %mul3A_541 = arith.mulf %get3A_540, %exp3A_537 : vector<16xf32>
            %swap3A_542 = arith.index_cast %add3A_281 : i32 to index
            %swap3A_543 = arith.constant 32 : index
            %swap3A_544 = tpu.vector_load %arg24[%swap3A_542, %swap3A_543] {strides = array<i32>} : memref<32x128xf32, #tpu.memory_space<vmem>>, vector<16xf32>,
            tpu.vector_store %arg24[%swap3A_542, %swap3A_543], %mul3A_541 {strides = array<i32>} : memref<32x128xf32, #tpu.memory_space<vmem>>, vector<16xf32>,
            %eq3A_545 = arith.constant 2 : i32
            %eq3A_546 = vector.broadcast %eq3A_545 : i32 to vector<16xi32>
            %eq3A_547 = arith.cmpi eq, %iota3A, %eq3A_546 : vector<16xi32>
            %select_n3A_548 = arith.select %eq3A_547, %exp3A_537, %select_n3A_524 : vector<16xi1>, vector<16xf32>
            %get3A_549 = arith.index_cast %add3A_281 : i32 to index
            %get3A_550 = arith.constant 48 : index
            %get3A_551 = tpu.vector_load %arg21[%get3A_549, %get3A_550] {strides = array<i32>} : memref<32x128xf32, #tpu.memory_space<vmem>>, vector<16xf32>,
            %get3A_552 = arith.index_cast %add3A_281 : i32 to index
            %get3A_553 = arith.constant 48 : index
            %get3A_554 = tpu.vector_load %arg22[%get3A_552, %get3A_553] {strides = array<i32>} : memref<32x128xf32, #tpu.memory_space<vmem>>, vector<16xf32>,
            %mul3A_555 = arith.mulf %get3A_551, %get3A_554 : vector<16xf32>
            %reduce_sum3A_556 = arith.constant true
            %reduce_sum3A_557 = vector.broadcast %reduce_sum3A_556 : i1 to vector<16xi1>
            %reduce_sum3A_558 = tpu.scan <sum>, %mul3A_555 masked %reduce_sum3A_557 : vector<16xf32>, vector<16xi1> -> vector<16xf32>
            %reduce_sum3A_559 = vector.extract %reduce_sum3A_558[15] : f32 from vector<16xf32>
            %broadcast_in_dim3A_560 = vector.broadcast %reduce_sum3A_559 : f32 to vector<16xf32>
            %exp3A_561 = math.exp %broadcast_in_dim3A_560 : vector<16xf32>
            %get3A_562 = arith.index_cast %add3A_281 : i32 to index
            %get3A_563 = arith.constant 48 : index
            %get3A_564 = tpu.vector_load %arg23[%get3A_562, %get3A_563] {strides = array<i32>} : memref<32x128xf32, #tpu.memory_space<vmem>>, vector<16xf32>,
            %mul3A_565 = arith.mulf %get3A_564, %exp3A_561 : vector<16xf32>
            %swap3A_566 = arith.index_cast %add3A_281 : i32 to index
            %swap3A_567 = arith.constant 48 : index
            %swap3A_568 = tpu.vector_load %arg24[%swap3A_566, %swap3A_567] {strides = array<i32>} : memref<32x128xf32, #tpu.memory_space<vmem>>, vector<16xf32>,
            tpu.vector_store %arg24[%swap3A_566, %swap3A_567], %mul3A_565 {strides = array<i32>} : memref<32x128xf32, #tpu.memory_space<vmem>>, vector<16xf32>,
            %eq3A_569 = arith.constant 3 : i32
            %eq3A_570 = vector.broadcast %eq3A_569 : i32 to vector<16xi32>
            %eq3A_571 = arith.cmpi eq, %iota3A, %eq3A_570 : vector<16xi32>
            %select_n3A_572 = arith.select %eq3A_571, %exp3A_561, %select_n3A_548 : vector<16xi1>, vector<16xf32>
            %get3A_573 = arith.index_cast %add3A_281 : i32 to index
            %get3A_574 = arith.constant 64 : index
            %get3A_575 = tpu.vector_load %arg21[%get3A_573, %get3A_574] {strides = array<i32>} : memref<32x128xf32, #tpu.memory_space<vmem>>, vector<16xf32>,
            %get3A_576 = arith.index_cast %add3A_281 : i32 to index
            %get3A_577 = arith.constant 64 : index
            %get3A_578 = tpu.vector_load %arg22[%get3A_576, %get3A_577] {strides = array<i32>} : memref<32x128xf32, #tpu.memory_space<vmem>>, vector<16xf32>,
            %mul3A_579 = arith.mulf %get3A_575, %get3A_578 : vector<16xf32>
            %reduce_sum3A_580 = arith.constant true
            %reduce_sum3A_581 = vector.broadcast %reduce_sum3A_580 : i1 to vector<16xi1>
            %reduce_sum3A_582 = tpu.scan <sum>, %mul3A_579 masked %reduce_sum3A_581 : vector<16xf32>, vector<16xi1> -> vector<16xf32>
            %reduce_sum3A_583 = vector.extract %reduce_sum3A_582[15] : f32 from vector<16xf32>
            %broadcast_in_dim3A_584 = vector.broadcast %reduce_sum3A_583 : f32 to vector<16xf32>
            %exp3A_585 = math.exp %broadcast_in_dim3A_584 : vector<16xf32>
            %get3A_586 = arith.index_cast %add3A_281 : i32 to index
            %get3A_587 = arith.constant 64 : index
            %get3A_588 = tpu.vector_load %arg23[%get3A_586, %get3A_587] {strides = array<i32>} : memref<32x128xf32, #tpu.memory_space<vmem>>, vector<16xf32>,
            %mul3A_589 = arith.mulf %get3A_588, %exp3A_585 : vector<16xf32>
            %swap3A_590 = arith.index_cast %add3A_281 : i32 to index
            %swap3A_591 = arith.constant 64 : index
            %swap3A_592 = tpu.vector_load %arg24[%swap3A_590, %swap3A_591] {strides = array<i32>} : memref<32x128xf32, #tpu.memory_space<vmem>>, vector<16xf32>,
            tpu.vector_store %arg24[%swap3A_590, %swap3A_591], %mul3A_589 {strides = array<i32>} : memref<32x128xf32, #tpu.memory_space<vmem>>, vector<16xf32>,
            %eq3A_593 = arith.constant 4 : i32
            %eq3A_594 = vector.broadcast %eq3A_593 : i32 to vector<16xi32>
            %eq3A_595 = arith.cmpi eq, %iota3A, %eq3A_594 : vector<16xi32>
            %select_n3A_596 = arith.select %eq3A_595, %exp3A_585, %select_n3A_572 : vector<16xi1>, vector<16xf32>
            %get3A_597 = arith.index_cast %add3A_281 : i32 to index
            %get3A_598 = arith.constant 80 : index
            %get3A_599 = tpu.vector_load %arg21[%get3A_597, %get3A_598] {strides = array<i32>} : memref<32x128xf32, #tpu.memory_space<vmem>>, vector<16xf32>,
            %get3A_600 = arith.index_cast %add3A_281 : i32 to index
            %get3A_601 = arith.constant 80 : index
            %get3A_602 = tpu.vector_load %arg22[%get3A_600, %get3A_601] {strides = array<i32>} : memref<32x128xf32, #tpu.memory_space<vmem>>, vector<16xf32>,
            %mul3A_603 = arith.mulf %get3A_599, %get3A_602 : vector<16xf32>
            %reduce_sum3A_604 = arith.constant true
            %reduce_sum3A_605 = vector.broadcast %reduce_sum3A_604 : i1 to vector<16xi1>
            %reduce_sum3A_606 = tpu.scan <sum>, %mul3A_603 masked %reduce_sum3A_605 : vector<16xf32>, vector<16xi1> -> vector<16xf32>
            %reduce_sum3A_607 = vector.extract %reduce_sum3A_606[15] : f32 from vector<16xf32>
            %broadcast_in_dim3A_608 = vector.broadcast %reduce_sum3A_607 : f32 to vector<16xf32>
            %exp3A_609 = math.exp %broadcast_in_dim3A_608 : vector<16xf32>
            %get3A_610 = arith.index_cast %add3A_281 : i32 to index
            %get3A_611 = arith.constant 80 : index
            %get3A_612 = tpu.vector_load %arg23[%get3A_610, %get3A_611] {strides = array<i32>} : memref<32x128xf32, #tpu.memory_space<vmem>>, vector<16xf32>,
            %mul3A_613 = arith.mulf %get3A_612, %exp3A_609 : vector<16xf32>
            %swap3A_614 = arith.index_cast %add3A_281 : i32 to index
            %swap3A_615 = arith.constant 80 : index
            %swap3A_616 = tpu.vector_load %arg24[%swap3A_614, %swap3A_615] {strides = array<i32>} : memref<32x128xf32, #tpu.memory_space<vmem>>, vector<16xf32>,
            tpu.vector_store %arg24[%swap3A_614, %swap3A_615], %mul3A_613 {strides = array<i32>} : memref<32x128xf32, #tpu.memory_space<vmem>>, vector<16xf32>,
            %eq3A_617 = arith.constant 5 : i32
            %eq3A_618 = vector.broadcast %eq3A_617 : i32 to vector<16xi32>
            %eq3A_619 = arith.cmpi eq, %iota3A, %eq3A_618 : vector<16xi32>
            %select_n3A_620 = arith.select %eq3A_619, %exp3A_609, %select_n3A_596 : vector<16xi1>, vector<16xf32>
            %get3A_621 = arith.index_cast %add3A_281 : i32 to index
            %get3A_622 = arith.constant 96 : index
            %get3A_623 = tpu.vector_load %arg21[%get3A_621, %get3A_622] {strides = array<i32>} : memref<32x128xf32, #tpu.memory_space<vmem>>, vector<16xf32>,
            %get3A_624 = arith.index_cast %add3A_281 : i32 to index
            %get3A_625 = arith.constant 96 : index
            %get3A_626 = tpu.vector_load %arg22[%get3A_624, %get3A_625] {strides = array<i32>} : memref<32x128xf32, #tpu.memory_space<vmem>>, vector<16xf32>,
            %mul3A_627 = arith.mulf %get3A_623, %get3A_626 : vector<16xf32>
            %reduce_sum3A_628 = arith.constant true
            %reduce_sum3A_629 = vector.broadcast %reduce_sum3A_628 : i1 to vector<16xi1>
            %reduce_sum3A_630 = tpu.scan <sum>, %mul3A_627 masked %reduce_sum3A_629 : vector<16xf32>, vector<16xi1> -> vector<16xf32>
            %reduce_sum3A_631 = vector.extract %reduce_sum3A_630[15] : f32 from vector<16xf32>
            %broadcast_in_dim3A_632 = vector.broadcast %reduce_sum3A_631 : f32 to vector<16xf32>
            %exp3A_633 = math.exp %broadcast_in_dim3A_632 : vector<16xf32>
            %get3A_634 = arith.index_cast %add3A_281 : i32 to index
            %get3A_635 = arith.constant 96 : index
            %get3A_636 = tpu.vector_load %arg23[%get3A_634, %get3A_635] {strides = array<i32>} : memref<32x128xf32, #tpu.memory_space<vmem>>, vector<16xf32>,
            %mul3A_637 = arith.mulf %get3A_636, %exp3A_633 : vector<16xf32>
            %swap3A_638 = arith.index_cast %add3A_281 : i32 to index
            %swap3A_639 = arith.constant 96 : index
            %swap3A_640 = tpu.vector_load %arg24[%swap3A_638, %swap3A_639] {strides = array<i32>} : memref<32x128xf32, #tpu.memory_space<vmem>>, vector<16xf32>,
            tpu.vector_store %arg24[%swap3A_638, %swap3A_639], %mul3A_637 {strides = array<i32>} : memref<32x128xf32, #tpu.memory_space<vmem>>, vector<16xf32>,
            %eq3A_641 = arith.constant 6 : i32
            %eq3A_642 = vector.broadcast %eq3A_641 : i32 to vector<16xi32>
            %eq3A_643 = arith.cmpi eq, %iota3A, %eq3A_642 : vector<16xi32>
            %select_n3A_644 = arith.select %eq3A_643, %exp3A_633, %select_n3A_620 : vector<16xi1>, vector<16xf32>
            %get3A_645 = arith.index_cast %add3A_281 : i32 to index
            %get3A_646 = arith.constant 112 : index
            %get3A_647 = tpu.vector_load %arg21[%get3A_645, %get3A_646] {strides = array<i32>} : memref<32x128xf32, #tpu.memory_space<vmem>>, vector<16xf32>,
            %get3A_648 = arith.index_cast %add3A_281 : i32 to index
            %get3A_649 = arith.constant 112 : index
            %get3A_650 = tpu.vector_load %arg22[%get3A_648, %get3A_649] {strides = array<i32>} : memref<32x128xf32, #tpu.memory_space<vmem>>, vector<16xf32>,
            %mul3A_651 = arith.mulf %get3A_647, %get3A_650 : vector<16xf32>
            %reduce_sum3A_652 = arith.constant true
            %reduce_sum3A_653 = vector.broadcast %reduce_sum3A_652 : i1 to vector<16xi1>
            %reduce_sum3A_654 = tpu.scan <sum>, %mul3A_651 masked %reduce_sum3A_653 : vector<16xf32>, vector<16xi1> -> vector<16xf32>
            %reduce_sum3A_655 = vector.extract %reduce_sum3A_654[15] : f32 from vector<16xf32>
            %broadcast_in_dim3A_656 = vector.broadcast %reduce_sum3A_655 : f32 to vector<16xf32>
            %exp3A_657 = math.exp %broadcast_in_dim3A_656 : vector<16xf32>
            %get3A_658 = arith.index_cast %add3A_281 : i32 to index
            %get3A_659 = arith.constant 112 : index
            %get3A_660 = tpu.vector_load %arg23[%get3A_658, %get3A_659] {strides = array<i32>} : memref<32x128xf32, #tpu.memory_space<vmem>>, vector<16xf32>,
            %mul3A_661 = arith.mulf %get3A_660, %exp3A_657 : vector<16xf32>
            %swap3A_662 = arith.index_cast %add3A_281 : i32 to index
            %swap3A_663 = arith.constant 112 : index
            %swap3A_664 = tpu.vector_load %arg24[%swap3A_662, %swap3A_663] {strides = array<i32>} : memref<32x128xf32, #tpu.memory_space<vmem>>, vector<16xf32>,
            tpu.vector_store %arg24[%swap3A_662, %swap3A_663], %mul3A_661 {strides = array<i32>} : memref<32x128xf32, #tpu.memory_space<vmem>>, vector<16xf32>,
            %eq3A_665 = arith.constant 7 : i32
            %eq3A_666 = vector.broadcast %eq3A_665 : i32 to vector<16xi32>
            %eq3A_667 = arith.cmpi eq, %iota3A, %eq3A_666 : vector<16xi32>
            %select_n3A_668 = arith.select %eq3A_667, %exp3A_657, %select_n3A_644 : vector<16xi1>, vector<16xf32>
            %swap3A_669 = arith.index_cast %add3A_281 : i32 to index
            %swap3A_670 = arith.constant 0 : index
            %swap3A_671 = tpu.vector_load %arg25[%swap3A_669, %swap3A_670] {strides = array<i32>} : memref<32x16xf32, #tpu.memory_space<vmem>>, vector<16xf32>,
            tpu.vector_store %arg25[%swap3A_669, %swap3A_670], %select_n3A_668 {strides = array<i32>} : memref<32x16xf32, #tpu.memory_space<vmem>>, vector<16xf32>,
            %scan3A_672 = arith.constant 0 : i32
            scf.yield %scan3A_672 : i32
          }
          %scan3A_273 = arith.constant 16 : i32
          "tpu.region"() ({
            %run_scoped3A = tpu.sem_alloc : memref<!tpu.dma_semaphore, #tpu.memory_space<semaphore_mem>>
            %dma_start3A_274 = tpu.memref_slice %arg17[%mul3A_266] : memref<1600xi32, #tpu.memory_space<vmem>> -> memref<32xi32, #tpu.memory_space<vmem>>
            %dma_start3A_275 = arith.constant 0 : i32
            %dma_start3A_276 = arith.constant 0 : i32
            %dma_start3A_277 = tpu.memref_slice %arg26[%dma_start3A_275, %dma_start3A_276] : memref<10240x128xf32, #tpu.memory_space<vmem_shared>> -> memref<10240x128xf32, #tpu.memory_space<vmem_shared>>
            tpu.enqueue_indirect_dma source(%arg24 : memref<32x128xf32, #tpu.memory_space<vmem>>) target(%dma_start3A_277 : memref<10240x128xf32, #tpu.memory_space<vmem_shared>>) offsets(%dma_start3A_274 : memref<32xi32, #tpu.memory_space<vmem>>) semaphore(%run_scoped3A : memref<!tpu.dma_semaphore, #tpu.memory_space<semaphore_mem>>) {add = true}
            %dma_wait3A_278 = tpu.memref_slice %arg17[%mul3A_266] : memref<1600xi32, #tpu.memory_space<vmem>> -> memref<32xi32, #tpu.memory_space<vmem>>
            %dma_wait3A_279 = arith.constant 0 : i32
            %dma_wait3A_280 = arith.constant 0 : i32
            %dma_wait3A_281 = tpu.memref_slice %arg26[%dma_wait3A_279, %dma_wait3A_280] : memref<10240x128xf32, #tpu.memory_space<vmem_shared>> -> memref<10240x128xf32, #tpu.memory_space<vmem_shared>>
            tpu.wait_indirect_dma semaphore(%run_scoped3A : memref<!tpu.dma_semaphore, #tpu.memory_space<semaphore_mem>>) src(%arg24 : memref<32x128xf32, #tpu.memory_space<vmem>>) dst(%dma_wait3A_281 : memref<10240x128xf32, #tpu.memory_space<vmem_shared>>)
            tpu.yield
          }) : () -> ()
          "tpu.region"() ({
            %run_scoped3A = tpu.sem_alloc : memref<!tpu.dma_semaphore, #tpu.memory_space<semaphore_mem>>
            %dma_start3A_274 = tpu.memref_slice %arg17[%mul3A_266] : memref<1600xi32, #tpu.memory_space<vmem>> -> memref<32xi32, #tpu.memory_space<vmem>>
            %dma_start3A_275 = arith.constant 0 : i32
            %dma_start3A_276 = arith.constant 0 : i32
            %dma_start3A_277 = tpu.memref_slice %arg27[%dma_start3A_275, %dma_start3A_276] : memref<10240x16xf32, #tpu.memory_space<vmem_shared>> -> memref<10240x16xf32, #tpu.memory_space<vmem_shared>>
            tpu.enqueue_indirect_dma source(%arg25 : memref<32x16xf32, #tpu.memory_space<vmem>>) target(%dma_start3A_277 : memref<10240x16xf32, #tpu.memory_space<vmem_shared>>) offsets(%dma_start3A_274 : memref<32xi32, #tpu.memory_space<vmem>>) semaphore(%run_scoped3A : memref<!tpu.dma_semaphore, #tpu.memory_space<semaphore_mem>>) {add = true}
            %dma_wait3A_278 = tpu.memref_slice %arg17[%mul3A_266] : memref<1600xi32, #tpu.memory_space<vmem>> -> memref<32xi32, #tpu.memory_space<vmem>>
            %dma_wait3A_279 = arith.constant 0 : i32
            %dma_wait3A_280 = arith.constant 0 : i32
            %dma_wait3A_281 = tpu.memref_slice %arg27[%dma_wait3A_279, %dma_wait3A_280] : memref<10240x16xf32, #tpu.memory_space<vmem_shared>> -> memref<10240x16xf32, #tpu.memory_space<vmem_shared>>
            tpu.wait_indirect_dma semaphore(%run_scoped3A : memref<!tpu.dma_semaphore, #tpu.memory_space<semaphore_mem>>) src(%arg25 : memref<32x16xf32, #tpu.memory_space<vmem>>) dst(%dma_wait3A_281 : memref<10240x16xf32, #tpu.memory_space<vmem_shared>>)
            tpu.yield
          }) : () -> ()
        } else {
        }
        %add3A_211 = arith.constant 2 : i32
        %add3A_212 = arith.addi %select_n3A, %add3A_211 : i32
        %lt3A_213 = arith.constant 25 : i32
        %lt3A_214 = arith.cmpi slt, %add3A_212, %lt3A_213 : i32
        %and3A_215 = arith.andi %eq3A_112, %lt3A_214 : i1
        %convert_element_type3A_216 = arith.extui %and3A_215 : i1 to i32
        %cond3A_217 = arith.constant 0 : i32
        %cond3A_218 = arith.cmpi ne, %convert_element_type3A_216, %cond3A_217 : i32
        scf.if %cond3A_218 {
          %add3A_220 = arith.constant 2 : i32
          %add3A_221 = arith.addi %select_n3A, %add3A_220 : i32
          %jit3A_222 = arith.constant 2 : i32
          %eq3A_223 = arith.constant 0 : i32
          %eq3A_224 = arith.cmpi eq, %jit3A_222, %eq3A_223 : i32
          %jit3A_225 = arith.constant 1 : i32
          %select_n3A_226 = arith.select %eq3A_224, %jit3A_225, %jit3A_222 : i32
          %rem3A_227 = arith.remsi %select_n3A, %select_n3A_226 : i32
          %ne3A_228 = arith.constant 0 : i32
          %ne3A_229 = arith.cmpi ne, %rem3A_227, %ne3A_228 : i32
          %lt3A_230 = arith.constant 0 : i32
          %lt3A_231 = arith.cmpi slt, %rem3A_227, %lt3A_230 : i32
          %lt3A_232 = arith.constant 0 : i32
          %lt3A_233 = arith.cmpi slt, %select_n3A_226, %lt3A_232 : i32
          %ne3A_234 = arith.xori %lt3A_231, %lt3A_233 : i1
          %and3A_235 = arith.andi %ne3A_234, %ne3A_229 : i1
          %add3A_236 = arith.addi %rem3A_227, %select_n3A_226 : i32
          %select_n3A_237 = arith.select %and3A_235, %add3A_236, %rem3A_227 : i32
          %mul3A_238 = arith.constant 800 : i32
          %mul3A_239 = arith.muli %add3A_221, %mul3A_238 : i32
          %add3A_240 = arith.addi %mul3A_41, %mul3A_239 : i32
          %mul3A_241 = arith.constant 800 : i32
          %mul3A_242 = arith.muli %add3A_221, %mul3A_241 : i32
          %add3A_243 = arith.addi %mul3A_41, %mul3A_242 : i32
          %mul3A_244 = arith.constant 800 : i32
          %mul3A_245 = arith.muli %select_n3A_237, %mul3A_244 : i32
          %mul3A_246 = arith.constant 800 : i32
          %mul3A_247 = arith.muli %select_n3A_237, %mul3A_246 : i32
          %dma_start3A_248 = tpu.memref_slice %arg16[%mul3A_245] : memref<1600xi32, #tpu.memory_space<vmem>> -> memref<800xi32, #tpu.memory_space<vmem>>
          %dma_start3A_249 = tpu.memref_slice %arg10[%add3A_240] : memref<320000xi32, #tpu.memory_space<hbm>> -> memref<800xi32, #tpu.memory_space<hbm>>
          %dma_start3A_250 = tpu.memref_slice %arg16[%mul3A_245] : memref<1600xi32, #tpu.memory_space<vmem>> -> memref<800xi32, #tpu.memory_space<vmem>>
          %dma_start3A_251 = tpu.memref_slice %arg10[%add3A_240] : memref<320000xi32, #tpu.memory_space<hbm>> -> memref<800xi32, #tpu.memory_space<hbm>>
          tpu.enqueue_dma source(%dma_start3A_251 : memref<800xi32, #tpu.memory_space<hbm>>) target(%dma_start3A_250 : memref<800xi32, #tpu.memory_space<vmem>>) target_semaphore(%arg30 : memref<!tpu.dma_semaphore, #tpu.memory_space<semaphore_mem>>)
          %dma_start3A_252 = tpu.memref_slice %arg17[%mul3A_247] : memref<1600xi32, #tpu.memory_space<vmem>> -> memref<800xi32, #tpu.memory_space<vmem>>
          %dma_start3A_253 = tpu.memref_slice %arg11[%add3A_243] : memref<320000xi32, #tpu.memory_space<hbm>> -> memref<800xi32, #tpu.memory_space<hbm>>
          %dma_start3A_254 = tpu.memref_slice %arg17[%mul3A_247] : memref<1600xi32, #tpu.memory_space<vmem>> -> memref<800xi32, #tpu.memory_space<vmem>>
          %dma_start3A_255 = tpu.memref_slice %arg11[%add3A_243] : memref<320000xi32, #tpu.memory_space<hbm>> -> memref<800xi32, #tpu.memory_space<hbm>>
          tpu.enqueue_dma source(%dma_start3A_255 : memref<800xi32, #tpu.memory_space<hbm>>) target(%dma_start3A_254 : memref<800xi32, #tpu.memory_space<vmem>>) target_semaphore(%arg30 : memref<!tpu.dma_semaphore, #tpu.memory_space<semaphore_mem>>)
        } else {
        }
        %scan3A_219 = arith.constant 0 : i32
        scf.yield %scan3A_219 : i32
      }
      %scan3A_77 = arith.constant 625 : i32
    } else {
    }
    %barrier3A_28 = arith.constant 0 : index
    tpu.barrier barrier_id(%barrier3A_28)
    %mul3A = arith.constant 640 : i32
    %mul3A_29 = arith.muli %arg1, %mul3A : i32
    %eq3A_30 = arith.constant 0 : i32
    %eq3A_31 = arith.cmpi eq, %arg0, %eq3A_30 : i32
    %convert_element_type3A_32 = arith.extui %eq3A_31 : i1 to i32
    %cond3A_33 = arith.constant 0 : i32
    %cond3A_34 = arith.cmpi ne, %convert_element_type3A_32, %cond3A_33 : i32
    scf.if %cond3A_34 {
      "tpu.region"() ({
        %run_scoped3A = tpu.sem_alloc : memref<!tpu.dma_semaphore, #tpu.memory_space<semaphore_mem>>
        %dma_start3A = arith.constant 0 : i32
        %dma_start3A_40 = tpu.memref_slice %arg12[%mul3A_29, %dma_start3A] : memref<10240x128xf32, #tpu.memory_space<hbm>> -> memref<640x128xf32, #tpu.memory_space<hbm>>
        %dma_start3A_41 = arith.constant 0 : i32
        %dma_start3A_42 = tpu.memref_slice %arg26[%mul3A_29, %dma_start3A_41] : memref<10240x128xf32, #tpu.memory_space<vmem_shared>> -> memref<640x128xf32, #tpu.memory_space<vmem_shared>>
        tpu.enqueue_dma source(%dma_start3A_42 : memref<640x128xf32, #tpu.memory_space<vmem_shared>>) target(%dma_start3A_40 : memref<640x128xf32, #tpu.memory_space<hbm>>) target_semaphore(%run_scoped3A : memref<!tpu.dma_semaphore, #tpu.memory_space<semaphore_mem>>)
        %dma_wait3A = arith.constant 0 : i32
        %dma_wait3A_43 = tpu.memref_slice %arg12[%mul3A_29, %dma_wait3A] : memref<10240x128xf32, #tpu.memory_space<hbm>> -> memref<640x128xf32, #tpu.memory_space<hbm>>
        %dma_wait3A_44 = arith.constant 0 : i32
        %dma_wait3A_45 = tpu.memref_slice %arg26[%mul3A_29, %dma_wait3A_44] : memref<10240x128xf32, #tpu.memory_space<vmem_shared>> -> memref<640x128xf32, #tpu.memory_space<vmem_shared>>
        tpu.wait_dma2 semaphore(%run_scoped3A : memref<!tpu.dma_semaphore, #tpu.memory_space<semaphore_mem>>) src(%dma_wait3A_45 : memref<640x128xf32, #tpu.memory_space<vmem_shared>>) dst(%dma_wait3A_43 : memref<640x128xf32, #tpu.memory_space<hbm>>)
        tpu.yield
      }) : () -> ()
      "tpu.region"() ({
        %run_scoped3A = tpu.sem_alloc : memref<!tpu.dma_semaphore, #tpu.memory_space<semaphore_mem>>
        %dma_start3A = arith.constant 0 : i32
        %dma_start3A_40 = tpu.memref_slice %arg14[%mul3A_29, %dma_start3A] : memref<10240x16xf32, #tpu.memory_space<hbm>> -> memref<640x16xf32, #tpu.memory_space<hbm>>
        %dma_start3A_41 = arith.constant 0 : i32
        %dma_start3A_42 = tpu.memref_slice %arg27[%mul3A_29, %dma_start3A_41] : memref<10240x16xf32, #tpu.memory_space<vmem_shared>> -> memref<640x16xf32, #tpu.memory_space<vmem_shared>>
        tpu.enqueue_dma source(%dma_start3A_42 : memref<640x16xf32, #tpu.memory_space<vmem_shared>>) target(%dma_start3A_40 : memref<640x16xf32, #tpu.memory_space<hbm>>) target_semaphore(%run_scoped3A : memref<!tpu.dma_semaphore, #tpu.memory_space<semaphore_mem>>)
        %dma_wait3A = arith.constant 0 : i32
        %dma_wait3A_43 = tpu.memref_slice %arg14[%mul3A_29, %dma_wait3A] : memref<10240x16xf32, #tpu.memory_space<hbm>> -> memref<640x16xf32, #tpu.memory_space<hbm>>
        %dma_wait3A_44 = arith.constant 0 : i32
        %dma_wait3A_45 = tpu.memref_slice %arg27[%mul3A_29, %dma_wait3A_44] : memref<10240x16xf32, #tpu.memory_space<vmem_shared>> -> memref<640x16xf32, #tpu.memory_space<vmem_shared>>
        tpu.wait_dma2 semaphore(%run_scoped3A : memref<!tpu.dma_semaphore, #tpu.memory_space<semaphore_mem>>) src(%dma_wait3A_45 : memref<640x16xf32, #tpu.memory_space<vmem_shared>>) dst(%dma_wait3A_43 : memref<640x16xf32, #tpu.memory_space<hbm>>)
        tpu.yield
      }) : () -> ()
    } else {
    }
    %eq3A_35 = arith.constant 1 : i32
    %eq3A_36 = arith.cmpi eq, %arg0, %eq3A_35 : i32
    %convert_element_type3A_37 = arith.extui %eq3A_36 : i1 to i32
    %cond3A_38 = arith.constant 0 : i32
    %cond3A_39 = arith.cmpi ne, %convert_element_type3A_37, %cond3A_38 : i32
    scf.if %cond3A_39 {
      "tpu.region"() ({
        %run_scoped3A = tpu.sem_alloc : memref<!tpu.dma_semaphore, #tpu.memory_space<semaphore_mem>>
        %dma_start3A = arith.constant 0 : i32
        %dma_start3A_40 = tpu.memref_slice %arg13[%mul3A_29, %dma_start3A] : memref<10240x128xf32, #tpu.memory_space<hbm>> -> memref<640x128xf32, #tpu.memory_space<hbm>>
        %dma_start3A_41 = arith.constant 0 : i32
        %dma_start3A_42 = tpu.memref_slice %arg26[%mul3A_29, %dma_start3A_41] : memref<10240x128xf32, #tpu.memory_space<vmem_shared>> -> memref<640x128xf32, #tpu.memory_space<vmem_shared>>
        tpu.enqueue_dma source(%dma_start3A_42 : memref<640x128xf32, #tpu.memory_space<vmem_shared>>) target(%dma_start3A_40 : memref<640x128xf32, #tpu.memory_space<hbm>>) target_semaphore(%run_scoped3A : memref<!tpu.dma_semaphore, #tpu.memory_space<semaphore_mem>>)
        %dma_wait3A = arith.constant 0 : i32
        %dma_wait3A_43 = tpu.memref_slice %arg13[%mul3A_29, %dma_wait3A] : memref<10240x128xf32, #tpu.memory_space<hbm>> -> memref<640x128xf32, #tpu.memory_space<hbm>>
        %dma_wait3A_44 = arith.constant 0 : i32
        %dma_wait3A_45 = tpu.memref_slice %arg26[%mul3A_29, %dma_wait3A_44] : memref<10240x128xf32, #tpu.memory_space<vmem_shared>> -> memref<640x128xf32, #tpu.memory_space<vmem_shared>>
        tpu.wait_dma2 semaphore(%run_scoped3A : memref<!tpu.dma_semaphore, #tpu.memory_space<semaphore_mem>>) src(%dma_wait3A_45 : memref<640x128xf32, #tpu.memory_space<vmem_shared>>) dst(%dma_wait3A_43 : memref<640x128xf32, #tpu.memory_space<hbm>>)
        tpu.yield
      }) : () -> ()
      "tpu.region"() ({
        %run_scoped3A = tpu.sem_alloc : memref<!tpu.dma_semaphore, #tpu.memory_space<semaphore_mem>>
        %dma_start3A = arith.constant 0 : i32
        %dma_start3A_40 = tpu.memref_slice %arg15[%mul3A_29, %dma_start3A] : memref<10240x16xf32, #tpu.memory_space<hbm>> -> memref<640x16xf32, #tpu.memory_space<hbm>>
        %dma_start3A_41 = arith.constant 0 : i32
        %dma_start3A_42 = tpu.memref_slice %arg27[%mul3A_29, %dma_start3A_41] : memref<10240x16xf32, #tpu.memory_space<vmem_shared>> -> memref<640x16xf32, #tpu.memory_space<vmem_shared>>
        tpu.enqueue_dma source(%dma_start3A_42 : memref<640x16xf32, #tpu.memory_space<vmem_shared>>) target(%dma_start3A_40 : memref<640x16xf32, #tpu.memory_space<hbm>>) target_semaphore(%run_scoped3A : memref<!tpu.dma_semaphore, #tpu.memory_space<semaphore_mem>>)
        %dma_wait3A = arith.constant 0 : i32
        %dma_wait3A_43 = tpu.memref_slice %arg15[%mul3A_29, %dma_wait3A] : memref<10240x16xf32, #tpu.memory_space<hbm>> -> memref<640x16xf32, #tpu.memory_space<hbm>>
        %dma_wait3A_44 = arith.constant 0 : i32
        %dma_wait3A_45 = tpu.memref_slice %arg27[%mul3A_29, %dma_wait3A_44] : memref<10240x16xf32, #tpu.memory_space<vmem_shared>> -> memref<640x16xf32, #tpu.memory_space<vmem_shared>>
        tpu.wait_dma2 semaphore(%run_scoped3A : memref<!tpu.dma_semaphore, #tpu.memory_space<semaphore_mem>>) src(%dma_wait3A_45 : memref<640x16xf32, #tpu.memory_space<vmem_shared>>) dst(%dma_wait3A_43 : memref<640x16xf32, #tpu.memory_space<hbm>>)
        tpu.yield
      }) : () -> ()
    } else {
    }
    return
  }
}

module attributes {stable_mosaic.version = 14 : i64} {
  func.func @_pre_body(%arg0: i32, %arg1: memref<1000x128xf32, #tpu.memory_space<vmem>>, %arg2: memref<128x384xf32, #tpu.memory_space<vmem>>, %arg3: memref<1x384xf32, #tpu.memory_space<vmem>>, %arg4: memref<1000x128xf32, #tpu.memory_space<vmem>>, %arg5: memref<1000x128xf32, #tpu.memory_space<vmem>>, %arg6: memref<1000x128xf32, #tpu.memory_space<vmem>>) attributes {dimension_semantics = [#tpu.dimension_semantics<arbitrary>], iteration_bounds = array<i64: 10>, scalar_prefetch = 0 : i64, scratch_operands = 0 : i64, tpu.core_type = #tpu.core_type<tc>, window_params = [{transform_indices = @transform_0, window_bounds = array<i64: 1000, 128>}, {pipeline_mode = #tpu.pipeline_mode<synchronous>, transform_indices = @transform_1, window_bounds = array<i64: 128, 384>}, {pipeline_mode = #tpu.pipeline_mode<synchronous>, transform_indices = @transform_2, window_bounds = array<i64: 1, 384>}, {transform_indices = @transform_3, window_bounds = array<i64: 1000, 128>}, {transform_indices = @transform_4, window_bounds = array<i64: 1000, 128>}, {transform_indices = @transform_5, window_bounds = array<i64: 1000, 128>}]} {
    %get3A = arith.constant 0 : index
    %get3A_0 = arith.constant 0 : index
    %get3A_1 = vector.load %arg1[%get3A, %get3A_0] : memref<1000x128xf32, #tpu.memory_space<vmem>>, vector<1000x128xf32>
    %get3A_2 = arith.constant 0 : index
    %get3A_3 = arith.constant 0 : index
    %get3A_4 = vector.load %arg2[%get3A_2, %get3A_3] : memref<128x384xf32, #tpu.memory_space<vmem>>, vector<128x384xf32>
    %dot_general3A = arith.constant dense<0.000000e+00> : vector<1000x384xf32>
    %dot_general3A_5 = tpu.matmul %get3A_1, %get3A_4, %dot_general3A {dimension_numbers = #tpu.dot_dimension_numbers<[1], [0], [0], [1], [0, 0, 1, 1], [], []>, transpose_lhs_hint = false} : vector<1000x128xf32>, vector<128x384xf32>, vector<1000x384xf32> -> vector<1000x384xf32>
    %get3A_6 = arith.constant 0 : index
    %get3A_7 = arith.constant 0 : index
    %get3A_8 = vector.load %arg3[%get3A_6, %get3A_7] : memref<1x384xf32, #tpu.memory_space<vmem>>, vector<1x384xf32>
    %add3A = vector.broadcast %get3A_8 : vector<1x384xf32> to vector<1000x384xf32>
    %add3A_9 = arith.addf %dot_general3A_5, %add3A : vector<1000x384xf32>
    %slice3A = vector.extract_strided_slice %add3A_9 {offsets = [0, 0], sizes = [1000, 128], strides = [1, 1]} : vector<1000x384xf32> to vector<1000x128xf32>
    %swap3A = arith.constant 0 : index
    %swap3A_10 = arith.constant 0 : index
    %swap3A_11 = vector.load %arg4[%swap3A, %swap3A_10] : memref<1000x128xf32, #tpu.memory_space<vmem>>, vector<1000x128xf32>
    tpu.vector_store %arg4[%swap3A, %swap3A_10], %slice3A {strides = array<i32>} : memref<1000x128xf32, #tpu.memory_space<vmem>>, vector<1000x128xf32>,
    %slice3A_12 = vector.extract_strided_slice %add3A_9 {offsets = [0, 128], sizes = [1000, 128], strides = [1, 1]} : vector<1000x384xf32> to vector<1000x128xf32>
    %swap3A_13 = arith.constant 0 : index
    %swap3A_14 = arith.constant 0 : index
    %swap3A_15 = vector.load %arg5[%swap3A_13, %swap3A_14] : memref<1000x128xf32, #tpu.memory_space<vmem>>, vector<1000x128xf32>
    tpu.vector_store %arg5[%swap3A_13, %swap3A_14], %slice3A_12 {strides = array<i32>} : memref<1000x128xf32, #tpu.memory_space<vmem>>, vector<1000x128xf32>,
    %slice3A_16 = vector.extract_strided_slice %add3A_9 {offsets = [0, 256], sizes = [1000, 128], strides = [1, 1]} : vector<1000x384xf32> to vector<1000x128xf32>
    %swap3A_17 = arith.constant 0 : index
    %swap3A_18 = arith.constant 0 : index
    %swap3A_19 = vector.load %arg6[%swap3A_17, %swap3A_18] : memref<1000x128xf32, #tpu.memory_space<vmem>>, vector<1000x128xf32>
    tpu.vector_store %arg6[%swap3A_17, %swap3A_18], %slice3A_16 {strides = array<i32>} : memref<1000x128xf32, #tpu.memory_space<vmem>>, vector<1000x128xf32>,
    return
  }
  func.func @transform_0(%arg0: i32) -> (i32, i32) {
    %c0_i32 = arith.constant 0 : i32
    %c0_i32_0 = arith.constant 0 : i32
    return %arg0, %c0_i32 : i32, i32
  }
  func.func @transform_1(%arg0: i32) -> (i32, i32) {
    %c0_i32 = arith.constant 0 : i32
    %c0_i32_0 = arith.constant 0 : i32
    %c0_i32_1 = arith.constant 0 : i32
    return %c0_i32, %c0_i32_0 : i32, i32
  }
  func.func @transform_2(%arg0: i32) -> (i32, i32) {
    %c0_i32 = arith.constant 0 : i32
    %c0_i32_0 = arith.constant 0 : i32
    %c0_i32_1 = arith.constant 0 : i32
    return %c0_i32, %c0_i32_0 : i32, i32
  }
  func.func @transform_3(%arg0: i32) -> (i32, i32) {
    %c0_i32 = arith.constant 0 : i32
    %c0_i32_0 = arith.constant 0 : i32
    return %arg0, %c0_i32 : i32, i32
  }
  func.func @transform_4(%arg0: i32) -> (i32, i32) {
    %c0_i32 = arith.constant 0 : i32
    %c0_i32_0 = arith.constant 0 : i32
    return %arg0, %c0_i32 : i32, i32
  }
  func.func @transform_5(%arg0: i32) -> (i32, i32) {
    %c0_i32 = arith.constant 0 : i32
    %c0_i32_0 = arith.constant 0 : i32
    return %arg0, %c0_i32 : i32, i32
  }
}

module attributes {stable_mosaic.version = 14 : i64} {
  func.func @_post_body(%arg0: i32, %arg1: memref<1000x128xf32, #tpu.memory_space<vmem>>, %arg2: memref<1000x16xf32, #tpu.memory_space<vmem>>, %arg3: memref<1000x128xf32, #tpu.memory_space<vmem>>, %arg4: memref<128x128xf32, #tpu.memory_space<vmem>>, %arg5: memref<1x128xf32, #tpu.memory_space<vmem>>, %arg6: memref<1x1xf32, #tpu.memory_space<vmem>>, %arg7: memref<1x128xf32, #tpu.memory_space<vmem>>, %arg8: memref<1x128xf32, #tpu.memory_space<vmem>>, %arg9: memref<1000x128xf32, #tpu.memory_space<vmem>>) attributes {dimension_semantics = [#tpu.dimension_semantics<arbitrary>], iteration_bounds = array<i64: 10>, scalar_prefetch = 0 : i64, scratch_operands = 0 : i64, tpu.core_type = #tpu.core_type<tc>, window_params = [{transform_indices = @transform_0, window_bounds = array<i64: 1000, 128>}, {transform_indices = @transform_1, window_bounds = array<i64: 1000, 16>}, {transform_indices = @transform_2, window_bounds = array<i64: 1000, 128>}, {pipeline_mode = #tpu.pipeline_mode<synchronous>, transform_indices = @transform_3, window_bounds = array<i64: 128, 128>}, {pipeline_mode = #tpu.pipeline_mode<synchronous>, transform_indices = @transform_4, window_bounds = array<i64: 1, 128>}, {pipeline_mode = #tpu.pipeline_mode<synchronous>, transform_indices = @transform_5, window_bounds = array<i64: 1, 1>}, {pipeline_mode = #tpu.pipeline_mode<synchronous>, transform_indices = @transform_6, window_bounds = array<i64: 1, 128>}, {pipeline_mode = #tpu.pipeline_mode<synchronous>, transform_indices = @transform_7, window_bounds = array<i64: 1, 128>}, {transform_indices = @transform_8, window_bounds = array<i64: 1000, 128>}]} {
    %get3A = arith.constant 0 : index
    %get3A_0 = arith.constant 0 : index
    %get3A_1 = vector.load %arg1[%get3A, %get3A_0] : memref<1000x128xf32, #tpu.memory_space<vmem>>, vector<1000x128xf32>
    %get3A_2 = arith.constant 0 : index
    %get3A_3 = arith.constant 0 : index
    %get3A_4 = vector.load %arg2[%get3A_2, %get3A_3] : memref<1000x16xf32, #tpu.memory_space<vmem>>, vector<1000x16xf32>
    %slice3A = vector.extract_strided_slice %get3A_4 {offsets = [0, 0], sizes = [1000, 8], strides = [1, 1]} : vector<1000x16xf32> to vector<1000x8xf32>
    %add3A = arith.constant 1.000000e-16 : f32
    %add3A_5 = vector.broadcast %add3A : f32 to vector<1000x8xf32>
    %add3A_6 = arith.addf %slice3A, %add3A_5 : vector<1000x8xf32>
    %reshape3A = vector.shape_cast %get3A_1 : vector<1000x128xf32> to vector<1000x8x16xf32>
    %broadcast_in_dim3A = vector.shape_cast %add3A_6 : vector<1000x8xf32> to vector<1000x8x1xf32>
    %div3A = vector.broadcast %broadcast_in_dim3A : vector<1000x8x1xf32> to vector<1000x8x16xf32>
    %div3A_7 = arith.divf %reshape3A, %div3A : vector<1000x8x16xf32>
    %reshape3A_8 = vector.shape_cast %div3A_7 : vector<1000x8x16xf32> to vector<1000x128xf32>
    %integer_pow3A = arith.mulf %reshape3A_8, %reshape3A_8 : vector<1000x128xf32>
    %integer_pow3A_9 = arith.mulf %reshape3A_8, %integer_pow3A : vector<1000x128xf32>
    %mul3A = arith.constant 4.471500e-02 : f32
    %mul3A_10 = vector.broadcast %mul3A : f32 to vector<1000x128xf32>
    %mul3A_11 = arith.mulf %mul3A_10, %integer_pow3A_9 : vector<1000x128xf32>
    %add3A_12 = arith.addf %reshape3A_8, %mul3A_11 : vector<1000x128xf32>
    %mul3A_13 = arith.constant 0.797884583 : f32
    %mul3A_14 = vector.broadcast %mul3A_13 : f32 to vector<1000x128xf32>
    %mul3A_15 = arith.mulf %mul3A_14, %add3A_12 : vector<1000x128xf32>
    %tanh3A = math.tanh %mul3A_15 : vector<1000x128xf32>
    %add3A_16 = arith.constant 1.000000e+00 : f32
    %add3A_17 = vector.broadcast %add3A_16 : f32 to vector<1000x128xf32>
    %add3A_18 = arith.addf %add3A_17, %tanh3A : vector<1000x128xf32>
    %mul3A_19 = arith.constant 5.000000e-01 : f32
    %mul3A_20 = vector.broadcast %mul3A_19 : f32 to vector<1000x128xf32>
    %mul3A_21 = arith.mulf %mul3A_20, %add3A_18 : vector<1000x128xf32>
    %mul3A_22 = arith.mulf %reshape3A_8, %mul3A_21 : vector<1000x128xf32>
    %get3A_23 = arith.constant 0 : index
    %get3A_24 = arith.constant 0 : index
    %get3A_25 = vector.load %arg4[%get3A_23, %get3A_24] : memref<128x128xf32, #tpu.memory_space<vmem>>, vector<128x128xf32>
    %dot_general3A = arith.constant dense<0.000000e+00> : vector<1000x128xf32>
    %dot_general3A_26 = tpu.matmul %mul3A_22, %get3A_25, %dot_general3A {dimension_numbers = #tpu.dot_dimension_numbers<[1], [0], [0], [1], [0, 0, 1, 1], [], []>, transpose_lhs_hint = false} : vector<1000x128xf32>, vector<128x128xf32>, vector<1000x128xf32> -> vector<1000x128xf32>
    %get3A_27 = arith.constant 0 : index
    %get3A_28 = arith.constant 0 : index
    %get3A_29 = vector.load %arg5[%get3A_27, %get3A_28] : memref<1x128xf32, #tpu.memory_space<vmem>>, vector<1x128xf32>
    %add3A_30 = vector.broadcast %get3A_29 : vector<1x128xf32> to vector<1000x128xf32>
    %add3A_31 = arith.addf %dot_general3A_26, %add3A_30 : vector<1000x128xf32>
    %get3A_32 = arith.constant 0 : index
    %get3A_33 = arith.constant 0 : index
    %get3A_34 = vector.load %arg6[%get3A_32, %get3A_33] : memref<1x1xf32, #tpu.memory_space<vmem>>, vector<1x1xf32>
    %mul3A_35 = vector.broadcast %get3A_34 : vector<1x1xf32> to vector<1000x128xf32>
    %mul3A_36 = arith.mulf %mul3A_35, %add3A_31 : vector<1000x128xf32>
    %sub3A = arith.constant 1.000000e+00 : f32
    %sub3A_37 = vector.broadcast %sub3A : f32 to vector<1x1xf32>
    %sub3A_38 = arith.subf %sub3A_37, %get3A_34 : vector<1x1xf32>
    %get3A_39 = arith.constant 0 : index
    %get3A_40 = arith.constant 0 : index
    %get3A_41 = vector.load %arg3[%get3A_39, %get3A_40] : memref<1000x128xf32, #tpu.memory_space<vmem>>, vector<1000x128xf32>
    %mul3A_42 = vector.broadcast %sub3A_38 : vector<1x1xf32> to vector<1000x128xf32>
    %mul3A_43 = arith.mulf %mul3A_42, %get3A_41 : vector<1000x128xf32>
    %add3A_44 = arith.addf %mul3A_36, %mul3A_43 : vector<1000x128xf32>
    %max3A = arith.constant 0.000000e+00 : f32
    %max3A_45 = vector.broadcast %max3A : f32 to vector<1000x128xf32>
    %max3A_46 = arith.maximumf %add3A_44, %max3A_45 : vector<1000x128xf32>
    %reduce_sum3A = arith.constant dense<0.000000e+00> : vector<1000xf32>
    %reduce_sum3A_47 = vector.multi_reduction <add>, %max3A_46, %reduce_sum3A [1] : vector<1000x128xf32> to vector<1000xf32>
    %broadcast_in_dim3A_48 = vector.shape_cast %reduce_sum3A_47 : vector<1000xf32> to vector<1000x1xf32>
    %div3A_49 = arith.constant 1.280000e+02 : f32
    %div3A_50 = vector.broadcast %div3A_49 : f32 to vector<1000x1xf32>
    %div3A_51 = arith.divf %broadcast_in_dim3A_48, %div3A_50 : vector<1000x1xf32>
    %sub3A_52 = vector.broadcast %div3A_51 : vector<1000x1xf32> to vector<1000x128xf32>
    %sub3A_53 = arith.subf %max3A_46, %sub3A_52 : vector<1000x128xf32>
    %integer_pow3A_54 = arith.mulf %sub3A_53, %sub3A_53 : vector<1000x128xf32>
    %reduce_sum3A_55 = arith.constant dense<0.000000e+00> : vector<1000xf32>
    %reduce_sum3A_56 = vector.multi_reduction <add>, %integer_pow3A_54, %reduce_sum3A_55 [1] : vector<1000x128xf32> to vector<1000xf32>
    %broadcast_in_dim3A_57 = vector.shape_cast %reduce_sum3A_56 : vector<1000xf32> to vector<1000x1xf32>
    %div3A_58 = arith.constant 1.280000e+02 : f32
    %div3A_59 = vector.broadcast %div3A_58 : f32 to vector<1000x1xf32>
    %div3A_60 = arith.divf %broadcast_in_dim3A_57, %div3A_59 : vector<1000x1xf32>
    %sub3A_61 = vector.broadcast %div3A_51 : vector<1000x1xf32> to vector<1000x128xf32>
    %sub3A_62 = arith.subf %max3A_46, %sub3A_61 : vector<1000x128xf32>
    %add3A_63 = arith.constant 9.99999974E-6 : f32
    %add3A_64 = vector.broadcast %add3A_63 : f32 to vector<1000x1xf32>
    %add3A_65 = arith.addf %div3A_60, %add3A_64 : vector<1000x1xf32>
    %rsqrt3A = math.rsqrt %add3A_65 : vector<1000x1xf32>
    %mul3A_66 = vector.broadcast %rsqrt3A : vector<1000x1xf32> to vector<1000x128xf32>
    %mul3A_67 = arith.mulf %sub3A_62, %mul3A_66 : vector<1000x128xf32>
    %get3A_68 = arith.constant 0 : index
    %get3A_69 = arith.constant 0 : index
    %get3A_70 = vector.load %arg7[%get3A_68, %get3A_69] : memref<1x128xf32, #tpu.memory_space<vmem>>, vector<1x128xf32>
    %mul3A_71 = vector.broadcast %get3A_70 : vector<1x128xf32> to vector<1000x128xf32>
    %mul3A_72 = arith.mulf %mul3A_71, %mul3A_67 : vector<1000x128xf32>
    %get3A_73 = arith.constant 0 : index
    %get3A_74 = arith.constant 0 : index
    %get3A_75 = vector.load %arg8[%get3A_73, %get3A_74] : memref<1x128xf32, #tpu.memory_space<vmem>>, vector<1x128xf32>
    %add3A_76 = vector.broadcast %get3A_75 : vector<1x128xf32> to vector<1000x128xf32>
    %add3A_77 = arith.addf %mul3A_72, %add3A_76 : vector<1000x128xf32>
    %swap3A = arith.constant 0 : index
    %swap3A_78 = arith.constant 0 : index
    %swap3A_79 = vector.load %arg9[%swap3A, %swap3A_78] : memref<1000x128xf32, #tpu.memory_space<vmem>>, vector<1000x128xf32>
    tpu.vector_store %arg9[%swap3A, %swap3A_78], %add3A_77 {strides = array<i32>} : memref<1000x128xf32, #tpu.memory_space<vmem>>, vector<1000x128xf32>,
    return
  }
  func.func @transform_0(%arg0: i32) -> (i32, i32) {
    %c0_i32 = arith.constant 0 : i32
    %c0_i32_0 = arith.constant 0 : i32
    return %arg0, %c0_i32 : i32, i32
  }
  func.func @transform_1(%arg0: i32) -> (i32, i32) {
    %c0_i32 = arith.constant 0 : i32
    %c0_i32_0 = arith.constant 0 : i32
    return %arg0, %c0_i32 : i32, i32
  }
  func.func @transform_2(%arg0: i32) -> (i32, i32) {
    %c0_i32 = arith.constant 0 : i32
    %c0_i32_0 = arith.constant 0 : i32
    return %arg0, %c0_i32 : i32, i32
  }
  func.func @transform_3(%arg0: i32) -> (i32, i32) {
    %c0_i32 = arith.constant 0 : i32
    %c0_i32_0 = arith.constant 0 : i32
    %c0_i32_1 = arith.constant 0 : i32
    return %c0_i32, %c0_i32_0 : i32, i32
  }
  func.func @transform_4(%arg0: i32) -> (i32, i32) {
    %c0_i32 = arith.constant 0 : i32
    %c0_i32_0 = arith.constant 0 : i32
    %c0_i32_1 = arith.constant 0 : i32
    return %c0_i32, %c0_i32_0 : i32, i32
  }
  func.func @transform_5(%arg0: i32) -> (i32, i32) {
    %c0_i32 = arith.constant 0 : i32
    %c0_i32_0 = arith.constant 0 : i32
    %c0_i32_1 = arith.constant 0 : i32
    return %c0_i32, %c0_i32_0 : i32, i32
  }
  func.func @transform_6(%arg0: i32) -> (i32, i32) {
    %c0_i32 = arith.constant 0 : i32
    %c0_i32_0 = arith.constant 0 : i32
    %c0_i32_1 = arith.constant 0 : i32
    return %c0_i32, %c0_i32_0 : i32, i32
  }
  func.func @transform_7(%arg0: i32) -> (i32, i32) {
    %c0_i32 = arith.constant 0 : i32
    %c0_i32_0 = arith.constant 0 : i32
    %c0_i32_1 = arith.constant 0 : i32
    return %c0_i32, %c0_i32_0 : i32, i32
  }
  func.func @transform_8(%arg0: i32) -> (i32, i32) {
    %c0_i32 = arith.constant 0 : i32
    %c0_i32_0 = arith.constant 0 : i32
    return %arg0, %c0_i32 : i32, i32
  }
}

</mosaic_0001>

<sc_bundles>
// kernel: kernel.7.cloned.1.call-start
scs
__scs_entry_jumppad:
0x0: {  	(pc) =	sbr.rel $0x88, $3  }
0x1: {  	(tag) =	ssettag $0x0;
	lr =	simm.s32 $0x1  }
0x2: {  	[smem:$0x3F8B] =	sst lr;
	_ =	strace $0xD0000000  }
0x3: {  	_ = 	snop  }
0x4: {  	_ = 	snop  }
0x5: {  	_ = 	snop  }
0x6: {  	_ = 	snop  }
0x7: {  	_ = 	snop  }
__scs_overlays_trampoline_lowered:
0x8: {  	[smem:$0x3F9A] =	sst s0  }
0x9: {  	[smem:$0x3F9B] =	sst s1  }
0xa: {  	[smem:$0x3F9C] =	sst s2  }
0xb: {  	[smem:$0x3F9D] =	sst s3  }
0xc: {  	[smem:$0x3F9E] =	sst s4  }
0xd: {  	[smem:$0x3F9F] =	sst s5  }
0xe: {  	[smem:$0x3FA0] =	sst s6  }
0xf: {  	[smem:$0x3FA1] =	sst s7  }
0x10: {  	[smem:$0x3FA2] =	sst s8  }
0x11: {  	[smem:$0x3FA3] =	sst s9;
	s0 =	simm.s32 @!p0 $0x0  }
0x12: {  	s1 =	sld [smem:$0x3F89];
	s0 =	simm.s32 @p0 $0x1  }
0x13: {  	[smem:$0x3FA4] =	sst s0;
	s0 =	simm.s32 @!p1 $0x0  }
0x14: {  	s2 =	sld [smem:$0x3F88];
	s0 =	simm.s32 @p1 $0x1  }
0x15: {  	[smem:$0x3FA5] =	sst s0;
	s0 =	simm.s32 @!p2 $0x0  }
0x16: {  	s3 =	sld [smem:$0x3FDB];
	s0 =	simm.s32 @p2 $0x1  }
0x17: {  	s4 =	simm.s32 $0x1BF5;
	[smem:$0x3FA7] =	sst s0  }
0x18: {  	s0 =	sld [smem:$0x3F8A];
	_ =	swait.ge [sflag:s4], $0x0  }
0x19: {  	s7 =	sld [smem:$0x3F8B]  }
0x1a: {  	s8 =	sadd.s32 $0xFFFFE003, lr  }
0x1b: {  	s9 =	sadd.s32 $0xFFFFFEF7, lr;
	s5 =	simm.s32 $0xFFFFFFFF;
	p2 =	slt.u32 s8, $0xFFFFF086  }
0x1c: {  	p1 =	slt.u32 s9, $0xF7A;
	s5 =	simm.s32 @!p2 $0x0  }
0x1d: {  	s5 =	simm.s32 @p1 $0x1;
	p0 =	seq.s32 s7, s2  }
0x1e: {  	s7 =	smul.u32 @!p0 $0xF7A, s2;
	p2 =	seq.s32 @!p0 s5, $0x0  }
0x1f: {  	s9 =	smul.u32 $0xF7A, s1;
	s8 =	simm.s32 @!p0 $0x1BF5;
	p2 =	por !p2, p0  }
0x20: {  	[sflag:s8] =	ssyncset.s32 @!p0 $0xFFFFF086;
	s6 =	sadd.s32 @!p0 s3, s7;
	s7 =	simm.s32 @!p0 $0x108  }
0x21: {  	s3 =	sadd.s32 s3, s9;
	s6 =	sadd.s32 @!p0 $0x88, s6;
	s7 =	simm.s32 @p2 $0x1082  }
0x22: {  	[simem:s7], [sflag:s8] =	dma.local @!p0 [hbm:s6], $0xF7A  }
0x23: {  	s9 =	sor.u32 $0xD0000000, s2;
	s6 =	simm.s32 $0x108;
	_ =	swait.ge @!p0 [sflag:s8], $0x0  }
0x24: {  	s3 =	sadd.s32 $0x88, s3;
	s6 =	simm.s32 @!p1 $0x1082;
	[sflag:s4] =	ssyncset.s32 $0xFFFFF086  }
0x25: {  	[simem:s6], [sflag:s4] =	dma.local [hbm:s3], $0xF7A  }
0x26: {  	[smem:$0x3F8B] =	sst s1;
	(tag) =	ssettag s2;
	_ =	strace s9  }
0x27: {  	s1 =	sld [smem:$0x3F9B]  }
0x28: {  	s2 =	sld [smem:$0x3F9C]  }
0x29: {  	s4 =	sld [smem:$0x3F9E]  }
0x2a: {  	p0 =	seq.s32 s5, $0x0;
	s5 =	sld [smem:$0x3F9F]  }
0x2b: {  	s6 =	sld [smem:$0x3FA0]  }
0x2c: {  	s7 =	sld [smem:$0x3FA1]  }
0x2d: {  	s3 =	simm.s32 $0x108;
	s8 =	sld [smem:$0x3FA2]  }
0x2e: {  	s3 =	simm.s32 @!p0 $0x1082;
	s9 =	sld [smem:$0x3FA3]  }
0x2f: {  	lr =	sadd.s32 s0, s3;
	s0 =	sld [smem:$0x3F9A]  }
0x30: {  	s3 =	sld [smem:$0x3F9D]  }
0x31: {  	[smem:$0x3FA6] =	sst s10  }
0x32: {  	s10 =	sld [smem:$0x3FA4];
	_ =	sdelay $0x3  }
0x33: {  	p0 =	seq.s32 s10, $0x1;
	s10 =	sld [smem:$0x3FA6];
	_ =	sdelay $0x3  }
0x34: {  	[smem:$0x3FA6] =	sst s10  }
0x35: {  	s10 =	sld [smem:$0x3FA5];
	_ =	sdelay $0x3  }
0x36: {  	p1 =	seq.s32 s10, $0x1;
	s10 =	sld [smem:$0x3FA6];
	_ =	sdelay $0x3  }
0x37: {  	[smem:$0x3FA6] =	sst s10  }
0x38: {  	s10 =	sld [smem:$0x3FA7]  }
0x39: {  	_ = 	snop;
	(pc) =	sbr.ind lr, $3  }
0x3a: {  	_ = 	snop  }
0x3b: {  	_ = 	snop  }
0x3c: {  	p2 =	seq.s32 s10, $0x1;
	s10 =	sld [smem:$0x3FA6]  }
0x3d: {  	_ =	shalt  }
0x3e: {  	_ =	shalt  }
0x3f: {  	_ =	shalt  }
0x40: {  	_ =	shalt  }
0x41: {  	_ =	shalt  }
0x42: {  	_ =	shalt  }
0x43: {  	_ =	shalt  }
0x44: {  	_ =	shalt  }
0x45: {  	_ =	shalt  }
0x46: {  	_ =	shalt  }
0x47: {  	_ =	shalt  }
0x48: {  	_ =	shalt  }
0x49: {  	_ =	shalt  }
0x4a: {  	_ =	shalt  }
0x4b: {  	_ =	shalt  }
0x4c: {  	_ =	shalt  }
0x4d: {  	_ =	shalt  }
0x4e: {  	_ =	shalt  }
0x4f: {  	_ =	shalt  }
0x50: {  	_ =	shalt  }
0x51: {  	_ =	shalt  }
0x52: {  	_ =	shalt  }
0x53: {  	_ =	shalt  }
0x54: {  	_ =	shalt  }
0x55: {  	_ =	shalt  }
0x56: {  	_ =	shalt  }
0x57: {  	_ =	shalt  }
0x58: {  	_ =	shalt  }
0x59: {  	_ =	shalt  }
0x5a: {  	_ =	shalt  }
0x5b: {  	_ =	shalt  }
0x5c: {  	_ =	shalt  }
0x5d: {  	_ =	shalt  }
0x5e: {  	_ =	shalt  }
0x5f: {  	_ =	shalt  }
0x60: {  	_ =	shalt  }
0x61: {  	_ =	shalt  }
0x62: {  	_ =	shalt  }
0x63: {  	_ =	shalt  }
0x64: {  	_ =	shalt  }
0x65: {  	_ =	shalt  }
0x66: {  	_ =	shalt  }
0x67: {  	_ =	shalt  }
0x68: {  	_ =	shalt  }
0x69: {  	_ =	shalt  }
0x6a: {  	_ =	shalt  }
0x6b: {  	_ =	shalt  }
0x6c: {  	_ =	shalt  }
0x6d: {  	_ =	shalt  }
0x6e: {  	_ =	shalt  }
0x6f: {  	_ =	shalt  }
0x70: {  	_ =	shalt  }
0x71: {  	_ =	shalt  }
0x72: {  	_ =	shalt  }
0x73: {  	_ =	shalt  }
0x74: {  	_ =	shalt  }
0x75: {  	_ =	shalt  }
0x76: {  	_ =	shalt  }
0x77: {  	_ =	shalt  }
0x78: {  	_ =	shalt  }
0x79: {  	_ =	shalt  }
0x7a: {  	_ =	shalt  }
0x7b: {  	_ =	shalt  }
0x7c: {  	_ =	shalt  }
0x7d: {  	_ =	shalt  }
0x7e: {  	_ =	shalt  }
0x7f: {  	_ =	shalt  }
0x80: {  	_ =	shalt  }
0x81: {  	_ =	shalt  }
0x82: {  	_ =	shalt  }
0x83: {  	_ =	shalt  }
0x84: {  	_ =	shalt  }
0x85: {  	_ =	shalt  }
0x86: {  	_ =	shalt  }
0x87: {  	_ =	shalt  }
.Lfunc_end0:
.L_simem_size_0:
called_computation_lowered:
.L_overlay_start_0:
0x88: {  	s2 =	sld [smem:$0x3FD9]  }
0x89: {  	s3 =	sld [smem:$0x3FFE];
	_ =	sdelay $0x1  }
0x8a: {  	s1 =	srdreg.scid  }
0x8b: {  	s0 =	sand.u32 $0x1, s1  }
0x8c: {  	s14 =	sshll.u32 s0, $0xA;
	s2 =	sadd.s32 s3, s2  }
0x8d: {  	s2 =	sadd.s32 s2, s14  }
0x8e: {  	[smem:$0x3FB2] =	sst s2  }
0x8f: {  	_ = 	snop  }
0x90: {  	s2 =	sld [smem:$0x3FD0];
	_ =	sdelay $0x2  }
0x91: {  	s15 =	simm.s32 $0xA;
	s4 =	simm.s32 $0x10  }
0x92: {  	[smem:s4], [sflag:s15] =	dma.local [hbm:s2], $0x1  }
0x93: {  	_ =	swait.eq [sflag:s15], $0x1  }
0x94: {  	[sflag:s15] =	ssyncset.done $0x0  }
0x95: {  	s16 =	sld [smem:$0x10];
	[sflag:s15] =	ssyncadd.s32 $0xFFFFFFFF  }
0x96: {  	s17 =	sld [smem:$0x11];
	(tm) =	ssettm $0x1  }
0x97: {  	s18 =	sld [smem:$0x3FFB];
	_ =	sdelay $0x3  }
0x98: {  	_ =	strace s18  }
0x99: {  	s4 =	sld [smem:$0x3FFC];
	_ =	sdelay $0x3  }
0x9a: {  	_ =	strace s4  }
0x9b: {  	s4 =	sld [smem:$0x3FFD];
	_ =	sdelay $0x3  }
0x9c: {  	_ =	strace s4  }
0x9d: {  	_ =	strace $0x8FFFFFFF  }
0x9e: {  	s19 =	sld [smem:$0x3FDB];
	_ =	sdelay $0x1  }
0x9f: {  	s5 =	simm.s32 $_scs_section_size  }
0xa0: {  	s6 =	simm.s32 $_size__tile_overlayer_lowered;
	s7 =	simm.s32 $_tile_overlayer_lowered  }
0xa1: {  	s22 =	simm.s32 $0x1BFF;
	s21 =	sshll.u32 s7, $0x1;
	s4 =	sadd.s32 s5, s19  }
0xa2: {  	s8 =	simm.s32 $0x0;
	s20 =	sshll.u32 s6, $0x1;
	s6 =	sadd.s32 s21, s4  }
0xa3: {  	[timem:s8], [sflag:s22] =	dma.local [hbm:s6], s20  }
0xa4: {  	_ =	swait.ge [sflag:s22], s20  }
0xa5: {  	s5 =	ssub.s32 $0x0, s20;
	[sflag:s22] =	ssyncset.done $0x0  }
0xa6: {  	[sflag:s22] =	ssyncadd.s32 s5;
	_ =	sdelay $0x1  }
0xa7: {  	s23 =	simm.s32 $0x1B8B  }
0xa8: {  	_ =	swait.ge [sflag:s23], $0x1  }
0xa9: {  	[sflag:s23] =	ssyncset.done $0x0  }
0xaa: {  	s25 =	simm.s32 $0x1B8E;
	s24 =	sld [smem:$0x3FFE];
	[sflag:s23] =	ssyncadd.s32 $0xFFFFFFFF  }
0xab: {  	s26 =	simm.s32 $execute0_lowered;
	[smem:$0x3FD2] =	sst s25  }
0xac: {  	s6 =	sshll.u32 s26, $0x1;
	_ =	strace $0x80000046;
	[dreg:$0x1] =	wrdreg $0xFFFFFFFF  }
0xad: {  	s28 =	simm.s32 $_size_execute0_lowered;
	s4 =	sadd.s32 s4, s6;
	[dreg:$0x0] =	wrdreg $0x0  }
0xae: {  	s6 =	sshll.u32 s28, $0x1;
	[dreg:$0x2] =	wrdreg s4  }
0xaf: {  	[dreg:$0x3] =	wrdreg s6  }
0xb0: {  	[dreg:$0x4] =	wrdreg $0xC0  }
0xb1: {  	_ =	task [dreg:s8], $0x5FFFF  }
0xb2: {  	[dreg:$0x1] =	wrdreg $0xFFFFFFFF  }
0xb3: {  	[dreg:$0x0] =	wrdreg $0x60  }
0xb4: {  	[dreg:$0x2] =	wrdreg s17  }
0xb5: {  	[dreg:$0x3] =	wrdreg s16  }
0xb6: {  	[dreg:$0x4] =	wrdreg s24  }
0xb7: {  	[dreg:$0x5] =	wrdreg $0x7E800  }
0xb8: {  	[dreg:$0x6] =	wrdreg $0x1BE800  }
0xb9: {  	[dreg:$0x7] =	wrdreg $0x9  }
0xba: {  	_ =	task.clear_ibuf [dreg:s8], $0x8FFFF;
	_ =	strace $0x90000046  }
0xbb: {  	s29 =	simm.s32 $0x9;
	_ =	strace $0x80000048  }
0xbc: {  	_ =	swait.ge [sflag:s29], $0x1  }
0xbd: {  	[sflag:s29] =	ssyncadd.s32 $0xFFFFFFFF  }
0xbe: {  	_ =	strace $0x90000048  }
0xbf: {  	_ =	sfence  }
0xc0: {  	s30 =	sld [smem:$0x0];
	_ =	sdelay $0x2  }
0xc1: {  	s31 =	sshll.u32 s1, $0xD;
	s1 =	sshrl.u32 s1, $0x2  }
0xc2: {  	s3 =	sand.u32 $0x4000, s31;
	s1 =	sadd.s32 s1, s30  }
0xc3: {  	s0 =	sor.u32 s3, s0;
	s1 =	sshll.u32 s1, $0x11  }
0xc4: {  	s0 =	sor.u32 s1, s0  }
0xc5: {  	s0 =	sadd.s32 $0x8F2B, s0  }
0xc6: {  	[sflag:s0] =	ssyncadd.remote.s32 $0x1  }
0xc7: {  	_ =	sfence.sel $0xFFFF  }
0xc8: {  	[dreg:$0x0] =	wrdreg $0xFFFFFFFF;
	(pc) =	sbr.abs _section_cstart, $3  }
0xc9: {  	[dreg:$0x1] =	wrdreg $0xFFFFFFFF  }
0xca: {  	_ =	task.clear_ibuf [dreg:s8], $0x2FFFF;
	_ =	strace $0x9FFFFFFF  }
0xcb: {  	(tm) =	ssettm $0x7FFFFFFF  }
tec
execute0_lowered:
.L_overlay_start_1:
0x0: {  	(tag) =	ssettag $0x1  }
0x1: {  	s1 =	rddreg [dreg:$0x0]  }
0x2: {  	s2 =	rddreg [dreg:$0x1]  }
0x3: {  	s0 =	rddreg [dreg:$0x2]  }
0x4: {  	s3 =	rddreg [dreg:$0x3]  }
0x5: {  	s4 =	rddreg [dreg:$0x4];
	s5 =	simm.s32 $0x0;
	s22 =	srdreg.scid  }
0x6: {  	s18 =	stileid.u32;
	s28 =	simm.s32 $0x1;
	s29 =	simm.s32 $0x0  }
0x7: {  	[smem:$0x7FF] =	sst s5;
	s6 =	sadd.s32 $0x52800, s0;
	s7 =	sadd.s32 $0x2B600, s0  }
0x8: {  	s8 =	sadd.s32 $0x79A00, s0;
	s9 =	sadd.s32 $0xA0C00, s0;
	s10 =	sadd.s32 $0x21800, s0  }
0x9: {  	s11 =	sadd.s32 $0x17A00, s0;
	s12 =	sadd.s32 $0xDC00, s0;
	s14 =	sadd.s32 $0x3E00, s0  }
0xa: {  	s13 =	sadd.s32 $0xF9E00, s0;
	s5 =	sand.u32 $0x1, s22;
	s23 =	sadd.s32 $0xD1E00, s0  }
0xb: {  	s16 =	smul.u32 $0x4E20, s18;
	_ =	strace $0x80000047;
	[dreg:$0x6] =	wrdreg s13  }
0xc: {  	s15 =	sadd.s32 $0xCCE00, s0;
	s26 =	smul.u32 $0x14000, s18;
	[dreg:$0x7] =	wrdreg s23  }
0xd: {  	s0 =	sadd.s32 $0xC7E00, s0;
	s31 =	smul.u32 $0x2800, s18;
	[dreg:$0x8] =	wrdreg s15  }
0xe: {  	s24 =	ssub.s32 $0x2, s5;
	[dreg:$0x9] =	wrdreg s0;
	p0 =	sne.s32 s5, $0x0  }
0xf: {  	s23 =	smul.u32 $0xA000, s18;
	s25 =	sshrl.u32 s24, $0x1;
	s17 =	sshrl.u32 s26, $0x3  }
0x10: {  	s30 =	sshrl.u32 s16, $0x3;
	[dreg:$0xa] =	wrdreg s17;
	s17 =	sshrl.u32 s31, $0x3  }
0x11: {  	s19 =	sadd.s32 $0x640, s16;
	s20 =	sadd.s32 s12, s30;
	[dreg:$0xb] =	wrdreg s17  }
0x12: {  	s13 =	sadd.s32 s26, s3;
	s21 =	sadd.s32 s14, s30;
	[dreg:$0xc] =	wrdreg s20  }
0x13: {  	s5 =	sadd.s32 s31, s4;
	s15 =	sadd.s32 s11, s30;
	[dreg:$0xd] =	wrdreg s21  }
0x14: {  	s0 =	ssub.s32 s24, s25;
	s13 =	sshrl.u32 s13, $0x3;
	[dreg:$0xf] =	wrdreg s15  }
0x15: {  	s22 =	sadd.s32 $0x64, s30;
	s5 =	sshrl.u32 s5, $0x3;
	[dreg:$0x15] =	wrdreg s13  }
0x16: {  	s24 =	smul.u32 $0x50000, s18;
	s20 =	sadd.s32 s10, s30;
	[dreg:$0x16] =	wrdreg s5  }
0x17: {  	s31 =	sshrl.u32 s23, $0x2;
	s25 =	sadd.s32 s12, s22;
	[dreg:$0xe] =	wrdreg s20  }
0x18: {  	s23 =	simm.s32 $0x4;
	s26 =	sadd.s32 s14, s22;
	[dreg:$0x10] =	wrdreg s25  }
.Ltmp0:
0x19: {  	s30 =	sadd.s32 s10, s22;
	[dreg:$0x11] =	wrdreg s26;
	(pc) =	sbr.rel .LBB2_1-.Ltmp0, $4  }
0x1a: {  	s18 =	simm.s32 $0x7C80;
	s16 =	sadd.s32 s11, s22;
	[dreg:$0x12] =	wrdreg s30  }
0x1b: {  	v0 =	vimm.f32 $0.0e+00;
	vm0 =	vmmov $0x1;
	vm1 =	vcmask $0x320;
	s0 =	smax.u32 s0, $0x1;
	s22 =	simm.s32 $0x6C80;
	[dreg:$0x13] =	wrdreg s16  }
0x1c: {  	vm2 =	vcmask $0x720;
	vm3 =	vcmask $0xB20;
	vm4 =	vcmask $0xF20;
	s15 =	sshrl.u32 s24, $0x2;
	[dreg:$0x14] =	wrdreg s0;
	s0 =	sadd.s32 s31, s4  }
0x1d: {  	vm5 =	vcmask $0x1320;
	vm6 =	vcmask $0x1720;
	vm7 =	vcmask $0x1B20;
	s25 =	simm.s32 $0x20;
	s26 =	simm.s32 $0x2;
	s15 =	sadd.s32 s15, s3  }
.LBB2_25:
0x1e: {  	s13 =	rddreg [dreg:$0x7]  }
0x1f: {  	s5 =	rddreg [dreg:$0x9]  }
.LBB2_26:
0x20: {  	s16 =	stileid.u32  }
0x21: {  	s17 =	rddreg [dreg:$0xa];
	[bflag:$0x0] =	sbarrier.arrive $0xFFFF;
	s16 =	sshll.u32 s16, $0x6  }
0x22: {  	s13 =	sadd.s32 s13, s17;
	s21 =	rddreg [dreg:$0x15];
	s16 =	sor.u32 $0x1C04, s16  }
0x23: {  	[hbm:s13], [sflag:s16] =	dma.local [spmem:s21], $0x2800  }
0x24: {  	_ =	swait.ge [sflag:s23], $0x2800  }
0x25: {  	[sflag:s23] =	ssyncset.done $0x0;
	s24 =	rddreg [dreg:$0xb]  }
0x26: {  	s30 =	rddreg [dreg:$0x16];
	s5 =	sadd.s32 s5, s24;
	[sflag:s23] =	ssyncadd.s32 $0xFFFFD800  }
0x27: {  	[hbm:s5], [sflag:s16] =	dma.local [spmem:s30], $0x500  }
0x28: {  	_ =	swait.ge [sflag:s23], $0x500  }
0x29: {  	s29 =	sadd.s32 $0x1, s29;
	s31 =	rddreg [dreg:$0x14]  }
0x2a: {  	p1 =	sne.s32 s29, s31  }
.Ltmp1:
0x2b: {  	_ = 	snop;
	(pc) =	sbr.rel @!p1 .LBB2_27-.Ltmp1, $3  }
0x2c: {  	_ =	sdelay $0x1  }
0x2d: {  	[sflag:s23] =	ssyncset.done $0x0  }
0x2e: {  	[sflag:s23] =	ssyncadd.s32 $0xFFFFFB00  }
.LBB2_1:
0x2f: {  	s13 =	simm.s32 $0x0  }
0x30: {  	s5 =	sand.u32 $0x3E00, s13  }
0x31: {  	s13 =	sand.u32 $0x70, s13;
	s20 =	sshrl.u32 s5, $0x2  }
0x32: {  	s5 =	simm.s32 $0x40;
	s20 =	sor.u32 s13, s20;
	s13 =	simm.s32 $0x0  }
.LBB2_2:
0x33: {  	p1 =	sne.s32 s5, $0x3FC0  }
0x34: {  	[tilespmem:s20+$0x6C80] =	vst v0;
	s13 =	sadd.s32 $0x10, s13;
	s20 =	smov.u32 s5;
	s5 =	sadd.s32 $0x40, s5  }
.Ltmp2:
0x35: {  	(pc) =	sbr.rel @p1 .LBB2_2-.Ltmp2, $4  }
0x36: {  	_ = 	snop  }
0x37: {  	s20 =	sand.u32 $0x3E00, s20  }
0x38: {  	s21 =	sand.u32 $0x70, s13;
	s20 =	sshrl.u32 s20, $0x2  }
0x39: {  	s20 =	sor.u32 s21, s20  }
0x3a: {  	[tilespmem:s20+$0x6C80] =	vst v0  }
0x3b: {  	[tilespmem:$0x7C80] =	vst v0  }
0x3c: {  	[tilespmem:$0x7C90] =	vst v0  }
0x3d: {  	[tilespmem:$0x7CA0] =	vst v0  }
0x3e: {  	[tilespmem:$0x7CB0] =	vst v0  }
0x3f: {  	[tilespmem:$0x7CC0] =	vst v0  }
0x40: {  	[tilespmem:$0x7CD0] =	vst v0  }
0x41: {  	[tilespmem:$0x7CE0] =	vst v0  }
0x42: {  	[tilespmem:$0x7CF0] =	vst v0  }
0x43: {  	[tilespmem:$0x7D00] =	vst v0  }
0x44: {  	[tilespmem:$0x7D10] =	vst v0  }
0x45: {  	[tilespmem:$0x7D20] =	vst v0  }
0x46: {  	[tilespmem:$0x7D30] =	vst v0  }
0x47: {  	[tilespmem:$0x7D40] =	vst v0  }
0x48: {  	[tilespmem:$0x7D50] =	vst v0  }
0x49: {  	[tilespmem:$0x7D60] =	vst v0  }
0x4a: {  	[tilespmem:$0x7D70] =	vst v0  }
0x4b: {  	[tilespmem:$0x7D80] =	vst v0  }
0x4c: {  	[tilespmem:$0x7D90] =	vst v0  }
0x4d: {  	[tilespmem:$0x7DA0] =	vst v0  }
0x4e: {  	[tilespmem:$0x7DB0] =	vst v0  }
0x4f: {  	[tilespmem:$0x7DC0] =	vst v0  }
0x50: {  	[tilespmem:$0x7DD0] =	vst v0  }
0x51: {  	[tilespmem:$0x7DE0] =	vst v0  }
0x52: {  	[tilespmem:$0x7DF0] =	vst v0  }
0x53: {  	[tilespmem:$0x7E00] =	vst v0  }
0x54: {  	[tilespmem:$0x7E10] =	vst v0  }
0x55: {  	[tilespmem:$0x7E20] =	vst v0  }
0x56: {  	[tilespmem:$0x7E30] =	vst v0  }
0x57: {  	[tilespmem:$0x7E40] =	vst v0  }
0x58: {  	[tilespmem:$0x7E50] =	vst v0  }
0x59: {  	[tilespmem:$0x7E60] =	vst v0  }
0x5a: {  	[tilespmem:$0x7E70] =	vst v0  }
0x5b: {  	[spmem:s15] =	stream.linear.scatter [tilespmem:s22], [sflag:$0x4], $0x1000, $0x38;
	[tilespmem:$0x1E680] =	vst v63  }
0x5c: {  	_ =	swait.ge [sflag:s23], $0x1000  }
0x5d: {  	[sflag:s23] =	ssyncset.done $0x0  }
0x5e: {  	s5 =	sadd.s32 $0x0, s0;
	[sflag:s23] =	ssyncadd.s32 $0xFFFFF000  }
0x5f: {  	[spmem:s5] =	stream.linear.scatter [tilespmem:s18], [sflag:$0x4], $0x200, $0x38;
	[tilespmem:$0x1E680] =	vst v63  }
0x60: {  	_ =	swait.ge [sflag:s23], $0x200  }
0x61: {  	s13 =	smov.u32 s15;
	s5 =	simm.s32 $0x800;
	[sflag:s23] =	ssyncset.done $0x0  }
.LBB2_4:
0x62: {  	p1 =	sne.s32 s5, $0x9800;
	[sflag:s23] =	ssyncadd.s32 $0xFFFFFE00;
	s13 =	sadd.s32 $0x1000, s13  }
0x63: {  	[spmem:s13] =	stream.linear.scatter [tilespmem:s22], [sflag:$0x4], $0x1000, $0x38;
	[tilespmem:$0x1E680] =	vst v63  }
0x64: {  	s20 =	smov.u32 s5;
	s5 =	sadd.s32 $0x800, s5;
	_ =	swait.ge [sflag:s23], $0x1000  }
.Ltmp3:
0x65: {  	s20 =	sshra.s32 s20, $0x2;
	[sflag:s23] =	ssyncset.done $0x0;
	(pc) =	sbr.rel @p1 .LBB2_4-.Ltmp3, $4  }
0x66: {  	s20 =	sadd.s32 s20, s0;
	[sflag:s23] =	ssyncadd.s32 $0xFFFFF000  }
0x67: {  	[spmem:s20] =	stream.linear.scatter [tilespmem:s18], [sflag:$0x4], $0x200, $0x38;
	[tilespmem:$0x1E680] =	vst v63  }
0x68: {  	_ =	swait.ge [sflag:s23], $0x200  }
0x69: {  	[sflag:s23] =	ssyncset.done $0x0  }
.Ltmp4:
0x6a: {  	(pc) =	sbr.rel @p0 .LBB2_16-.Ltmp4, $4  }
0x6b: {  	_ = 	snop  }
0x6c: {  	[sflag:s23] =	ssyncadd.s32 $0xFFFFFE00  }
0x6d: {  	[bflag:$0x0] =	sbarrier.arrive $0xFFFF  }
0x6e: {  	s30 =	simm.s32 $0x0  }
0x6f: {  	s5 =	rddreg [dreg:$0xe]  }
0x70: {  	[tilespmem:s30], [sflag:$0x4] =	stream.linear.gather [hbm4b:s5+s30], $0x320, $0x38;
	[tilespmem:$0x1E680] =	vst v63  }
0x71: {  	_ =	swait.ge [sflag:s23], $0x320  }
0x72: {  	[sflag:s23] =	ssyncset.done $0x0  }
0x73: {  	s13 =	simm.s32 $0x640;
	s24 =	rddreg [dreg:$0xf];
	[sflag:s23] =	ssyncadd.s32 $0xFFFFFCE0  }
0x74: {  	[tilespmem:s13], [sflag:$0x4] =	stream.linear.gather [hbm4b:s24+s30], $0x320, $0x38;
	[tilespmem:$0x1E680] =	vst v63  }
0x75: {  	_ =	swait.ge [sflag:s23], $0x320  }
0x76: {  	[sflag:s23] =	ssyncset.done $0x0  }
0x77: {  	s16 =	simm.s32 $0x320;
	s31 =	rddreg [dreg:$0x12];
	[sflag:s23] =	ssyncadd.s32 $0xFFFFFCE0  }
0x78: {  	[tilespmem:s16], [sflag:$0x3] =	stream.linear.gather [hbm4b:s31+s30], $0x320, $0x38;
	[tilespmem:$0x1E680] =	vst v63  }
0x79: {  	s20 =	simm.s32 $0x960;
	s17 =	rddreg [dreg:$0x13]  }
0x7a: {  	[tilespmem:s20], [sflag:$0x3] =	stream.linear.gather [hbm4b:s17+s30], $0x320, $0x38;
	[tilespmem:$0x1E680] =	vst v63  }
0x7b: {  	s21 =	simm.s32 $0xC80  }
0x7c: {  	[tilespmem:s21], [sflag:$0x1] =	stream.indirect.gather [hbm4b:s1+s25], $0x80, s13, s25, $0xb8;
	[tilespmem:$0x1E680] =	vst v63  }
.Ltmp5:
0x7d: {  	_ = 	snop;
	(pc) =	sbr.rel .LBB2_7-.Ltmp5, $4  }
0x7e: {  	s24 =	simm.s32 $0x1C80  }
0x7f: {  	[tilespmem:s24], [sflag:$0x1] =	stream.indirect.gather [hbm4b:s2+s25], $0x80, s30, s25, $0xb8;
	[tilespmem:$0x1E680] =	vst v63  }
0x80: {  	s31 =	simm.s32 $0x2C80  }
0x81: {  	[tilespmem:s31], [sflag:$0x1] =	stream.indirect.gather [hbm4b:s6+s25], $0x80, s30, s25, $0xb8;
	[tilespmem:$0x1E680] =	vst v63  }
.LBB2_14:
0x82: {  	p2 =	sgt.u32 s30, $0x23E  }
0x83: {  	s16 =	sand.u32 @!p2 $0xFFFF, s20  }
0x84: {  	p3 =	sne.s32 @!p2 s16, $0x18  }
0x85: {  	p1 =	por p3, p2  }
0x86: {  	s16 =	smul.u32 @!p1 $0x320, s5  }
0x87: {  	s5 =	sand.u32 @!p1 $0x1, s5  }
0x88: {  	p4 =	seq.s32 @!p1 s5, $0x1;
	s5 =	sand.u32 @!p1 $0xFFE0, s16  }
0x89: {  	p3 =	por @!p2 !p4, p3;
	s5 =	sadd.s32 @!p1 s5, s19  }
0x8a: {  	s16 =	simm.s32 @!p1 $0x320;
	p2 =	por !p3, p2;
	s5 =	sshrl.u32 @!p1 s5, $0x3  }
0x8b: {  	s20 =	simm.s32 @!p1 $0x0;
	s16 =	simm.s32 @!p2 $0x0;
	s17 =	sadd.s32 @!p1 s10, s5  }
0x8c: {  	[tilespmem:s16], [sflag:$0x3] =	stream.linear.gather @!p1 [hbm4b:s17+s20], $0x320, $0x38;
	[tilespmem:$0x1E680] =	vst v63  }
0x8d: {  	s5 =	sadd.s32 @!p1 s11, s5;
	s16 =	sadd.s32 @!p1 $0x640, s16  }
0x8e: {  	[tilespmem:s16], [sflag:$0x3] =	stream.linear.gather @!p1 [hbm4b:s5+s20], $0x320, $0x38;
	[tilespmem:$0x1E680] =	vst v63  }
0x8f: {  	p1 =	seq.s32 s13, $0x271  }
.Ltmp6:
0x90: {  	_ = 	snop;
	(pc) =	sbr.rel @p1 .LBB2_15-.Ltmp6, $2  }
0x91: {  	_ =	sdelay $0x2  }
0x92: {  	s30 =	smov.u32 s13  }
.LBB2_7:
0x93: {  	s5 =	smul.u32 $0x47AF, s30;
	_ =	sdelay $0x1  }
0x94: {  	s5 =	sshrl.u32 s5, $0x10  }
0x95: {  	s13 =	ssub.s32 s30, s5  }
0x96: {  	s13 =	sand.u32 $0xFFFE, s13  }
0x97: {  	s13 =	sshrl.u32 s13, $0x1  }
0x98: {  	s5 =	sadd.s32 s5, s13  }
0x99: {  	s5 =	sand.u32 $0xFFF0, s5  }
0x9a: {  	s5 =	sshrl.u32 s5, $0x4  }
0x9b: {  	s24 =	smul.u32 $0x19, s5  }
0x9c: {  	s21 =	sand.u32 $0x1, s30;
	p2 =	seq.s32 s30, $0x270  }
0x9d: {  	p1 =	seq.s32 s21, $0x0;
	s13 =	sadd.s32 $0x1, s30;
	s20 =	ssub.s32 s30, s24  }
0x9e: {  	s31 =	sand.u32 @!p1 $0xFFFE, s13;
	s24 =	sand.u32 @!p2 $0xFFFF, s20  }
0x9f: {  	p3 =	sne.s32 @!p2 s24, $0x18;
	s24 =	sshrl.u32 @!p1 s31, $0x1  }
0xa0: {  	s24 =	smul.u32 @!p1 $0x147B, s24  }
0xa1: {  	p3 =	por p3, p2  }
0xa2: {  	s31 =	simm.s32 @!p3 $0x3;
	s24 =	sshrl.u32 @!p1 s24, $0x11  }
0xa3: {  	_ =	swait.ge @!p3 [sflag:s31], $0x320;
	s24 =	smul.u32 @!p1 $0x32, s24  }
0xa4: {  	[sflag:s31] =	ssyncset.done @!p3 $0x0  }
0xa5: {  	[sflag:s31] =	ssyncadd.s32 @!p3 $0xFFFFFCE0;
	s24 =	ssub.s32 @!p1 s13, s24  }
0xa6: {  	_ =	swait.ge @!p3 [sflag:s31], $0x320;
	s24 =	sshll.u32 @!p1 s24, $0x5  }
0xa7: {  	s16 =	simm.s32 @!p1 $0x20;
	[sflag:s31] =	ssyncset.done @!p3 $0x0;
	s24 =	sand.u32 @!p1 $0xFFE0, s24  }
0xa8: {  	s17 =	simm.s32 @!p1 $0xC80;
	[sflag:s31] =	ssyncadd.s32 @!p3 $0xFFFFFCE0;
	s31 =	sadd.s32 @!p1 $0x640, s24  }
0xa9: {  	[tilespmem:s17], [sflag:$0x1] =	stream.indirect.gather @!p1 [hbm4b:s1+s16], $0x80, s31, s16, $0xb8;
	[tilespmem:$0x1E680] =	vst v63  }
0xaa: {  	s31 =	sand.u32 $0x1, s13  }
0xab: {  	p6 =	seq.s32 s31, $0x1  }
0xac: {  	p2 =	por !p6, p2  }
0xad: {  	s17 =	sand.u32 @!p2 $0xFFFE, s13  }
0xae: {  	s17 =	sshrl.u32 @!p2 s17, $0x1  }
0xaf: {  	s31 =	simm.s32 @!p1 $0x1C80;
	s17 =	smul.u32 @!p2 $0x147B, s17  }
0xb0: {  	[tilespmem:s31], [sflag:$0x1] =	stream.indirect.gather @!p1 [hbm4b:s2+s16], $0x80, s24, s16, $0xb8;
	[tilespmem:$0x1E680] =	vst v63  }
0xb1: {  	s17 =	sshrl.u32 @!p2 s17, $0x11  }
0xb2: {  	s31 =	simm.s32 @!p1 $0x2C80;
	s17 =	smul.u32 @!p2 $0x32, s17  }
0xb3: {  	[tilespmem:s31], [sflag:$0x1] =	stream.indirect.gather @!p1 [hbm4b:s6+s16], $0x80, s24, s16, $0xb8;
	[tilespmem:$0x1E680] =	vst v63  }
0xb4: {  	s16 =	ssub.s32 @!p2 s13, s17  }
0xb5: {  	s16 =	sshll.u32 @!p2 s16, $0x5  }
0xb6: {  	s16 =	sand.u32 @!p2 $0xFFE0, s16  }
0xb7: {  	s24 =	simm.s32 @!p2 $0x20;
	s31 =	simm.s32 @!p2 $0x3C80;
	s17 =	sadd.s32 @!p2 $0x640, s16  }
0xb8: {  	[tilespmem:s31], [sflag:$0x2] =	stream.indirect.gather @!p2 [hbm4b:s1+s24], $0x80, s17, s24, $0xb8;
	[tilespmem:$0x1E680] =	vst v63  }
0xb9: {  	s17 =	simm.s32 @!p2 $0x4C80  }
0xba: {  	[tilespmem:s17], [sflag:$0x2] =	stream.indirect.gather @!p2 [hbm4b:s2+s24], $0x80, s16, s24, $0xb8;
	[tilespmem:$0x1E680] =	vst v63  }
0xbb: {  	s17 =	simm.s32 @!p2 $0x5C80  }
0xbc: {  	[tilespmem:s17], [sflag:$0x2] =	stream.indirect.gather @!p2 [hbm4b:s6+s24], $0x80, s16, s24, $0xb8;
	[tilespmem:$0x1E680] =	vst v63  }
0xbd: {  	p2 =	seq.s32 s21, $0x1  }
.Ltmp7:
0xbe: {  	_ = 	snop;
	(pc) =	sbr.rel @p2 .LBB2_11-.Ltmp7, $1  }
0xbf: {  	_ =	sdelay $0x3  }
0xc0: {  	_ =	swait.ge [sflag:s28], $0x1000  }
0xc1: {  	[sflag:s28] =	ssyncset.done $0x0  }
0xc2: {  	[sflag:s28] =	ssyncadd.s32 $0xFFFFF000  }
0xc3: {  	_ =	swait.ge [sflag:s28], $0x1000  }
0xc4: {  	[sflag:s28] =	ssyncset.done $0x0  }
0xc5: {  	[sflag:s28] =	ssyncadd.s32 $0xFFFFF000  }
0xc6: {  	_ =	swait.ge [sflag:s28], $0x1000  }
0xc7: {  	[sflag:s28] =	ssyncset.done $0x0  }
0xc8: {  	s21 =	simm.s32 $0x0;
	s24 =	simm.s32 $0x7C90;
	[sflag:s28] =	ssyncadd.s32 $0xFFFFF000  }
.LBB2_9:
0xc9: {  	s31 =	sshra.s32 s21, $0x2  }
0xca: {  	v1 =	vld [tilespmem:s31+$0xC80]  }
0xcb: {  	v2 =	vld [tilespmem:s31+$0x1C80]  }
0xcc: {  	v3 =	vld [tilespmem:s31+$0xC90]  }
0xcd: {  	v4 =	vld [tilespmem:s31+$0x1C90]  }
0xce: {  	v5 =	vld [tilespmem:s31+$0xCA0]  }
0xcf: {  	v6 =	vld [tilespmem:s31+$0x1CA0]  }
0xd0: {  	v7 =	vld [tilespmem:s31+$0xCB0]  }
0xd1: {  	v8 =	vld [tilespmem:s31+$0x1CB0]  }
0xd2: {  	v9 =	vld [tilespmem:s31+$0xCC0]  }
0xd3: {  	v10 =	vld [tilespmem:s31+$0x1CC0]  }
0xd4: {  	v11 =	vld [tilespmem:s31+$0xCD0];
	v1 =	vmul.f32 v2, v1  }
0xd5: {  	v20 =	vld [tilespmem:s31+$0xCE0];
	v3 =	vmul.f32 v4, v3  }
0xd6: {  	v22 =	vld [tilespmem:s31+$0xCF0];
	(xrf2) =	vadd.scan.msk.f32 $0xffff, v1;
	v1 =	vmul.f32 v6, v5  }
0xd7: {  	v2 =	vld [tilespmem:s31+$0x1CD0];
	(xrf2) =	vadd.scan.msk.f32 $0xffff, v3  }
0xd8: {  	(xrf2) =	vadd.scan.msk.f32 $0xffff, v1;
	v1 =	vld [tilespmem:s31+$0x1CF0]  }
0xd9: {  	v21 =	vld [tilespmem:s31+$0x1CE0];
	v3 =	vmul.f32 v8, v7;
	_ =	sdelay $0x1  }
0xda: {  	(xrf2) =	vadd.scan.msk.f32 $0xffff, v3  }
0xdb: {  	v3 =	vmul.f32 v10, v9  }
0xdc: {  	v2 =	vmul.f32 v2, v11;
	v1 =	vmul.f32 v1, v22  }
0xdd: {  	(xrf2) =	vadd.scan.msk.f32 $0xffff, v3;
	v3 =	vmul.f32 v21, v20  }
0xde: {  	(xrf2) =	vadd.scan.msk.f32 $0xffff, v2  }
0xdf: {  	(xrf2) =	vadd.scan.msk.f32 $0xffff, v3  }
0xe0: {  	(xrf2) =	vadd.scan.msk.f32 $0xffff, v1;
	v1, _, _ =	vpop (xrf2)  }
0xe1: {  	v2, _, _ =	vpop (xrf2)  }
0xe2: {  	v1 =	vmul.f32 $1.442695020e+00, v1;
	v3, _, _ =	vpop (xrf2)  }
0xe3: {  	v2 =	vmul.f32 $1.442695020e+00, v2;
	v3 =	vmul.f32 $1.442695020e+00, v3  }
0xe4: {  	v1 =	vbroadcast v1, $0xF;
	v23, _, _ =	vpop (xrf2)  }
0xe5: {  	v2 =	vbroadcast v2, $0xF;
	v4 =	vmul.f32 $1.442695020e+00, v23  }
0xe6: {  	(erf) = vpow2.f32 v1;
	v1 =	vbroadcast v3, $0xF  }
0xe7: {  	(erf) = vpow2.f32 v2;
	v2 =	vbroadcast v4, $0xF;
	v3, _, _ =	vpop (xrf2)  }
0xe8: {  	(erf) = vpow2.f32 v1;
	v1 =	vmul.f32 $1.442695020e+00, v3;
	v3, _, _ =	vpop (xrf2)  }
0xe9: {  	(erf) = vpow2.f32 v2;
	v2 =	vmul.f32 $1.442695020e+00, v3;
	v3, _, _ =	vpop (xrf2)  }
0xea: {  	v1 =	vbroadcast v1, $0xF;
	v3 =	vmul.f32 $1.442695020e+00, v3;
	v24, _, _ =	vpop (xrf2)  }
0xeb: {  	v2 =	vbroadcast v2, $0xF;
	v4 =	vmul.f32 $1.442695020e+00, v24  }
0xec: {  	(erf) = vpow2.f32 v1;
	v1 =	vbroadcast v3, $0xF  }
0xed: {  	v3 =	vld [tilespmem:s31+$0x2C80];
	(erf) = vpow2.f32 v2;
	v2 =	vbroadcast v4, $0xF  }
0xee: {  	v25 =	vld [tilespmem:s31+$0x2C90];
	(erf) = vpow2.f32 v1  }
0xef: {  	v1 =	vld [tilespmem:s31+$0x2CA0];
	(erf) = vpow2.f32 v2  }
0xf0: {  	v2 =	vld [tilespmem:s31+$0x2CB0]  }
0xf1: {  	v27 =	vld [tilespmem:s31+$0x2CC0];
	v26 =	vpop (erf)  }
0xf2: {  	v29 =	vld [tilespmem:s31+$0x2CD0];
	v28 =	vpop (erf);
	v3 =	vmul.f32 v26, v3  }
0xf3: {  	v31 =	vld [tilespmem:s31+$0x2CE0];
	v4 =	vmul.f32 v28, v25;
	v30 =	vpop (erf)  }
0xf4: {  	v33 =	vld [tilespmem:s31+$0x2CF0];
	v32 =	vpop (erf);
	[tilespmem:s31+$0x6C80] =	vst v3;
	v3 =	vnsel vm0, $0x0, v26;
	v1 =	vmul.f32 v30, v1  }
0xf5: {  	[tilespmem:s31+$0x6C90] =	vst v4;
	v3 =	vsel vm1, v3, v28;
	v2 =	vmul.f32 v32, v2;
	v34 =	vpop (erf)  }
0xf6: {  	[tilespmem:s31+$0x6CA0] =	vst v1;
	v1 =	vsel vm2, v3, v30;
	v3 =	vmul.f32 v34, v27;
	v35 =	vpop (erf)  }
0xf7: {  	[tilespmem:s31+$0x6CB0] =	vst v2;
	v1 =	vsel vm3, v1, v32;
	v2 =	vmul.f32 v35, v29;
	v36 =	vpop (erf)  }
0xf8: {  	v1 =	vsel vm4, v1, v34;
	[tilespmem:s31+$0x6CC0] =	vst v3;
	v3 =	vmul.f32 v36, v31;
	v37 =	vpop (erf)  }
0xf9: {  	v1 =	vsel vm5, v1, v35;
	[tilespmem:s31+$0x6CD0] =	vst v2;
	v2 =	vmul.f32 v37, v33  }
0xfa: {  	v1 =	vsel vm6, v1, v36;
	[tilespmem:s31+$0x6CE0] =	vst v3  }
0xfb: {  	v1 =	vsel vm7, v1, v37;
	[tilespmem:s31+$0x6CF0] =	vst v2  }
0xfc: {  	[tilespmem:s24+$0xFFFFFFF0] =	vst v1  }
0xfd: {  	v1 =	vld [tilespmem:s31+$0xD00]  }
0xfe: {  	v2 =	vld [tilespmem:s31+$0x1D00]  }
0xff: {  	v3 =	vld [tilespmem:s31+$0xD10]  }
0x100: {  	v38 =	vld [tilespmem:s31+$0x1D10]  }
0x101: {  	v39 =	vld [tilespmem:s31+$0xD20]  }
0x102: {  	v40 =	vld [tilespmem:s31+$0x1D20]  }
0x103: {  	v41 =	vld [tilespmem:s31+$0xD30]  }
0x104: {  	v42 =	vld [tilespmem:s31+$0x1D30]  }
0x105: {  	v43 =	vld [tilespmem:s31+$0xD40]  }
0x106: {  	v44 =	vld [tilespmem:s31+$0x1D40]  }
0x107: {  	v45 =	vld [tilespmem:s31+$0xD50];
	v1 =	vmul.f32 v2, v1  }
0x108: {  	v46 =	vld [tilespmem:s31+$0xD60];
	v3 =	vmul.f32 v38, v3  }
0x109: {  	v48 =	vld [tilespmem:s31+$0xD70];
	(xrf2) =	vadd.scan.msk.f32 $0xffff, v1;
	v1 =	vmul.f32 v40, v39  }
0x10a: {  	v2 =	vld [tilespmem:s31+$0x1D50];
	(xrf2) =	vadd.scan.msk.f32 $0xffff, v3  }
0x10b: {  	(xrf2) =	vadd.scan.msk.f32 $0xffff, v1;
	v1 =	vld [tilespmem:s31+$0x1D70]  }
0x10c: {  	v47 =	vld [tilespmem:s31+$0x1D60];
	v3 =	vmul.f32 v42, v41;
	_ =	sdelay $0x1  }
0x10d: {  	(xrf2) =	vadd.scan.msk.f32 $0xffff, v3  }
0x10e: {  	v3 =	vmul.f32 v44, v43  }
0x10f: {  	v2 =	vmul.f32 v2, v45;
	v1 =	vmul.f32 v1, v48  }
0x110: {  	(xrf2) =	vadd.scan.msk.f32 $0xffff, v3;
	v3 =	vmul.f32 v47, v46  }
0x111: {  	(xrf2) =	vadd.scan.msk.f32 $0xffff, v2  }
0x112: {  	(xrf2) =	vadd.scan.msk.f32 $0xffff, v3  }
0x113: {  	(xrf2) =	vadd.scan.msk.f32 $0xffff, v1;
	v1, _, _ =	vpop (xrf2)  }
0x114: {  	v2, _, _ =	vpop (xrf2)  }
0x115: {  	v1 =	vmul.f32 $1.442695020e+00, v1;
	v3, _, _ =	vpop (xrf2)  }
0x116: {  	v2 =	vmul.f32 $1.442695020e+00, v2;
	v3 =	vmul.f32 $1.442695020e+00, v3  }
0x117: {  	v49, _, _ =	vpop (xrf2);
	v1 =	vbroadcast v1, $0xF  }
0x118: {  	v2 =	vbroadcast v2, $0xF;
	v4 =	vmul.f32 $1.442695020e+00, v49  }
0x119: {  	(erf) = vpow2.f32 v1;
	v1 =	vbroadcast v3, $0xF  }
0x11a: {  	(erf) = vpow2.f32 v2;
	v2 =	vbroadcast v4, $0xF;
	v3, _, _ =	vpop (xrf2)  }
0x11b: {  	(erf) = vpow2.f32 v1;
	v50, _, _ =	vpop (xrf2);
	v1 =	vmul.f32 $1.442695020e+00, v3  }
0x11c: {  	(erf) = vpow2.f32 v2;
	v3, _, _ =	vpop (xrf2);
	v2 =	vmul.f32 $1.442695020e+00, v50  }
0x11d: {  	v1 =	vbroadcast v1, $0xF;
	v3 =	vmul.f32 $1.442695020e+00, v3;
	v51, _, _ =	vpop (xrf2)  }
0x11e: {  	v2 =	vbroadcast v2, $0xF;
	v4 =	vmul.f32 $1.442695020e+00, v51  }
0x11f: {  	(erf) = vpow2.f32 v1;
	v1 =	vbroadcast v3, $0xF  }
0x120: {  	v3 =	vld [tilespmem:s31+$0x2D00];
	(erf) = vpow2.f32 v2;
	v2 =	vbroadcast v4, $0xF  }
0x121: {  	v52 =	vld [tilespmem:s31+$0x2D10];
	(erf) = vpow2.f32 v1  }
0x122: {  	v1 =	vld [tilespmem:s31+$0x2D20];
	(erf) = vpow2.f32 v2  }
0x123: {  	v2 =	vld [tilespmem:s31+$0x2D30]  }
0x124: {  	v54 =	vld [tilespmem:s31+$0x2D40];
	v53 =	vpop (erf)  }
0x125: {  	v56 =	vld [tilespmem:s31+$0x2D50];
	v55 =	vpop (erf);
	v3 =	vmul.f32 v53, v3  }
0x126: {  	v58 =	vld [tilespmem:s31+$0x2D60];
	v57 =	vpop (erf);
	v4 =	vmul.f32 v55, v52  }
0x127: {  	v60 =	vld [tilespmem:s31+$0x2D70];
	v59 =	vpop (erf);
	[tilespmem:s31+$0x6D00] =	vst v3;
	v3 =	vnsel vm0, $0x0, v53;
	v1 =	vmul.f32 v57, v1  }
0x128: {  	[tilespmem:s31+$0x6D10] =	vst v4;
	v3 =	vsel vm1, v3, v55;
	v2 =	vmul.f32 v59, v2;
	v12 =	vpop (erf)  }
0x129: {  	[tilespmem:s31+$0x6D20] =	vst v1;
	v1 =	vsel vm2, v3, v57;
	v61 =	vpop (erf);
	v3 =	vmul.f32 v12, v54  }
0x12a: {  	p2 =	sne.s32 s21, $0x3C00;
	[tilespmem:s31+$0x6D30] =	vst v2;
	v1 =	vsel vm3, v1, v59;
	v62 =	vpop (erf);
	v2 =	vmul.f32 v61, v56  }
.Ltmp8:
0x12b: {  	v1 =	vsel vm4, v1, v12;
	[tilespmem:s31+$0x6D40] =	vst v3;
	v3 =	vmul.f32 v62, v58;
	v63 =	vpop (erf);
	(pc) =	sbr.rel @p2 .LBB2_9-.Ltmp8, $4  }
0x12c: {  	v1 =	vsel vm5, v1, v61;
	[tilespmem:s31+$0x6D50] =	vst v2;
	v2 =	vmul.f32 v63, v60  }
0x12d: {  	v1 =	vsel vm6, v1, v62;
	[tilespmem:s31+$0x6D60] =	vst v3  }
0x12e: {  	v1 =	vsel vm7, v1, v63;
	[tilespmem:s31+$0x6D70] =	vst v2  }
0x12f: {  	s21 =	sadd.s32 $0x400, s21;
	[tilespmem:s24+$0x0] =	vst v1;
	s24 =	sadd.s32 $0x20, s24  }
0x130: {  	s16 =	sand.u32 $0xFFFE, s30  }
0x131: {  	s16 =	sshrl.u32 s16, $0x1  }
0x132: {  	s16 =	smul.u32 $0x147B, s16;
	_ =	sdelay $0x1  }
0x133: {  	s16 =	sshrl.u32 s16, $0x11  }
0x134: {  	s16 =	smul.u32 $0x32, s16;
	_ =	sdelay $0x1  }
0x135: {  	s16 =	ssub.s32 s30, s16  }
0x136: {  	s16 =	sshll.u32 s16, $0x5  }
0x137: {  	s16 =	sand.u32 $0x3FE0, s16  }
0x138: {  	s16 =	sadd.s32 $0x640, s16  }
0x139: {  	[spmem:s3] =	stream.indirect.scatter.add.f32 [tilespmem:s22], [sflag:$0x4], $0x80, s16, s25, $0xb8;
	[tilespmem:$0x1E680] =	vst v63  }
0x13a: {  	_ =	swait.ge [sflag:s23], $0x1000  }
0x13b: {  	[sflag:s23] =	ssyncset.done $0x0  }
.Ltmp9:
0x13c: {  	[sflag:s23] =	ssyncadd.s32 $0xFFFFF000;
	(pc) =	sbr.rel @p1 .LBB2_14-.Ltmp9, $4  }
0x13d: {  	[spmem:s4] =	stream.indirect.scatter.add.f32 [tilespmem:s18], [sflag:$0x4], $0x10, s16, s25, $0xb8;
	[tilespmem:$0x1E680] =	vst v63  }
0x13e: {  	_ =	swait.ge [sflag:s23], $0x200  }
0x13f: {  	[sflag:s23] =	ssyncset.done $0x0  }
0x140: {  	[sflag:s23] =	ssyncadd.s32 $0xFFFFFE00  }
.LBB2_11:
0x141: {  	_ =	swait.ge [sflag:s26], $0x1000  }
0x142: {  	[sflag:s26] =	ssyncset.done $0x0  }
0x143: {  	[sflag:s26] =	ssyncadd.s32 $0xFFFFF000  }
0x144: {  	_ =	swait.ge [sflag:s26], $0x1000  }
0x145: {  	[sflag:s26] =	ssyncset.done $0x0  }
0x146: {  	[sflag:s26] =	ssyncadd.s32 $0xFFFFF000  }
0x147: {  	_ =	swait.ge [sflag:s26], $0x1000  }
0x148: {  	[sflag:s26] =	ssyncset.done $0x0  }
0x149: {  	s21 =	simm.s32 $0x0;
	s24 =	simm.s32 $0x7C90;
	[sflag:s26] =	ssyncadd.s32 $0xFFFFF000  }
.LBB2_12:
0x14a: {  	s31 =	sshra.s32 s21, $0x2  }
0x14b: {  	v1 =	vld [tilespmem:s31+$0x3C80]  }
0x14c: {  	v2 =	vld [tilespmem:s31+$0x4C80]  }
0x14d: {  	v3 =	vld [tilespmem:s31+$0x3C90]  }
0x14e: {  	v4 =	vld [tilespmem:s31+$0x4C90]  }
0x14f: {  	v5 =	vld [tilespmem:s31+$0x3CA0]  }
0x150: {  	v6 =	vld [tilespmem:s31+$0x4CA0]  }
0x151: {  	v7 =	vld [tilespmem:s31+$0x3CB0]  }
0x152: {  	v8 =	vld [tilespmem:s31+$0x4CB0]  }
0x153: {  	v9 =	vld [tilespmem:s31+$0x3CC0]  }
0x154: {  	v10 =	vld [tilespmem:s31+$0x4CC0]  }
0x155: {  	v11 =	vld [tilespmem:s31+$0x3CD0];
	v1 =	vmul.f32 v2, v1  }
0x156: {  	v20 =	vld [tilespmem:s31+$0x3CE0];
	v3 =	vmul.f32 v4, v3  }
0x157: {  	v22 =	vld [tilespmem:s31+$0x3CF0];
	(xrf2) =	vadd.scan.msk.f32 $0xffff, v1;
	v1 =	vmul.f32 v6, v5  }
0x158: {  	v2 =	vld [tilespmem:s31+$0x4CD0];
	(xrf2) =	vadd.scan.msk.f32 $0xffff, v3  }
0x159: {  	(xrf2) =	vadd.scan.msk.f32 $0xffff, v1;
	v1 =	vld [tilespmem:s31+$0x4CF0]  }
0x15a: {  	v21 =	vld [tilespmem:s31+$0x4CE0];
	v3 =	vmul.f32 v8, v7;
	_ =	sdelay $0x1  }
0x15b: {  	(xrf2) =	vadd.scan.msk.f32 $0xffff, v3  }
0x15c: {  	v3 =	vmul.f32 v10, v9  }
0x15d: {  	v2 =	vmul.f32 v2, v11;
	v1 =	vmul.f32 v1, v22  }
0x15e: {  	(xrf2) =	vadd.scan.msk.f32 $0xffff, v3;
	v3 =	vmul.f32 v21, v20  }
0x15f: {  	(xrf2) =	vadd.scan.msk.f32 $0xffff, v2  }
0x160: {  	(xrf2) =	vadd.scan.msk.f32 $0xffff, v3  }
0x161: {  	(xrf2) =	vadd.scan.msk.f32 $0xffff, v1;
	v1, _, _ =	vpop (xrf2)  }
0x162: {  	v2, _, _ =	vpop (xrf2)  }
0x163: {  	v1 =	vmul.f32 $1.442695020e+00, v1;
	v3, _, _ =	vpop (xrf2)  }
0x164: {  	v2 =	vmul.f32 $1.442695020e+00, v2;
	v3 =	vmul.f32 $1.442695020e+00, v3  }
0x165: {  	v1 =	vbroadcast v1, $0xF;
	v23, _, _ =	vpop (xrf2)  }
0x166: {  	v2 =	vbroadcast v2, $0xF;
	v4 =	vmul.f32 $1.442695020e+00, v23  }
0x167: {  	(erf) = vpow2.f32 v1;
	v1 =	vbroadcast v3, $0xF  }
0x168: {  	(erf) = vpow2.f32 v2;
	v2 =	vbroadcast v4, $0xF;
	v3, _, _ =	vpop (xrf2)  }
0x169: {  	(erf) = vpow2.f32 v1;
	v1 =	vmul.f32 $1.442695020e+00, v3;
	v3, _, _ =	vpop (xrf2)  }
0x16a: {  	(erf) = vpow2.f32 v2;
	v2 =	vmul.f32 $1.442695020e+00, v3;
	v3, _, _ =	vpop (xrf2)  }
0x16b: {  	v1 =	vbroadcast v1, $0xF;
	v3 =	vmul.f32 $1.442695020e+00, v3;
	v24, _, _ =	vpop (xrf2)  }
0x16c: {  	v2 =	vbroadcast v2, $0xF;
	v4 =	vmul.f32 $1.442695020e+00, v24  }
0x16d: {  	(erf) = vpow2.f32 v1;
	v1 =	vbroadcast v3, $0xF  }
0x16e: {  	v3 =	vld [tilespmem:s31+$0x5C80];
	(erf) = vpow2.f32 v2;
	v2 =	vbroadcast v4, $0xF  }
0x16f: {  	v25 =	vld [tilespmem:s31+$0x5C90];
	(erf) = vpow2.f32 v1  }
0x170: {  	v1 =	vld [tilespmem:s31+$0x5CA0];
	(erf) = vpow2.f32 v2  }
0x171: {  	v2 =	vld [tilespmem:s31+$0x5CB0]  }
0x172: {  	v27 =	vld [tilespmem:s31+$0x5CC0];
	v26 =	vpop (erf)  }
0x173: {  	v29 =	vld [tilespmem:s31+$0x5CD0];
	v28 =	vpop (erf);
	v3 =	vmul.f32 v26, v3  }
0x174: {  	v31 =	vld [tilespmem:s31+$0x5CE0];
	v4 =	vmul.f32 v28, v25;
	v30 =	vpop (erf)  }
0x175: {  	v33 =	vld [tilespmem:s31+$0x5CF0];
	v32 =	vpop (erf);
	[tilespmem:s31+$0x6C80] =	vst v3;
	v3 =	vnsel vm0, $0x0, v26;
	v1 =	vmul.f32 v30, v1  }
0x176: {  	[tilespmem:s31+$0x6C90] =	vst v4;
	v3 =	vsel vm1, v3, v28;
	v2 =	vmul.f32 v32, v2;
	v34 =	vpop (erf)  }
0x177: {  	[tilespmem:s31+$0x6CA0] =	vst v1;
	v1 =	vsel vm2, v3, v30;
	v3 =	vmul.f32 v34, v27;
	v35 =	vpop (erf)  }
0x178: {  	[tilespmem:s31+$0x6CB0] =	vst v2;
	v1 =	vsel vm3, v1, v32;
	v2 =	vmul.f32 v35, v29;
	v36 =	vpop (erf)  }
0x179: {  	v1 =	vsel vm4, v1, v34;
	[tilespmem:s31+$0x6CC0] =	vst v3;
	v3 =	vmul.f32 v36, v31;
	v37 =	vpop (erf)  }
0x17a: {  	v1 =	vsel vm5, v1, v35;
	[tilespmem:s31+$0x6CD0] =	vst v2;
	v2 =	vmul.f32 v37, v33  }
0x17b: {  	v1 =	vsel vm6, v1, v36;
	[tilespmem:s31+$0x6CE0] =	vst v3  }
0x17c: {  	v1 =	vsel vm7, v1, v37;
	[tilespmem:s31+$0x6CF0] =	vst v2  }
0x17d: {  	[tilespmem:s24+$0xFFFFFFF0] =	vst v1  }
0x17e: {  	v1 =	vld [tilespmem:s31+$0x3D00]  }
0x17f: {  	v2 =	vld [tilespmem:s31+$0x4D00]  }
0x180: {  	v3 =	vld [tilespmem:s31+$0x3D10]  }
0x181: {  	v38 =	vld [tilespmem:s31+$0x4D10]  }
0x182: {  	v39 =	vld [tilespmem:s31+$0x3D20]  }
0x183: {  	v40 =	vld [tilespmem:s31+$0x4D20]  }
0x184: {  	v41 =	vld [tilespmem:s31+$0x3D30]  }
0x185: {  	v42 =	vld [tilespmem:s31+$0x4D30]  }
0x186: {  	v43 =	vld [tilespmem:s31+$0x3D40]  }
0x187: {  	v44 =	vld [tilespmem:s31+$0x4D40]  }
0x188: {  	v45 =	vld [tilespmem:s31+$0x3D50];
	v1 =	vmul.f32 v2, v1  }
0x189: {  	v46 =	vld [tilespmem:s31+$0x3D60];
	v3 =	vmul.f32 v38, v3  }
0x18a: {  	v48 =	vld [tilespmem:s31+$0x3D70];
	(xrf2) =	vadd.scan.msk.f32 $0xffff, v1;
	v1 =	vmul.f32 v40, v39  }
0x18b: {  	v2 =	vld [tilespmem:s31+$0x4D50];
	(xrf2) =	vadd.scan.msk.f32 $0xffff, v3  }
0x18c: {  	(xrf2) =	vadd.scan.msk.f32 $0xffff, v1;
	v1 =	vld [tilespmem:s31+$0x4D70]  }
0x18d: {  	v47 =	vld [tilespmem:s31+$0x4D60];
	v3 =	vmul.f32 v42, v41;
	_ =	sdelay $0x1  }
0x18e: {  	(xrf2) =	vadd.scan.msk.f32 $0xffff, v3  }
0x18f: {  	v3 =	vmul.f32 v44, v43  }
0x190: {  	v2 =	vmul.f32 v2, v45;
	v1 =	vmul.f32 v1, v48  }
0x191: {  	(xrf2) =	vadd.scan.msk.f32 $0xffff, v3;
	v3 =	vmul.f32 v47, v46  }
0x192: {  	(xrf2) =	vadd.scan.msk.f32 $0xffff, v2  }
0x193: {  	(xrf2) =	vadd.scan.msk.f32 $0xffff, v3  }
0x194: {  	(xrf2) =	vadd.scan.msk.f32 $0xffff, v1;
	v1, _, _ =	vpop (xrf2)  }
0x195: {  	v2, _, _ =	vpop (xrf2)  }
0x196: {  	v1 =	vmul.f32 $1.442695020e+00, v1;
	v3, _, _ =	vpop (xrf2)  }
0x197: {  	v2 =	vmul.f32 $1.442695020e+00, v2;
	v3 =	vmul.f32 $1.442695020e+00, v3  }
0x198: {  	v49, _, _ =	vpop (xrf2);
	v1 =	vbroadcast v1, $0xF  }
0x199: {  	v2 =	vbroadcast v2, $0xF;
	v4 =	vmul.f32 $1.442695020e+00, v49  }
0x19a: {  	(erf) = vpow2.f32 v1;
	v1 =	vbroadcast v3, $0xF  }
0x19b: {  	(erf) = vpow2.f32 v2;
	v2 =	vbroadcast v4, $0xF;
	v3, _, _ =	vpop (xrf2)  }
0x19c: {  	(erf) = vpow2.f32 v1;
	v50, _, _ =	vpop (xrf2);
	v1 =	vmul.f32 $1.442695020e+00, v3  }
0x19d: {  	(erf) = vpow2.f32 v2;
	v3, _, _ =	vpop (xrf2);
	v2 =	vmul.f32 $1.442695020e+00, v50  }
0x19e: {  	v1 =	vbroadcast v1, $0xF;
	v3 =	vmul.f32 $1.442695020e+00, v3;
	v51, _, _ =	vpop (xrf2)  }
0x19f: {  	v2 =	vbroadcast v2, $0xF;
	v4 =	vmul.f32 $1.442695020e+00, v51  }
0x1a0: {  	(erf) = vpow2.f32 v1;
	v1 =	vbroadcast v3, $0xF  }
0x1a1: {  	v3 =	vld [tilespmem:s31+$0x5D00];
	(erf) = vpow2.f32 v2;
	v2 =	vbroadcast v4, $0xF  }
0x1a2: {  	v52 =	vld [tilespmem:s31+$0x5D10];
	(erf) = vpow2.f32 v1  }
0x1a3: {  	v1 =	vld [tilespmem:s31+$0x5D20];
	(erf) = vpow2.f32 v2  }
0x1a4: {  	v2 =	vld [tilespmem:s31+$0x5D30]  }
0x1a5: {  	v54 =	vld [tilespmem:s31+$0x5D40];
	v53 =	vpop (erf)  }
0x1a6: {  	v56 =	vld [tilespmem:s31+$0x5D50];
	v55 =	vpop (erf);
	v3 =	vmul.f32 v53, v3  }
0x1a7: {  	v58 =	vld [tilespmem:s31+$0x5D60];
	v57 =	vpop (erf);
	v4 =	vmul.f32 v55, v52  }
0x1a8: {  	v60 =	vld [tilespmem:s31+$0x5D70];
	v59 =	vpop (erf);
	[tilespmem:s31+$0x6D00] =	vst v3;
	v3 =	vnsel vm0, $0x0, v53;
	v1 =	vmul.f32 v57, v1  }
0x1a9: {  	[tilespmem:s31+$0x6D10] =	vst v4;
	v3 =	vsel vm1, v3, v55;
	v2 =	vmul.f32 v59, v2;
	v12 =	vpop (erf)  }
0x1aa: {  	[tilespmem:s31+$0x6D20] =	vst v1;
	v1 =	vsel vm2, v3, v57;
	v61 =	vpop (erf);
	v3 =	vmul.f32 v12, v54  }
0x1ab: {  	p1 =	sne.s32 s21, $0x3C00;
	[tilespmem:s31+$0x6D30] =	vst v2;
	v1 =	vsel vm3, v1, v59;
	v62 =	vpop (erf);
	v2 =	vmul.f32 v61, v56  }
.Ltmp10:
0x1ac: {  	v1 =	vsel vm4, v1, v12;
	[tilespmem:s31+$0x6D40] =	vst v3;
	v3 =	vmul.f32 v62, v58;
	v63 =	vpop (erf);
	(pc) =	sbr.rel @p1 .LBB2_12-.Ltmp10, $4  }
0x1ad: {  	v1 =	vsel vm5, v1, v61;
	[tilespmem:s31+$0x6D50] =	vst v2;
	v2 =	vmul.f32 v63, v60  }
0x1ae: {  	v1 =	vsel vm6, v1, v62;
	[tilespmem:s31+$0x6D60] =	vst v3  }
0x1af: {  	v1 =	vsel vm7, v1, v63;
	[tilespmem:s31+$0x6D70] =	vst v2  }
0x1b0: {  	s21 =	sadd.s32 $0x400, s21;
	[tilespmem:s24+$0x0] =	vst v1;
	s24 =	sadd.s32 $0x20, s24  }
0x1b1: {  	s16 =	smulhi.u32 $0x51EB851F, s30;
	_ =	sdelay $0x1  }
0x1b2: {  	s16 =	sshrl.u32 s16, $0x4  }
0x1b3: {  	s16 =	smul.u32 $0x32, s16;
	_ =	sdelay $0x1  }
0x1b4: {  	s16 =	ssub.s32 s30, s16  }
0x1b5: {  	s16 =	sshll.u32 s16, $0x5  }
0x1b6: {  	s16 =	sadd.s32 $0x640, s16  }
0x1b7: {  	[spmem:s3] =	stream.indirect.scatter.add.f32 [tilespmem:s22], [sflag:$0x4], $0x80, s16, s25, $0xb8;
	[tilespmem:$0x1E680] =	vst v63  }
0x1b8: {  	_ =	swait.ge [sflag:s23], $0x1000  }
0x1b9: {  	[sflag:s23] =	ssyncset.done $0x0  }
.Ltmp11:
0x1ba: {  	[sflag:s23] =	ssyncadd.s32 $0xFFFFF000;
	(pc) =	sbr.rel .LBB2_14-.Ltmp11, $4  }
0x1bb: {  	[spmem:s4] =	stream.indirect.scatter.add.f32 [tilespmem:s18], [sflag:$0x4], $0x10, s16, s25, $0xb8;
	[tilespmem:$0x1E680] =	vst v63  }
0x1bc: {  	_ =	swait.ge [sflag:s23], $0x200  }
0x1bd: {  	[sflag:s23] =	ssyncset.done $0x0  }
0x1be: {  	[sflag:s23] =	ssyncadd.s32 $0xFFFFFE00  }
.LBB2_16:
0x1bf: {  	s5 =	rddreg [dreg:$0xc]  }
0x1c0: {  	[tilespmem:s30], [sflag:$0x4] =	stream.linear.gather [hbm4b:s5+s30], $0x320, $0x38;
	[tilespmem:$0x1E680] =	vst v63  }
0x1c1: {  	_ =	swait.ge [sflag:s23], $0x320  }
0x1c2: {  	[sflag:s23] =	ssyncset.done $0x0  }
0x1c3: {  	s13 =	simm.s32 $0x640;
	s24 =	rddreg [dreg:$0xd];
	[sflag:s23] =	ssyncadd.s32 $0xFFFFFCE0  }
0x1c4: {  	[tilespmem:s13], [sflag:$0x4] =	stream.linear.gather [hbm4b:s24+s30], $0x320, $0x38;
	[tilespmem:$0x1E680] =	vst v63  }
0x1c5: {  	_ =	swait.ge [sflag:s23], $0x320  }
0x1c6: {  	[sflag:s23] =	ssyncset.done $0x0  }
0x1c7: {  	s16 =	simm.s32 $0x320;
	s31 =	rddreg [dreg:$0x10];
	[sflag:s23] =	ssyncadd.s32 $0xFFFFFCE0  }
0x1c8: {  	[tilespmem:s16], [sflag:$0x3] =	stream.linear.gather [hbm4b:s31+s30], $0x320, $0x38;
	[tilespmem:$0x1E680] =	vst v63  }
0x1c9: {  	s20 =	simm.s32 $0x960;
	s17 =	rddreg [dreg:$0x11]  }
0x1ca: {  	[tilespmem:s20], [sflag:$0x3] =	stream.linear.gather [hbm4b:s17+s30], $0x320, $0x38;
	[tilespmem:$0x1E680] =	vst v63  }
0x1cb: {  	s21 =	simm.s32 $0xC80  }
0x1cc: {  	[tilespmem:s21], [sflag:$0x1] =	stream.indirect.gather [hbm4b:s7+s25], $0x80, s13, s25, $0xb8;
	[tilespmem:$0x1E680] =	vst v63  }
.Ltmp12:
0x1cd: {  	_ = 	snop;
	(pc) =	sbr.rel .LBB2_17-.Ltmp12, $4  }
0x1ce: {  	s24 =	simm.s32 $0x1C80  }
0x1cf: {  	[tilespmem:s24], [sflag:$0x1] =	stream.indirect.gather [hbm4b:s8+s25], $0x80, s30, s25, $0xb8;
	[tilespmem:$0x1E680] =	vst v63  }
0x1d0: {  	s31 =	simm.s32 $0x2C80  }
0x1d1: {  	[tilespmem:s31], [sflag:$0x1] =	stream.indirect.gather [hbm4b:s9+s25], $0x80, s30, s25, $0xb8;
	[tilespmem:$0x1E680] =	vst v63  }
.LBB2_24:
0x1d2: {  	p2 =	sgt.u32 s30, $0x23E  }
0x1d3: {  	s16 =	sand.u32 @!p2 $0xFFFF, s20  }
0x1d4: {  	p3 =	sne.s32 @!p2 s16, $0x18  }
0x1d5: {  	p1 =	por p3, p2  }
0x1d6: {  	s16 =	smul.u32 @!p1 $0x320, s5  }
0x1d7: {  	s5 =	sand.u32 @!p1 $0x1, s5  }
0x1d8: {  	p4 =	seq.s32 @!p1 s5, $0x1;
	s5 =	sand.u32 @!p1 $0xFFE0, s16  }
0x1d9: {  	p3 =	por @!p2 !p4, p3;
	s5 =	sadd.s32 @!p1 s5, s19  }
0x1da: {  	s16 =	simm.s32 @!p1 $0x320;
	p2 =	por !p3, p2;
	s5 =	sshrl.u32 @!p1 s5, $0x3  }
0x1db: {  	s20 =	simm.s32 @!p1 $0x0;
	s16 =	simm.s32 @!p2 $0x0;
	s17 =	sadd.s32 @!p1 s12, s5  }
0x1dc: {  	[tilespmem:s16], [sflag:$0x3] =	stream.linear.gather @!p1 [hbm4b:s17+s20], $0x320, $0x38;
	[tilespmem:$0x1E680] =	vst v63  }
0x1dd: {  	s5 =	sadd.s32 @!p1 s14, s5;
	s16 =	sadd.s32 @!p1 $0x640, s16  }
0x1de: {  	[tilespmem:s16], [sflag:$0x3] =	stream.linear.gather @!p1 [hbm4b:s5+s20], $0x320, $0x38;
	[tilespmem:$0x1E680] =	vst v63  }
0x1df: {  	p1 =	sne.s32 s13, $0x271  }
.Ltmp13:
0x1e0: {  	_ = 	snop;
	(pc) =	sbr.rel @!p1 .LBB2_25-.Ltmp13, $2  }
0x1e1: {  	_ =	sdelay $0x2  }
0x1e2: {  	s30 =	smov.u32 s13  }
.LBB2_17:
0x1e3: {  	s5 =	smul.u32 $0x47AF, s30;
	_ =	sdelay $0x1  }
0x1e4: {  	s5 =	sshrl.u32 s5, $0x10  }
0x1e5: {  	s13 =	ssub.s32 s30, s5  }
0x1e6: {  	s13 =	sand.u32 $0xFFFE, s13  }
0x1e7: {  	s13 =	sshrl.u32 s13, $0x1  }
0x1e8: {  	s5 =	sadd.s32 s5, s13  }
0x1e9: {  	s5 =	sand.u32 $0xFFF0, s5  }
0x1ea: {  	s5 =	sshrl.u32 s5, $0x4  }
0x1eb: {  	s24 =	smul.u32 $0x19, s5  }
0x1ec: {  	s16 =	sand.u32 $0x1, s30;
	p2 =	seq.s32 s30, $0x270  }
0x1ed: {  	p1 =	seq.s32 s16, $0x0;
	s13 =	sadd.s32 $0x1, s30;
	s20 =	ssub.s32 s30, s24  }
0x1ee: {  	s21 =	sand.u32 @!p1 $0xFFFE, s13;
	s17 =	sand.u32 @!p2 $0xFFFF, s20  }
0x1ef: {  	p3 =	sne.s32 @!p2 s17, $0x18;
	s17 =	sshrl.u32 @!p1 s21, $0x1  }
0x1f0: {  	s17 =	smul.u32 @!p1 $0x147B, s17  }
0x1f1: {  	p3 =	por p3, p2  }
0x1f2: {  	s21 =	simm.s32 @!p3 $0x3;
	s17 =	sshrl.u32 @!p1 s17, $0x11  }
0x1f3: {  	_ =	swait.ge @!p3 [sflag:s21], $0x320;
	s17 =	smul.u32 @!p1 $0x32, s17  }
0x1f4: {  	[sflag:s21] =	ssyncset.done @!p3 $0x0  }
0x1f5: {  	[sflag:s21] =	ssyncadd.s32 @!p3 $0xFFFFFCE0;
	s17 =	ssub.s32 @!p1 s13, s17  }
0x1f6: {  	_ =	swait.ge @!p3 [sflag:s21], $0x320;
	s17 =	sshll.u32 @!p1 s17, $0x5  }
0x1f7: {  	s31 =	simm.s32 @!p1 $0xC80;
	[sflag:s21] =	ssyncset.done @!p3 $0x0;
	s17 =	sand.u32 @!p1 $0xFFE0, s17  }
0x1f8: {  	s24 =	simm.s32 @!p1 $0x20;
	[sflag:s21] =	ssyncadd.s32 @!p3 $0xFFFFFCE0;
	s21 =	sadd.s32 @!p1 $0x640, s17  }
0x1f9: {  	[tilespmem:s31], [sflag:$0x1] =	stream.indirect.gather @!p1 [hbm4b:s7+s24], $0x80, s21, s24, $0xb8;
	[tilespmem:$0x1E680] =	vst v63  }
0x1fa: {  	s31 =	sand.u32 $0x1, s13  }
0x1fb: {  	p6 =	seq.s32 s31, $0x1  }
0x1fc: {  	p2 =	por !p6, p2  }
0x1fd: {  	s21 =	sand.u32 @!p2 $0xFFFE, s13  }
0x1fe: {  	s21 =	sshrl.u32 @!p2 s21, $0x1  }
0x1ff: {  	s31 =	simm.s32 @!p1 $0x1C80;
	s21 =	smul.u32 @!p2 $0x147B, s21  }
0x200: {  	[tilespmem:s31], [sflag:$0x1] =	stream.indirect.gather @!p1 [hbm4b:s8+s24], $0x80, s17, s24, $0xb8;
	[tilespmem:$0x1E680] =	vst v63  }
0x201: {  	s21 =	sshrl.u32 @!p2 s21, $0x11  }
0x202: {  	s31 =	simm.s32 @!p1 $0x2C80;
	s21 =	smul.u32 @!p2 $0x32, s21  }
0x203: {  	[tilespmem:s31], [sflag:$0x1] =	stream.indirect.gather @!p1 [hbm4b:s9+s24], $0x80, s17, s24, $0xb8;
	[tilespmem:$0x1E680] =	vst v63  }
0x204: {  	s17 =	ssub.s32 @!p2 s13, s21  }
0x205: {  	s17 =	sshll.u32 @!p2 s17, $0x5  }
0x206: {  	s17 =	sand.u32 @!p2 $0xFFE0, s17  }
0x207: {  	s24 =	simm.s32 @!p2 $0x20;
	s31 =	simm.s32 @!p2 $0x3C80;
	s21 =	sadd.s32 @!p2 $0x640, s17  }
0x208: {  	[tilespmem:s31], [sflag:$0x2] =	stream.indirect.gather @!p2 [hbm4b:s7+s24], $0x80, s21, s24, $0xb8;
	[tilespmem:$0x1E680] =	vst v63  }
0x209: {  	s21 =	simm.s32 @!p2 $0x4C80  }
0x20a: {  	[tilespmem:s21], [sflag:$0x2] =	stream.indirect.gather @!p2 [hbm4b:s8+s24], $0x80, s17, s24, $0xb8;
	[tilespmem:$0x1E680] =	vst v63  }
0x20b: {  	s21 =	simm.s32 @!p2 $0x5C80  }
0x20c: {  	[tilespmem:s21], [sflag:$0x2] =	stream.indirect.gather @!p2 [hbm4b:s9+s24], $0x80, s17, s24, $0xb8;
	[tilespmem:$0x1E680] =	vst v63  }
0x20d: {  	p2 =	seq.s32 s16, $0x1  }
.Ltmp14:
0x20e: {  	_ = 	snop;
	(pc) =	sbr.rel @p2 .LBB2_21-.Ltmp14, $1  }
0x20f: {  	_ =	sdelay $0x3  }
0x210: {  	_ =	swait.ge [sflag:s28], $0x1000  }
0x211: {  	[sflag:s28] =	ssyncset.done $0x0  }
0x212: {  	[sflag:s28] =	ssyncadd.s32 $0xFFFFF000  }
0x213: {  	_ =	swait.ge [sflag:s28], $0x1000  }
0x214: {  	[sflag:s28] =	ssyncset.done $0x0  }
0x215: {  	[sflag:s28] =	ssyncadd.s32 $0xFFFFF000  }
0x216: {  	_ =	swait.ge [sflag:s28], $0x1000  }
0x217: {  	[sflag:s28] =	ssyncset.done $0x0  }
0x218: {  	s21 =	simm.s32 $0x0;
	s24 =	simm.s32 $0x7C90;
	[sflag:s28] =	ssyncadd.s32 $0xFFFFF000  }
.LBB2_19:
0x219: {  	s31 =	sshra.s32 s21, $0x2  }
0x21a: {  	v1 =	vld [tilespmem:s31+$0xC80]  }
0x21b: {  	v2 =	vld [tilespmem:s31+$0x1C80]  }
0x21c: {  	v3 =	vld [tilespmem:s31+$0xC90]  }
0x21d: {  	v4 =	vld [tilespmem:s31+$0x1C90]  }
0x21e: {  	v5 =	vld [tilespmem:s31+$0xCA0]  }
0x21f: {  	v6 =	vld [tilespmem:s31+$0x1CA0]  }
0x220: {  	v7 =	vld [tilespmem:s31+$0xCB0]  }
0x221: {  	v8 =	vld [tilespmem:s31+$0x1CB0]  }
0x222: {  	v9 =	vld [tilespmem:s31+$0xCC0]  }
0x223: {  	v10 =	vld [tilespmem:s31+$0x1CC0]  }
0x224: {  	v11 =	vld [tilespmem:s31+$0xCD0];
	v1 =	vmul.f32 v2, v1  }
0x225: {  	v20 =	vld [tilespmem:s31+$0xCE0];
	v3 =	vmul.f32 v4, v3  }
0x226: {  	v22 =	vld [tilespmem:s31+$0xCF0];
	(xrf2) =	vadd.scan.msk.f32 $0xffff, v1;
	v1 =	vmul.f32 v6, v5  }
0x227: {  	v2 =	vld [tilespmem:s31+$0x1CD0];
	(xrf2) =	vadd.scan.msk.f32 $0xffff, v3  }
0x228: {  	(xrf2) =	vadd.scan.msk.f32 $0xffff, v1;
	v1 =	vld [tilespmem:s31+$0x1CF0]  }
0x229: {  	v21 =	vld [tilespmem:s31+$0x1CE0];
	v3 =	vmul.f32 v8, v7;
	_ =	sdelay $0x1  }
0x22a: {  	(xrf2) =	vadd.scan.msk.f32 $0xffff, v3  }
0x22b: {  	v3 =	vmul.f32 v10, v9  }
0x22c: {  	v2 =	vmul.f32 v2, v11;
	v1 =	vmul.f32 v1, v22  }
0x22d: {  	(xrf2) =	vadd.scan.msk.f32 $0xffff, v3;
	v3 =	vmul.f32 v21, v20  }
0x22e: {  	(xrf2) =	vadd.scan.msk.f32 $0xffff, v2  }
0x22f: {  	(xrf2) =	vadd.scan.msk.f32 $0xffff, v3  }
0x230: {  	(xrf2) =	vadd.scan.msk.f32 $0xffff, v1;
	v1, _, _ =	vpop (xrf2)  }
0x231: {  	v2, _, _ =	vpop (xrf2)  }
0x232: {  	v1 =	vmul.f32 $1.442695020e+00, v1;
	v3, _, _ =	vpop (xrf2)  }
0x233: {  	v2 =	vmul.f32 $1.442695020e+00, v2;
	v3 =	vmul.f32 $1.442695020e+00, v3  }
0x234: {  	v1 =	vbroadcast v1, $0xF;
	v23, _, _ =	vpop (xrf2)  }
0x235: {  	v2 =	vbroadcast v2, $0xF;
	v4 =	vmul.f32 $1.442695020e+00, v23  }
0x236: {  	(erf) = vpow2.f32 v1;
	v1 =	vbroadcast v3, $0xF  }
0x237: {  	(erf) = vpow2.f32 v2;
	v2 =	vbroadcast v4, $0xF;
	v3, _, _ =	vpop (xrf2)  }
0x238: {  	(erf) = vpow2.f32 v1;
	v1 =	vmul.f32 $1.442695020e+00, v3;
	v3, _, _ =	vpop (xrf2)  }
0x239: {  	(erf) = vpow2.f32 v2;
	v2 =	vmul.f32 $1.442695020e+00, v3;
	v3, _, _ =	vpop (xrf2)  }
0x23a: {  	v1 =	vbroadcast v1, $0xF;
	v3 =	vmul.f32 $1.442695020e+00, v3;
	v24, _, _ =	vpop (xrf2)  }
0x23b: {  	v2 =	vbroadcast v2, $0xF;
	v4 =	vmul.f32 $1.442695020e+00, v24  }
0x23c: {  	(erf) = vpow2.f32 v1;
	v1 =	vbroadcast v3, $0xF  }
0x23d: {  	v3 =	vld [tilespmem:s31+$0x2C80];
	(erf) = vpow2.f32 v2;
	v2 =	vbroadcast v4, $0xF  }
0x23e: {  	v25 =	vld [tilespmem:s31+$0x2C90];
	(erf) = vpow2.f32 v1  }
0x23f: {  	v1 =	vld [tilespmem:s31+$0x2CA0];
	(erf) = vpow2.f32 v2  }
0x240: {  	v2 =	vld [tilespmem:s31+$0x2CB0]  }
0x241: {  	v27 =	vld [tilespmem:s31+$0x2CC0];
	v26 =	vpop (erf)  }
0x242: {  	v29 =	vld [tilespmem:s31+$0x2CD0];
	v28 =	vpop (erf);
	v3 =	vmul.f32 v26, v3  }
0x243: {  	v31 =	vld [tilespmem:s31+$0x2CE0];
	v4 =	vmul.f32 v28, v25;
	v30 =	vpop (erf)  }
0x244: {  	v33 =	vld [tilespmem:s31+$0x2CF0];
	v32 =	vpop (erf);
	[tilespmem:s31+$0x6C80] =	vst v3;
	v3 =	vnsel vm0, $0x0, v26;
	v1 =	vmul.f32 v30, v1  }
0x245: {  	[tilespmem:s31+$0x6C90] =	vst v4;
	v3 =	vsel vm1, v3, v28;
	v2 =	vmul.f32 v32, v2;
	v34 =	vpop (erf)  }
0x246: {  	[tilespmem:s31+$0x6CA0] =	vst v1;
	v1 =	vsel vm2, v3, v30;
	v3 =	vmul.f32 v34, v27;
	v35 =	vpop (erf)  }
0x247: {  	[tilespmem:s31+$0x6CB0] =	vst v2;
	v1 =	vsel vm3, v1, v32;
	v2 =	vmul.f32 v35, v29;
	v36 =	vpop (erf)  }
0x248: {  	v1 =	vsel vm4, v1, v34;
	[tilespmem:s31+$0x6CC0] =	vst v3;
	v3 =	vmul.f32 v36, v31;
	v37 =	vpop (erf)  }
0x249: {  	v1 =	vsel vm5, v1, v35;
	[tilespmem:s31+$0x6CD0] =	vst v2;
	v2 =	vmul.f32 v37, v33  }
0x24a: {  	v1 =	vsel vm6, v1, v36;
	[tilespmem:s31+$0x6CE0] =	vst v3  }
0x24b: {  	v1 =	vsel vm7, v1, v37;
	[tilespmem:s31+$0x6CF0] =	vst v2  }
0x24c: {  	[tilespmem:s24+$0xFFFFFFF0] =	vst v1  }
0x24d: {  	v1 =	vld [tilespmem:s31+$0xD00]  }
0x24e: {  	v2 =	vld [tilespmem:s31+$0x1D00]  }
0x24f: {  	v3 =	vld [tilespmem:s31+$0xD10]  }
0x250: {  	v38 =	vld [tilespmem:s31+$0x1D10]  }
0x251: {  	v39 =	vld [tilespmem:s31+$0xD20]  }
0x252: {  	v40 =	vld [tilespmem:s31+$0x1D20]  }
0x253: {  	v41 =	vld [tilespmem:s31+$0xD30]  }
0x254: {  	v42 =	vld [tilespmem:s31+$0x1D30]  }
0x255: {  	v43 =	vld [tilespmem:s31+$0xD40]  }
0x256: {  	v44 =	vld [tilespmem:s31+$0x1D40]  }
0x257: {  	v45 =	vld [tilespmem:s31+$0xD50];
	v1 =	vmul.f32 v2, v1  }
0x258: {  	v46 =	vld [tilespmem:s31+$0xD60];
	v3 =	vmul.f32 v38, v3  }
0x259: {  	v48 =	vld [tilespmem:s31+$0xD70];
	(xrf2) =	vadd.scan.msk.f32 $0xffff, v1;
	v1 =	vmul.f32 v40, v39  }
0x25a: {  	v2 =	vld [tilespmem:s31+$0x1D50];
	(xrf2) =	vadd.scan.msk.f32 $0xffff, v3  }
0x25b: {  	(xrf2) =	vadd.scan.msk.f32 $0xffff, v1;
	v1 =	vld [tilespmem:s31+$0x1D70]  }
0x25c: {  	v47 =	vld [tilespmem:s31+$0x1D60];
	v3 =	vmul.f32 v42, v41;
	_ =	sdelay $0x1  }
0x25d: {  	(xrf2) =	vadd.scan.msk.f32 $0xffff, v3  }
0x25e: {  	v3 =	vmul.f32 v44, v43  }
0x25f: {  	v2 =	vmul.f32 v2, v45;
	v1 =	vmul.f32 v1, v48  }
0x260: {  	(xrf2) =	vadd.scan.msk.f32 $0xffff, v3;
	v3 =	vmul.f32 v47, v46  }
0x261: {  	(xrf2) =	vadd.scan.msk.f32 $0xffff, v2  }
0x262: {  	(xrf2) =	vadd.scan.msk.f32 $0xffff, v3  }
0x263: {  	(xrf2) =	vadd.scan.msk.f32 $0xffff, v1;
	v1, _, _ =	vpop (xrf2)  }
0x264: {  	v2, _, _ =	vpop (xrf2)  }
0x265: {  	v1 =	vmul.f32 $1.442695020e+00, v1;
	v3, _, _ =	vpop (xrf2)  }
0x266: {  	v2 =	vmul.f32 $1.442695020e+00, v2;
	v3 =	vmul.f32 $1.442695020e+00, v3  }
0x267: {  	v49, _, _ =	vpop (xrf2);
	v1 =	vbroadcast v1, $0xF  }
0x268: {  	v2 =	vbroadcast v2, $0xF;
	v4 =	vmul.f32 $1.442695020e+00, v49  }
0x269: {  	(erf) = vpow2.f32 v1;
	v1 =	vbroadcast v3, $0xF  }
0x26a: {  	(erf) = vpow2.f32 v2;
	v2 =	vbroadcast v4, $0xF;
	v3, _, _ =	vpop (xrf2)  }
0x26b: {  	(erf) = vpow2.f32 v1;
	v50, _, _ =	vpop (xrf2);
	v1 =	vmul.f32 $1.442695020e+00, v3  }
0x26c: {  	(erf) = vpow2.f32 v2;
	v3, _, _ =	vpop (xrf2);
	v2 =	vmul.f32 $1.442695020e+00, v50  }
0x26d: {  	v1 =	vbroadcast v1, $0xF;
	v3 =	vmul.f32 $1.442695020e+00, v3;
	v51, _, _ =	vpop (xrf2)  }
0x26e: {  	v2 =	vbroadcast v2, $0xF;
	v4 =	vmul.f32 $1.442695020e+00, v51  }
0x26f: {  	(erf) = vpow2.f32 v1;
	v1 =	vbroadcast v3, $0xF  }
0x270: {  	v3 =	vld [tilespmem:s31+$0x2D00];
	(erf) = vpow2.f32 v2;
	v2 =	vbroadcast v4, $0xF  }
0x271: {  	v52 =	vld [tilespmem:s31+$0x2D10];
	(erf) = vpow2.f32 v1  }
0x272: {  	v1 =	vld [tilespmem:s31+$0x2D20];
	(erf) = vpow2.f32 v2  }
0x273: {  	v2 =	vld [tilespmem:s31+$0x2D30]  }
0x274: {  	v54 =	vld [tilespmem:s31+$0x2D40];
	v53 =	vpop (erf)  }
0x275: {  	v56 =	vld [tilespmem:s31+$0x2D50];
	v55 =	vpop (erf);
	v3 =	vmul.f32 v53, v3  }
0x276: {  	v58 =	vld [tilespmem:s31+$0x2D60];
	v57 =	vpop (erf);
	v4 =	vmul.f32 v55, v52  }
0x277: {  	v60 =	vld [tilespmem:s31+$0x2D70];
	v59 =	vpop (erf);
	[tilespmem:s31+$0x6D00] =	vst v3;
	v3 =	vnsel vm0, $0x0, v53;
	v1 =	vmul.f32 v57, v1  }
0x278: {  	[tilespmem:s31+$0x6D10] =	vst v4;
	v3 =	vsel vm1, v3, v55;
	v2 =	vmul.f32 v59, v2;
	v12 =	vpop (erf)  }
0x279: {  	[tilespmem:s31+$0x6D20] =	vst v1;
	v1 =	vsel vm2, v3, v57;
	v61 =	vpop (erf);
	v3 =	vmul.f32 v12, v54  }
0x27a: {  	p2 =	sne.s32 s21, $0x3C00;
	[tilespmem:s31+$0x6D30] =	vst v2;
	v1 =	vsel vm3, v1, v59;
	v62 =	vpop (erf);
	v2 =	vmul.f32 v61, v56  }
.Ltmp15:
0x27b: {  	v1 =	vsel vm4, v1, v12;
	[tilespmem:s31+$0x6D40] =	vst v3;
	v3 =	vmul.f32 v62, v58;
	v63 =	vpop (erf);
	(pc) =	sbr.rel @p2 .LBB2_19-.Ltmp15, $4  }
0x27c: {  	v1 =	vsel vm5, v1, v61;
	[tilespmem:s31+$0x6D50] =	vst v2;
	v2 =	vmul.f32 v63, v60  }
0x27d: {  	v1 =	vsel vm6, v1, v62;
	[tilespmem:s31+$0x6D60] =	vst v3  }
0x27e: {  	v1 =	vsel vm7, v1, v63;
	[tilespmem:s31+$0x6D70] =	vst v2  }
0x27f: {  	s21 =	sadd.s32 $0x400, s21;
	[tilespmem:s24+$0x0] =	vst v1;
	s24 =	sadd.s32 $0x20, s24  }
0x280: {  	s16 =	sand.u32 $0xFFFE, s30  }
0x281: {  	s16 =	sshrl.u32 s16, $0x1  }
0x282: {  	s16 =	smul.u32 $0x147B, s16;
	_ =	sdelay $0x1  }
0x283: {  	s16 =	sshrl.u32 s16, $0x11  }
0x284: {  	s16 =	smul.u32 $0x32, s16;
	_ =	sdelay $0x1  }
0x285: {  	s16 =	ssub.s32 s30, s16  }
0x286: {  	s16 =	sshll.u32 s16, $0x5  }
0x287: {  	s16 =	sand.u32 $0x3FE0, s16  }
0x288: {  	s16 =	sadd.s32 $0x640, s16  }
0x289: {  	[spmem:s3] =	stream.indirect.scatter.add.f32 [tilespmem:s22], [sflag:$0x4], $0x80, s16, s25, $0xb8;
	[tilespmem:$0x1E680] =	vst v63  }
0x28a: {  	_ =	swait.ge [sflag:s23], $0x1000  }
0x28b: {  	[sflag:s23] =	ssyncset.done $0x0  }
.Ltmp16:
0x28c: {  	[sflag:s23] =	ssyncadd.s32 $0xFFFFF000;
	(pc) =	sbr.rel @p1 .LBB2_24-.Ltmp16, $4  }
0x28d: {  	[spmem:s4] =	stream.indirect.scatter.add.f32 [tilespmem:s18], [sflag:$0x4], $0x10, s16, s25, $0xb8;
	[tilespmem:$0x1E680] =	vst v63  }
0x28e: {  	_ =	swait.ge [sflag:s23], $0x200  }
0x28f: {  	[sflag:s23] =	ssyncset.done $0x0  }
0x290: {  	[sflag:s23] =	ssyncadd.s32 $0xFFFFFE00  }
.LBB2_21:
0x291: {  	_ =	swait.ge [sflag:s26], $0x1000  }
0x292: {  	[sflag:s26] =	ssyncset.done $0x0  }
0x293: {  	[sflag:s26] =	ssyncadd.s32 $0xFFFFF000  }
0x294: {  	_ =	swait.ge [sflag:s26], $0x1000  }
0x295: {  	[sflag:s26] =	ssyncset.done $0x0  }
0x296: {  	[sflag:s26] =	ssyncadd.s32 $0xFFFFF000  }
0x297: {  	_ =	swait.ge [sflag:s26], $0x1000  }
0x298: {  	[sflag:s26] =	ssyncset.done $0x0  }
0x299: {  	s21 =	simm.s32 $0x0;
	s24 =	simm.s32 $0x7C90;
	[sflag:s26] =	ssyncadd.s32 $0xFFFFF000  }
.LBB2_22:
0x29a: {  	s31 =	sshra.s32 s21, $0x2  }
0x29b: {  	v1 =	vld [tilespmem:s31+$0x3C80]  }
0x29c: {  	v2 =	vld [tilespmem:s31+$0x4C80]  }
0x29d: {  	v3 =	vld [tilespmem:s31+$0x3C90]  }
0x29e: {  	v4 =	vld [tilespmem:s31+$0x4C90]  }
0x29f: {  	v5 =	vld [tilespmem:s31+$0x3CA0]  }
0x2a0: {  	v6 =	vld [tilespmem:s31+$0x4CA0]  }
0x2a1: {  	v7 =	vld [tilespmem:s31+$0x3CB0]  }
0x2a2: {  	v8 =	vld [tilespmem:s31+$0x4CB0]  }
0x2a3: {  	v9 =	vld [tilespmem:s31+$0x3CC0]  }
0x2a4: {  	v10 =	vld [tilespmem:s31+$0x4CC0]  }
0x2a5: {  	v11 =	vld [tilespmem:s31+$0x3CD0];
	v1 =	vmul.f32 v2, v1  }
0x2a6: {  	v20 =	vld [tilespmem:s31+$0x3CE0];
	v3 =	vmul.f32 v4, v3  }
0x2a7: {  	v22 =	vld [tilespmem:s31+$0x3CF0];
	(xrf2) =	vadd.scan.msk.f32 $0xffff, v1;
	v1 =	vmul.f32 v6, v5  }
0x2a8: {  	v2 =	vld [tilespmem:s31+$0x4CD0];
	(xrf2) =	vadd.scan.msk.f32 $0xffff, v3  }
0x2a9: {  	(xrf2) =	vadd.scan.msk.f32 $0xffff, v1;
	v1 =	vld [tilespmem:s31+$0x4CF0]  }
0x2aa: {  	v21 =	vld [tilespmem:s31+$0x4CE0];
	v3 =	vmul.f32 v8, v7;
	_ =	sdelay $0x1  }
0x2ab: {  	(xrf2) =	vadd.scan.msk.f32 $0xffff, v3  }
0x2ac: {  	v3 =	vmul.f32 v10, v9  }
0x2ad: {  	v2 =	vmul.f32 v2, v11;
	v1 =	vmul.f32 v1, v22  }
0x2ae: {  	(xrf2) =	vadd.scan.msk.f32 $0xffff, v3;
	v3 =	vmul.f32 v21, v20  }
0x2af: {  	(xrf2) =	vadd.scan.msk.f32 $0xffff, v2  }
0x2b0: {  	(xrf2) =	vadd.scan.msk.f32 $0xffff, v3  }
0x2b1: {  	(xrf2) =	vadd.scan.msk.f32 $0xffff, v1;
	v1, _, _ =	vpop (xrf2)  }
0x2b2: {  	v2, _, _ =	vpop (xrf2)  }
0x2b3: {  	v1 =	vmul.f32 $1.442695020e+00, v1;
	v3, _, _ =	vpop (xrf2)  }
0x2b4: {  	v2 =	vmul.f32 $1.442695020e+00, v2;
	v3 =	vmul.f32 $1.442695020e+00, v3  }
0x2b5: {  	v1 =	vbroadcast v1, $0xF;
	v23, _, _ =	vpop (xrf2)  }
0x2b6: {  	v2 =	vbroadcast v2, $0xF;
	v4 =	vmul.f32 $1.442695020e+00, v23  }
0x2b7: {  	(erf) = vpow2.f32 v1;
	v1 =	vbroadcast v3, $0xF  }
0x2b8: {  	(erf) = vpow2.f32 v2;
	v2 =	vbroadcast v4, $0xF;
	v3, _, _ =	vpop (xrf2)  }
0x2b9: {  	(erf) = vpow2.f32 v1;
	v1 =	vmul.f32 $1.442695020e+00, v3;
	v3, _, _ =	vpop (xrf2)  }
0x2ba: {  	(erf) = vpow2.f32 v2;
	v2 =	vmul.f32 $1.442695020e+00, v3;
	v3, _, _ =	vpop (xrf2)  }
0x2bb: {  	v1 =	vbroadcast v1, $0xF;
	v3 =	vmul.f32 $1.442695020e+00, v3;
	v24, _, _ =	vpop (xrf2)  }
0x2bc: {  	v2 =	vbroadcast v2, $0xF;
	v4 =	vmul.f32 $1.442695020e+00, v24  }
0x2bd: {  	(erf) = vpow2.f32 v1;
	v1 =	vbroadcast v3, $0xF  }
0x2be: {  	v3 =	vld [tilespmem:s31+$0x5C80];
	(erf) = vpow2.f32 v2;
	v2 =	vbroadcast v4, $0xF  }
0x2bf: {  	v25 =	vld [tilespmem:s31+$0x5C90];
	(erf) = vpow2.f32 v1  }
0x2c0: {  	v1 =	vld [tilespmem:s31+$0x5CA0];
	(erf) = vpow2.f32 v2  }
0x2c1: {  	v2 =	vld [tilespmem:s31+$0x5CB0]  }
0x2c2: {  	v27 =	vld [tilespmem:s31+$0x5CC0];
	v26 =	vpop (erf)  }
0x2c3: {  	v29 =	vld [tilespmem:s31+$0x5CD0];
	v28 =	vpop (erf);
	v3 =	vmul.f32 v26, v3  }
0x2c4: {  	v31 =	vld [tilespmem:s31+$0x5CE0];
	v4 =	vmul.f32 v28, v25;
	v30 =	vpop (erf)  }
0x2c5: {  	v33 =	vld [tilespmem:s31+$0x5CF0];
	v32 =	vpop (erf);
	[tilespmem:s31+$0x6C80] =	vst v3;
	v3 =	vnsel vm0, $0x0, v26;
	v1 =	vmul.f32 v30, v1  }
0x2c6: {  	[tilespmem:s31+$0x6C90] =	vst v4;
	v3 =	vsel vm1, v3, v28;
	v2 =	vmul.f32 v32, v2;
	v34 =	vpop (erf)  }
0x2c7: {  	[tilespmem:s31+$0x6CA0] =	vst v1;
	v1 =	vsel vm2, v3, v30;
	v3 =	vmul.f32 v34, v27;
	v35 =	vpop (erf)  }
0x2c8: {  	[tilespmem:s31+$0x6CB0] =	vst v2;
	v1 =	vsel vm3, v1, v32;
	v2 =	vmul.f32 v35, v29;
	v36 =	vpop (erf)  }
0x2c9: {  	v1 =	vsel vm4, v1, v34;
	[tilespmem:s31+$0x6CC0] =	vst v3;
	v3 =	vmul.f32 v36, v31;
	v37 =	vpop (erf)  }
0x2ca: {  	v1 =	vsel vm5, v1, v35;
	[tilespmem:s31+$0x6CD0] =	vst v2;
	v2 =	vmul.f32 v37, v33  }
0x2cb: {  	v1 =	vsel vm6, v1, v36;
	[tilespmem:s31+$0x6CE0] =	vst v3  }
0x2cc: {  	v1 =	vsel vm7, v1, v37;
	[tilespmem:s31+$0x6CF0] =	vst v2  }
0x2cd: {  	[tilespmem:s24+$0xFFFFFFF0] =	vst v1  }
0x2ce: {  	v1 =	vld [tilespmem:s31+$0x3D00]  }
0x2cf: {  	v2 =	vld [tilespmem:s31+$0x4D00]  }
0x2d0: {  	v3 =	vld [tilespmem:s31+$0x3D10]  }
0x2d1: {  	v38 =	vld [tilespmem:s31+$0x4D10]  }
0x2d2: {  	v39 =	vld [tilespmem:s31+$0x3D20]  }
0x2d3: {  	v40 =	vld [tilespmem:s31+$0x4D20]  }
0x2d4: {  	v41 =	vld [tilespmem:s31+$0x3D30]  }
0x2d5: {  	v42 =	vld [tilespmem:s31+$0x4D30]  }
0x2d6: {  	v43 =	vld [tilespmem:s31+$0x3D40]  }
0x2d7: {  	v44 =	vld [tilespmem:s31+$0x4D40]  }
0x2d8: {  	v45 =	vld [tilespmem:s31+$0x3D50];
	v1 =	vmul.f32 v2, v1  }
0x2d9: {  	v46 =	vld [tilespmem:s31+$0x3D60];
	v3 =	vmul.f32 v38, v3  }
0x2da: {  	v48 =	vld [tilespmem:s31+$0x3D70];
	(xrf2) =	vadd.scan.msk.f32 $0xffff, v1;
	v1 =	vmul.f32 v40, v39  }
0x2db: {  	v2 =	vld [tilespmem:s31+$0x4D50];
	(xrf2) =	vadd.scan.msk.f32 $0xffff, v3  }
0x2dc: {  	(xrf2) =	vadd.scan.msk.f32 $0xffff, v1;
	v1 =	vld [tilespmem:s31+$0x4D70]  }
0x2dd: {  	v47 =	vld [tilespmem:s31+$0x4D60];
	v3 =	vmul.f32 v42, v41;
	_ =	sdelay $0x1  }
0x2de: {  	(xrf2) =	vadd.scan.msk.f32 $0xffff, v3  }
0x2df: {  	v3 =	vmul.f32 v44, v43  }
0x2e0: {  	v2 =	vmul.f32 v2, v45;
	v1 =	vmul.f32 v1, v48  }
0x2e1: {  	(xrf2) =	vadd.scan.msk.f32 $0xffff, v3;
	v3 =	vmul.f32 v47, v46  }
0x2e2: {  	(xrf2) =	vadd.scan.msk.f32 $0xffff, v2  }
0x2e3: {  	(xrf2) =	vadd.scan.msk.f32 $0xffff, v3  }
0x2e4: {  	(xrf2) =	vadd.scan.msk.f32 $0xffff, v1;
	v1, _, _ =	vpop (xrf2)  }
0x2e5: {  	v2, _, _ =	vpop (xrf2)  }
0x2e6: {  	v1 =	vmul.f32 $1.442695020e+00, v1;
	v3, _, _ =	vpop (xrf2)  }
0x2e7: {  	v2 =	vmul.f32 $1.442695020e+00, v2;
	v3 =	vmul.f32 $1.442695020e+00, v3  }
0x2e8: {  	v49, _, _ =	vpop (xrf2);
	v1 =	vbroadcast v1, $0xF  }
0x2e9: {  	v2 =	vbroadcast v2, $0xF;
	v4 =	vmul.f32 $1.442695020e+00, v49  }
0x2ea: {  	(erf) = vpow2.f32 v1;
	v1 =	vbroadcast v3, $0xF  }
0x2eb: {  	(erf) = vpow2.f32 v2;
	v2 =	vbroadcast v4, $0xF;
	v3, _, _ =	vpop (xrf2)  }
0x2ec: {  	(erf) = vpow2.f32 v1;
	v50, _, _ =	vpop (xrf2);
	v1 =	vmul.f32 $1.442695020e+00, v3  }
0x2ed: {  	(erf) = vpow2.f32 v2;
	v3, _, _ =	vpop (xrf2);
	v2 =	vmul.f32 $1.442695020e+00, v50  }
0x2ee: {  	v1 =	vbroadcast v1, $0xF;
	v3 =	vmul.f32 $1.442695020e+00, v3;
	v51, _, _ =	vpop (xrf2)  }
0x2ef: {  	v2 =	vbroadcast v2, $0xF;
	v4 =	vmul.f32 $1.442695020e+00, v51  }
0x2f0: {  	(erf) = vpow2.f32 v1;
	v1 =	vbroadcast v3, $0xF  }
0x2f1: {  	v3 =	vld [tilespmem:s31+$0x5D00];
	(erf) = vpow2.f32 v2;
	v2 =	vbroadcast v4, $0xF  }
0x2f2: {  	v52 =	vld [tilespmem:s31+$0x5D10];
	(erf) = vpow2.f32 v1  }
0x2f3: {  	v1 =	vld [tilespmem:s31+$0x5D20];
	(erf) = vpow2.f32 v2  }
0x2f4: {  	v2 =	vld [tilespmem:s31+$0x5D30]  }
0x2f5: {  	v54 =	vld [tilespmem:s31+$0x5D40];
	v53 =	vpop (erf)  }
0x2f6: {  	v56 =	vld [tilespmem:s31+$0x5D50];
	v55 =	vpop (erf);
	v3 =	vmul.f32 v53, v3  }
0x2f7: {  	v58 =	vld [tilespmem:s31+$0x5D60];
	v57 =	vpop (erf);
	v4 =	vmul.f32 v55, v52  }
0x2f8: {  	v60 =	vld [tilespmem:s31+$0x5D70];
	v59 =	vpop (erf);
	[tilespmem:s31+$0x6D00] =	vst v3;
	v3 =	vnsel vm0, $0x0, v53;
	v1 =	vmul.f32 v57, v1  }
0x2f9: {  	[tilespmem:s31+$0x6D10] =	vst v4;
	v3 =	vsel vm1, v3, v55;
	v2 =	vmul.f32 v59, v2;
	v12 =	vpop (erf)  }
0x2fa: {  	[tilespmem:s31+$0x6D20] =	vst v1;
	v1 =	vsel vm2, v3, v57;
	v61 =	vpop (erf);
	v3 =	vmul.f32 v12, v54  }
0x2fb: {  	p1 =	sne.s32 s21, $0x3C00;
	[tilespmem:s31+$0x6D30] =	vst v2;
	v1 =	vsel vm3, v1, v59;
	v62 =	vpop (erf);
	v2 =	vmul.f32 v61, v56  }
.Ltmp17:
0x2fc: {  	v1 =	vsel vm4, v1, v12;
	[tilespmem:s31+$0x6D40] =	vst v3;
	v3 =	vmul.f32 v62, v58;
	v63 =	vpop (erf);
	(pc) =	sbr.rel @p1 .LBB2_22-.Ltmp17, $4  }
0x2fd: {  	v1 =	vsel vm5, v1, v61;
	[tilespmem:s31+$0x6D50] =	vst v2;
	v2 =	vmul.f32 v63, v60  }
0x2fe: {  	v1 =	vsel vm6, v1, v62;
	[tilespmem:s31+$0x6D60] =	vst v3  }
0x2ff: {  	v1 =	vsel vm7, v1, v63;
	[tilespmem:s31+$0x6D70] =	vst v2  }
0x300: {  	s21 =	sadd.s32 $0x400, s21;
	[tilespmem:s24+$0x0] =	vst v1;
	s24 =	sadd.s32 $0x20, s24  }
0x301: {  	s16 =	smulhi.u32 $0x51EB851F, s30;
	_ =	sdelay $0x1  }
0x302: {  	s16 =	sshrl.u32 s16, $0x4  }
0x303: {  	s16 =	smul.u32 $0x32, s16;
	_ =	sdelay $0x1  }
0x304: {  	s16 =	ssub.s32 s30, s16  }
0x305: {  	s16 =	sshll.u32 s16, $0x5  }
0x306: {  	s16 =	sadd.s32 $0x640, s16  }
0x307: {  	[spmem:s3] =	stream.indirect.scatter.add.f32 [tilespmem:s22], [sflag:$0x4], $0x80, s16, s25, $0xb8;
	[tilespmem:$0x1E680] =	vst v63  }
0x308: {  	_ =	swait.ge [sflag:s23], $0x1000  }
0x309: {  	[sflag:s23] =	ssyncset.done $0x0  }
.Ltmp18:
0x30a: {  	[sflag:s23] =	ssyncadd.s32 $0xFFFFF000;
	(pc) =	sbr.rel .LBB2_24-.Ltmp18, $4  }
0x30b: {  	[spmem:s4] =	stream.indirect.scatter.add.f32 [tilespmem:s18], [sflag:$0x4], $0x10, s16, s25, $0xb8;
	[tilespmem:$0x1E680] =	vst v63  }
0x30c: {  	_ =	swait.ge [sflag:s23], $0x200  }
0x30d: {  	[sflag:s23] =	ssyncset.done $0x0  }
0x30e: {  	[sflag:s23] =	ssyncadd.s32 $0xFFFFFE00  }
.LBB2_15:
.Ltmp19:
0x30f: {  	(pc) =	sbr.rel .LBB2_26-.Ltmp19, $3  }
0x310: {  	_ =	sdelay $0x1  }
0x311: {  	s13 =	rddreg [dreg:$0x6]  }
0x312: {  	s5 =	rddreg [dreg:$0x8]  }
.LBB2_27:
0x313: {  	_ =	sfence.sel $0x180000  }
0x314: {  	[bflag:$0x0] =	sbarrier.arrive $0xFFFF  }
0x315: {  	_ =	strace $0x90000047  }
0x316: {  	s0 =	stileid.u32;
	[bflag:$0x2] =	sbarrier.arrive $0xFFFF  }
0x317: {  	p0 =	sne.s32 s0, $0x0;
	s0 =	rddreg [dreg:$0x5]  }
0x318: {  	s0 =	sadd.s32 @!p0 $0x100000, s0  }
0x319: {  	[sflag:s0] =	ssyncadd.tile.s32 @!p0 $0x1;
	_ =	shalt  }
.Lfunc_end2:
_tile_overlayer_lowered:
.L_overlay_start_2:
0x31a: {  	(tag) =	ssettag $0x2  }
0x31b: {  	s0 =	rddreg [dreg:$0x0];
	s2 =	stileid.u32  }
0x31c: {  	s1 =	rddreg [dreg:$0x1];
	p0 =	sne.s32 s2, $0x0  }
0x31d: {  	s3 =	rddreg [dreg:$0x2];
	[bflag:$0x3] =	sbarrier.arrive $0xFFFF;
	s2 =	simm.s32 @!p0 $0x1C04  }
0x31e: {  	[timem:s3], [sflag:s2] =	dma.local @!p0 [hbm:s0], s1  }
0x31f: {  	s0 =	simm.s32 @!p0 $0x4  }
0x320: {  	_ =	swait.ge @!p0 [sflag:s0], s1  }
0x321: {  	s1 =	ssub.s32 @!p0 $0x0, s1;
	[sflag:s0] =	ssyncset.done @!p0 $0x0  }
0x322: {  	[sflag:s0] =	ssyncadd.s32 @!p0 s1  }
0x323: {  	[bflag:$0x3] =	sbarrier.arrive $0xFFFF  }
0x324: {  	_ =	shalt  }

</sc_bundles>
